<compile_context>
chip_gen: v7x
topology: tpu7x:2x2x1
jax: 0.10.2.dev20260603
libtpu: 0.0.44.dev20260713+nightly
codegen_flags: <defaults>
</compile_context>

<pallas_src>
import functools

import jax
import jax.numpy as jnp
from jax import lax
from jax.experimental import pallas as pl
from jax.experimental.pallas import tpu as pltpu
from jax.experimental.pallas import tpu_sc as plsc

N = 10000
E = 320000
D = 128
DE = 16

_info = plsc.get_sparse_core_info()
NC = _info.num_cores
NS = _info.num_subcores
NW = NC * NS

GW = 64
G_PER_TILE = -(-E // (GW * NW * 8)) * 8
GROUPS = G_PER_TILE * NW
E_PAD = GROUPS * GW
NBUF = 2
P0 = 288
P1 = 2 * G_PER_TILE - P0
GW2 = 32
G2_PER_TILE = E_PAD // (GW2 * NW)
GROUPS2 = G2_PER_TILE * NW
N_PAD = 10112
ROWS_PER_TILE = N_PAD // NS


def _sc_gather_scatter(nodes_p, s2d, r2d, zg):
    mesh = plsc.VectorSubcoreMesh(core_axis_name="c", subcore_axis_name="s")

    @functools.partial(
        pl.kernel,
        out_type=jax.ShapeDtypeStruct((NC, N_PAD, D), jnp.float32),
        mesh=mesh,
        scratch_types=[
            pltpu.VMEM((8, GW), jnp.int32),
            pltpu.VMEM((8, GW), jnp.int32),
        ] + [pltpu.VMEM((GW, D), jnp.float32)] * NBUF
        + [pltpu.VMEM_SHARED((N_PAD, D), jnp.float32)]
        + [pltpu.SemaphoreType.DMA] * (2 * NBUF),
    )
    def k(nodes_h, s_h, r_h, zg_h, gp_h, sidx, ridx, *rest):
        bufs = rest[:NBUF]
        acc_g = rest[NBUF]
        gsems = rest[NBUF + 1:NBUF + 1 + NBUF]
        ssems = rest[NBUF + 1 + NBUF:]
        c = lax.axis_index("c")
        s = lax.axis_index("s")
        wid = s * NC + c
        row0 = s * ROWS_PER_TILE

        pltpu.sync_copy(zg_h, acc_g.at[pl.ds(row0, ROWS_PER_TILE)])
        g_base = jnp.where(c == 0, s * P0, NS * P0 + s * P1)
        nchunks = jnp.where(c == 0, P0 // 8, P1 // 8)
        plsc.subcore_barrier()

        def outer(oj, carry):
            c_base = g_base + oj * 8
            pltpu.sync_copy(s_h.at[pl.ds(c_base, 8)], sidx)
            pltpu.sync_copy(r_h.at[pl.ds(c_base, 8)], ridx)

            gd = {}
            sd = {}
            for p in range(NBUF - 1):
                gd[p] = pltpu.async_copy(
                    nodes_h.at[sidx.at[p]], bufs[p], gsems[p])
            for j in range(8):
                b = j % NBUF
                nj = j + NBUF - 1
                if nj < 8:
                    gd[nj] = pltpu.async_copy(
                        nodes_h.at[sidx.at[nj]], bufs[nj % NBUF],
                        gsems[nj % NBUF])
                if j >= NBUF:
                    sd[j - NBUF].wait()
                gd[j].wait()
                sd[j] = pltpu.async_copy(
                    bufs[b], acc_g.at[ridx.at[j]], ssems[b], add=True)
            for j in range(8 - NBUF, 8):
                sd[j].wait()
            return carry

        lax.fori_loop(0, nchunks, outer, 0)
        plsc.subcore_barrier()

        sl = pl.ds(row0, ROWS_PER_TILE)
        pltpu.sync_copy(acc_g.at[sl], gp_h.at[c, sl])

    return k(nodes_p, s2d, r2d, zg)


def _sc_edge_deg(s2d, r2d, e3d, zg):
    mesh = plsc.VectorSubcoreMesh(core_axis_name="c", subcore_axis_name="s")

    @functools.partial(
        pl.kernel,
        out_type=jax.ShapeDtypeStruct((NC, N_PAD, D), jnp.float32),
        mesh=mesh,
        scratch_types=[
            pltpu.VMEM((16, GW2), jnp.int32),
            pltpu.VMEM((16, GW2), jnp.int32),
            pltpu.VMEM((GW2, DE), jnp.float32),
            pltpu.VMEM((GW2, DE), jnp.float32),
            pltpu.VMEM((GW2, D), jnp.float32),
            pltpu.VMEM((GW2, D), jnp.float32),
            pltpu.VMEM((GW2, D), jnp.float32),
            pltpu.VMEM_SHARED((N_PAD, D), jnp.float32),
            pltpu.SemaphoreType.DMA,
            pltpu.SemaphoreType.DMA,
            pltpu.SemaphoreType.DMA,
            pltpu.SemaphoreType.DMA,
            pltpu.SemaphoreType.DMA,
        ],
    )
    def k(s_h, r_h, e_h, zg_h, xp_h,
          sidx, ridx, ebuf_a, ebuf_b, rep_a, rep_b, smark, acc_x,
          esem_a, esem_b, rsem_a, rsem_b, msem):
        c = lax.axis_index("c")
        s = lax.axis_index("s")
        wid = s * NC + c
        row0 = s * ROWS_PER_TILE

        pltpu.sync_copy(zg_h, acc_x.at[pl.ds(row0, ROWS_PER_TILE)])

        zero16 = jnp.zeros((16,), jnp.float32)
        lane = lax.iota(jnp.int32, 16)
        marker_r = jnp.where(lane == 0, 1.0, 0.0).astype(jnp.float32)
        marker_s = jnp.where(lane == 1, 1.0, 0.0).astype(jnp.float32)

        def zrow(i, cy):
            for kk in range(8):
                rep_a[i, pl.ds(kk * 16, 16)] = zero16
                rep_b[i, pl.ds(kk * 16, 16)] = zero16
                smark[i, pl.ds(kk * 16, 16)] = zero16
            rep_a[i, pl.ds(16, 16)] = marker_r
            rep_b[i, pl.ds(16, 16)] = marker_r
            smark[i, pl.ds(16, 16)] = marker_s
            return cy

        lax.fori_loop(0, GW2, zrow, 0)

        g_base = wid * G2_PER_TILE
        plsc.subcore_barrier()

        ebufs = (ebuf_a, ebuf_b)
        reps = (rep_a, rep_b)
        esems = (esem_a, esem_b)
        rsems = (rsem_a, rsem_b)

        def outer(oj, carry):
            c_base = g_base + oj * 16
            pltpu.sync_copy(s_h.at[pl.ds(c_base, 16)], sidx)
            pltpu.sync_copy(r_h.at[pl.ds(c_base, 16)], ridx)

            ed = {}
            rd = {}
            md = {}
            ed[0] = pltpu.async_copy(e_h.at[c_base], ebufs[0], esems[0])
            for j in range(16):
                b = j % 2
                if j + 1 < 16:
                    ed[j + 1] = pltpu.async_copy(
                        e_h.at[c_base + j + 1], ebufs[(j + 1) % 2],
                        esems[(j + 1) % 2])
                if j >= 2:
                    rd[j - 2].wait()
                ed[j].wait()

                def build(bb, cy2):
                    for u in range(8):
                        reps[b][bb * 8 + u, pl.ds(0, 16)] = ebufs[b][bb * 8 + u, :]
                    return cy2

                lax.fori_loop(0, GW2 // 8, build, 0)
                rd[j] = pltpu.async_copy(
                    reps[b], acc_x.at[ridx.at[j]], rsems[b], add=True)
                md[j] = pltpu.async_copy(
                    smark, acc_x.at[sidx.at[j]], msem, add=True)
                if j >= 1:
                    md[j - 1].wait()
            rd[14].wait()
            rd[15].wait()
            md[15].wait()
            return carry

        lax.fori_loop(0, G2_PER_TILE // 16, outer, 0)
        plsc.subcore_barrier()

        sl = pl.ds(row0, ROWS_PER_TILE)
        pltpu.sync_copy(acc_x.at[sl], xp_h.at[c, sl])

    return k(s2d, r2d, e3d, zg)


_BLK = 2000


def _combine_body(gp, xp, w, we, b, out):
    g = gp[0] + gp[1]
    x = xp[0] + xp[1]
    a = x[:, 0:DE]
    cr = x[:, DE:DE + 1]
    cs = x[:, DE + 1:DE + 2]
    res = jnp.dot(g, w[...], preferred_element_type=jnp.float32)
    res = res + jnp.dot(a, we[...], preferred_element_type=jnp.float32)
    res = res + cr * b[...]
    denom = lax.rsqrt(jnp.maximum(cs, 1.0) * jnp.maximum(cr, 1.0))
    out[...] = res * denom


def _combine(gp, xp, W, We, bsum):
    grid = N // _BLK
    return pl.pallas_call(
        _combine_body,
        grid=(grid,),
        in_specs=[
            pl.BlockSpec((NC, _BLK, D), lambda i: (0, i, 0)),
            pl.BlockSpec((NC, _BLK, D), lambda i: (0, i, 0)),
            pl.BlockSpec((D, D), lambda i: (0, 0)),
            pl.BlockSpec((DE, D), lambda i: (0, 0)),
            pl.BlockSpec((1, D), lambda i: (0, 0)),
        ],
        out_specs=pl.BlockSpec((_BLK, D), lambda i: (i, 0)),
        out_shape=jax.ShapeDtypeStruct((N, D), jnp.float32),
    )(gp, xp, W, We, bsum)


def kernel(nodes, edge_attr, senders, receivers, W, bW, We, bWe):
    pad_e = E_PAD - E
    nodes_p = jnp.concatenate(
        [nodes, jnp.zeros((N_PAD - N, D), jnp.float32)], axis=0)
    s_pad = jnp.concatenate([senders, jnp.full((pad_e,), N, jnp.int32)])
    r_pad = jnp.concatenate([receivers, jnp.full((pad_e,), N, jnp.int32)])
    e_pad = jnp.concatenate([edge_attr, jnp.zeros((pad_e, DE), jnp.float32)])
    zg = jnp.zeros((ROWS_PER_TILE, D), jnp.float32)

    gp = _sc_gather_scatter(nodes_p, s_pad.reshape(GROUPS, GW),
                            r_pad.reshape(GROUPS, GW), zg)
    xp = _sc_edge_deg(s_pad.reshape(GROUPS2, GW2), r_pad.reshape(GROUPS2, GW2),
                      e_pad.reshape(GROUPS2, GW2, DE), zg)

    bsum = (bW + bWe)[None, :]
    return _combine(gp, xp, W, We, bsum)

# --- scband reference (transcript-rebuilt; emitter-appended) ---
"""Pipeline reference for scband-gcn-27530740367364 (READ-ONLY COPY).

The authoritative reference and input builder live on the scoring server;
editing this copy changes nothing except your own understanding.
"""

import jax, jax.numpy as jnp
import numpy as np

N = 10000
E = 320000
D = 128
DE = 16


def setup_inputs(seed: int = 0) -> dict:
    key = jax.random.key(seed)
    ks = jax.random.split(key, 8)
    nodes = jax.random.normal(ks[0], (N, D), dtype=jnp.float32)
    edge_attr = jax.random.normal(ks[1], (E, DE), dtype=jnp.float32)
    senders = jax.random.randint(ks[2], (E,), 0, N, dtype=jnp.int32)
    receivers = jax.random.randint(ks[3], (E,), 0, N, dtype=jnp.int32)
    # Dense W: d_feat -> embed_dim (xavier-like scale), with bias (flax Dense default)
    W = jax.random.normal(ks[4], (D, D), dtype=jnp.float32) * (1.0 / np.sqrt(D))
    bW = jnp.zeros((D,), dtype=jnp.float32)
    # Dense W_e: d_edge -> embed_dim, with bias
    We = jax.random.normal(ks[5], (DE, D), dtype=jnp.float32) * (1.0 / np.sqrt(DE))
    bWe = jnp.zeros((D,), dtype=jnp.float32)
    return {"nodes": nodes, "edge_attr": edge_attr, "senders": senders,
            "receivers": receivers, "W": W, "bW": bW, "We": We, "bWe": bWe}


def reference(nodes, edge_attr, senders, receivers, W, bW, We, bWe):
    n_nodes = nodes.shape[0]
    # jraph.GraphNetwork edge update: gather sender node features (sent_attributes)
    sent_attributes = jnp.take(nodes, senders, axis=0)          # gather [E, D]
    sent_attributes = sent_attributes @ W + bW                  # W(sent_attributes)
    # edges is not None, global edge attributes is None -> edge_attributes = edges
    sent_attributes = sent_attributes + (edge_attr @ We + bWe)  # += W_e(edge_attributes)
    # node update: received_attributes = segment_sum over receivers (scatter-add)
    new_nodes = jax.ops.segment_sum(sent_attributes, receivers, num_segments=n_nodes)
    # symmetric degree normalization
    sender_degree = jax.ops.segment_sum(
        jnp.ones_like(senders, dtype=jnp.float32), senders, num_segments=n_nodes
    ).clip(1, None)
    receiver_degree = jax.ops.segment_sum(
        jnp.ones_like(receivers, dtype=jnp.float32), receivers, num_segments=n_nodes
    ).clip(1, None)
    new_nodes = new_nodes / jnp.sqrt(sender_degree * receiver_degree)[..., None]
    return new_nodes

if __name__ == "__main__":
    import jax
    _d = setup_inputs()
    print(jax.jit(kernel)(*tuple(_d.values())))

</pallas_src>

<mosaic_0001>
#map = affine_map<(d0, d1) -> (0, 0)>
#map1 = affine_map<(d0, d1) -> (0, 0, 0)>
module attributes {stable_mosaic.version = 14 : i64} {
  func.func @k(%arg0: i32, %arg1: i32, %arg2: memref<10112x128xf32, #tpu.memory_space<hbm>>, %arg3: memref<5120x64xi32, #tpu.memory_space<hbm>>, %arg4: memref<5120x64xi32, #tpu.memory_space<hbm>>, %arg5: memref<632x128xf32, #tpu.memory_space<hbm>>, %arg6: memref<2x10112x128xf32, #tpu.memory_space<hbm>>, %arg7: memref<8x64xi32, #tpu.memory_space<vmem>>, %arg8: memref<8x64xi32, #tpu.memory_space<vmem>>, %arg9: memref<64x128xf32, #tpu.memory_space<vmem>>, %arg10: memref<64x128xf32, #tpu.memory_space<vmem>>, %arg11: memref<10112x128xf32, #tpu.memory_space<vmem_shared>>, %arg12: memref<!tpu.dma_semaphore, #tpu.memory_space<semaphore_mem>>, %arg13: memref<!tpu.dma_semaphore, #tpu.memory_space<semaphore_mem>>, %arg14: memref<!tpu.dma_semaphore, #tpu.memory_space<semaphore_mem>>, %arg15: memref<!tpu.dma_semaphore, #tpu.memory_space<semaphore_mem>>) attributes {dimension_semantics = [#tpu.dimension_semantics<core_parallel>, #tpu.dimension_semantics<subcore_parallel>], iteration_bounds = array<i64: 2, 16>, scalar_prefetch = 0 : i64, scratch_operands = 9 : i64, tpu.core_type = #tpu.core_type<sc_vector_subcore>, window_params = [{transform_indices = #map}, {transform_indices = #map}, {transform_indices = #map}, {transform_indices = #map}, {transform_indices = #map1}]} {
    %mul3A = arith.constant 2 : i32
    %mul3A_0 = arith.muli %arg1, %mul3A : i32
    %add3A = arith.addi %mul3A_0, %arg0 : i32
    %mul3A_1 = arith.constant 632 : i32
    %mul3A_2 = arith.muli %arg1, %mul3A_1 : i32
    "tpu.region"() ({
      %run_scoped3A = tpu.sem_alloc : memref<!tpu.dma_semaphore, #tpu.memory_space<semaphore_mem>>
      %dma_start3A = arith.constant 0 : i32
      %dma_start3A_24 = tpu.memref_slice %arg11[%mul3A_2, %dma_start3A] : memref<10112x128xf32, #tpu.memory_space<vmem_shared>> -> memref<632x128xf32, #tpu.memory_space<vmem_shared>>
      tpu.enqueue_dma source(%arg5 : memref<632x128xf32, #tpu.memory_space<hbm>>) target(%dma_start3A_24 : memref<632x128xf32, #tpu.memory_space<vmem_shared>>) target_semaphore(%run_scoped3A : memref<!tpu.dma_semaphore, #tpu.memory_space<semaphore_mem>>)
      %dma_wait3A = arith.constant 0 : i32
      %dma_wait3A_25 = tpu.memref_slice %arg11[%mul3A_2, %dma_wait3A] : memref<10112x128xf32, #tpu.memory_space<vmem_shared>> -> memref<632x128xf32, #tpu.memory_space<vmem_shared>>
      tpu.wait_dma2 semaphore(%run_scoped3A : memref<!tpu.dma_semaphore, #tpu.memory_space<semaphore_mem>>) src(%arg5 : memref<632x128xf32, #tpu.memory_space<hbm>>) dst(%dma_wait3A_25 : memref<632x128xf32, #tpu.memory_space<vmem_shared>>)
      tpu.yield
    }) : () -> ()
    %eq3A = arith.constant 0 : i32
    %eq3A_3 = arith.cmpi eq, %arg0, %eq3A : i32
    %mul3A_4 = arith.constant 288 : i32
    %mul3A_5 = arith.muli %arg1, %mul3A_4 : i32
    %mul3A_6 = arith.constant 32 : i32
    %mul3A_7 = arith.muli %arg1, %mul3A_6 : i32
    %add3A_8 = arith.constant 4608 : i32
    %add3A_9 = arith.addi %add3A_8, %mul3A_7 : i32
    %select_n3A = arith.select %eq3A_3, %mul3A_5, %add3A_9 : i32
    %eq3A_10 = arith.constant 0 : i32
    %eq3A_11 = arith.cmpi eq, %arg0, %eq3A_10 : i32
    %jit3A = arith.constant 36 : i32
    %jit3A_12 = arith.constant 4 : i32
    %select_n3A_13 = arith.select %eq3A_11, %jit3A, %jit3A_12 : i32
    %barrier3A = arith.constant 0 : index
    tpu.barrier barrier_id(%barrier3A)
    %while3A = arith.constant 0 : i32
    %while3A_14 = arith.constant 0 : i32
    %while3A_15 = arith.subi %select_n3A_13, %while3A_14 : i32
    %while3A_16 = arith.addi %while3A_14, %while3A_15 : i32
    %while3A_17 = arith.constant 1 : i32
    %while3A_18 = arith.divsi %while3A_15, %while3A_17 : i32
    %while3A_19 = arith.muli %while3A_18, %while3A_17 : i32
    %while3A_20 = arith.addi %while3A_14, %while3A_19 : i32
    %while3A_21 = arith.constant 1 : i32
    scf.for %while3A_24 = %while3A_14 to %while3A_20 step %while3A_21  : i32 {
      %mul3A_25 = arith.constant 8 : i32
      %mul3A_26 = arith.muli %while3A_24, %mul3A_25 : i32
      %add3A_27 = arith.addi %select_n3A, %mul3A_26 : i32
      "tpu.region"() ({
        %run_scoped3A = tpu.sem_alloc : memref<!tpu.dma_semaphore, #tpu.memory_space<semaphore_mem>>
        %dma_start3A_250 = arith.constant 0 : i32
        %dma_start3A_251 = tpu.memref_slice %arg3[%add3A_27, %dma_start3A_250] : memref<5120x64xi32, #tpu.memory_space<hbm>> -> memref<8x64xi32, #tpu.memory_space<hbm>>
        %dma_start3A_252 = arith.constant 0 : i32
        %dma_start3A_253 = tpu.memref_slice %arg3[%add3A_27, %dma_start3A_252] : memref<5120x64xi32, #tpu.memory_space<hbm>> -> memref<8x64xi32, #tpu.memory_space<hbm>>
        tpu.enqueue_dma source(%dma_start3A_253 : memref<8x64xi32, #tpu.memory_space<hbm>>) target(%arg7 : memref<8x64xi32, #tpu.memory_space<vmem>>) target_semaphore(%run_scoped3A : memref<!tpu.dma_semaphore, #tpu.memory_space<semaphore_mem>>)
        %dma_wait3A_254 = arith.constant 0 : i32
        %dma_wait3A_255 = tpu.memref_slice %arg3[%add3A_27, %dma_wait3A_254] : memref<5120x64xi32, #tpu.memory_space<hbm>> -> memref<8x64xi32, #tpu.memory_space<hbm>>
        %dma_wait3A_256 = arith.constant 0 : i32
        %dma_wait3A_257 = tpu.memref_slice %arg3[%add3A_27, %dma_wait3A_256] : memref<5120x64xi32, #tpu.memory_space<hbm>> -> memref<8x64xi32, #tpu.memory_space<hbm>>
        tpu.wait_dma2 semaphore(%run_scoped3A : memref<!tpu.dma_semaphore, #tpu.memory_space<semaphore_mem>>) src(%dma_wait3A_257 : memref<8x64xi32, #tpu.memory_space<hbm>>) dst(%arg7 : memref<8x64xi32, #tpu.memory_space<vmem>>)
        tpu.yield
      }) : () -> ()
      "tpu.region"() ({
        %run_scoped3A = tpu.sem_alloc : memref<!tpu.dma_semaphore, #tpu.memory_space<semaphore_mem>>
        %dma_start3A_250 = arith.constant 0 : i32
        %dma_start3A_251 = tpu.memref_slice %arg4[%add3A_27, %dma_start3A_250] : memref<5120x64xi32, #tpu.memory_space<hbm>> -> memref<8x64xi32, #tpu.memory_space<hbm>>
        %dma_start3A_252 = arith.constant 0 : i32
        %dma_start3A_253 = tpu.memref_slice %arg4[%add3A_27, %dma_start3A_252] : memref<5120x64xi32, #tpu.memory_space<hbm>> -> memref<8x64xi32, #tpu.memory_space<hbm>>
        tpu.enqueue_dma source(%dma_start3A_253 : memref<8x64xi32, #tpu.memory_space<hbm>>) target(%arg8 : memref<8x64xi32, #tpu.memory_space<vmem>>) target_semaphore(%run_scoped3A : memref<!tpu.dma_semaphore, #tpu.memory_space<semaphore_mem>>)
        %dma_wait3A_254 = arith.constant 0 : i32
        %dma_wait3A_255 = tpu.memref_slice %arg4[%add3A_27, %dma_wait3A_254] : memref<5120x64xi32, #tpu.memory_space<hbm>> -> memref<8x64xi32, #tpu.memory_space<hbm>>
        %dma_wait3A_256 = arith.constant 0 : i32
        %dma_wait3A_257 = tpu.memref_slice %arg4[%add3A_27, %dma_wait3A_256] : memref<5120x64xi32, #tpu.memory_space<hbm>> -> memref<8x64xi32, #tpu.memory_space<hbm>>
        tpu.wait_dma2 semaphore(%run_scoped3A : memref<!tpu.dma_semaphore, #tpu.memory_space<semaphore_mem>>) src(%dma_wait3A_257 : memref<8x64xi32, #tpu.memory_space<hbm>>) dst(%arg8 : memref<8x64xi32, #tpu.memory_space<vmem>>)
        tpu.yield
      }) : () -> ()
      %dma_start3A = arith.constant 0 : i32
      %dma_start3A_28 = arith.constant 0 : i32
      %dma_start3A_29 = tpu.memref_slice %arg7[%dma_start3A, %dma_start3A_28] : memref<8x64xi32, #tpu.memory_space<vmem>> -> memref<1x64xi32, #tpu.memory_space<vmem>>
      %dma_start3A_30 = tpu.memref_squeeze %dma_start3A_29 : memref<1x64xi32, #tpu.memory_space<vmem>> -> memref<64xi32, #tpu.memory_space<vmem>>
      %dma_start3A_31 = arith.constant 0 : i32
      %dma_start3A_32 = arith.constant 0 : i32
      %dma_start3A_33 = tpu.memref_slice %arg2[%dma_start3A_31, %dma_start3A_32] : memref<10112x128xf32, #tpu.memory_space<hbm>> -> memref<10112x128xf32, #tpu.memory_space<hbm>>
      tpu.enqueue_indirect_dma source(%dma_start3A_33 : memref<10112x128xf32, #tpu.memory_space<hbm>>) target(%arg9 : memref<64x128xf32, #tpu.memory_space<vmem>>) offsets(%dma_start3A_30 : memref<64xi32, #tpu.memory_space<vmem>>) semaphore(%arg12 : memref<!tpu.dma_semaphore, #tpu.memory_space<semaphore_mem>>)
      %dma_start3A_34 = arith.constant 1 : i32
      %dma_start3A_35 = arith.constant 0 : i32
      %dma_start3A_36 = tpu.memref_slice %arg7[%dma_start3A_34, %dma_start3A_35] : memref<8x64xi32, #tpu.memory_space<vmem>> -> memref<1x64xi32, #tpu.memory_space<vmem>>
      %dma_start3A_37 = tpu.memref_squeeze %dma_start3A_36 : memref<1x64xi32, #tpu.memory_space<vmem>> -> memref<64xi32, #tpu.memory_space<vmem>>
      %dma_start3A_38 = arith.constant 0 : i32
      %dma_start3A_39 = arith.constant 0 : i32
      %dma_start3A_40 = tpu.memref_slice %arg2[%dma_start3A_38, %dma_start3A_39] : memref<10112x128xf32, #tpu.memory_space<hbm>> -> memref<10112x128xf32, #tpu.memory_space<hbm>>
      tpu.enqueue_indirect_dma source(%dma_start3A_40 : memref<10112x128xf32, #tpu.memory_space<hbm>>) target(%arg10 : memref<64x128xf32, #tpu.memory_space<vmem>>) offsets(%dma_start3A_37 : memref<64xi32, #tpu.memory_space<vmem>>) semaphore(%arg13 : memref<!tpu.dma_semaphore, #tpu.memory_space<semaphore_mem>>)
      %dma_wait3A = arith.constant 0 : i32
      %dma_wait3A_41 = arith.constant 0 : i32
      %dma_wait3A_42 = tpu.memref_slice %arg7[%dma_wait3A, %dma_wait3A_41] : memref<8x64xi32, #tpu.memory_space<vmem>> -> memref<1x64xi32, #tpu.memory_space<vmem>>
      %dma_wait3A_43 = tpu.memref_squeeze %dma_wait3A_42 : memref<1x64xi32, #tpu.memory_space<vmem>> -> memref<64xi32, #tpu.memory_space<vmem>>
      %dma_wait3A_44 = arith.constant 0 : i32
      %dma_wait3A_45 = arith.constant 0 : i32
      %dma_wait3A_46 = tpu.memref_slice %arg2[%dma_wait3A_44, %dma_wait3A_45] : memref<10112x128xf32, #tpu.memory_space<hbm>> -> memref<10112x128xf32, #tpu.memory_space<hbm>>
      tpu.wait_indirect_dma semaphore(%arg12 : memref<!tpu.dma_semaphore, #tpu.memory_space<semaphore_mem>>) src(%dma_wait3A_46 : memref<10112x128xf32, #tpu.memory_space<hbm>>) dst(%arg9 : memref<64x128xf32, #tpu.memory_space<vmem>>)
      %dma_start3A_47 = arith.constant 0 : i32
      %dma_start3A_48 = arith.constant 0 : i32
      %dma_start3A_49 = tpu.memref_slice %arg8[%dma_start3A_47, %dma_start3A_48] : memref<8x64xi32, #tpu.memory_space<vmem>> -> memref<1x64xi32, #tpu.memory_space<vmem>>
      %dma_start3A_50 = tpu.memref_squeeze %dma_start3A_49 : memref<1x64xi32, #tpu.memory_space<vmem>> -> memref<64xi32, #tpu.memory_space<vmem>>
      %dma_start3A_51 = arith.constant 0 : i32
      %dma_start3A_52 = arith.constant 0 : i32
      %dma_start3A_53 = tpu.memref_slice %arg11[%dma_start3A_51, %dma_start3A_52] : memref<10112x128xf32, #tpu.memory_space<vmem_shared>> -> memref<10112x128xf32, #tpu.memory_space<vmem_shared>>
      tpu.enqueue_indirect_dma source(%arg9 : memref<64x128xf32, #tpu.memory_space<vmem>>) target(%dma_start3A_53 : memref<10112x128xf32, #tpu.memory_space<vmem_shared>>) offsets(%dma_start3A_50 : memref<64xi32, #tpu.memory_space<vmem>>) semaphore(%arg14 : memref<!tpu.dma_semaphore, #tpu.memory_space<semaphore_mem>>) {add = true}
      %dma_start3A_54 = arith.constant 2 : i32
      %dma_start3A_55 = arith.constant 0 : i32
      %dma_start3A_56 = tpu.memref_slice %arg7[%dma_start3A_54, %dma_start3A_55] : memref<8x64xi32, #tpu.memory_space<vmem>> -> memref<1x64xi32, #tpu.memory_space<vmem>>
      %dma_start3A_57 = tpu.memref_squeeze %dma_start3A_56 : memref<1x64xi32, #tpu.memory_space<vmem>> -> memref<64xi32, #tpu.memory_space<vmem>>
      %dma_start3A_58 = arith.constant 0 : i32
      %dma_start3A_59 = arith.constant 0 : i32
      %dma_start3A_60 = tpu.memref_slice %arg2[%dma_start3A_58, %dma_start3A_59] : memref<10112x128xf32, #tpu.memory_space<hbm>> -> memref<10112x128xf32, #tpu.memory_space<hbm>>
      tpu.enqueue_indirect_dma source(%dma_start3A_60 : memref<10112x128xf32, #tpu.memory_space<hbm>>) target(%arg9 : memref<64x128xf32, #tpu.memory_space<vmem>>) offsets(%dma_start3A_57 : memref<64xi32, #tpu.memory_space<vmem>>) semaphore(%arg12 : memref<!tpu.dma_semaphore, #tpu.memory_space<semaphore_mem>>)
      %dma_wait3A_61 = arith.constant 1 : i32
      %dma_wait3A_62 = arith.constant 0 : i32
      %dma_wait3A_63 = tpu.memref_slice %arg7[%dma_wait3A_61, %dma_wait3A_62] : memref<8x64xi32, #tpu.memory_space<vmem>> -> memref<1x64xi32, #tpu.memory_space<vmem>>
      %dma_wait3A_64 = tpu.memref_squeeze %dma_wait3A_63 : memref<1x64xi32, #tpu.memory_space<vmem>> -> memref<64xi32, #tpu.memory_space<vmem>>
      %dma_wait3A_65 = arith.constant 0 : i32
      %dma_wait3A_66 = arith.constant 0 : i32
      %dma_wait3A_67 = tpu.memref_slice %arg2[%dma_wait3A_65, %dma_wait3A_66] : memref<10112x128xf32, #tpu.memory_space<hbm>> -> memref<10112x128xf32, #tpu.memory_space<hbm>>
      tpu.wait_indirect_dma semaphore(%arg13 : memref<!tpu.dma_semaphore, #tpu.memory_space<semaphore_mem>>) src(%dma_wait3A_67 : memref<10112x128xf32, #tpu.memory_space<hbm>>) dst(%arg10 : memref<64x128xf32, #tpu.memory_space<vmem>>)
      %dma_start3A_68 = arith.constant 1 : i32
      %dma_start3A_69 = arith.constant 0 : i32
      %dma_start3A_70 = tpu.memref_slice %arg8[%dma_start3A_68, %dma_start3A_69] : memref<8x64xi32, #tpu.memory_space<vmem>> -> memref<1x64xi32, #tpu.memory_space<vmem>>
      %dma_start3A_71 = tpu.memref_squeeze %dma_start3A_70 : memref<1x64xi32, #tpu.memory_space<vmem>> -> memref<64xi32, #tpu.memory_space<vmem>>
      %dma_start3A_72 = arith.constant 0 : i32
      %dma_start3A_73 = arith.constant 0 : i32
      %dma_start3A_74 = tpu.memref_slice %arg11[%dma_start3A_72, %dma_start3A_73] : memref<10112x128xf32, #tpu.memory_space<vmem_shared>> -> memref<10112x128xf32, #tpu.memory_space<vmem_shared>>
      tpu.enqueue_indirect_dma source(%arg10 : memref<64x128xf32, #tpu.memory_space<vmem>>) target(%dma_start3A_74 : memref<10112x128xf32, #tpu.memory_space<vmem_shared>>) offsets(%dma_start3A_71 : memref<64xi32, #tpu.memory_space<vmem>>) semaphore(%arg15 : memref<!tpu.dma_semaphore, #tpu.memory_space<semaphore_mem>>) {add = true}
      %dma_start3A_75 = arith.constant 3 : i32
      %dma_start3A_76 = arith.constant 0 : i32
      %dma_start3A_77 = tpu.memref_slice %arg7[%dma_start3A_75, %dma_start3A_76] : memref<8x64xi32, #tpu.memory_space<vmem>> -> memref<1x64xi32, #tpu.memory_space<vmem>>
      %dma_start3A_78 = tpu.memref_squeeze %dma_start3A_77 : memref<1x64xi32, #tpu.memory_space<vmem>> -> memref<64xi32, #tpu.memory_space<vmem>>
      %dma_start3A_79 = arith.constant 0 : i32
      %dma_start3A_80 = arith.constant 0 : i32
      %dma_start3A_81 = tpu.memref_slice %arg2[%dma_start3A_79, %dma_start3A_80] : memref<10112x128xf32, #tpu.memory_space<hbm>> -> memref<10112x128xf32, #tpu.memory_space<hbm>>
      tpu.enqueue_indirect_dma source(%dma_start3A_81 : memref<10112x128xf32, #tpu.memory_space<hbm>>) target(%arg10 : memref<64x128xf32, #tpu.memory_space<vmem>>) offsets(%dma_start3A_78 : memref<64xi32, #tpu.memory_space<vmem>>) semaphore(%arg13 : memref<!tpu.dma_semaphore, #tpu.memory_space<semaphore_mem>>)
      %dma_wait3A_82 = arith.constant 0 : i32
      %dma_wait3A_83 = arith.constant 0 : i32
      %dma_wait3A_84 = tpu.memref_slice %arg8[%dma_wait3A_82, %dma_wait3A_83] : memref<8x64xi32, #tpu.memory_space<vmem>> -> memref<1x64xi32, #tpu.memory_space<vmem>>
      %dma_wait3A_85 = tpu.memref_squeeze %dma_wait3A_84 : memref<1x64xi32, #tpu.memory_space<vmem>> -> memref<64xi32, #tpu.memory_space<vmem>>
      %dma_wait3A_86 = arith.constant 0 : i32
      %dma_wait3A_87 = arith.constant 0 : i32
      %dma_wait3A_88 = tpu.memref_slice %arg11[%dma_wait3A_86, %dma_wait3A_87] : memref<10112x128xf32, #tpu.memory_space<vmem_shared>> -> memref<10112x128xf32, #tpu.memory_space<vmem_shared>>
      tpu.wait_indirect_dma semaphore(%arg14 : memref<!tpu.dma_semaphore, #tpu.memory_space<semaphore_mem>>) src(%arg9 : memref<64x128xf32, #tpu.memory_space<vmem>>) dst(%dma_wait3A_88 : memref<10112x128xf32, #tpu.memory_space<vmem_shared>>)
      %dma_wait3A_89 = arith.constant 2 : i32
      %dma_wait3A_90 = arith.constant 0 : i32
      %dma_wait3A_91 = tpu.memref_slice %arg7[%dma_wait3A_89, %dma_wait3A_90] : memref<8x64xi32, #tpu.memory_space<vmem>> -> memref<1x64xi32, #tpu.memory_space<vmem>>
      %dma_wait3A_92 = tpu.memref_squeeze %dma_wait3A_91 : memref<1x64xi32, #tpu.memory_space<vmem>> -> memref<64xi32, #tpu.memory_space<vmem>>
      %dma_wait3A_93 = arith.constant 0 : i32
      %dma_wait3A_94 = arith.constant 0 : i32
      %dma_wait3A_95 = tpu.memref_slice %arg2[%dma_wait3A_93, %dma_wait3A_94] : memref<10112x128xf32, #tpu.memory_space<hbm>> -> memref<10112x128xf32, #tpu.memory_space<hbm>>
      tpu.wait_indirect_dma semaphore(%arg12 : memref<!tpu.dma_semaphore, #tpu.memory_space<semaphore_mem>>) src(%dma_wait3A_95 : memref<10112x128xf32, #tpu.memory_space<hbm>>) dst(%arg9 : memref<64x128xf32, #tpu.memory_space<vmem>>)
      %dma_start3A_96 = arith.constant 2 : i32
      %dma_start3A_97 = arith.constant 0 : i32
      %dma_start3A_98 = tpu.memref_slice %arg8[%dma_start3A_96, %dma_start3A_97] : memref<8x64xi32, #tpu.memory_space<vmem>> -> memref<1x64xi32, #tpu.memory_space<vmem>>
      %dma_start3A_99 = tpu.memref_squeeze %dma_start3A_98 : memref<1x64xi32, #tpu.memory_space<vmem>> -> memref<64xi32, #tpu.memory_space<vmem>>
      %dma_start3A_100 = arith.constant 0 : i32
      %dma_start3A_101 = arith.constant 0 : i32
      %dma_start3A_102 = tpu.memref_slice %arg11[%dma_start3A_100, %dma_start3A_101] : memref<10112x128xf32, #tpu.memory_space<vmem_shared>> -> memref<10112x128xf32, #tpu.memory_space<vmem_shared>>
      tpu.enqueue_indirect_dma source(%arg9 : memref<64x128xf32, #tpu.memory_space<vmem>>) target(%dma_start3A_102 : memref<10112x128xf32, #tpu.memory_space<vmem_shared>>) offsets(%dma_start3A_99 : memref<64xi32, #tpu.memory_space<vmem>>) semaphore(%arg14 : memref<!tpu.dma_semaphore, #tpu.memory_space<semaphore_mem>>) {add = true}
      %dma_start3A_103 = arith.constant 4 : i32
      %dma_start3A_104 = arith.constant 0 : i32
      %dma_start3A_105 = tpu.memref_slice %arg7[%dma_start3A_103, %dma_start3A_104] : memref<8x64xi32, #tpu.memory_space<vmem>> -> memref<1x64xi32, #tpu.memory_space<vmem>>
      %dma_start3A_106 = tpu.memref_squeeze %dma_start3A_105 : memref<1x64xi32, #tpu.memory_space<vmem>> -> memref<64xi32, #tpu.memory_space<vmem>>
      %dma_start3A_107 = arith.constant 0 : i32
      %dma_start3A_108 = arith.constant 0 : i32
      %dma_start3A_109 = tpu.memref_slice %arg2[%dma_start3A_107, %dma_start3A_108] : memref<10112x128xf32, #tpu.memory_space<hbm>> -> memref<10112x128xf32, #tpu.memory_space<hbm>>
      tpu.enqueue_indirect_dma source(%dma_start3A_109 : memref<10112x128xf32, #tpu.memory_space<hbm>>) target(%arg9 : memref<64x128xf32, #tpu.memory_space<vmem>>) offsets(%dma_start3A_106 : memref<64xi32, #tpu.memory_space<vmem>>) semaphore(%arg12 : memref<!tpu.dma_semaphore, #tpu.memory_space<semaphore_mem>>)
      %dma_wait3A_110 = arith.constant 1 : i32
      %dma_wait3A_111 = arith.constant 0 : i32
      %dma_wait3A_112 = tpu.memref_slice %arg8[%dma_wait3A_110, %dma_wait3A_111] : memref<8x64xi32, #tpu.memory_space<vmem>> -> memref<1x64xi32, #tpu.memory_space<vmem>>
      %dma_wait3A_113 = tpu.memref_squeeze %dma_wait3A_112 : memref<1x64xi32, #tpu.memory_space<vmem>> -> memref<64xi32, #tpu.memory_space<vmem>>
      %dma_wait3A_114 = arith.constant 0 : i32
      %dma_wait3A_115 = arith.constant 0 : i32
      %dma_wait3A_116 = tpu.memref_slice %arg11[%dma_wait3A_114, %dma_wait3A_115] : memref<10112x128xf32, #tpu.memory_space<vmem_shared>> -> memref<10112x128xf32, #tpu.memory_space<vmem_shared>>
      tpu.wait_indirect_dma semaphore(%arg15 : memref<!tpu.dma_semaphore, #tpu.memory_space<semaphore_mem>>) src(%arg10 : memref<64x128xf32, #tpu.memory_space<vmem>>) dst(%dma_wait3A_116 : memref<10112x128xf32, #tpu.memory_space<vmem_shared>>)
      %dma_wait3A_117 = arith.constant 3 : i32
      %dma_wait3A_118 = arith.constant 0 : i32
      %dma_wait3A_119 = tpu.memref_slice %arg7[%dma_wait3A_117, %dma_wait3A_118] : memref<8x64xi32, #tpu.memory_space<vmem>> -> memref<1x64xi32, #tpu.memory_space<vmem>>
      %dma_wait3A_120 = tpu.memref_squeeze %dma_wait3A_119 : memref<1x64xi32, #tpu.memory_space<vmem>> -> memref<64xi32, #tpu.memory_space<vmem>>
      %dma_wait3A_121 = arith.constant 0 : i32
      %dma_wait3A_122 = arith.constant 0 : i32
      %dma_wait3A_123 = tpu.memref_slice %arg2[%dma_wait3A_121, %dma_wait3A_122] : memref<10112x128xf32, #tpu.memory_space<hbm>> -> memref<10112x128xf32, #tpu.memory_space<hbm>>
      tpu.wait_indirect_dma semaphore(%arg13 : memref<!tpu.dma_semaphore, #tpu.memory_space<semaphore_mem>>) src(%dma_wait3A_123 : memref<10112x128xf32, #tpu.memory_space<hbm>>) dst(%arg10 : memref<64x128xf32, #tpu.memory_space<vmem>>)
      %dma_start3A_124 = arith.constant 3 : i32
      %dma_start3A_125 = arith.constant 0 : i32
      %dma_start3A_126 = tpu.memref_slice %arg8[%dma_start3A_124, %dma_start3A_125] : memref<8x64xi32, #tpu.memory_space<vmem>> -> memref<1x64xi32, #tpu.memory_space<vmem>>
      %dma_start3A_127 = tpu.memref_squeeze %dma_start3A_126 : memref<1x64xi32, #tpu.memory_space<vmem>> -> memref<64xi32, #tpu.memory_space<vmem>>
      %dma_start3A_128 = arith.constant 0 : i32
      %dma_start3A_129 = arith.constant 0 : i32
      %dma_start3A_130 = tpu.memref_slice %arg11[%dma_start3A_128, %dma_start3A_129] : memref<10112x128xf32, #tpu.memory_space<vmem_shared>> -> memref<10112x128xf32, #tpu.memory_space<vmem_shared>>
      tpu.enqueue_indirect_dma source(%arg10 : memref<64x128xf32, #tpu.memory_space<vmem>>) target(%dma_start3A_130 : memref<10112x128xf32, #tpu.memory_space<vmem_shared>>) offsets(%dma_start3A_127 : memref<64xi32, #tpu.memory_space<vmem>>) semaphore(%arg15 : memref<!tpu.dma_semaphore, #tpu.memory_space<semaphore_mem>>) {add = true}
      %dma_start3A_131 = arith.constant 5 : i32
      %dma_start3A_132 = arith.constant 0 : i32
      %dma_start3A_133 = tpu.memref_slice %arg7[%dma_start3A_131, %dma_start3A_132] : memref<8x64xi32, #tpu.memory_space<vmem>> -> memref<1x64xi32, #tpu.memory_space<vmem>>
      %dma_start3A_134 = tpu.memref_squeeze %dma_start3A_133 : memref<1x64xi32, #tpu.memory_space<vmem>> -> memref<64xi32, #tpu.memory_space<vmem>>
      %dma_start3A_135 = arith.constant 0 : i32
      %dma_start3A_136 = arith.constant 0 : i32
      %dma_start3A_137 = tpu.memref_slice %arg2[%dma_start3A_135, %dma_start3A_136] : memref<10112x128xf32, #tpu.memory_space<hbm>> -> memref<10112x128xf32, #tpu.memory_space<hbm>>
      tpu.enqueue_indirect_dma source(%dma_start3A_137 : memref<10112x128xf32, #tpu.memory_space<hbm>>) target(%arg10 : memref<64x128xf32, #tpu.memory_space<vmem>>) offsets(%dma_start3A_134 : memref<64xi32, #tpu.memory_space<vmem>>) semaphore(%arg13 : memref<!tpu.dma_semaphore, #tpu.memory_space<semaphore_mem>>)
      %dma_wait3A_138 = arith.constant 2 : i32
      %dma_wait3A_139 = arith.constant 0 : i32
      %dma_wait3A_140 = tpu.memref_slice %arg8[%dma_wait3A_138, %dma_wait3A_139] : memref<8x64xi32, #tpu.memory_space<vmem>> -> memref<1x64xi32, #tpu.memory_space<vmem>>
      %dma_wait3A_141 = tpu.memref_squeeze %dma_wait3A_140 : memref<1x64xi32, #tpu.memory_space<vmem>> -> memref<64xi32, #tpu.memory_space<vmem>>
      %dma_wait3A_142 = arith.constant 0 : i32
      %dma_wait3A_143 = arith.constant 0 : i32
      %dma_wait3A_144 = tpu.memref_slice %arg11[%dma_wait3A_142, %dma_wait3A_143] : memref<10112x128xf32, #tpu.memory_space<vmem_shared>> -> memref<10112x128xf32, #tpu.memory_space<vmem_shared>>
      tpu.wait_indirect_dma semaphore(%arg14 : memref<!tpu.dma_semaphore, #tpu.memory_space<semaphore_mem>>) src(%arg9 : memref<64x128xf32, #tpu.memory_space<vmem>>) dst(%dma_wait3A_144 : memref<10112x128xf32, #tpu.memory_space<vmem_shared>>)
      %dma_wait3A_145 = arith.constant 4 : i32
      %dma_wait3A_146 = arith.constant 0 : i32
      %dma_wait3A_147 = tpu.memref_slice %arg7[%dma_wait3A_145, %dma_wait3A_146] : memref<8x64xi32, #tpu.memory_space<vmem>> -> memref<1x64xi32, #tpu.memory_space<vmem>>
      %dma_wait3A_148 = tpu.memref_squeeze %dma_wait3A_147 : memref<1x64xi32, #tpu.memory_space<vmem>> -> memref<64xi32, #tpu.memory_space<vmem>>
      %dma_wait3A_149 = arith.constant 0 : i32
      %dma_wait3A_150 = arith.constant 0 : i32
      %dma_wait3A_151 = tpu.memref_slice %arg2[%dma_wait3A_149, %dma_wait3A_150] : memref<10112x128xf32, #tpu.memory_space<hbm>> -> memref<10112x128xf32, #tpu.memory_space<hbm>>
      tpu.wait_indirect_dma semaphore(%arg12 : memref<!tpu.dma_semaphore, #tpu.memory_space<semaphore_mem>>) src(%dma_wait3A_151 : memref<10112x128xf32, #tpu.memory_space<hbm>>) dst(%arg9 : memref<64x128xf32, #tpu.memory_space<vmem>>)
      %dma_start3A_152 = arith.constant 4 : i32
      %dma_start3A_153 = arith.constant 0 : i32
      %dma_start3A_154 = tpu.memref_slice %arg8[%dma_start3A_152, %dma_start3A_153] : memref<8x64xi32, #tpu.memory_space<vmem>> -> memref<1x64xi32, #tpu.memory_space<vmem>>
      %dma_start3A_155 = tpu.memref_squeeze %dma_start3A_154 : memref<1x64xi32, #tpu.memory_space<vmem>> -> memref<64xi32, #tpu.memory_space<vmem>>
      %dma_start3A_156 = arith.constant 0 : i32
      %dma_start3A_157 = arith.constant 0 : i32
      %dma_start3A_158 = tpu.memref_slice %arg11[%dma_start3A_156, %dma_start3A_157] : memref<10112x128xf32, #tpu.memory_space<vmem_shared>> -> memref<10112x128xf32, #tpu.memory_space<vmem_shared>>
      tpu.enqueue_indirect_dma source(%arg9 : memref<64x128xf32, #tpu.memory_space<vmem>>) target(%dma_start3A_158 : memref<10112x128xf32, #tpu.memory_space<vmem_shared>>) offsets(%dma_start3A_155 : memref<64xi32, #tpu.memory_space<vmem>>) semaphore(%arg14 : memref<!tpu.dma_semaphore, #tpu.memory_space<semaphore_mem>>) {add = true}
      %dma_start3A_159 = arith.constant 6 : i32
      %dma_start3A_160 = arith.constant 0 : i32
      %dma_start3A_161 = tpu.memref_slice %arg7[%dma_start3A_159, %dma_start3A_160] : memref<8x64xi32, #tpu.memory_space<vmem>> -> memref<1x64xi32, #tpu.memory_space<vmem>>
      %dma_start3A_162 = tpu.memref_squeeze %dma_start3A_161 : memref<1x64xi32, #tpu.memory_space<vmem>> -> memref<64xi32, #tpu.memory_space<vmem>>
      %dma_start3A_163 = arith.constant 0 : i32
      %dma_start3A_164 = arith.constant 0 : i32
      %dma_start3A_165 = tpu.memref_slice %arg2[%dma_start3A_163, %dma_start3A_164] : memref<10112x128xf32, #tpu.memory_space<hbm>> -> memref<10112x128xf32, #tpu.memory_space<hbm>>
      tpu.enqueue_indirect_dma source(%dma_start3A_165 : memref<10112x128xf32, #tpu.memory_space<hbm>>) target(%arg9 : memref<64x128xf32, #tpu.memory_space<vmem>>) offsets(%dma_start3A_162 : memref<64xi32, #tpu.memory_space<vmem>>) semaphore(%arg12 : memref<!tpu.dma_semaphore, #tpu.memory_space<semaphore_mem>>)
      %dma_wait3A_166 = arith.constant 3 : i32
      %dma_wait3A_167 = arith.constant 0 : i32
      %dma_wait3A_168 = tpu.memref_slice %arg8[%dma_wait3A_166, %dma_wait3A_167] : memref<8x64xi32, #tpu.memory_space<vmem>> -> memref<1x64xi32, #tpu.memory_space<vmem>>
      %dma_wait3A_169 = tpu.memref_squeeze %dma_wait3A_168 : memref<1x64xi32, #tpu.memory_space<vmem>> -> memref<64xi32, #tpu.memory_space<vmem>>
      %dma_wait3A_170 = arith.constant 0 : i32
      %dma_wait3A_171 = arith.constant 0 : i32
      %dma_wait3A_172 = tpu.memref_slice %arg11[%dma_wait3A_170, %dma_wait3A_171] : memref<10112x128xf32, #tpu.memory_space<vmem_shared>> -> memref<10112x128xf32, #tpu.memory_space<vmem_shared>>
      tpu.wait_indirect_dma semaphore(%arg15 : memref<!tpu.dma_semaphore, #tpu.memory_space<semaphore_mem>>) src(%arg10 : memref<64x128xf32, #tpu.memory_space<vmem>>) dst(%dma_wait3A_172 : memref<10112x128xf32, #tpu.memory_space<vmem_shared>>)
      %dma_wait3A_173 = arith.constant 5 : i32
      %dma_wait3A_174 = arith.constant 0 : i32
      %dma_wait3A_175 = tpu.memref_slice %arg7[%dma_wait3A_173, %dma_wait3A_174] : memref<8x64xi32, #tpu.memory_space<vmem>> -> memref<1x64xi32, #tpu.memory_space<vmem>>
      %dma_wait3A_176 = tpu.memref_squeeze %dma_wait3A_175 : memref<1x64xi32, #tpu.memory_space<vmem>> -> memref<64xi32, #tpu.memory_space<vmem>>
      %dma_wait3A_177 = arith.constant 0 : i32
      %dma_wait3A_178 = arith.constant 0 : i32
      %dma_wait3A_179 = tpu.memref_slice %arg2[%dma_wait3A_177, %dma_wait3A_178] : memref<10112x128xf32, #tpu.memory_space<hbm>> -> memref<10112x128xf32, #tpu.memory_space<hbm>>
      tpu.wait_indirect_dma semaphore(%arg13 : memref<!tpu.dma_semaphore, #tpu.memory_space<semaphore_mem>>) src(%dma_wait3A_179 : memref<10112x128xf32, #tpu.memory_space<hbm>>) dst(%arg10 : memref<64x128xf32, #tpu.memory_space<vmem>>)
      %dma_start3A_180 = arith.constant 5 : i32
      %dma_start3A_181 = arith.constant 0 : i32
      %dma_start3A_182 = tpu.memref_slice %arg8[%dma_start3A_180, %dma_start3A_181] : memref<8x64xi32, #tpu.memory_space<vmem>> -> memref<1x64xi32, #tpu.memory_space<vmem>>
      %dma_start3A_183 = tpu.memref_squeeze %dma_start3A_182 : memref<1x64xi32, #tpu.memory_space<vmem>> -> memref<64xi32, #tpu.memory_space<vmem>>
      %dma_start3A_184 = arith.constant 0 : i32
      %dma_start3A_185 = arith.constant 0 : i32
      %dma_start3A_186 = tpu.memref_slice %arg11[%dma_start3A_184, %dma_start3A_185] : memref<10112x128xf32, #tpu.memory_space<vmem_shared>> -> memref<10112x128xf32, #tpu.memory_space<vmem_shared>>
      tpu.enqueue_indirect_dma source(%arg10 : memref<64x128xf32, #tpu.memory_space<vmem>>) target(%dma_start3A_186 : memref<10112x128xf32, #tpu.memory_space<vmem_shared>>) offsets(%dma_start3A_183 : memref<64xi32, #tpu.memory_space<vmem>>) semaphore(%arg15 : memref<!tpu.dma_semaphore, #tpu.memory_space<semaphore_mem>>) {add = true}
      %dma_start3A_187 = arith.constant 7 : i32
      %dma_start3A_188 = arith.constant 0 : i32
      %dma_start3A_189 = tpu.memref_slice %arg7[%dma_start3A_187, %dma_start3A_188] : memref<8x64xi32, #tpu.memory_space<vmem>> -> memref<1x64xi32, #tpu.memory_space<vmem>>
      %dma_start3A_190 = tpu.memref_squeeze %dma_start3A_189 : memref<1x64xi32, #tpu.memory_space<vmem>> -> memref<64xi32, #tpu.memory_space<vmem>>
      %dma_start3A_191 = arith.constant 0 : i32
      %dma_start3A_192 = arith.constant 0 : i32
      %dma_start3A_193 = tpu.memref_slice %arg2[%dma_start3A_191, %dma_start3A_192] : memref<10112x128xf32, #tpu.memory_space<hbm>> -> memref<10112x128xf32, #tpu.memory_space<hbm>>
      tpu.enqueue_indirect_dma source(%dma_start3A_193 : memref<10112x128xf32, #tpu.memory_space<hbm>>) target(%arg10 : memref<64x128xf32, #tpu.memory_space<vmem>>) offsets(%dma_start3A_190 : memref<64xi32, #tpu.memory_space<vmem>>) semaphore(%arg13 : memref<!tpu.dma_semaphore, #tpu.memory_space<semaphore_mem>>)
      %dma_wait3A_194 = arith.constant 4 : i32
      %dma_wait3A_195 = arith.constant 0 : i32
      %dma_wait3A_196 = tpu.memref_slice %arg8[%dma_wait3A_194, %dma_wait3A_195] : memref<8x64xi32, #tpu.memory_space<vmem>> -> memref<1x64xi32, #tpu.memory_space<vmem>>
      %dma_wait3A_197 = tpu.memref_squeeze %dma_wait3A_196 : memref<1x64xi32, #tpu.memory_space<vmem>> -> memref<64xi32, #tpu.memory_space<vmem>>
      %dma_wait3A_198 = arith.constant 0 : i32
      %dma_wait3A_199 = arith.constant 0 : i32
      %dma_wait3A_200 = tpu.memref_slice %arg11[%dma_wait3A_198, %dma_wait3A_199] : memref<10112x128xf32, #tpu.memory_space<vmem_shared>> -> memref<10112x128xf32, #tpu.memory_space<vmem_shared>>
      tpu.wait_indirect_dma semaphore(%arg14 : memref<!tpu.dma_semaphore, #tpu.memory_space<semaphore_mem>>) src(%arg9 : memref<64x128xf32, #tpu.memory_space<vmem>>) dst(%dma_wait3A_200 : memref<10112x128xf32, #tpu.memory_space<vmem_shared>>)
      %dma_wait3A_201 = arith.constant 6 : i32
      %dma_wait3A_202 = arith.constant 0 : i32
      %dma_wait3A_203 = tpu.memref_slice %arg7[%dma_wait3A_201, %dma_wait3A_202] : memref<8x64xi32, #tpu.memory_space<vmem>> -> memref<1x64xi32, #tpu.memory_space<vmem>>
      %dma_wait3A_204 = tpu.memref_squeeze %dma_wait3A_203 : memref<1x64xi32, #tpu.memory_space<vmem>> -> memref<64xi32, #tpu.memory_space<vmem>>
      %dma_wait3A_205 = arith.constant 0 : i32
      %dma_wait3A_206 = arith.constant 0 : i32
      %dma_wait3A_207 = tpu.memref_slice %arg2[%dma_wait3A_205, %dma_wait3A_206] : memref<10112x128xf32, #tpu.memory_space<hbm>> -> memref<10112x128xf32, #tpu.memory_space<hbm>>
      tpu.wait_indirect_dma semaphore(%arg12 : memref<!tpu.dma_semaphore, #tpu.memory_space<semaphore_mem>>) src(%dma_wait3A_207 : memref<10112x128xf32, #tpu.memory_space<hbm>>) dst(%arg9 : memref<64x128xf32, #tpu.memory_space<vmem>>)
      %dma_start3A_208 = arith.constant 6 : i32
      %dma_start3A_209 = arith.constant 0 : i32
      %dma_start3A_210 = tpu.memref_slice %arg8[%dma_start3A_208, %dma_start3A_209] : memref<8x64xi32, #tpu.memory_space<vmem>> -> memref<1x64xi32, #tpu.memory_space<vmem>>
      %dma_start3A_211 = tpu.memref_squeeze %dma_start3A_210 : memref<1x64xi32, #tpu.memory_space<vmem>> -> memref<64xi32, #tpu.memory_space<vmem>>
      %dma_start3A_212 = arith.constant 0 : i32
      %dma_start3A_213 = arith.constant 0 : i32
      %dma_start3A_214 = tpu.memref_slice %arg11[%dma_start3A_212, %dma_start3A_213] : memref<10112x128xf32, #tpu.memory_space<vmem_shared>> -> memref<10112x128xf32, #tpu.memory_space<vmem_shared>>
      tpu.enqueue_indirect_dma source(%arg9 : memref<64x128xf32, #tpu.memory_space<vmem>>) target(%dma_start3A_214 : memref<10112x128xf32, #tpu.memory_space<vmem_shared>>) offsets(%dma_start3A_211 : memref<64xi32, #tpu.memory_space<vmem>>) semaphore(%arg14 : memref<!tpu.dma_semaphore, #tpu.memory_space<semaphore_mem>>) {add = true}
      %dma_wait3A_215 = arith.constant 5 : i32
      %dma_wait3A_216 = arith.constant 0 : i32
      %dma_wait3A_217 = tpu.memref_slice %arg8[%dma_wait3A_215, %dma_wait3A_216] : memref<8x64xi32, #tpu.memory_space<vmem>> -> memref<1x64xi32, #tpu.memory_space<vmem>>
      %dma_wait3A_218 = tpu.memref_squeeze %dma_wait3A_217 : memref<1x64xi32, #tpu.memory_space<vmem>> -> memref<64xi32, #tpu.memory_space<vmem>>
      %dma_wait3A_219 = arith.constant 0 : i32
      %dma_wait3A_220 = arith.constant 0 : i32
      %dma_wait3A_221 = tpu.memref_slice %arg11[%dma_wait3A_219, %dma_wait3A_220] : memref<10112x128xf32, #tpu.memory_space<vmem_shared>> -> memref<10112x128xf32, #tpu.memory_space<vmem_shared>>
      tpu.wait_indirect_dma semaphore(%arg15 : memref<!tpu.dma_semaphore, #tpu.memory_space<semaphore_mem>>) src(%arg10 : memref<64x128xf32, #tpu.memory_space<vmem>>) dst(%dma_wait3A_221 : memref<10112x128xf32, #tpu.memory_space<vmem_shared>>)
      %dma_wait3A_222 = arith.constant 7 : i32
      %dma_wait3A_223 = arith.constant 0 : i32
      %dma_wait3A_224 = tpu.memref_slice %arg7[%dma_wait3A_222, %dma_wait3A_223] : memref<8x64xi32, #tpu.memory_space<vmem>> -> memref<1x64xi32, #tpu.memory_space<vmem>>
      %dma_wait3A_225 = tpu.memref_squeeze %dma_wait3A_224 : memref<1x64xi32, #tpu.memory_space<vmem>> -> memref<64xi32, #tpu.memory_space<vmem>>
      %dma_wait3A_226 = arith.constant 0 : i32
      %dma_wait3A_227 = arith.constant 0 : i32
      %dma_wait3A_228 = tpu.memref_slice %arg2[%dma_wait3A_226, %dma_wait3A_227] : memref<10112x128xf32, #tpu.memory_space<hbm>> -> memref<10112x128xf32, #tpu.memory_space<hbm>>
      tpu.wait_indirect_dma semaphore(%arg13 : memref<!tpu.dma_semaphore, #tpu.memory_space<semaphore_mem>>) src(%dma_wait3A_228 : memref<10112x128xf32, #tpu.memory_space<hbm>>) dst(%arg10 : memref<64x128xf32, #tpu.memory_space<vmem>>)
      %dma_start3A_229 = arith.constant 7 : i32
      %dma_start3A_230 = arith.constant 0 : i32
      %dma_start3A_231 = tpu.memref_slice %arg8[%dma_start3A_229, %dma_start3A_230] : memref<8x64xi32, #tpu.memory_space<vmem>> -> memref<1x64xi32, #tpu.memory_space<vmem>>
      %dma_start3A_232 = tpu.memref_squeeze %dma_start3A_231 : memref<1x64xi32, #tpu.memory_space<vmem>> -> memref<64xi32, #tpu.memory_space<vmem>>
      %dma_start3A_233 = arith.constant 0 : i32
      %dma_start3A_234 = arith.constant 0 : i32
      %dma_start3A_235 = tpu.memref_slice %arg11[%dma_start3A_233, %dma_start3A_234] : memref<10112x128xf32, #tpu.memory_space<vmem_shared>> -> memref<10112x128xf32, #tpu.memory_space<vmem_shared>>
      tpu.enqueue_indirect_dma source(%arg10 : memref<64x128xf32, #tpu.memory_space<vmem>>) target(%dma_start3A_235 : memref<10112x128xf32, #tpu.memory_space<vmem_shared>>) offsets(%dma_start3A_232 : memref<64xi32, #tpu.memory_space<vmem>>) semaphore(%arg15 : memref<!tpu.dma_semaphore, #tpu.memory_space<semaphore_mem>>) {add = true}
      %dma_wait3A_236 = arith.constant 6 : i32
      %dma_wait3A_237 = arith.constant 0 : i32
      %dma_wait3A_238 = tpu.memref_slice %arg8[%dma_wait3A_236, %dma_wait3A_237] : memref<8x64xi32, #tpu.memory_space<vmem>> -> memref<1x64xi32, #tpu.memory_space<vmem>>
      %dma_wait3A_239 = tpu.memref_squeeze %dma_wait3A_238 : memref<1x64xi32, #tpu.memory_space<vmem>> -> memref<64xi32, #tpu.memory_space<vmem>>
      %dma_wait3A_240 = arith.constant 0 : i32
      %dma_wait3A_241 = arith.constant 0 : i32
      %dma_wait3A_242 = tpu.memref_slice %arg11[%dma_wait3A_240, %dma_wait3A_241] : memref<10112x128xf32, #tpu.memory_space<vmem_shared>> -> memref<10112x128xf32, #tpu.memory_space<vmem_shared>>
      tpu.wait_indirect_dma semaphore(%arg14 : memref<!tpu.dma_semaphore, #tpu.memory_space<semaphore_mem>>) src(%arg9 : memref<64x128xf32, #tpu.memory_space<vmem>>) dst(%dma_wait3A_242 : memref<10112x128xf32, #tpu.memory_space<vmem_shared>>)
      %dma_wait3A_243 = arith.constant 7 : i32
      %dma_wait3A_244 = arith.constant 0 : i32
      %dma_wait3A_245 = tpu.memref_slice %arg8[%dma_wait3A_243, %dma_wait3A_244] : memref<8x64xi32, #tpu.memory_space<vmem>> -> memref<1x64xi32, #tpu.memory_space<vmem>>
      %dma_wait3A_246 = tpu.memref_squeeze %dma_wait3A_245 : memref<1x64xi32, #tpu.memory_space<vmem>> -> memref<64xi32, #tpu.memory_space<vmem>>
      %dma_wait3A_247 = arith.constant 0 : i32
      %dma_wait3A_248 = arith.constant 0 : i32
      %dma_wait3A_249 = tpu.memref_slice %arg11[%dma_wait3A_247, %dma_wait3A_248] : memref<10112x128xf32, #tpu.memory_space<vmem_shared>> -> memref<10112x128xf32, #tpu.memory_space<vmem_shared>>
      tpu.wait_indirect_dma semaphore(%arg15 : memref<!tpu.dma_semaphore, #tpu.memory_space<semaphore_mem>>) src(%arg10 : memref<64x128xf32, #tpu.memory_space<vmem>>) dst(%dma_wait3A_249 : memref<10112x128xf32, #tpu.memory_space<vmem_shared>>)
    }
    %while3A_22 = arith.constant 1 : i32
    scf.for %while3A_24 = %while3A_20 to %while3A_16 step %while3A_22  : i32 {
      %mul3A_25 = arith.constant 8 : i32
      %mul3A_26 = arith.muli %while3A_24, %mul3A_25 : i32
      %add3A_27 = arith.addi %select_n3A, %mul3A_26 : i32
      "tpu.region"() ({
        %run_scoped3A = tpu.sem_alloc : memref<!tpu.dma_semaphore, #tpu.memory_space<semaphore_mem>>
        %dma_start3A_250 = arith.constant 0 : i32
        %dma_start3A_251 = tpu.memref_slice %arg3[%add3A_27, %dma_start3A_250] : memref<5120x64xi32, #tpu.memory_space<hbm>> -> memref<8x64xi32, #tpu.memory_space<hbm>>
        %dma_start3A_252 = arith.constant 0 : i32
        %dma_start3A_253 = tpu.memref_slice %arg3[%add3A_27, %dma_start3A_252] : memref<5120x64xi32, #tpu.memory_space<hbm>> -> memref<8x64xi32, #tpu.memory_space<hbm>>
        tpu.enqueue_dma source(%dma_start3A_253 : memref<8x64xi32, #tpu.memory_space<hbm>>) target(%arg7 : memref<8x64xi32, #tpu.memory_space<vmem>>) target_semaphore(%run_scoped3A : memref<!tpu.dma_semaphore, #tpu.memory_space<semaphore_mem>>)
        %dma_wait3A_254 = arith.constant 0 : i32
        %dma_wait3A_255 = tpu.memref_slice %arg3[%add3A_27, %dma_wait3A_254] : memref<5120x64xi32, #tpu.memory_space<hbm>> -> memref<8x64xi32, #tpu.memory_space<hbm>>
        %dma_wait3A_256 = arith.constant 0 : i32
        %dma_wait3A_257 = tpu.memref_slice %arg3[%add3A_27, %dma_wait3A_256] : memref<5120x64xi32, #tpu.memory_space<hbm>> -> memref<8x64xi32, #tpu.memory_space<hbm>>
        tpu.wait_dma2 semaphore(%run_scoped3A : memref<!tpu.dma_semaphore, #tpu.memory_space<semaphore_mem>>) src(%dma_wait3A_257 : memref<8x64xi32, #tpu.memory_space<hbm>>) dst(%arg7 : memref<8x64xi32, #tpu.memory_space<vmem>>)
        tpu.yield
      }) : () -> ()
      "tpu.region"() ({
        %run_scoped3A = tpu.sem_alloc : memref<!tpu.dma_semaphore, #tpu.memory_space<semaphore_mem>>
        %dma_start3A_250 = arith.constant 0 : i32
        %dma_start3A_251 = tpu.memref_slice %arg4[%add3A_27, %dma_start3A_250] : memref<5120x64xi32, #tpu.memory_space<hbm>> -> memref<8x64xi32, #tpu.memory_space<hbm>>
        %dma_start3A_252 = arith.constant 0 : i32
        %dma_start3A_253 = tpu.memref_slice %arg4[%add3A_27, %dma_start3A_252] : memref<5120x64xi32, #tpu.memory_space<hbm>> -> memref<8x64xi32, #tpu.memory_space<hbm>>
        tpu.enqueue_dma source(%dma_start3A_253 : memref<8x64xi32, #tpu.memory_space<hbm>>) target(%arg8 : memref<8x64xi32, #tpu.memory_space<vmem>>) target_semaphore(%run_scoped3A : memref<!tpu.dma_semaphore, #tpu.memory_space<semaphore_mem>>)
        %dma_wait3A_254 = arith.constant 0 : i32
        %dma_wait3A_255 = tpu.memref_slice %arg4[%add3A_27, %dma_wait3A_254] : memref<5120x64xi32, #tpu.memory_space<hbm>> -> memref<8x64xi32, #tpu.memory_space<hbm>>
        %dma_wait3A_256 = arith.constant 0 : i32
        %dma_wait3A_257 = tpu.memref_slice %arg4[%add3A_27, %dma_wait3A_256] : memref<5120x64xi32, #tpu.memory_space<hbm>> -> memref<8x64xi32, #tpu.memory_space<hbm>>
        tpu.wait_dma2 semaphore(%run_scoped3A : memref<!tpu.dma_semaphore, #tpu.memory_space<semaphore_mem>>) src(%dma_wait3A_257 : memref<8x64xi32, #tpu.memory_space<hbm>>) dst(%arg8 : memref<8x64xi32, #tpu.memory_space<vmem>>)
        tpu.yield
      }) : () -> ()
      %dma_start3A = arith.constant 0 : i32
      %dma_start3A_28 = arith.constant 0 : i32
      %dma_start3A_29 = tpu.memref_slice %arg7[%dma_start3A, %dma_start3A_28] : memref<8x64xi32, #tpu.memory_space<vmem>> -> memref<1x64xi32, #tpu.memory_space<vmem>>
      %dma_start3A_30 = tpu.memref_squeeze %dma_start3A_29 : memref<1x64xi32, #tpu.memory_space<vmem>> -> memref<64xi32, #tpu.memory_space<vmem>>
      %dma_start3A_31 = arith.constant 0 : i32
      %dma_start3A_32 = arith.constant 0 : i32
      %dma_start3A_33 = tpu.memref_slice %arg2[%dma_start3A_31, %dma_start3A_32] : memref<10112x128xf32, #tpu.memory_space<hbm>> -> memref<10112x128xf32, #tpu.memory_space<hbm>>
      tpu.enqueue_indirect_dma source(%dma_start3A_33 : memref<10112x128xf32, #tpu.memory_space<hbm>>) target(%arg9 : memref<64x128xf32, #tpu.memory_space<vmem>>) offsets(%dma_start3A_30 : memref<64xi32, #tpu.memory_space<vmem>>) semaphore(%arg12 : memref<!tpu.dma_semaphore, #tpu.memory_space<semaphore_mem>>)
      %dma_start3A_34 = arith.constant 1 : i32
      %dma_start3A_35 = arith.constant 0 : i32
      %dma_start3A_36 = tpu.memref_slice %arg7[%dma_start3A_34, %dma_start3A_35] : memref<8x64xi32, #tpu.memory_space<vmem>> -> memref<1x64xi32, #tpu.memory_space<vmem>>
      %dma_start3A_37 = tpu.memref_squeeze %dma_start3A_36 : memref<1x64xi32, #tpu.memory_space<vmem>> -> memref<64xi32, #tpu.memory_space<vmem>>
      %dma_start3A_38 = arith.constant 0 : i32
      %dma_start3A_39 = arith.constant 0 : i32
      %dma_start3A_40 = tpu.memref_slice %arg2[%dma_start3A_38, %dma_start3A_39] : memref<10112x128xf32, #tpu.memory_space<hbm>> -> memref<10112x128xf32, #tpu.memory_space<hbm>>
      tpu.enqueue_indirect_dma source(%dma_start3A_40 : memref<10112x128xf32, #tpu.memory_space<hbm>>) target(%arg10 : memref<64x128xf32, #tpu.memory_space<vmem>>) offsets(%dma_start3A_37 : memref<64xi32, #tpu.memory_space<vmem>>) semaphore(%arg13 : memref<!tpu.dma_semaphore, #tpu.memory_space<semaphore_mem>>)
      %dma_wait3A = arith.constant 0 : i32
      %dma_wait3A_41 = arith.constant 0 : i32
      %dma_wait3A_42 = tpu.memref_slice %arg7[%dma_wait3A, %dma_wait3A_41] : memref<8x64xi32, #tpu.memory_space<vmem>> -> memref<1x64xi32, #tpu.memory_space<vmem>>
      %dma_wait3A_43 = tpu.memref_squeeze %dma_wait3A_42 : memref<1x64xi32, #tpu.memory_space<vmem>> -> memref<64xi32, #tpu.memory_space<vmem>>
      %dma_wait3A_44 = arith.constant 0 : i32
      %dma_wait3A_45 = arith.constant 0 : i32
      %dma_wait3A_46 = tpu.memref_slice %arg2[%dma_wait3A_44, %dma_wait3A_45] : memref<10112x128xf32, #tpu.memory_space<hbm>> -> memref<10112x128xf32, #tpu.memory_space<hbm>>
      tpu.wait_indirect_dma semaphore(%arg12 : memref<!tpu.dma_semaphore, #tpu.memory_space<semaphore_mem>>) src(%dma_wait3A_46 : memref<10112x128xf32, #tpu.memory_space<hbm>>) dst(%arg9 : memref<64x128xf32, #tpu.memory_space<vmem>>)
      %dma_start3A_47 = arith.constant 0 : i32
      %dma_start3A_48 = arith.constant 0 : i32
      %dma_start3A_49 = tpu.memref_slice %arg8[%dma_start3A_47, %dma_start3A_48] : memref<8x64xi32, #tpu.memory_space<vmem>> -> memref<1x64xi32, #tpu.memory_space<vmem>>
      %dma_start3A_50 = tpu.memref_squeeze %dma_start3A_49 : memref<1x64xi32, #tpu.memory_space<vmem>> -> memref<64xi32, #tpu.memory_space<vmem>>
      %dma_start3A_51 = arith.constant 0 : i32
      %dma_start3A_52 = arith.constant 0 : i32
      %dma_start3A_53 = tpu.memref_slice %arg11[%dma_start3A_51, %dma_start3A_52] : memref<10112x128xf32, #tpu.memory_space<vmem_shared>> -> memref<10112x128xf32, #tpu.memory_space<vmem_shared>>
      tpu.enqueue_indirect_dma source(%arg9 : memref<64x128xf32, #tpu.memory_space<vmem>>) target(%dma_start3A_53 : memref<10112x128xf32, #tpu.memory_space<vmem_shared>>) offsets(%dma_start3A_50 : memref<64xi32, #tpu.memory_space<vmem>>) semaphore(%arg14 : memref<!tpu.dma_semaphore, #tpu.memory_space<semaphore_mem>>) {add = true}
      %dma_start3A_54 = arith.constant 2 : i32
      %dma_start3A_55 = arith.constant 0 : i32
      %dma_start3A_56 = tpu.memref_slice %arg7[%dma_start3A_54, %dma_start3A_55] : memref<8x64xi32, #tpu.memory_space<vmem>> -> memref<1x64xi32, #tpu.memory_space<vmem>>
      %dma_start3A_57 = tpu.memref_squeeze %dma_start3A_56 : memref<1x64xi32, #tpu.memory_space<vmem>> -> memref<64xi32, #tpu.memory_space<vmem>>
      %dma_start3A_58 = arith.constant 0 : i32
      %dma_start3A_59 = arith.constant 0 : i32
      %dma_start3A_60 = tpu.memref_slice %arg2[%dma_start3A_58, %dma_start3A_59] : memref<10112x128xf32, #tpu.memory_space<hbm>> -> memref<10112x128xf32, #tpu.memory_space<hbm>>
      tpu.enqueue_indirect_dma source(%dma_start3A_60 : memref<10112x128xf32, #tpu.memory_space<hbm>>) target(%arg9 : memref<64x128xf32, #tpu.memory_space<vmem>>) offsets(%dma_start3A_57 : memref<64xi32, #tpu.memory_space<vmem>>) semaphore(%arg12 : memref<!tpu.dma_semaphore, #tpu.memory_space<semaphore_mem>>)
      %dma_wait3A_61 = arith.constant 1 : i32
      %dma_wait3A_62 = arith.constant 0 : i32
      %dma_wait3A_63 = tpu.memref_slice %arg7[%dma_wait3A_61, %dma_wait3A_62] : memref<8x64xi32, #tpu.memory_space<vmem>> -> memref<1x64xi32, #tpu.memory_space<vmem>>
      %dma_wait3A_64 = tpu.memref_squeeze %dma_wait3A_63 : memref<1x64xi32, #tpu.memory_space<vmem>> -> memref<64xi32, #tpu.memory_space<vmem>>
      %dma_wait3A_65 = arith.constant 0 : i32
      %dma_wait3A_66 = arith.constant 0 : i32
      %dma_wait3A_67 = tpu.memref_slice %arg2[%dma_wait3A_65, %dma_wait3A_66] : memref<10112x128xf32, #tpu.memory_space<hbm>> -> memref<10112x128xf32, #tpu.memory_space<hbm>>
      tpu.wait_indirect_dma semaphore(%arg13 : memref<!tpu.dma_semaphore, #tpu.memory_space<semaphore_mem>>) src(%dma_wait3A_67 : memref<10112x128xf32, #tpu.memory_space<hbm>>) dst(%arg10 : memref<64x128xf32, #tpu.memory_space<vmem>>)
      %dma_start3A_68 = arith.constant 1 : i32
      %dma_start3A_69 = arith.constant 0 : i32
      %dma_start3A_70 = tpu.memref_slice %arg8[%dma_start3A_68, %dma_start3A_69] : memref<8x64xi32, #tpu.memory_space<vmem>> -> memref<1x64xi32, #tpu.memory_space<vmem>>
      %dma_start3A_71 = tpu.memref_squeeze %dma_start3A_70 : memref<1x64xi32, #tpu.memory_space<vmem>> -> memref<64xi32, #tpu.memory_space<vmem>>
      %dma_start3A_72 = arith.constant 0 : i32
      %dma_start3A_73 = arith.constant 0 : i32
      %dma_start3A_74 = tpu.memref_slice %arg11[%dma_start3A_72, %dma_start3A_73] : memref<10112x128xf32, #tpu.memory_space<vmem_shared>> -> memref<10112x128xf32, #tpu.memory_space<vmem_shared>>
      tpu.enqueue_indirect_dma source(%arg10 : memref<64x128xf32, #tpu.memory_space<vmem>>) target(%dma_start3A_74 : memref<10112x128xf32, #tpu.memory_space<vmem_shared>>) offsets(%dma_start3A_71 : memref<64xi32, #tpu.memory_space<vmem>>) semaphore(%arg15 : memref<!tpu.dma_semaphore, #tpu.memory_space<semaphore_mem>>) {add = true}
      %dma_start3A_75 = arith.constant 3 : i32
      %dma_start3A_76 = arith.constant 0 : i32
      %dma_start3A_77 = tpu.memref_slice %arg7[%dma_start3A_75, %dma_start3A_76] : memref<8x64xi32, #tpu.memory_space<vmem>> -> memref<1x64xi32, #tpu.memory_space<vmem>>
      %dma_start3A_78 = tpu.memref_squeeze %dma_start3A_77 : memref<1x64xi32, #tpu.memory_space<vmem>> -> memref<64xi32, #tpu.memory_space<vmem>>
      %dma_start3A_79 = arith.constant 0 : i32
      %dma_start3A_80 = arith.constant 0 : i32
      %dma_start3A_81 = tpu.memref_slice %arg2[%dma_start3A_79, %dma_start3A_80] : memref<10112x128xf32, #tpu.memory_space<hbm>> -> memref<10112x128xf32, #tpu.memory_space<hbm>>
      tpu.enqueue_indirect_dma source(%dma_start3A_81 : memref<10112x128xf32, #tpu.memory_space<hbm>>) target(%arg10 : memref<64x128xf32, #tpu.memory_space<vmem>>) offsets(%dma_start3A_78 : memref<64xi32, #tpu.memory_space<vmem>>) semaphore(%arg13 : memref<!tpu.dma_semaphore, #tpu.memory_space<semaphore_mem>>)
      %dma_wait3A_82 = arith.constant 0 : i32
      %dma_wait3A_83 = arith.constant 0 : i32
      %dma_wait3A_84 = tpu.memref_slice %arg8[%dma_wait3A_82, %dma_wait3A_83] : memref<8x64xi32, #tpu.memory_space<vmem>> -> memref<1x64xi32, #tpu.memory_space<vmem>>
      %dma_wait3A_85 = tpu.memref_squeeze %dma_wait3A_84 : memref<1x64xi32, #tpu.memory_space<vmem>> -> memref<64xi32, #tpu.memory_space<vmem>>
      %dma_wait3A_86 = arith.constant 0 : i32
      %dma_wait3A_87 = arith.constant 0 : i32
      %dma_wait3A_88 = tpu.memref_slice %arg11[%dma_wait3A_86, %dma_wait3A_87] : memref<10112x128xf32, #tpu.memory_space<vmem_shared>> -> memref<10112x128xf32, #tpu.memory_space<vmem_shared>>
      tpu.wait_indirect_dma semaphore(%arg14 : memref<!tpu.dma_semaphore, #tpu.memory_space<semaphore_mem>>) src(%arg9 : memref<64x128xf32, #tpu.memory_space<vmem>>) dst(%dma_wait3A_88 : memref<10112x128xf32, #tpu.memory_space<vmem_shared>>)
      %dma_wait3A_89 = arith.constant 2 : i32
      %dma_wait3A_90 = arith.constant 0 : i32
      %dma_wait3A_91 = tpu.memref_slice %arg7[%dma_wait3A_89, %dma_wait3A_90] : memref<8x64xi32, #tpu.memory_space<vmem>> -> memref<1x64xi32, #tpu.memory_space<vmem>>
      %dma_wait3A_92 = tpu.memref_squeeze %dma_wait3A_91 : memref<1x64xi32, #tpu.memory_space<vmem>> -> memref<64xi32, #tpu.memory_space<vmem>>
      %dma_wait3A_93 = arith.constant 0 : i32
      %dma_wait3A_94 = arith.constant 0 : i32
      %dma_wait3A_95 = tpu.memref_slice %arg2[%dma_wait3A_93, %dma_wait3A_94] : memref<10112x128xf32, #tpu.memory_space<hbm>> -> memref<10112x128xf32, #tpu.memory_space<hbm>>
      tpu.wait_indirect_dma semaphore(%arg12 : memref<!tpu.dma_semaphore, #tpu.memory_space<semaphore_mem>>) src(%dma_wait3A_95 : memref<10112x128xf32, #tpu.memory_space<hbm>>) dst(%arg9 : memref<64x128xf32, #tpu.memory_space<vmem>>)
      %dma_start3A_96 = arith.constant 2 : i32
      %dma_start3A_97 = arith.constant 0 : i32
      %dma_start3A_98 = tpu.memref_slice %arg8[%dma_start3A_96, %dma_start3A_97] : memref<8x64xi32, #tpu.memory_space<vmem>> -> memref<1x64xi32, #tpu.memory_space<vmem>>
      %dma_start3A_99 = tpu.memref_squeeze %dma_start3A_98 : memref<1x64xi32, #tpu.memory_space<vmem>> -> memref<64xi32, #tpu.memory_space<vmem>>
      %dma_start3A_100 = arith.constant 0 : i32
      %dma_start3A_101 = arith.constant 0 : i32
      %dma_start3A_102 = tpu.memref_slice %arg11[%dma_start3A_100, %dma_start3A_101] : memref<10112x128xf32, #tpu.memory_space<vmem_shared>> -> memref<10112x128xf32, #tpu.memory_space<vmem_shared>>
      tpu.enqueue_indirect_dma source(%arg9 : memref<64x128xf32, #tpu.memory_space<vmem>>) target(%dma_start3A_102 : memref<10112x128xf32, #tpu.memory_space<vmem_shared>>) offsets(%dma_start3A_99 : memref<64xi32, #tpu.memory_space<vmem>>) semaphore(%arg14 : memref<!tpu.dma_semaphore, #tpu.memory_space<semaphore_mem>>) {add = true}
      %dma_start3A_103 = arith.constant 4 : i32
      %dma_start3A_104 = arith.constant 0 : i32
      %dma_start3A_105 = tpu.memref_slice %arg7[%dma_start3A_103, %dma_start3A_104] : memref<8x64xi32, #tpu.memory_space<vmem>> -> memref<1x64xi32, #tpu.memory_space<vmem>>
      %dma_start3A_106 = tpu.memref_squeeze %dma_start3A_105 : memref<1x64xi32, #tpu.memory_space<vmem>> -> memref<64xi32, #tpu.memory_space<vmem>>
      %dma_start3A_107 = arith.constant 0 : i32
      %dma_start3A_108 = arith.constant 0 : i32
      %dma_start3A_109 = tpu.memref_slice %arg2[%dma_start3A_107, %dma_start3A_108] : memref<10112x128xf32, #tpu.memory_space<hbm>> -> memref<10112x128xf32, #tpu.memory_space<hbm>>
      tpu.enqueue_indirect_dma source(%dma_start3A_109 : memref<10112x128xf32, #tpu.memory_space<hbm>>) target(%arg9 : memref<64x128xf32, #tpu.memory_space<vmem>>) offsets(%dma_start3A_106 : memref<64xi32, #tpu.memory_space<vmem>>) semaphore(%arg12 : memref<!tpu.dma_semaphore, #tpu.memory_space<semaphore_mem>>)
      %dma_wait3A_110 = arith.constant 1 : i32
      %dma_wait3A_111 = arith.constant 0 : i32
      %dma_wait3A_112 = tpu.memref_slice %arg8[%dma_wait3A_110, %dma_wait3A_111] : memref<8x64xi32, #tpu.memory_space<vmem>> -> memref<1x64xi32, #tpu.memory_space<vmem>>
      %dma_wait3A_113 = tpu.memref_squeeze %dma_wait3A_112 : memref<1x64xi32, #tpu.memory_space<vmem>> -> memref<64xi32, #tpu.memory_space<vmem>>
      %dma_wait3A_114 = arith.constant 0 : i32
      %dma_wait3A_115 = arith.constant 0 : i32
      %dma_wait3A_116 = tpu.memref_slice %arg11[%dma_wait3A_114, %dma_wait3A_115] : memref<10112x128xf32, #tpu.memory_space<vmem_shared>> -> memref<10112x128xf32, #tpu.memory_space<vmem_shared>>
      tpu.wait_indirect_dma semaphore(%arg15 : memref<!tpu.dma_semaphore, #tpu.memory_space<semaphore_mem>>) src(%arg10 : memref<64x128xf32, #tpu.memory_space<vmem>>) dst(%dma_wait3A_116 : memref<10112x128xf32, #tpu.memory_space<vmem_shared>>)
      %dma_wait3A_117 = arith.constant 3 : i32
      %dma_wait3A_118 = arith.constant 0 : i32
      %dma_wait3A_119 = tpu.memref_slice %arg7[%dma_wait3A_117, %dma_wait3A_118] : memref<8x64xi32, #tpu.memory_space<vmem>> -> memref<1x64xi32, #tpu.memory_space<vmem>>
      %dma_wait3A_120 = tpu.memref_squeeze %dma_wait3A_119 : memref<1x64xi32, #tpu.memory_space<vmem>> -> memref<64xi32, #tpu.memory_space<vmem>>
      %dma_wait3A_121 = arith.constant 0 : i32
      %dma_wait3A_122 = arith.constant 0 : i32
      %dma_wait3A_123 = tpu.memref_slice %arg2[%dma_wait3A_121, %dma_wait3A_122] : memref<10112x128xf32, #tpu.memory_space<hbm>> -> memref<10112x128xf32, #tpu.memory_space<hbm>>
      tpu.wait_indirect_dma semaphore(%arg13 : memref<!tpu.dma_semaphore, #tpu.memory_space<semaphore_mem>>) src(%dma_wait3A_123 : memref<10112x128xf32, #tpu.memory_space<hbm>>) dst(%arg10 : memref<64x128xf32, #tpu.memory_space<vmem>>)
      %dma_start3A_124 = arith.constant 3 : i32
      %dma_start3A_125 = arith.constant 0 : i32
      %dma_start3A_126 = tpu.memref_slice %arg8[%dma_start3A_124, %dma_start3A_125] : memref<8x64xi32, #tpu.memory_space<vmem>> -> memref<1x64xi32, #tpu.memory_space<vmem>>
      %dma_start3A_127 = tpu.memref_squeeze %dma_start3A_126 : memref<1x64xi32, #tpu.memory_space<vmem>> -> memref<64xi32, #tpu.memory_space<vmem>>
      %dma_start3A_128 = arith.constant 0 : i32
      %dma_start3A_129 = arith.constant 0 : i32
      %dma_start3A_130 = tpu.memref_slice %arg11[%dma_start3A_128, %dma_start3A_129] : memref<10112x128xf32, #tpu.memory_space<vmem_shared>> -> memref<10112x128xf32, #tpu.memory_space<vmem_shared>>
      tpu.enqueue_indirect_dma source(%arg10 : memref<64x128xf32, #tpu.memory_space<vmem>>) target(%dma_start3A_130 : memref<10112x128xf32, #tpu.memory_space<vmem_shared>>) offsets(%dma_start3A_127 : memref<64xi32, #tpu.memory_space<vmem>>) semaphore(%arg15 : memref<!tpu.dma_semaphore, #tpu.memory_space<semaphore_mem>>) {add = true}
      %dma_start3A_131 = arith.constant 5 : i32
      %dma_start3A_132 = arith.constant 0 : i32
      %dma_start3A_133 = tpu.memref_slice %arg7[%dma_start3A_131, %dma_start3A_132] : memref<8x64xi32, #tpu.memory_space<vmem>> -> memref<1x64xi32, #tpu.memory_space<vmem>>
      %dma_start3A_134 = tpu.memref_squeeze %dma_start3A_133 : memref<1x64xi32, #tpu.memory_space<vmem>> -> memref<64xi32, #tpu.memory_space<vmem>>
      %dma_start3A_135 = arith.constant 0 : i32
      %dma_start3A_136 = arith.constant 0 : i32
      %dma_start3A_137 = tpu.memref_slice %arg2[%dma_start3A_135, %dma_start3A_136] : memref<10112x128xf32, #tpu.memory_space<hbm>> -> memref<10112x128xf32, #tpu.memory_space<hbm>>
      tpu.enqueue_indirect_dma source(%dma_start3A_137 : memref<10112x128xf32, #tpu.memory_space<hbm>>) target(%arg10 : memref<64x128xf32, #tpu.memory_space<vmem>>) offsets(%dma_start3A_134 : memref<64xi32, #tpu.memory_space<vmem>>) semaphore(%arg13 : memref<!tpu.dma_semaphore, #tpu.memory_space<semaphore_mem>>)
      %dma_wait3A_138 = arith.constant 2 : i32
      %dma_wait3A_139 = arith.constant 0 : i32
      %dma_wait3A_140 = tpu.memref_slice %arg8[%dma_wait3A_138, %dma_wait3A_139] : memref<8x64xi32, #tpu.memory_space<vmem>> -> memref<1x64xi32, #tpu.memory_space<vmem>>
      %dma_wait3A_141 = tpu.memref_squeeze %dma_wait3A_140 : memref<1x64xi32, #tpu.memory_space<vmem>> -> memref<64xi32, #tpu.memory_space<vmem>>
      %dma_wait3A_142 = arith.constant 0 : i32
      %dma_wait3A_143 = arith.constant 0 : i32
      %dma_wait3A_144 = tpu.memref_slice %arg11[%dma_wait3A_142, %dma_wait3A_143] : memref<10112x128xf32, #tpu.memory_space<vmem_shared>> -> memref<10112x128xf32, #tpu.memory_space<vmem_shared>>
      tpu.wait_indirect_dma semaphore(%arg14 : memref<!tpu.dma_semaphore, #tpu.memory_space<semaphore_mem>>) src(%arg9 : memref<64x128xf32, #tpu.memory_space<vmem>>) dst(%dma_wait3A_144 : memref<10112x128xf32, #tpu.memory_space<vmem_shared>>)
      %dma_wait3A_145 = arith.constant 4 : i32
      %dma_wait3A_146 = arith.constant 0 : i32
      %dma_wait3A_147 = tpu.memref_slice %arg7[%dma_wait3A_145, %dma_wait3A_146] : memref<8x64xi32, #tpu.memory_space<vmem>> -> memref<1x64xi32, #tpu.memory_space<vmem>>
      %dma_wait3A_148 = tpu.memref_squeeze %dma_wait3A_147 : memref<1x64xi32, #tpu.memory_space<vmem>> -> memref<64xi32, #tpu.memory_space<vmem>>
      %dma_wait3A_149 = arith.constant 0 : i32
      %dma_wait3A_150 = arith.constant 0 : i32
      %dma_wait3A_151 = tpu.memref_slice %arg2[%dma_wait3A_149, %dma_wait3A_150] : memref<10112x128xf32, #tpu.memory_space<hbm>> -> memref<10112x128xf32, #tpu.memory_space<hbm>>
      tpu.wait_indirect_dma semaphore(%arg12 : memref<!tpu.dma_semaphore, #tpu.memory_space<semaphore_mem>>) src(%dma_wait3A_151 : memref<10112x128xf32, #tpu.memory_space<hbm>>) dst(%arg9 : memref<64x128xf32, #tpu.memory_space<vmem>>)
      %dma_start3A_152 = arith.constant 4 : i32
      %dma_start3A_153 = arith.constant 0 : i32
      %dma_start3A_154 = tpu.memref_slice %arg8[%dma_start3A_152, %dma_start3A_153] : memref<8x64xi32, #tpu.memory_space<vmem>> -> memref<1x64xi32, #tpu.memory_space<vmem>>
      %dma_start3A_155 = tpu.memref_squeeze %dma_start3A_154 : memref<1x64xi32, #tpu.memory_space<vmem>> -> memref<64xi32, #tpu.memory_space<vmem>>
      %dma_start3A_156 = arith.constant 0 : i32
      %dma_start3A_157 = arith.constant 0 : i32
      %dma_start3A_158 = tpu.memref_slice %arg11[%dma_start3A_156, %dma_start3A_157] : memref<10112x128xf32, #tpu.memory_space<vmem_shared>> -> memref<10112x128xf32, #tpu.memory_space<vmem_shared>>
      tpu.enqueue_indirect_dma source(%arg9 : memref<64x128xf32, #tpu.memory_space<vmem>>) target(%dma_start3A_158 : memref<10112x128xf32, #tpu.memory_space<vmem_shared>>) offsets(%dma_start3A_155 : memref<64xi32, #tpu.memory_space<vmem>>) semaphore(%arg14 : memref<!tpu.dma_semaphore, #tpu.memory_space<semaphore_mem>>) {add = true}
      %dma_start3A_159 = arith.constant 6 : i32
      %dma_start3A_160 = arith.constant 0 : i32
      %dma_start3A_161 = tpu.memref_slice %arg7[%dma_start3A_159, %dma_start3A_160] : memref<8x64xi32, #tpu.memory_space<vmem>> -> memref<1x64xi32, #tpu.memory_space<vmem>>
      %dma_start3A_162 = tpu.memref_squeeze %dma_start3A_161 : memref<1x64xi32, #tpu.memory_space<vmem>> -> memref<64xi32, #tpu.memory_space<vmem>>
      %dma_start3A_163 = arith.constant 0 : i32
      %dma_start3A_164 = arith.constant 0 : i32
      %dma_start3A_165 = tpu.memref_slice %arg2[%dma_start3A_163, %dma_start3A_164] : memref<10112x128xf32, #tpu.memory_space<hbm>> -> memref<10112x128xf32, #tpu.memory_space<hbm>>
      tpu.enqueue_indirect_dma source(%dma_start3A_165 : memref<10112x128xf32, #tpu.memory_space<hbm>>) target(%arg9 : memref<64x128xf32, #tpu.memory_space<vmem>>) offsets(%dma_start3A_162 : memref<64xi32, #tpu.memory_space<vmem>>) semaphore(%arg12 : memref<!tpu.dma_semaphore, #tpu.memory_space<semaphore_mem>>)
      %dma_wait3A_166 = arith.constant 3 : i32
      %dma_wait3A_167 = arith.constant 0 : i32
      %dma_wait3A_168 = tpu.memref_slice %arg8[%dma_wait3A_166, %dma_wait3A_167] : memref<8x64xi32, #tpu.memory_space<vmem>> -> memref<1x64xi32, #tpu.memory_space<vmem>>
      %dma_wait3A_169 = tpu.memref_squeeze %dma_wait3A_168 : memref<1x64xi32, #tpu.memory_space<vmem>> -> memref<64xi32, #tpu.memory_space<vmem>>
      %dma_wait3A_170 = arith.constant 0 : i32
      %dma_wait3A_171 = arith.constant 0 : i32
      %dma_wait3A_172 = tpu.memref_slice %arg11[%dma_wait3A_170, %dma_wait3A_171] : memref<10112x128xf32, #tpu.memory_space<vmem_shared>> -> memref<10112x128xf32, #tpu.memory_space<vmem_shared>>
      tpu.wait_indirect_dma semaphore(%arg15 : memref<!tpu.dma_semaphore, #tpu.memory_space<semaphore_mem>>) src(%arg10 : memref<64x128xf32, #tpu.memory_space<vmem>>) dst(%dma_wait3A_172 : memref<10112x128xf32, #tpu.memory_space<vmem_shared>>)
      %dma_wait3A_173 = arith.constant 5 : i32
      %dma_wait3A_174 = arith.constant 0 : i32
      %dma_wait3A_175 = tpu.memref_slice %arg7[%dma_wait3A_173, %dma_wait3A_174] : memref<8x64xi32, #tpu.memory_space<vmem>> -> memref<1x64xi32, #tpu.memory_space<vmem>>
      %dma_wait3A_176 = tpu.memref_squeeze %dma_wait3A_175 : memref<1x64xi32, #tpu.memory_space<vmem>> -> memref<64xi32, #tpu.memory_space<vmem>>
      %dma_wait3A_177 = arith.constant 0 : i32
      %dma_wait3A_178 = arith.constant 0 : i32
      %dma_wait3A_179 = tpu.memref_slice %arg2[%dma_wait3A_177, %dma_wait3A_178] : memref<10112x128xf32, #tpu.memory_space<hbm>> -> memref<10112x128xf32, #tpu.memory_space<hbm>>
      tpu.wait_indirect_dma semaphore(%arg13 : memref<!tpu.dma_semaphore, #tpu.memory_space<semaphore_mem>>) src(%dma_wait3A_179 : memref<10112x128xf32, #tpu.memory_space<hbm>>) dst(%arg10 : memref<64x128xf32, #tpu.memory_space<vmem>>)
      %dma_start3A_180 = arith.constant 5 : i32
      %dma_start3A_181 = arith.constant 0 : i32
      %dma_start3A_182 = tpu.memref_slice %arg8[%dma_start3A_180, %dma_start3A_181] : memref<8x64xi32, #tpu.memory_space<vmem>> -> memref<1x64xi32, #tpu.memory_space<vmem>>
      %dma_start3A_183 = tpu.memref_squeeze %dma_start3A_182 : memref<1x64xi32, #tpu.memory_space<vmem>> -> memref<64xi32, #tpu.memory_space<vmem>>
      %dma_start3A_184 = arith.constant 0 : i32
      %dma_start3A_185 = arith.constant 0 : i32
      %dma_start3A_186 = tpu.memref_slice %arg11[%dma_start3A_184, %dma_start3A_185] : memref<10112x128xf32, #tpu.memory_space<vmem_shared>> -> memref<10112x128xf32, #tpu.memory_space<vmem_shared>>
      tpu.enqueue_indirect_dma source(%arg10 : memref<64x128xf32, #tpu.memory_space<vmem>>) target(%dma_start3A_186 : memref<10112x128xf32, #tpu.memory_space<vmem_shared>>) offsets(%dma_start3A_183 : memref<64xi32, #tpu.memory_space<vmem>>) semaphore(%arg15 : memref<!tpu.dma_semaphore, #tpu.memory_space<semaphore_mem>>) {add = true}
      %dma_start3A_187 = arith.constant 7 : i32
      %dma_start3A_188 = arith.constant 0 : i32
      %dma_start3A_189 = tpu.memref_slice %arg7[%dma_start3A_187, %dma_start3A_188] : memref<8x64xi32, #tpu.memory_space<vmem>> -> memref<1x64xi32, #tpu.memory_space<vmem>>
      %dma_start3A_190 = tpu.memref_squeeze %dma_start3A_189 : memref<1x64xi32, #tpu.memory_space<vmem>> -> memref<64xi32, #tpu.memory_space<vmem>>
      %dma_start3A_191 = arith.constant 0 : i32
      %dma_start3A_192 = arith.constant 0 : i32
      %dma_start3A_193 = tpu.memref_slice %arg2[%dma_start3A_191, %dma_start3A_192] : memref<10112x128xf32, #tpu.memory_space<hbm>> -> memref<10112x128xf32, #tpu.memory_space<hbm>>
      tpu.enqueue_indirect_dma source(%dma_start3A_193 : memref<10112x128xf32, #tpu.memory_space<hbm>>) target(%arg10 : memref<64x128xf32, #tpu.memory_space<vmem>>) offsets(%dma_start3A_190 : memref<64xi32, #tpu.memory_space<vmem>>) semaphore(%arg13 : memref<!tpu.dma_semaphore, #tpu.memory_space<semaphore_mem>>)
      %dma_wait3A_194 = arith.constant 4 : i32
      %dma_wait3A_195 = arith.constant 0 : i32
      %dma_wait3A_196 = tpu.memref_slice %arg8[%dma_wait3A_194, %dma_wait3A_195] : memref<8x64xi32, #tpu.memory_space<vmem>> -> memref<1x64xi32, #tpu.memory_space<vmem>>
      %dma_wait3A_197 = tpu.memref_squeeze %dma_wait3A_196 : memref<1x64xi32, #tpu.memory_space<vmem>> -> memref<64xi32, #tpu.memory_space<vmem>>
      %dma_wait3A_198 = arith.constant 0 : i32
      %dma_wait3A_199 = arith.constant 0 : i32
      %dma_wait3A_200 = tpu.memref_slice %arg11[%dma_wait3A_198, %dma_wait3A_199] : memref<10112x128xf32, #tpu.memory_space<vmem_shared>> -> memref<10112x128xf32, #tpu.memory_space<vmem_shared>>
      tpu.wait_indirect_dma semaphore(%arg14 : memref<!tpu.dma_semaphore, #tpu.memory_space<semaphore_mem>>) src(%arg9 : memref<64x128xf32, #tpu.memory_space<vmem>>) dst(%dma_wait3A_200 : memref<10112x128xf32, #tpu.memory_space<vmem_shared>>)
      %dma_wait3A_201 = arith.constant 6 : i32
      %dma_wait3A_202 = arith.constant 0 : i32
      %dma_wait3A_203 = tpu.memref_slice %arg7[%dma_wait3A_201, %dma_wait3A_202] : memref<8x64xi32, #tpu.memory_space<vmem>> -> memref<1x64xi32, #tpu.memory_space<vmem>>
      %dma_wait3A_204 = tpu.memref_squeeze %dma_wait3A_203 : memref<1x64xi32, #tpu.memory_space<vmem>> -> memref<64xi32, #tpu.memory_space<vmem>>
      %dma_wait3A_205 = arith.constant 0 : i32
      %dma_wait3A_206 = arith.constant 0 : i32
      %dma_wait3A_207 = tpu.memref_slice %arg2[%dma_wait3A_205, %dma_wait3A_206] : memref<10112x128xf32, #tpu.memory_space<hbm>> -> memref<10112x128xf32, #tpu.memory_space<hbm>>
      tpu.wait_indirect_dma semaphore(%arg12 : memref<!tpu.dma_semaphore, #tpu.memory_space<semaphore_mem>>) src(%dma_wait3A_207 : memref<10112x128xf32, #tpu.memory_space<hbm>>) dst(%arg9 : memref<64x128xf32, #tpu.memory_space<vmem>>)
      %dma_start3A_208 = arith.constant 6 : i32
      %dma_start3A_209 = arith.constant 0 : i32
      %dma_start3A_210 = tpu.memref_slice %arg8[%dma_start3A_208, %dma_start3A_209] : memref<8x64xi32, #tpu.memory_space<vmem>> -> memref<1x64xi32, #tpu.memory_space<vmem>>
      %dma_start3A_211 = tpu.memref_squeeze %dma_start3A_210 : memref<1x64xi32, #tpu.memory_space<vmem>> -> memref<64xi32, #tpu.memory_space<vmem>>
      %dma_start3A_212 = arith.constant 0 : i32
      %dma_start3A_213 = arith.constant 0 : i32
      %dma_start3A_214 = tpu.memref_slice %arg11[%dma_start3A_212, %dma_start3A_213] : memref<10112x128xf32, #tpu.memory_space<vmem_shared>> -> memref<10112x128xf32, #tpu.memory_space<vmem_shared>>
      tpu.enqueue_indirect_dma source(%arg9 : memref<64x128xf32, #tpu.memory_space<vmem>>) target(%dma_start3A_214 : memref<10112x128xf32, #tpu.memory_space<vmem_shared>>) offsets(%dma_start3A_211 : memref<64xi32, #tpu.memory_space<vmem>>) semaphore(%arg14 : memref<!tpu.dma_semaphore, #tpu.memory_space<semaphore_mem>>) {add = true}
      %dma_wait3A_215 = arith.constant 5 : i32
      %dma_wait3A_216 = arith.constant 0 : i32
      %dma_wait3A_217 = tpu.memref_slice %arg8[%dma_wait3A_215, %dma_wait3A_216] : memref<8x64xi32, #tpu.memory_space<vmem>> -> memref<1x64xi32, #tpu.memory_space<vmem>>
      %dma_wait3A_218 = tpu.memref_squeeze %dma_wait3A_217 : memref<1x64xi32, #tpu.memory_space<vmem>> -> memref<64xi32, #tpu.memory_space<vmem>>
      %dma_wait3A_219 = arith.constant 0 : i32
      %dma_wait3A_220 = arith.constant 0 : i32
      %dma_wait3A_221 = tpu.memref_slice %arg11[%dma_wait3A_219, %dma_wait3A_220] : memref<10112x128xf32, #tpu.memory_space<vmem_shared>> -> memref<10112x128xf32, #tpu.memory_space<vmem_shared>>
      tpu.wait_indirect_dma semaphore(%arg15 : memref<!tpu.dma_semaphore, #tpu.memory_space<semaphore_mem>>) src(%arg10 : memref<64x128xf32, #tpu.memory_space<vmem>>) dst(%dma_wait3A_221 : memref<10112x128xf32, #tpu.memory_space<vmem_shared>>)
      %dma_wait3A_222 = arith.constant 7 : i32
      %dma_wait3A_223 = arith.constant 0 : i32
      %dma_wait3A_224 = tpu.memref_slice %arg7[%dma_wait3A_222, %dma_wait3A_223] : memref<8x64xi32, #tpu.memory_space<vmem>> -> memref<1x64xi32, #tpu.memory_space<vmem>>
      %dma_wait3A_225 = tpu.memref_squeeze %dma_wait3A_224 : memref<1x64xi32, #tpu.memory_space<vmem>> -> memref<64xi32, #tpu.memory_space<vmem>>
      %dma_wait3A_226 = arith.constant 0 : i32
      %dma_wait3A_227 = arith.constant 0 : i32
      %dma_wait3A_228 = tpu.memref_slice %arg2[%dma_wait3A_226, %dma_wait3A_227] : memref<10112x128xf32, #tpu.memory_space<hbm>> -> memref<10112x128xf32, #tpu.memory_space<hbm>>
      tpu.wait_indirect_dma semaphore(%arg13 : memref<!tpu.dma_semaphore, #tpu.memory_space<semaphore_mem>>) src(%dma_wait3A_228 : memref<10112x128xf32, #tpu.memory_space<hbm>>) dst(%arg10 : memref<64x128xf32, #tpu.memory_space<vmem>>)
      %dma_start3A_229 = arith.constant 7 : i32
      %dma_start3A_230 = arith.constant 0 : i32
      %dma_start3A_231 = tpu.memref_slice %arg8[%dma_start3A_229, %dma_start3A_230] : memref<8x64xi32, #tpu.memory_space<vmem>> -> memref<1x64xi32, #tpu.memory_space<vmem>>
      %dma_start3A_232 = tpu.memref_squeeze %dma_start3A_231 : memref<1x64xi32, #tpu.memory_space<vmem>> -> memref<64xi32, #tpu.memory_space<vmem>>
      %dma_start3A_233 = arith.constant 0 : i32
      %dma_start3A_234 = arith.constant 0 : i32
      %dma_start3A_235 = tpu.memref_slice %arg11[%dma_start3A_233, %dma_start3A_234] : memref<10112x128xf32, #tpu.memory_space<vmem_shared>> -> memref<10112x128xf32, #tpu.memory_space<vmem_shared>>
      tpu.enqueue_indirect_dma source(%arg10 : memref<64x128xf32, #tpu.memory_space<vmem>>) target(%dma_start3A_235 : memref<10112x128xf32, #tpu.memory_space<vmem_shared>>) offsets(%dma_start3A_232 : memref<64xi32, #tpu.memory_space<vmem>>) semaphore(%arg15 : memref<!tpu.dma_semaphore, #tpu.memory_space<semaphore_mem>>) {add = true}
      %dma_wait3A_236 = arith.constant 6 : i32
      %dma_wait3A_237 = arith.constant 0 : i32
      %dma_wait3A_238 = tpu.memref_slice %arg8[%dma_wait3A_236, %dma_wait3A_237] : memref<8x64xi32, #tpu.memory_space<vmem>> -> memref<1x64xi32, #tpu.memory_space<vmem>>
      %dma_wait3A_239 = tpu.memref_squeeze %dma_wait3A_238 : memref<1x64xi32, #tpu.memory_space<vmem>> -> memref<64xi32, #tpu.memory_space<vmem>>
      %dma_wait3A_240 = arith.constant 0 : i32
      %dma_wait3A_241 = arith.constant 0 : i32
      %dma_wait3A_242 = tpu.memref_slice %arg11[%dma_wait3A_240, %dma_wait3A_241] : memref<10112x128xf32, #tpu.memory_space<vmem_shared>> -> memref<10112x128xf32, #tpu.memory_space<vmem_shared>>
      tpu.wait_indirect_dma semaphore(%arg14 : memref<!tpu.dma_semaphore, #tpu.memory_space<semaphore_mem>>) src(%arg9 : memref<64x128xf32, #tpu.memory_space<vmem>>) dst(%dma_wait3A_242 : memref<10112x128xf32, #tpu.memory_space<vmem_shared>>)
      %dma_wait3A_243 = arith.constant 7 : i32
      %dma_wait3A_244 = arith.constant 0 : i32
      %dma_wait3A_245 = tpu.memref_slice %arg8[%dma_wait3A_243, %dma_wait3A_244] : memref<8x64xi32, #tpu.memory_space<vmem>> -> memref<1x64xi32, #tpu.memory_space<vmem>>
      %dma_wait3A_246 = tpu.memref_squeeze %dma_wait3A_245 : memref<1x64xi32, #tpu.memory_space<vmem>> -> memref<64xi32, #tpu.memory_space<vmem>>
      %dma_wait3A_247 = arith.constant 0 : i32
      %dma_wait3A_248 = arith.constant 0 : i32
      %dma_wait3A_249 = tpu.memref_slice %arg11[%dma_wait3A_247, %dma_wait3A_248] : memref<10112x128xf32, #tpu.memory_space<vmem_shared>> -> memref<10112x128xf32, #tpu.memory_space<vmem_shared>>
      tpu.wait_indirect_dma semaphore(%arg15 : memref<!tpu.dma_semaphore, #tpu.memory_space<semaphore_mem>>) src(%arg10 : memref<64x128xf32, #tpu.memory_space<vmem>>) dst(%dma_wait3A_249 : memref<10112x128xf32, #tpu.memory_space<vmem_shared>>)
    }
    %barrier3A_23 = arith.constant 0 : index
    tpu.barrier barrier_id(%barrier3A_23)
    "tpu.region"() ({
      %run_scoped3A = tpu.sem_alloc : memref<!tpu.dma_semaphore, #tpu.memory_space<semaphore_mem>>
      %dma_start3A = arith.constant 0 : i32
      %dma_start3A_24 = tpu.memref_slice %arg6[%arg0, %mul3A_2, %dma_start3A] : memref<2x10112x128xf32, #tpu.memory_space<hbm>> -> memref<1x632x128xf32, #tpu.memory_space<hbm>>
      %dma_start3A_25 = tpu.memref_squeeze %dma_start3A_24 : memref<1x632x128xf32, #tpu.memory_space<hbm>> -> memref<632x128xf32, #tpu.memory_space<hbm>>
      %dma_start3A_26 = arith.constant 0 : i32
      %dma_start3A_27 = tpu.memref_slice %arg11[%mul3A_2, %dma_start3A_26] : memref<10112x128xf32, #tpu.memory_space<vmem_shared>> -> memref<632x128xf32, #tpu.memory_space<vmem_shared>>
      tpu.enqueue_dma source(%dma_start3A_27 : memref<632x128xf32, #tpu.memory_space<vmem_shared>>) target(%dma_start3A_25 : memref<632x128xf32, #tpu.memory_space<hbm>>) target_semaphore(%run_scoped3A : memref<!tpu.dma_semaphore, #tpu.memory_space<semaphore_mem>>)
      %dma_wait3A = arith.constant 0 : i32
      %dma_wait3A_28 = tpu.memref_slice %arg6[%arg0, %mul3A_2, %dma_wait3A] : memref<2x10112x128xf32, #tpu.memory_space<hbm>> -> memref<1x632x128xf32, #tpu.memory_space<hbm>>
      %dma_wait3A_29 = tpu.memref_squeeze %dma_wait3A_28 : memref<1x632x128xf32, #tpu.memory_space<hbm>> -> memref<632x128xf32, #tpu.memory_space<hbm>>
      %dma_wait3A_30 = arith.constant 0 : i32
      %dma_wait3A_31 = tpu.memref_slice %arg11[%mul3A_2, %dma_wait3A_30] : memref<10112x128xf32, #tpu.memory_space<vmem_shared>> -> memref<632x128xf32, #tpu.memory_space<vmem_shared>>
      tpu.wait_dma2 semaphore(%run_scoped3A : memref<!tpu.dma_semaphore, #tpu.memory_space<semaphore_mem>>) src(%dma_wait3A_31 : memref<632x128xf32, #tpu.memory_space<vmem_shared>>) dst(%dma_wait3A_29 : memref<632x128xf32, #tpu.memory_space<hbm>>)
      tpu.yield
    }) : () -> ()
    return
  }
}

#map = affine_map<(d0, d1) -> (0, 0)>
#map1 = affine_map<(d0, d1) -> (0, 0, 0)>
module attributes {stable_mosaic.version = 14 : i64} {
  func.func @k(%arg0: i32, %arg1: i32, %arg2: memref<10240x32xi32, #tpu.memory_space<hbm>>, %arg3: memref<10240x32xi32, #tpu.memory_space<hbm>>, %arg4: memref<10240x32x16xf32, #tpu.memory_space<hbm>>, %arg5: memref<632x128xf32, #tpu.memory_space<hbm>>, %arg6: memref<2x10112x128xf32, #tpu.memory_space<hbm>>, %arg7: memref<16x32xi32, #tpu.memory_space<vmem>>, %arg8: memref<16x32xi32, #tpu.memory_space<vmem>>, %arg9: memref<32x16xf32, #tpu.memory_space<vmem>>, %arg10: memref<32x16xf32, #tpu.memory_space<vmem>>, %arg11: memref<32x128xf32, #tpu.memory_space<vmem>>, %arg12: memref<32x128xf32, #tpu.memory_space<vmem>>, %arg13: memref<32x128xf32, #tpu.memory_space<vmem>>, %arg14: memref<10112x128xf32, #tpu.memory_space<vmem_shared>>, %arg15: memref<!tpu.dma_semaphore, #tpu.memory_space<semaphore_mem>>, %arg16: memref<!tpu.dma_semaphore, #tpu.memory_space<semaphore_mem>>, %arg17: memref<!tpu.dma_semaphore, #tpu.memory_space<semaphore_mem>>, %arg18: memref<!tpu.dma_semaphore, #tpu.memory_space<semaphore_mem>>, %arg19: memref<!tpu.dma_semaphore, #tpu.memory_space<semaphore_mem>>) attributes {dimension_semantics = [#tpu.dimension_semantics<core_parallel>, #tpu.dimension_semantics<subcore_parallel>], iteration_bounds = array<i64: 2, 16>, scalar_prefetch = 0 : i64, scratch_operands = 13 : i64, tpu.core_type = #tpu.core_type<sc_vector_subcore>, window_params = [{transform_indices = #map}, {transform_indices = #map}, {transform_indices = #map1}, {transform_indices = #map}, {transform_indices = #map1}]} {
    %mul3A = arith.constant 2 : i32
    %mul3A_0 = arith.muli %arg1, %mul3A : i32
    %add3A = arith.addi %mul3A_0, %arg0 : i32
    %mul3A_1 = arith.constant 632 : i32
    %mul3A_2 = arith.muli %arg1, %mul3A_1 : i32
    "tpu.region"() ({
      %run_scoped3A = tpu.sem_alloc : memref<!tpu.dma_semaphore, #tpu.memory_space<semaphore_mem>>
      %dma_start3A = arith.constant 0 : i32
      %dma_start3A_31 = tpu.memref_slice %arg14[%mul3A_2, %dma_start3A] : memref<10112x128xf32, #tpu.memory_space<vmem_shared>> -> memref<632x128xf32, #tpu.memory_space<vmem_shared>>
      tpu.enqueue_dma source(%arg5 : memref<632x128xf32, #tpu.memory_space<hbm>>) target(%dma_start3A_31 : memref<632x128xf32, #tpu.memory_space<vmem_shared>>) target_semaphore(%run_scoped3A : memref<!tpu.dma_semaphore, #tpu.memory_space<semaphore_mem>>)
      %dma_wait3A = arith.constant 0 : i32
      %dma_wait3A_32 = tpu.memref_slice %arg14[%mul3A_2, %dma_wait3A] : memref<10112x128xf32, #tpu.memory_space<vmem_shared>> -> memref<632x128xf32, #tpu.memory_space<vmem_shared>>
      tpu.wait_dma2 semaphore(%run_scoped3A : memref<!tpu.dma_semaphore, #tpu.memory_space<semaphore_mem>>) src(%arg5 : memref<632x128xf32, #tpu.memory_space<hbm>>) dst(%dma_wait3A_32 : memref<632x128xf32, #tpu.memory_space<vmem_shared>>)
      tpu.yield
    }) : () -> ()
    %broadcast_in_dim3A = arith.constant 0.000000e+00 : f32
    %broadcast_in_dim3A_3 = vector.broadcast %broadcast_in_dim3A : f32 to vector<16xf32>
    %iota3A = tpu.iota {dimensions = array<i32: 0>} : vector<16xi32>
    %eq3A = arith.constant 0 : i32
    %eq3A_4 = vector.broadcast %eq3A : i32 to vector<16xi32>
    %eq3A_5 = arith.cmpi eq, %iota3A, %eq3A_4 : vector<16xi32>
    %jit3A = arith.constant 1.000000e+00 : f32
    %jit3A_6 = arith.constant 0.000000e+00 : f32
    %broadcast_in_dim3A_7 = vector.broadcast %jit3A : f32 to vector<16xf32>
    %broadcast_in_dim3A_8 = vector.broadcast %jit3A_6 : f32 to vector<16xf32>
    %select_n3A = arith.select %eq3A_5, %broadcast_in_dim3A_7, %broadcast_in_dim3A_8 : vector<16xi1>, vector<16xf32>
    %eq3A_9 = arith.constant 1 : i32
    %eq3A_10 = vector.broadcast %eq3A_9 : i32 to vector<16xi32>
    %eq3A_11 = arith.cmpi eq, %iota3A, %eq3A_10 : vector<16xi32>
    %jit3A_12 = arith.constant 1.000000e+00 : f32
    %jit3A_13 = arith.constant 0.000000e+00 : f32
    %broadcast_in_dim3A_14 = vector.broadcast %jit3A_12 : f32 to vector<16xf32>
    %broadcast_in_dim3A_15 = vector.broadcast %jit3A_13 : f32 to vector<16xf32>
    %select_n3A_16 = arith.select %eq3A_11, %broadcast_in_dim3A_14, %broadcast_in_dim3A_15 : vector<16xi1>, vector<16xf32>
    %scan3A = arith.constant 0 : i32
    %scan3A_17 = arith.constant 0 : i32
    %scan3A_18 = arith.constant 32 : i32
    %scan3A_19 = arith.addi %scan3A_17, %scan3A_18 : i32
    %scan3A_20 = arith.constant 1 : i32
    scf.for %scan3A_31 = %scan3A_17 to %scan3A_19 step %scan3A_20  : i32 {
      %swap3A = arith.index_cast %scan3A_31 : i32 to index
      %swap3A_32 = arith.constant 0 : index
      %swap3A_33 = tpu.vector_load %arg11[%swap3A, %swap3A_32] {strides = array<i32>} : memref<32x128xf32, #tpu.memory_space<vmem>>, vector<1x16xf32>,
      %swap3A_34 = vector.shape_cast %swap3A_33 : vector<1x16xf32> to vector<16xf32>
      %swap3A_35 = vector.shape_cast %broadcast_in_dim3A_3 : vector<16xf32> to vector<1x16xf32>
      tpu.vector_store %arg11[%swap3A, %swap3A_32], %swap3A_35 {strides = array<i32>} : memref<32x128xf32, #tpu.memory_space<vmem>>, vector<1x16xf32>,
      %swap3A_36 = arith.index_cast %scan3A_31 : i32 to index
      %swap3A_37 = arith.constant 0 : index
      %swap3A_38 = tpu.vector_load %arg12[%swap3A_36, %swap3A_37] {strides = array<i32>} : memref<32x128xf32, #tpu.memory_space<vmem>>, vector<1x16xf32>,
      %swap3A_39 = vector.shape_cast %swap3A_38 : vector<1x16xf32> to vector<16xf32>
      %swap3A_40 = vector.shape_cast %broadcast_in_dim3A_3 : vector<16xf32> to vector<1x16xf32>
      tpu.vector_store %arg12[%swap3A_36, %swap3A_37], %swap3A_40 {strides = array<i32>} : memref<32x128xf32, #tpu.memory_space<vmem>>, vector<1x16xf32>,
      %swap3A_41 = arith.index_cast %scan3A_31 : i32 to index
      %swap3A_42 = arith.constant 0 : index
      %swap3A_43 = tpu.vector_load %arg13[%swap3A_41, %swap3A_42] {strides = array<i32>} : memref<32x128xf32, #tpu.memory_space<vmem>>, vector<1x16xf32>,
      %swap3A_44 = vector.shape_cast %swap3A_43 : vector<1x16xf32> to vector<16xf32>
      %swap3A_45 = vector.shape_cast %broadcast_in_dim3A_3 : vector<16xf32> to vector<1x16xf32>
      tpu.vector_store %arg13[%swap3A_41, %swap3A_42], %swap3A_45 {strides = array<i32>} : memref<32x128xf32, #tpu.memory_space<vmem>>, vector<1x16xf32>,
      %swap3A_46 = arith.index_cast %scan3A_31 : i32 to index
      %swap3A_47 = arith.constant 16 : index
      %swap3A_48 = tpu.vector_load %arg11[%swap3A_46, %swap3A_47] {strides = array<i32>} : memref<32x128xf32, #tpu.memory_space<vmem>>, vector<1x16xf32>,
      %swap3A_49 = vector.shape_cast %swap3A_48 : vector<1x16xf32> to vector<16xf32>
      %swap3A_50 = vector.shape_cast %broadcast_in_dim3A_3 : vector<16xf32> to vector<1x16xf32>
      tpu.vector_store %arg11[%swap3A_46, %swap3A_47], %swap3A_50 {strides = array<i32>} : memref<32x128xf32, #tpu.memory_space<vmem>>, vector<1x16xf32>,
      %swap3A_51 = arith.index_cast %scan3A_31 : i32 to index
      %swap3A_52 = arith.constant 16 : index
      %swap3A_53 = tpu.vector_load %arg12[%swap3A_51, %swap3A_52] {strides = array<i32>} : memref<32x128xf32, #tpu.memory_space<vmem>>, vector<1x16xf32>,
      %swap3A_54 = vector.shape_cast %swap3A_53 : vector<1x16xf32> to vector<16xf32>
      %swap3A_55 = vector.shape_cast %broadcast_in_dim3A_3 : vector<16xf32> to vector<1x16xf32>
      tpu.vector_store %arg12[%swap3A_51, %swap3A_52], %swap3A_55 {strides = array<i32>} : memref<32x128xf32, #tpu.memory_space<vmem>>, vector<1x16xf32>,
      %swap3A_56 = arith.index_cast %scan3A_31 : i32 to index
      %swap3A_57 = arith.constant 16 : index
      %swap3A_58 = tpu.vector_load %arg13[%swap3A_56, %swap3A_57] {strides = array<i32>} : memref<32x128xf32, #tpu.memory_space<vmem>>, vector<1x16xf32>,
      %swap3A_59 = vector.shape_cast %swap3A_58 : vector<1x16xf32> to vector<16xf32>
      %swap3A_60 = vector.shape_cast %broadcast_in_dim3A_3 : vector<16xf32> to vector<1x16xf32>
      tpu.vector_store %arg13[%swap3A_56, %swap3A_57], %swap3A_60 {strides = array<i32>} : memref<32x128xf32, #tpu.memory_space<vmem>>, vector<1x16xf32>,
      %swap3A_61 = arith.index_cast %scan3A_31 : i32 to index
      %swap3A_62 = arith.constant 32 : index
      %swap3A_63 = tpu.vector_load %arg11[%swap3A_61, %swap3A_62] {strides = array<i32>} : memref<32x128xf32, #tpu.memory_space<vmem>>, vector<1x16xf32>,
      %swap3A_64 = vector.shape_cast %swap3A_63 : vector<1x16xf32> to vector<16xf32>
      %swap3A_65 = vector.shape_cast %broadcast_in_dim3A_3 : vector<16xf32> to vector<1x16xf32>
      tpu.vector_store %arg11[%swap3A_61, %swap3A_62], %swap3A_65 {strides = array<i32>} : memref<32x128xf32, #tpu.memory_space<vmem>>, vector<1x16xf32>,
      %swap3A_66 = arith.index_cast %scan3A_31 : i32 to index
      %swap3A_67 = arith.constant 32 : index
      %swap3A_68 = tpu.vector_load %arg12[%swap3A_66, %swap3A_67] {strides = array<i32>} : memref<32x128xf32, #tpu.memory_space<vmem>>, vector<1x16xf32>,
      %swap3A_69 = vector.shape_cast %swap3A_68 : vector<1x16xf32> to vector<16xf32>
      %swap3A_70 = vector.shape_cast %broadcast_in_dim3A_3 : vector<16xf32> to vector<1x16xf32>
      tpu.vector_store %arg12[%swap3A_66, %swap3A_67], %swap3A_70 {strides = array<i32>} : memref<32x128xf32, #tpu.memory_space<vmem>>, vector<1x16xf32>,
      %swap3A_71 = arith.index_cast %scan3A_31 : i32 to index
      %swap3A_72 = arith.constant 32 : index
      %swap3A_73 = tpu.vector_load %arg13[%swap3A_71, %swap3A_72] {strides = array<i32>} : memref<32x128xf32, #tpu.memory_space<vmem>>, vector<1x16xf32>,
      %swap3A_74 = vector.shape_cast %swap3A_73 : vector<1x16xf32> to vector<16xf32>
      %swap3A_75 = vector.shape_cast %broadcast_in_dim3A_3 : vector<16xf32> to vector<1x16xf32>
      tpu.vector_store %arg13[%swap3A_71, %swap3A_72], %swap3A_75 {strides = array<i32>} : memref<32x128xf32, #tpu.memory_space<vmem>>, vector<1x16xf32>,
      %swap3A_76 = arith.index_cast %scan3A_31 : i32 to index
      %swap3A_77 = arith.constant 48 : index
      %swap3A_78 = tpu.vector_load %arg11[%swap3A_76, %swap3A_77] {strides = array<i32>} : memref<32x128xf32, #tpu.memory_space<vmem>>, vector<1x16xf32>,
      %swap3A_79 = vector.shape_cast %swap3A_78 : vector<1x16xf32> to vector<16xf32>
      %swap3A_80 = vector.shape_cast %broadcast_in_dim3A_3 : vector<16xf32> to vector<1x16xf32>
      tpu.vector_store %arg11[%swap3A_76, %swap3A_77], %swap3A_80 {strides = array<i32>} : memref<32x128xf32, #tpu.memory_space<vmem>>, vector<1x16xf32>,
      %swap3A_81 = arith.index_cast %scan3A_31 : i32 to index
      %swap3A_82 = arith.constant 48 : index
      %swap3A_83 = tpu.vector_load %arg12[%swap3A_81, %swap3A_82] {strides = array<i32>} : memref<32x128xf32, #tpu.memory_space<vmem>>, vector<1x16xf32>,
      %swap3A_84 = vector.shape_cast %swap3A_83 : vector<1x16xf32> to vector<16xf32>
      %swap3A_85 = vector.shape_cast %broadcast_in_dim3A_3 : vector<16xf32> to vector<1x16xf32>
      tpu.vector_store %arg12[%swap3A_81, %swap3A_82], %swap3A_85 {strides = array<i32>} : memref<32x128xf32, #tpu.memory_space<vmem>>, vector<1x16xf32>,
      %swap3A_86 = arith.index_cast %scan3A_31 : i32 to index
      %swap3A_87 = arith.constant 48 : index
      %swap3A_88 = tpu.vector_load %arg13[%swap3A_86, %swap3A_87] {strides = array<i32>} : memref<32x128xf32, #tpu.memory_space<vmem>>, vector<1x16xf32>,
      %swap3A_89 = vector.shape_cast %swap3A_88 : vector<1x16xf32> to vector<16xf32>
      %swap3A_90 = vector.shape_cast %broadcast_in_dim3A_3 : vector<16xf32> to vector<1x16xf32>
      tpu.vector_store %arg13[%swap3A_86, %swap3A_87], %swap3A_90 {strides = array<i32>} : memref<32x128xf32, #tpu.memory_space<vmem>>, vector<1x16xf32>,
      %swap3A_91 = arith.index_cast %scan3A_31 : i32 to index
      %swap3A_92 = arith.constant 64 : index
      %swap3A_93 = tpu.vector_load %arg11[%swap3A_91, %swap3A_92] {strides = array<i32>} : memref<32x128xf32, #tpu.memory_space<vmem>>, vector<1x16xf32>,
      %swap3A_94 = vector.shape_cast %swap3A_93 : vector<1x16xf32> to vector<16xf32>
      %swap3A_95 = vector.shape_cast %broadcast_in_dim3A_3 : vector<16xf32> to vector<1x16xf32>
      tpu.vector_store %arg11[%swap3A_91, %swap3A_92], %swap3A_95 {strides = array<i32>} : memref<32x128xf32, #tpu.memory_space<vmem>>, vector<1x16xf32>,
      %swap3A_96 = arith.index_cast %scan3A_31 : i32 to index
      %swap3A_97 = arith.constant 64 : index
      %swap3A_98 = tpu.vector_load %arg12[%swap3A_96, %swap3A_97] {strides = array<i32>} : memref<32x128xf32, #tpu.memory_space<vmem>>, vector<1x16xf32>,
      %swap3A_99 = vector.shape_cast %swap3A_98 : vector<1x16xf32> to vector<16xf32>
      %swap3A_100 = vector.shape_cast %broadcast_in_dim3A_3 : vector<16xf32> to vector<1x16xf32>
      tpu.vector_store %arg12[%swap3A_96, %swap3A_97], %swap3A_100 {strides = array<i32>} : memref<32x128xf32, #tpu.memory_space<vmem>>, vector<1x16xf32>,
      %swap3A_101 = arith.index_cast %scan3A_31 : i32 to index
      %swap3A_102 = arith.constant 64 : index
      %swap3A_103 = tpu.vector_load %arg13[%swap3A_101, %swap3A_102] {strides = array<i32>} : memref<32x128xf32, #tpu.memory_space<vmem>>, vector<1x16xf32>,
      %swap3A_104 = vector.shape_cast %swap3A_103 : vector<1x16xf32> to vector<16xf32>
      %swap3A_105 = vector.shape_cast %broadcast_in_dim3A_3 : vector<16xf32> to vector<1x16xf32>
      tpu.vector_store %arg13[%swap3A_101, %swap3A_102], %swap3A_105 {strides = array<i32>} : memref<32x128xf32, #tpu.memory_space<vmem>>, vector<1x16xf32>,
      %swap3A_106 = arith.index_cast %scan3A_31 : i32 to index
      %swap3A_107 = arith.constant 80 : index
      %swap3A_108 = tpu.vector_load %arg11[%swap3A_106, %swap3A_107] {strides = array<i32>} : memref<32x128xf32, #tpu.memory_space<vmem>>, vector<1x16xf32>,
      %swap3A_109 = vector.shape_cast %swap3A_108 : vector<1x16xf32> to vector<16xf32>
      %swap3A_110 = vector.shape_cast %broadcast_in_dim3A_3 : vector<16xf32> to vector<1x16xf32>
      tpu.vector_store %arg11[%swap3A_106, %swap3A_107], %swap3A_110 {strides = array<i32>} : memref<32x128xf32, #tpu.memory_space<vmem>>, vector<1x16xf32>,
      %swap3A_111 = arith.index_cast %scan3A_31 : i32 to index
      %swap3A_112 = arith.constant 80 : index
      %swap3A_113 = tpu.vector_load %arg12[%swap3A_111, %swap3A_112] {strides = array<i32>} : memref<32x128xf32, #tpu.memory_space<vmem>>, vector<1x16xf32>,
      %swap3A_114 = vector.shape_cast %swap3A_113 : vector<1x16xf32> to vector<16xf32>
      %swap3A_115 = vector.shape_cast %broadcast_in_dim3A_3 : vector<16xf32> to vector<1x16xf32>
      tpu.vector_store %arg12[%swap3A_111, %swap3A_112], %swap3A_115 {strides = array<i32>} : memref<32x128xf32, #tpu.memory_space<vmem>>, vector<1x16xf32>,
      %swap3A_116 = arith.index_cast %scan3A_31 : i32 to index
      %swap3A_117 = arith.constant 80 : index
      %swap3A_118 = tpu.vector_load %arg13[%swap3A_116, %swap3A_117] {strides = array<i32>} : memref<32x128xf32, #tpu.memory_space<vmem>>, vector<1x16xf32>,
      %swap3A_119 = vector.shape_cast %swap3A_118 : vector<1x16xf32> to vector<16xf32>
      %swap3A_120 = vector.shape_cast %broadcast_in_dim3A_3 : vector<16xf32> to vector<1x16xf32>
      tpu.vector_store %arg13[%swap3A_116, %swap3A_117], %swap3A_120 {strides = array<i32>} : memref<32x128xf32, #tpu.memory_space<vmem>>, vector<1x16xf32>,
      %swap3A_121 = arith.index_cast %scan3A_31 : i32 to index
      %swap3A_122 = arith.constant 96 : index
      %swap3A_123 = tpu.vector_load %arg11[%swap3A_121, %swap3A_122] {strides = array<i32>} : memref<32x128xf32, #tpu.memory_space<vmem>>, vector<1x16xf32>,
      %swap3A_124 = vector.shape_cast %swap3A_123 : vector<1x16xf32> to vector<16xf32>
      %swap3A_125 = vector.shape_cast %broadcast_in_dim3A_3 : vector<16xf32> to vector<1x16xf32>
      tpu.vector_store %arg11[%swap3A_121, %swap3A_122], %swap3A_125 {strides = array<i32>} : memref<32x128xf32, #tpu.memory_space<vmem>>, vector<1x16xf32>,
      %swap3A_126 = arith.index_cast %scan3A_31 : i32 to index
      %swap3A_127 = arith.constant 96 : index
      %swap3A_128 = tpu.vector_load %arg12[%swap3A_126, %swap3A_127] {strides = array<i32>} : memref<32x128xf32, #tpu.memory_space<vmem>>, vector<1x16xf32>,
      %swap3A_129 = vector.shape_cast %swap3A_128 : vector<1x16xf32> to vector<16xf32>
      %swap3A_130 = vector.shape_cast %broadcast_in_dim3A_3 : vector<16xf32> to vector<1x16xf32>
      tpu.vector_store %arg12[%swap3A_126, %swap3A_127], %swap3A_130 {strides = array<i32>} : memref<32x128xf32, #tpu.memory_space<vmem>>, vector<1x16xf32>,
      %swap3A_131 = arith.index_cast %scan3A_31 : i32 to index
      %swap3A_132 = arith.constant 96 : index
      %swap3A_133 = tpu.vector_load %arg13[%swap3A_131, %swap3A_132] {strides = array<i32>} : memref<32x128xf32, #tpu.memory_space<vmem>>, vector<1x16xf32>,
      %swap3A_134 = vector.shape_cast %swap3A_133 : vector<1x16xf32> to vector<16xf32>
      %swap3A_135 = vector.shape_cast %broadcast_in_dim3A_3 : vector<16xf32> to vector<1x16xf32>
      tpu.vector_store %arg13[%swap3A_131, %swap3A_132], %swap3A_135 {strides = array<i32>} : memref<32x128xf32, #tpu.memory_space<vmem>>, vector<1x16xf32>,
      %swap3A_136 = arith.index_cast %scan3A_31 : i32 to index
      %swap3A_137 = arith.constant 112 : index
      %swap3A_138 = tpu.vector_load %arg11[%swap3A_136, %swap3A_137] {strides = array<i32>} : memref<32x128xf32, #tpu.memory_space<vmem>>, vector<1x16xf32>,
      %swap3A_139 = vector.shape_cast %swap3A_138 : vector<1x16xf32> to vector<16xf32>
      %swap3A_140 = vector.shape_cast %broadcast_in_dim3A_3 : vector<16xf32> to vector<1x16xf32>
      tpu.vector_store %arg11[%swap3A_136, %swap3A_137], %swap3A_140 {strides = array<i32>} : memref<32x128xf32, #tpu.memory_space<vmem>>, vector<1x16xf32>,
      %swap3A_141 = arith.index_cast %scan3A_31 : i32 to index
      %swap3A_142 = arith.constant 112 : index
      %swap3A_143 = tpu.vector_load %arg12[%swap3A_141, %swap3A_142] {strides = array<i32>} : memref<32x128xf32, #tpu.memory_space<vmem>>, vector<1x16xf32>,
      %swap3A_144 = vector.shape_cast %swap3A_143 : vector<1x16xf32> to vector<16xf32>
      %swap3A_145 = vector.shape_cast %broadcast_in_dim3A_3 : vector<16xf32> to vector<1x16xf32>
      tpu.vector_store %arg12[%swap3A_141, %swap3A_142], %swap3A_145 {strides = array<i32>} : memref<32x128xf32, #tpu.memory_space<vmem>>, vector<1x16xf32>,
      %swap3A_146 = arith.index_cast %scan3A_31 : i32 to index
      %swap3A_147 = arith.constant 112 : index
      %swap3A_148 = tpu.vector_load %arg13[%swap3A_146, %swap3A_147] {strides = array<i32>} : memref<32x128xf32, #tpu.memory_space<vmem>>, vector<1x16xf32>,
      %swap3A_149 = vector.shape_cast %swap3A_148 : vector<1x16xf32> to vector<16xf32>
      %swap3A_150 = vector.shape_cast %broadcast_in_dim3A_3 : vector<16xf32> to vector<1x16xf32>
      tpu.vector_store %arg13[%swap3A_146, %swap3A_147], %swap3A_150 {strides = array<i32>} : memref<32x128xf32, #tpu.memory_space<vmem>>, vector<1x16xf32>,
      %swap3A_151 = arith.index_cast %scan3A_31 : i32 to index
      %swap3A_152 = arith.constant 16 : index
      %swap3A_153 = tpu.vector_load %arg11[%swap3A_151, %swap3A_152] {strides = array<i32>} : memref<32x128xf32, #tpu.memory_space<vmem>>, vector<1x16xf32>,
      %swap3A_154 = vector.shape_cast %swap3A_153 : vector<1x16xf32> to vector<16xf32>
      %swap3A_155 = vector.shape_cast %select_n3A : vector<16xf32> to vector<1x16xf32>
      tpu.vector_store %arg11[%swap3A_151, %swap3A_152], %swap3A_155 {strides = array<i32>} : memref<32x128xf32, #tpu.memory_space<vmem>>, vector<1x16xf32>,
      %swap3A_156 = arith.index_cast %scan3A_31 : i32 to index
      %swap3A_157 = arith.constant 16 : index
      %swap3A_158 = tpu.vector_load %arg12[%swap3A_156, %swap3A_157] {strides = array<i32>} : memref<32x128xf32, #tpu.memory_space<vmem>>, vector<1x16xf32>,
      %swap3A_159 = vector.shape_cast %swap3A_158 : vector<1x16xf32> to vector<16xf32>
      %swap3A_160 = vector.shape_cast %select_n3A : vector<16xf32> to vector<1x16xf32>
      tpu.vector_store %arg12[%swap3A_156, %swap3A_157], %swap3A_160 {strides = array<i32>} : memref<32x128xf32, #tpu.memory_space<vmem>>, vector<1x16xf32>,
      %swap3A_161 = arith.index_cast %scan3A_31 : i32 to index
      %swap3A_162 = arith.constant 16 : index
      %swap3A_163 = tpu.vector_load %arg13[%swap3A_161, %swap3A_162] {strides = array<i32>} : memref<32x128xf32, #tpu.memory_space<vmem>>, vector<1x16xf32>,
      %swap3A_164 = vector.shape_cast %swap3A_163 : vector<1x16xf32> to vector<16xf32>
      %swap3A_165 = vector.shape_cast %select_n3A_16 : vector<16xf32> to vector<1x16xf32>
      tpu.vector_store %arg13[%swap3A_161, %swap3A_162], %swap3A_165 {strides = array<i32>} : memref<32x128xf32, #tpu.memory_space<vmem>>, vector<1x16xf32>,
    }
    %scan3A_21 = arith.constant 32 : i32
    %mul3A_22 = arith.constant 320 : i32
    %mul3A_23 = arith.muli %add3A, %mul3A_22 : i32
    %barrier3A = arith.constant 0 : index
    tpu.barrier barrier_id(%barrier3A)
    %scan3A_24 = arith.constant 0 : i32
    %scan3A_25 = arith.constant 0 : i32
    %scan3A_26 = arith.constant 20 : i32
    %scan3A_27 = arith.addi %scan3A_25, %scan3A_26 : i32
    %scan3A_28 = arith.constant 1 : i32
    scf.for %scan3A_31 = %scan3A_25 to %scan3A_27 step %scan3A_28  : i32 {
      %mul3A_32 = arith.constant 16 : i32
      %mul3A_33 = arith.muli %scan3A_31, %mul3A_32 : i32
      %add3A_34 = arith.addi %mul3A_23, %mul3A_33 : i32
      "tpu.region"() ({
        %run_scoped3A = tpu.sem_alloc : memref<!tpu.dma_semaphore, #tpu.memory_space<semaphore_mem>>
        %dma_start3A_893 = arith.constant 0 : i32
        %dma_start3A_894 = tpu.memref_slice %arg2[%add3A_34, %dma_start3A_893] : memref<10240x32xi32, #tpu.memory_space<hbm>> -> memref<16x32xi32, #tpu.memory_space<hbm>>
        %dma_start3A_895 = arith.constant 0 : i32
        %dma_start3A_896 = tpu.memref_slice %arg2[%add3A_34, %dma_start3A_895] : memref<10240x32xi32, #tpu.memory_space<hbm>> -> memref<16x32xi32, #tpu.memory_space<hbm>>
        tpu.enqueue_dma source(%dma_start3A_896 : memref<16x32xi32, #tpu.memory_space<hbm>>) target(%arg7 : memref<16x32xi32, #tpu.memory_space<vmem>>) target_semaphore(%run_scoped3A : memref<!tpu.dma_semaphore, #tpu.memory_space<semaphore_mem>>)
        %dma_wait3A_897 = arith.constant 0 : i32
        %dma_wait3A_898 = tpu.memref_slice %arg2[%add3A_34, %dma_wait3A_897] : memref<10240x32xi32, #tpu.memory_space<hbm>> -> memref<16x32xi32, #tpu.memory_space<hbm>>
        %dma_wait3A_899 = arith.constant 0 : i32
        %dma_wait3A_900 = tpu.memref_slice %arg2[%add3A_34, %dma_wait3A_899] : memref<10240x32xi32, #tpu.memory_space<hbm>> -> memref<16x32xi32, #tpu.memory_space<hbm>>
        tpu.wait_dma2 semaphore(%run_scoped3A : memref<!tpu.dma_semaphore, #tpu.memory_space<semaphore_mem>>) src(%dma_wait3A_900 : memref<16x32xi32, #tpu.memory_space<hbm>>) dst(%arg7 : memref<16x32xi32, #tpu.memory_space<vmem>>)
        tpu.yield
      }) : () -> ()
      "tpu.region"() ({
        %run_scoped3A = tpu.sem_alloc : memref<!tpu.dma_semaphore, #tpu.memory_space<semaphore_mem>>
        %dma_start3A_893 = arith.constant 0 : i32
        %dma_start3A_894 = tpu.memref_slice %arg3[%add3A_34, %dma_start3A_893] : memref<10240x32xi32, #tpu.memory_space<hbm>> -> memref<16x32xi32, #tpu.memory_space<hbm>>
        %dma_start3A_895 = arith.constant 0 : i32
        %dma_start3A_896 = tpu.memref_slice %arg3[%add3A_34, %dma_start3A_895] : memref<10240x32xi32, #tpu.memory_space<hbm>> -> memref<16x32xi32, #tpu.memory_space<hbm>>
        tpu.enqueue_dma source(%dma_start3A_896 : memref<16x32xi32, #tpu.memory_space<hbm>>) target(%arg8 : memref<16x32xi32, #tpu.memory_space<vmem>>) target_semaphore(%run_scoped3A : memref<!tpu.dma_semaphore, #tpu.memory_space<semaphore_mem>>)
        %dma_wait3A_897 = arith.constant 0 : i32
        %dma_wait3A_898 = tpu.memref_slice %arg3[%add3A_34, %dma_wait3A_897] : memref<10240x32xi32, #tpu.memory_space<hbm>> -> memref<16x32xi32, #tpu.memory_space<hbm>>
        %dma_wait3A_899 = arith.constant 0 : i32
        %dma_wait3A_900 = tpu.memref_slice %arg3[%add3A_34, %dma_wait3A_899] : memref<10240x32xi32, #tpu.memory_space<hbm>> -> memref<16x32xi32, #tpu.memory_space<hbm>>
        tpu.wait_dma2 semaphore(%run_scoped3A : memref<!tpu.dma_semaphore, #tpu.memory_space<semaphore_mem>>) src(%dma_wait3A_900 : memref<16x32xi32, #tpu.memory_space<hbm>>) dst(%arg8 : memref<16x32xi32, #tpu.memory_space<vmem>>)
        tpu.yield
      }) : () -> ()
      %dma_start3A = arith.constant 0 : i32
      %dma_start3A_35 = arith.constant 0 : i32
      %dma_start3A_36 = tpu.memref_slice %arg4[%add3A_34, %dma_start3A, %dma_start3A_35] : memref<10240x32x16xf32, #tpu.memory_space<hbm>> -> memref<1x32x16xf32, #tpu.memory_space<hbm>>
      %dma_start3A_37 = tpu.memref_squeeze %dma_start3A_36 : memref<1x32x16xf32, #tpu.memory_space<hbm>> -> memref<32x16xf32, #tpu.memory_space<hbm>>
      %dma_start3A_38 = arith.constant 0 : i32
      %dma_start3A_39 = arith.constant 0 : i32
      %dma_start3A_40 = tpu.memref_slice %arg4[%add3A_34, %dma_start3A_38, %dma_start3A_39] : memref<10240x32x16xf32, #tpu.memory_space<hbm>> -> memref<1x32x16xf32, #tpu.memory_space<hbm>>
      %dma_start3A_41 = tpu.memref_squeeze %dma_start3A_40 : memref<1x32x16xf32, #tpu.memory_space<hbm>> -> memref<32x16xf32, #tpu.memory_space<hbm>>
      tpu.enqueue_dma source(%dma_start3A_41 : memref<32x16xf32, #tpu.memory_space<hbm>>) target(%arg9 : memref<32x16xf32, #tpu.memory_space<vmem>>) target_semaphore(%arg15 : memref<!tpu.dma_semaphore, #tpu.memory_space<semaphore_mem>>)
      %add3A_42 = arith.constant 0 : i32
      %add3A_43 = arith.addi %add3A_34, %add3A_42 : i32
      %add3A_44 = arith.constant 1 : i32
      %add3A_45 = arith.addi %add3A_43, %add3A_44 : i32
      %dma_start3A_46 = arith.constant 0 : i32
      %dma_start3A_47 = arith.constant 0 : i32
      %dma_start3A_48 = tpu.memref_slice %arg4[%add3A_45, %dma_start3A_46, %dma_start3A_47] : memref<10240x32x16xf32, #tpu.memory_space<hbm>> -> memref<1x32x16xf32, #tpu.memory_space<hbm>>
      %dma_start3A_49 = tpu.memref_squeeze %dma_start3A_48 : memref<1x32x16xf32, #tpu.memory_space<hbm>> -> memref<32x16xf32, #tpu.memory_space<hbm>>
      %dma_start3A_50 = arith.constant 0 : i32
      %dma_start3A_51 = arith.constant 0 : i32
      %dma_start3A_52 = tpu.memref_slice %arg4[%add3A_45, %dma_start3A_50, %dma_start3A_51] : memref<10240x32x16xf32, #tpu.memory_space<hbm>> -> memref<1x32x16xf32, #tpu.memory_space<hbm>>
      %dma_start3A_53 = tpu.memref_squeeze %dma_start3A_52 : memref<1x32x16xf32, #tpu.memory_space<hbm>> -> memref<32x16xf32, #tpu.memory_space<hbm>>
      tpu.enqueue_dma source(%dma_start3A_53 : memref<32x16xf32, #tpu.memory_space<hbm>>) target(%arg10 : memref<32x16xf32, #tpu.memory_space<vmem>>) target_semaphore(%arg16 : memref<!tpu.dma_semaphore, #tpu.memory_space<semaphore_mem>>)
      %dma_wait3A = arith.constant 0 : i32
      %dma_wait3A_54 = arith.constant 0 : i32
      %dma_wait3A_55 = tpu.memref_slice %arg4[%add3A_34, %dma_wait3A, %dma_wait3A_54] : memref<10240x32x16xf32, #tpu.memory_space<hbm>> -> memref<1x32x16xf32, #tpu.memory_space<hbm>>
      %dma_wait3A_56 = tpu.memref_squeeze %dma_wait3A_55 : memref<1x32x16xf32, #tpu.memory_space<hbm>> -> memref<32x16xf32, #tpu.memory_space<hbm>>
      %dma_wait3A_57 = arith.constant 0 : i32
      %dma_wait3A_58 = arith.constant 0 : i32
      %dma_wait3A_59 = tpu.memref_slice %arg4[%add3A_34, %dma_wait3A_57, %dma_wait3A_58] : memref<10240x32x16xf32, #tpu.memory_space<hbm>> -> memref<1x32x16xf32, #tpu.memory_space<hbm>>
      %dma_wait3A_60 = tpu.memref_squeeze %dma_wait3A_59 : memref<1x32x16xf32, #tpu.memory_space<hbm>> -> memref<32x16xf32, #tpu.memory_space<hbm>>
      tpu.wait_dma2 semaphore(%arg15 : memref<!tpu.dma_semaphore, #tpu.memory_space<semaphore_mem>>) src(%dma_wait3A_60 : memref<32x16xf32, #tpu.memory_space<hbm>>) dst(%arg9 : memref<32x16xf32, #tpu.memory_space<vmem>>)
      %scan3A_61 = arith.constant 0 : i32
      %scan3A_62 = arith.constant 0 : i32
      %scan3A_63 = arith.constant 4 : i32
      %scan3A_64 = arith.addi %scan3A_62, %scan3A_63 : i32
      %scan3A_65 = arith.constant 1 : i32
      scf.for %scan3A_893 = %scan3A_62 to %scan3A_64 step %scan3A_65  : i32 {
        %mul3A_894 = arith.constant 8 : i32
        %mul3A_895 = arith.muli %scan3A_893, %mul3A_894 : i32
        %add3A_896 = arith.constant 0 : i32
        %add3A_897 = arith.addi %mul3A_895, %add3A_896 : i32
        %get3A = arith.index_cast %add3A_897 : i32 to index
        %get3A_898 = arith.constant 0 : index
        %get3A_899 = tpu.vector_load %arg9[%get3A, %get3A_898] {strides = array<i32>} : memref<32x16xf32, #tpu.memory_space<vmem>>, vector<1x16xf32>,
        %get3A_900 = vector.shape_cast %get3A_899 : vector<1x16xf32> to vector<16xf32>
        %mul3A_901 = arith.constant 8 : i32
        %mul3A_902 = arith.muli %scan3A_893, %mul3A_901 : i32
        %add3A_903 = arith.constant 0 : i32
        %add3A_904 = arith.addi %mul3A_902, %add3A_903 : i32
        %swap3A = arith.index_cast %add3A_904 : i32 to index
        %swap3A_905 = arith.constant 0 : index
        %swap3A_906 = tpu.vector_load %arg11[%swap3A, %swap3A_905] {strides = array<i32>} : memref<32x128xf32, #tpu.memory_space<vmem>>, vector<1x16xf32>,
        %swap3A_907 = vector.shape_cast %swap3A_906 : vector<1x16xf32> to vector<16xf32>
        %swap3A_908 = vector.shape_cast %get3A_900 : vector<16xf32> to vector<1x16xf32>
        tpu.vector_store %arg11[%swap3A, %swap3A_905], %swap3A_908 {strides = array<i32>} : memref<32x128xf32, #tpu.memory_space<vmem>>, vector<1x16xf32>,
        %mul3A_909 = arith.constant 8 : i32
        %mul3A_910 = arith.muli %scan3A_893, %mul3A_909 : i32
        %add3A_911 = arith.constant 1 : i32
        %add3A_912 = arith.addi %mul3A_910, %add3A_911 : i32
        %get3A_913 = arith.index_cast %add3A_912 : i32 to index
        %get3A_914 = arith.constant 0 : index
        %get3A_915 = tpu.vector_load %arg9[%get3A_913, %get3A_914] {strides = array<i32>} : memref<32x16xf32, #tpu.memory_space<vmem>>, vector<1x16xf32>,
        %get3A_916 = vector.shape_cast %get3A_915 : vector<1x16xf32> to vector<16xf32>
        %mul3A_917 = arith.constant 8 : i32
        %mul3A_918 = arith.muli %scan3A_893, %mul3A_917 : i32
        %add3A_919 = arith.constant 1 : i32
        %add3A_920 = arith.addi %mul3A_918, %add3A_919 : i32
        %swap3A_921 = arith.index_cast %add3A_920 : i32 to index
        %swap3A_922 = arith.constant 0 : index
        %swap3A_923 = tpu.vector_load %arg11[%swap3A_921, %swap3A_922] {strides = array<i32>} : memref<32x128xf32, #tpu.memory_space<vmem>>, vector<1x16xf32>,
        %swap3A_924 = vector.shape_cast %swap3A_923 : vector<1x16xf32> to vector<16xf32>
        %swap3A_925 = vector.shape_cast %get3A_916 : vector<16xf32> to vector<1x16xf32>
        tpu.vector_store %arg11[%swap3A_921, %swap3A_922], %swap3A_925 {strides = array<i32>} : memref<32x128xf32, #tpu.memory_space<vmem>>, vector<1x16xf32>,
        %mul3A_926 = arith.constant 8 : i32
        %mul3A_927 = arith.muli %scan3A_893, %mul3A_926 : i32
        %add3A_928 = arith.constant 2 : i32
        %add3A_929 = arith.addi %mul3A_927, %add3A_928 : i32
        %get3A_930 = arith.index_cast %add3A_929 : i32 to index
        %get3A_931 = arith.constant 0 : index
        %get3A_932 = tpu.vector_load %arg9[%get3A_930, %get3A_931] {strides = array<i32>} : memref<32x16xf32, #tpu.memory_space<vmem>>, vector<1x16xf32>,
        %get3A_933 = vector.shape_cast %get3A_932 : vector<1x16xf32> to vector<16xf32>
        %mul3A_934 = arith.constant 8 : i32
        %mul3A_935 = arith.muli %scan3A_893, %mul3A_934 : i32
        %add3A_936 = arith.constant 2 : i32
        %add3A_937 = arith.addi %mul3A_935, %add3A_936 : i32
        %swap3A_938 = arith.index_cast %add3A_937 : i32 to index
        %swap3A_939 = arith.constant 0 : index
        %swap3A_940 = tpu.vector_load %arg11[%swap3A_938, %swap3A_939] {strides = array<i32>} : memref<32x128xf32, #tpu.memory_space<vmem>>, vector<1x16xf32>,
        %swap3A_941 = vector.shape_cast %swap3A_940 : vector<1x16xf32> to vector<16xf32>
        %swap3A_942 = vector.shape_cast %get3A_933 : vector<16xf32> to vector<1x16xf32>
        tpu.vector_store %arg11[%swap3A_938, %swap3A_939], %swap3A_942 {strides = array<i32>} : memref<32x128xf32, #tpu.memory_space<vmem>>, vector<1x16xf32>,
        %mul3A_943 = arith.constant 8 : i32
        %mul3A_944 = arith.muli %scan3A_893, %mul3A_943 : i32
        %add3A_945 = arith.constant 3 : i32
        %add3A_946 = arith.addi %mul3A_944, %add3A_945 : i32
        %get3A_947 = arith.index_cast %add3A_946 : i32 to index
        %get3A_948 = arith.constant 0 : index
        %get3A_949 = tpu.vector_load %arg9[%get3A_947, %get3A_948] {strides = array<i32>} : memref<32x16xf32, #tpu.memory_space<vmem>>, vector<1x16xf32>,
        %get3A_950 = vector.shape_cast %get3A_949 : vector<1x16xf32> to vector<16xf32>
        %mul3A_951 = arith.constant 8 : i32
        %mul3A_952 = arith.muli %scan3A_893, %mul3A_951 : i32
        %add3A_953 = arith.constant 3 : i32
        %add3A_954 = arith.addi %mul3A_952, %add3A_953 : i32
        %swap3A_955 = arith.index_cast %add3A_954 : i32 to index
        %swap3A_956 = arith.constant 0 : index
        %swap3A_957 = tpu.vector_load %arg11[%swap3A_955, %swap3A_956] {strides = array<i32>} : memref<32x128xf32, #tpu.memory_space<vmem>>, vector<1x16xf32>,
        %swap3A_958 = vector.shape_cast %swap3A_957 : vector<1x16xf32> to vector<16xf32>
        %swap3A_959 = vector.shape_cast %get3A_950 : vector<16xf32> to vector<1x16xf32>
        tpu.vector_store %arg11[%swap3A_955, %swap3A_956], %swap3A_959 {strides = array<i32>} : memref<32x128xf32, #tpu.memory_space<vmem>>, vector<1x16xf32>,
        %mul3A_960 = arith.constant 8 : i32
        %mul3A_961 = arith.muli %scan3A_893, %mul3A_960 : i32
        %add3A_962 = arith.constant 4 : i32
        %add3A_963 = arith.addi %mul3A_961, %add3A_962 : i32
        %get3A_964 = arith.index_cast %add3A_963 : i32 to index
        %get3A_965 = arith.constant 0 : index
        %get3A_966 = tpu.vector_load %arg9[%get3A_964, %get3A_965] {strides = array<i32>} : memref<32x16xf32, #tpu.memory_space<vmem>>, vector<1x16xf32>,
        %get3A_967 = vector.shape_cast %get3A_966 : vector<1x16xf32> to vector<16xf32>
        %mul3A_968 = arith.constant 8 : i32
        %mul3A_969 = arith.muli %scan3A_893, %mul3A_968 : i32
        %add3A_970 = arith.constant 4 : i32
        %add3A_971 = arith.addi %mul3A_969, %add3A_970 : i32
        %swap3A_972 = arith.index_cast %add3A_971 : i32 to index
        %swap3A_973 = arith.constant 0 : index
        %swap3A_974 = tpu.vector_load %arg11[%swap3A_972, %swap3A_973] {strides = array<i32>} : memref<32x128xf32, #tpu.memory_space<vmem>>, vector<1x16xf32>,
        %swap3A_975 = vector.shape_cast %swap3A_974 : vector<1x16xf32> to vector<16xf32>
        %swap3A_976 = vector.shape_cast %get3A_967 : vector<16xf32> to vector<1x16xf32>
        tpu.vector_store %arg11[%swap3A_972, %swap3A_973], %swap3A_976 {strides = array<i32>} : memref<32x128xf32, #tpu.memory_space<vmem>>, vector<1x16xf32>,
        %mul3A_977 = arith.constant 8 : i32
        %mul3A_978 = arith.muli %scan3A_893, %mul3A_977 : i32
        %add3A_979 = arith.constant 5 : i32
        %add3A_980 = arith.addi %mul3A_978, %add3A_979 : i32
        %get3A_981 = arith.index_cast %add3A_980 : i32 to index
        %get3A_982 = arith.constant 0 : index
        %get3A_983 = tpu.vector_load %arg9[%get3A_981, %get3A_982] {strides = array<i32>} : memref<32x16xf32, #tpu.memory_space<vmem>>, vector<1x16xf32>,
        %get3A_984 = vector.shape_cast %get3A_983 : vector<1x16xf32> to vector<16xf32>
        %mul3A_985 = arith.constant 8 : i32
        %mul3A_986 = arith.muli %scan3A_893, %mul3A_985 : i32
        %add3A_987 = arith.constant 5 : i32
        %add3A_988 = arith.addi %mul3A_986, %add3A_987 : i32
        %swap3A_989 = arith.index_cast %add3A_988 : i32 to index
        %swap3A_990 = arith.constant 0 : index
        %swap3A_991 = tpu.vector_load %arg11[%swap3A_989, %swap3A_990] {strides = array<i32>} : memref<32x128xf32, #tpu.memory_space<vmem>>, vector<1x16xf32>,
        %swap3A_992 = vector.shape_cast %swap3A_991 : vector<1x16xf32> to vector<16xf32>
        %swap3A_993 = vector.shape_cast %get3A_984 : vector<16xf32> to vector<1x16xf32>
        tpu.vector_store %arg11[%swap3A_989, %swap3A_990], %swap3A_993 {strides = array<i32>} : memref<32x128xf32, #tpu.memory_space<vmem>>, vector<1x16xf32>,
        %mul3A_994 = arith.constant 8 : i32
        %mul3A_995 = arith.muli %scan3A_893, %mul3A_994 : i32
        %add3A_996 = arith.constant 6 : i32
        %add3A_997 = arith.addi %mul3A_995, %add3A_996 : i32
        %get3A_998 = arith.index_cast %add3A_997 : i32 to index
        %get3A_999 = arith.constant 0 : index
        %get3A_1000 = tpu.vector_load %arg9[%get3A_998, %get3A_999] {strides = array<i32>} : memref<32x16xf32, #tpu.memory_space<vmem>>, vector<1x16xf32>,
        %get3A_1001 = vector.shape_cast %get3A_1000 : vector<1x16xf32> to vector<16xf32>
        %mul3A_1002 = arith.constant 8 : i32
        %mul3A_1003 = arith.muli %scan3A_893, %mul3A_1002 : i32
        %add3A_1004 = arith.constant 6 : i32
        %add3A_1005 = arith.addi %mul3A_1003, %add3A_1004 : i32
        %swap3A_1006 = arith.index_cast %add3A_1005 : i32 to index
        %swap3A_1007 = arith.constant 0 : index
        %swap3A_1008 = tpu.vector_load %arg11[%swap3A_1006, %swap3A_1007] {strides = array<i32>} : memref<32x128xf32, #tpu.memory_space<vmem>>, vector<1x16xf32>,
        %swap3A_1009 = vector.shape_cast %swap3A_1008 : vector<1x16xf32> to vector<16xf32>
        %swap3A_1010 = vector.shape_cast %get3A_1001 : vector<16xf32> to vector<1x16xf32>
        tpu.vector_store %arg11[%swap3A_1006, %swap3A_1007], %swap3A_1010 {strides = array<i32>} : memref<32x128xf32, #tpu.memory_space<vmem>>, vector<1x16xf32>,
        %mul3A_1011 = arith.constant 8 : i32
        %mul3A_1012 = arith.muli %scan3A_893, %mul3A_1011 : i32
        %add3A_1013 = arith.constant 7 : i32
        %add3A_1014 = arith.addi %mul3A_1012, %add3A_1013 : i32
        %get3A_1015 = arith.index_cast %add3A_1014 : i32 to index
        %get3A_1016 = arith.constant 0 : index
        %get3A_1017 = tpu.vector_load %arg9[%get3A_1015, %get3A_1016] {strides = array<i32>} : memref<32x16xf32, #tpu.memory_space<vmem>>, vector<1x16xf32>,
        %get3A_1018 = vector.shape_cast %get3A_1017 : vector<1x16xf32> to vector<16xf32>
        %mul3A_1019 = arith.constant 8 : i32
        %mul3A_1020 = arith.muli %scan3A_893, %mul3A_1019 : i32
        %add3A_1021 = arith.constant 7 : i32
        %add3A_1022 = arith.addi %mul3A_1020, %add3A_1021 : i32
        %swap3A_1023 = arith.index_cast %add3A_1022 : i32 to index
        %swap3A_1024 = arith.constant 0 : index
        %swap3A_1025 = tpu.vector_load %arg11[%swap3A_1023, %swap3A_1024] {strides = array<i32>} : memref<32x128xf32, #tpu.memory_space<vmem>>, vector<1x16xf32>,
        %swap3A_1026 = vector.shape_cast %swap3A_1025 : vector<1x16xf32> to vector<16xf32>
        %swap3A_1027 = vector.shape_cast %get3A_1018 : vector<16xf32> to vector<1x16xf32>
        tpu.vector_store %arg11[%swap3A_1023, %swap3A_1024], %swap3A_1027 {strides = array<i32>} : memref<32x128xf32, #tpu.memory_space<vmem>>, vector<1x16xf32>,
      }
      %scan3A_66 = arith.constant 4 : i32
      %dma_start3A_67 = arith.constant 0 : i32
      %dma_start3A_68 = arith.constant 0 : i32
      %dma_start3A_69 = tpu.memref_slice %arg8[%dma_start3A_67, %dma_start3A_68] : memref<16x32xi32, #tpu.memory_space<vmem>> -> memref<1x32xi32, #tpu.memory_space<vmem>>
      %dma_start3A_70 = tpu.memref_squeeze %dma_start3A_69 : memref<1x32xi32, #tpu.memory_space<vmem>> -> memref<32xi32, #tpu.memory_space<vmem>>
      %dma_start3A_71 = arith.constant 0 : i32
      %dma_start3A_72 = arith.constant 0 : i32
      %dma_start3A_73 = tpu.memref_slice %arg14[%dma_start3A_71, %dma_start3A_72] : memref<10112x128xf32, #tpu.memory_space<vmem_shared>> -> memref<10112x128xf32, #tpu.memory_space<vmem_shared>>
      tpu.enqueue_indirect_dma source(%arg11 : memref<32x128xf32, #tpu.memory_space<vmem>>) target(%dma_start3A_73 : memref<10112x128xf32, #tpu.memory_space<vmem_shared>>) offsets(%dma_start3A_70 : memref<32xi32, #tpu.memory_space<vmem>>) semaphore(%arg17 : memref<!tpu.dma_semaphore, #tpu.memory_space<semaphore_mem>>) {add = true}
      %dma_start3A_74 = arith.constant 0 : i32
      %dma_start3A_75 = arith.constant 0 : i32
      %dma_start3A_76 = tpu.memref_slice %arg7[%dma_start3A_74, %dma_start3A_75] : memref<16x32xi32, #tpu.memory_space<vmem>> -> memref<1x32xi32, #tpu.memory_space<vmem>>
      %dma_start3A_77 = tpu.memref_squeeze %dma_start3A_76 : memref<1x32xi32, #tpu.memory_space<vmem>> -> memref<32xi32, #tpu.memory_space<vmem>>
      %dma_start3A_78 = arith.constant 0 : i32
      %dma_start3A_79 = arith.constant 0 : i32
      %dma_start3A_80 = tpu.memref_slice %arg14[%dma_start3A_78, %dma_start3A_79] : memref<10112x128xf32, #tpu.memory_space<vmem_shared>> -> memref<10112x128xf32, #tpu.memory_space<vmem_shared>>
      tpu.enqueue_indirect_dma source(%arg13 : memref<32x128xf32, #tpu.memory_space<vmem>>) target(%dma_start3A_80 : memref<10112x128xf32, #tpu.memory_space<vmem_shared>>) offsets(%dma_start3A_77 : memref<32xi32, #tpu.memory_space<vmem>>) semaphore(%arg19 : memref<!tpu.dma_semaphore, #tpu.memory_space<semaphore_mem>>) {add = true}
      %add3A_81 = arith.constant 1 : i32
      %add3A_82 = arith.addi %add3A_34, %add3A_81 : i32
      %add3A_83 = arith.constant 1 : i32
      %add3A_84 = arith.addi %add3A_82, %add3A_83 : i32
      %dma_start3A_85 = arith.constant 0 : i32
      %dma_start3A_86 = arith.constant 0 : i32
      %dma_start3A_87 = tpu.memref_slice %arg4[%add3A_84, %dma_start3A_85, %dma_start3A_86] : memref<10240x32x16xf32, #tpu.memory_space<hbm>> -> memref<1x32x16xf32, #tpu.memory_space<hbm>>
      %dma_start3A_88 = tpu.memref_squeeze %dma_start3A_87 : memref<1x32x16xf32, #tpu.memory_space<hbm>> -> memref<32x16xf32, #tpu.memory_space<hbm>>
      %dma_start3A_89 = arith.constant 0 : i32
      %dma_start3A_90 = arith.constant 0 : i32
      %dma_start3A_91 = tpu.memref_slice %arg4[%add3A_84, %dma_start3A_89, %dma_start3A_90] : memref<10240x32x16xf32, #tpu.memory_space<hbm>> -> memref<1x32x16xf32, #tpu.memory_space<hbm>>
      %dma_start3A_92 = tpu.memref_squeeze %dma_start3A_91 : memref<1x32x16xf32, #tpu.memory_space<hbm>> -> memref<32x16xf32, #tpu.memory_space<hbm>>
      tpu.enqueue_dma source(%dma_start3A_92 : memref<32x16xf32, #tpu.memory_space<hbm>>) target(%arg9 : memref<32x16xf32, #tpu.memory_space<vmem>>) target_semaphore(%arg15 : memref<!tpu.dma_semaphore, #tpu.memory_space<semaphore_mem>>)
      %dma_wait3A_93 = arith.constant 0 : i32
      %dma_wait3A_94 = arith.constant 0 : i32
      %dma_wait3A_95 = tpu.memref_slice %arg4[%add3A_45, %dma_wait3A_93, %dma_wait3A_94] : memref<10240x32x16xf32, #tpu.memory_space<hbm>> -> memref<1x32x16xf32, #tpu.memory_space<hbm>>
      %dma_wait3A_96 = tpu.memref_squeeze %dma_wait3A_95 : memref<1x32x16xf32, #tpu.memory_space<hbm>> -> memref<32x16xf32, #tpu.memory_space<hbm>>
      %dma_wait3A_97 = arith.constant 0 : i32
      %dma_wait3A_98 = arith.constant 0 : i32
      %dma_wait3A_99 = tpu.memref_slice %arg4[%add3A_45, %dma_wait3A_97, %dma_wait3A_98] : memref<10240x32x16xf32, #tpu.memory_space<hbm>> -> memref<1x32x16xf32, #tpu.memory_space<hbm>>
      %dma_wait3A_100 = tpu.memref_squeeze %dma_wait3A_99 : memref<1x32x16xf32, #tpu.memory_space<hbm>> -> memref<32x16xf32, #tpu.memory_space<hbm>>
      tpu.wait_dma2 semaphore(%arg16 : memref<!tpu.dma_semaphore, #tpu.memory_space<semaphore_mem>>) src(%dma_wait3A_100 : memref<32x16xf32, #tpu.memory_space<hbm>>) dst(%arg10 : memref<32x16xf32, #tpu.memory_space<vmem>>)
      %scan3A_101 = arith.constant 0 : i32
      %scan3A_102 = arith.constant 0 : i32
      %scan3A_103 = arith.constant 4 : i32
      %scan3A_104 = arith.addi %scan3A_102, %scan3A_103 : i32
      %scan3A_105 = arith.constant 1 : i32
      scf.for %scan3A_893 = %scan3A_102 to %scan3A_104 step %scan3A_105  : i32 {
        %mul3A_894 = arith.constant 8 : i32
        %mul3A_895 = arith.muli %scan3A_893, %mul3A_894 : i32
        %add3A_896 = arith.constant 0 : i32
        %add3A_897 = arith.addi %mul3A_895, %add3A_896 : i32
        %get3A = arith.index_cast %add3A_897 : i32 to index
        %get3A_898 = arith.constant 0 : index
        %get3A_899 = tpu.vector_load %arg10[%get3A, %get3A_898] {strides = array<i32>} : memref<32x16xf32, #tpu.memory_space<vmem>>, vector<1x16xf32>,
        %get3A_900 = vector.shape_cast %get3A_899 : vector<1x16xf32> to vector<16xf32>
        %mul3A_901 = arith.constant 8 : i32
        %mul3A_902 = arith.muli %scan3A_893, %mul3A_901 : i32
        %add3A_903 = arith.constant 0 : i32
        %add3A_904 = arith.addi %mul3A_902, %add3A_903 : i32
        %swap3A = arith.index_cast %add3A_904 : i32 to index
        %swap3A_905 = arith.constant 0 : index
        %swap3A_906 = tpu.vector_load %arg12[%swap3A, %swap3A_905] {strides = array<i32>} : memref<32x128xf32, #tpu.memory_space<vmem>>, vector<1x16xf32>,
        %swap3A_907 = vector.shape_cast %swap3A_906 : vector<1x16xf32> to vector<16xf32>
        %swap3A_908 = vector.shape_cast %get3A_900 : vector<16xf32> to vector<1x16xf32>
        tpu.vector_store %arg12[%swap3A, %swap3A_905], %swap3A_908 {strides = array<i32>} : memref<32x128xf32, #tpu.memory_space<vmem>>, vector<1x16xf32>,
        %mul3A_909 = arith.constant 8 : i32
        %mul3A_910 = arith.muli %scan3A_893, %mul3A_909 : i32
        %add3A_911 = arith.constant 1 : i32
        %add3A_912 = arith.addi %mul3A_910, %add3A_911 : i32
        %get3A_913 = arith.index_cast %add3A_912 : i32 to index
        %get3A_914 = arith.constant 0 : index
        %get3A_915 = tpu.vector_load %arg10[%get3A_913, %get3A_914] {strides = array<i32>} : memref<32x16xf32, #tpu.memory_space<vmem>>, vector<1x16xf32>,
        %get3A_916 = vector.shape_cast %get3A_915 : vector<1x16xf32> to vector<16xf32>
        %mul3A_917 = arith.constant 8 : i32
        %mul3A_918 = arith.muli %scan3A_893, %mul3A_917 : i32
        %add3A_919 = arith.constant 1 : i32
        %add3A_920 = arith.addi %mul3A_918, %add3A_919 : i32
        %swap3A_921 = arith.index_cast %add3A_920 : i32 to index
        %swap3A_922 = arith.constant 0 : index
        %swap3A_923 = tpu.vector_load %arg12[%swap3A_921, %swap3A_922] {strides = array<i32>} : memref<32x128xf32, #tpu.memory_space<vmem>>, vector<1x16xf32>,
        %swap3A_924 = vector.shape_cast %swap3A_923 : vector<1x16xf32> to vector<16xf32>
        %swap3A_925 = vector.shape_cast %get3A_916 : vector<16xf32> to vector<1x16xf32>
        tpu.vector_store %arg12[%swap3A_921, %swap3A_922], %swap3A_925 {strides = array<i32>} : memref<32x128xf32, #tpu.memory_space<vmem>>, vector<1x16xf32>,
        %mul3A_926 = arith.constant 8 : i32
        %mul3A_927 = arith.muli %scan3A_893, %mul3A_926 : i32
        %add3A_928 = arith.constant 2 : i32
        %add3A_929 = arith.addi %mul3A_927, %add3A_928 : i32
        %get3A_930 = arith.index_cast %add3A_929 : i32 to index
        %get3A_931 = arith.constant 0 : index
        %get3A_932 = tpu.vector_load %arg10[%get3A_930, %get3A_931] {strides = array<i32>} : memref<32x16xf32, #tpu.memory_space<vmem>>, vector<1x16xf32>,
        %get3A_933 = vector.shape_cast %get3A_932 : vector<1x16xf32> to vector<16xf32>
        %mul3A_934 = arith.constant 8 : i32
        %mul3A_935 = arith.muli %scan3A_893, %mul3A_934 : i32
        %add3A_936 = arith.constant 2 : i32
        %add3A_937 = arith.addi %mul3A_935, %add3A_936 : i32
        %swap3A_938 = arith.index_cast %add3A_937 : i32 to index
        %swap3A_939 = arith.constant 0 : index
        %swap3A_940 = tpu.vector_load %arg12[%swap3A_938, %swap3A_939] {strides = array<i32>} : memref<32x128xf32, #tpu.memory_space<vmem>>, vector<1x16xf32>,
        %swap3A_941 = vector.shape_cast %swap3A_940 : vector<1x16xf32> to vector<16xf32>
        %swap3A_942 = vector.shape_cast %get3A_933 : vector<16xf32> to vector<1x16xf32>
        tpu.vector_store %arg12[%swap3A_938, %swap3A_939], %swap3A_942 {strides = array<i32>} : memref<32x128xf32, #tpu.memory_space<vmem>>, vector<1x16xf32>,
        %mul3A_943 = arith.constant 8 : i32
        %mul3A_944 = arith.muli %scan3A_893, %mul3A_943 : i32
        %add3A_945 = arith.constant 3 : i32
        %add3A_946 = arith.addi %mul3A_944, %add3A_945 : i32
        %get3A_947 = arith.index_cast %add3A_946 : i32 to index
        %get3A_948 = arith.constant 0 : index
        %get3A_949 = tpu.vector_load %arg10[%get3A_947, %get3A_948] {strides = array<i32>} : memref<32x16xf32, #tpu.memory_space<vmem>>, vector<1x16xf32>,
        %get3A_950 = vector.shape_cast %get3A_949 : vector<1x16xf32> to vector<16xf32>
        %mul3A_951 = arith.constant 8 : i32
        %mul3A_952 = arith.muli %scan3A_893, %mul3A_951 : i32
        %add3A_953 = arith.constant 3 : i32
        %add3A_954 = arith.addi %mul3A_952, %add3A_953 : i32
        %swap3A_955 = arith.index_cast %add3A_954 : i32 to index
        %swap3A_956 = arith.constant 0 : index
        %swap3A_957 = tpu.vector_load %arg12[%swap3A_955, %swap3A_956] {strides = array<i32>} : memref<32x128xf32, #tpu.memory_space<vmem>>, vector<1x16xf32>,
        %swap3A_958 = vector.shape_cast %swap3A_957 : vector<1x16xf32> to vector<16xf32>
        %swap3A_959 = vector.shape_cast %get3A_950 : vector<16xf32> to vector<1x16xf32>
        tpu.vector_store %arg12[%swap3A_955, %swap3A_956], %swap3A_959 {strides = array<i32>} : memref<32x128xf32, #tpu.memory_space<vmem>>, vector<1x16xf32>,
        %mul3A_960 = arith.constant 8 : i32
        %mul3A_961 = arith.muli %scan3A_893, %mul3A_960 : i32
        %add3A_962 = arith.constant 4 : i32
        %add3A_963 = arith.addi %mul3A_961, %add3A_962 : i32
        %get3A_964 = arith.index_cast %add3A_963 : i32 to index
        %get3A_965 = arith.constant 0 : index
        %get3A_966 = tpu.vector_load %arg10[%get3A_964, %get3A_965] {strides = array<i32>} : memref<32x16xf32, #tpu.memory_space<vmem>>, vector<1x16xf32>,
        %get3A_967 = vector.shape_cast %get3A_966 : vector<1x16xf32> to vector<16xf32>
        %mul3A_968 = arith.constant 8 : i32
        %mul3A_969 = arith.muli %scan3A_893, %mul3A_968 : i32
        %add3A_970 = arith.constant 4 : i32
        %add3A_971 = arith.addi %mul3A_969, %add3A_970 : i32
        %swap3A_972 = arith.index_cast %add3A_971 : i32 to index
        %swap3A_973 = arith.constant 0 : index
        %swap3A_974 = tpu.vector_load %arg12[%swap3A_972, %swap3A_973] {strides = array<i32>} : memref<32x128xf32, #tpu.memory_space<vmem>>, vector<1x16xf32>,
        %swap3A_975 = vector.shape_cast %swap3A_974 : vector<1x16xf32> to vector<16xf32>
        %swap3A_976 = vector.shape_cast %get3A_967 : vector<16xf32> to vector<1x16xf32>
        tpu.vector_store %arg12[%swap3A_972, %swap3A_973], %swap3A_976 {strides = array<i32>} : memref<32x128xf32, #tpu.memory_space<vmem>>, vector<1x16xf32>,
        %mul3A_977 = arith.constant 8 : i32
        %mul3A_978 = arith.muli %scan3A_893, %mul3A_977 : i32
        %add3A_979 = arith.constant 5 : i32
        %add3A_980 = arith.addi %mul3A_978, %add3A_979 : i32
        %get3A_981 = arith.index_cast %add3A_980 : i32 to index
        %get3A_982 = arith.constant 0 : index
        %get3A_983 = tpu.vector_load %arg10[%get3A_981, %get3A_982] {strides = array<i32>} : memref<32x16xf32, #tpu.memory_space<vmem>>, vector<1x16xf32>,
        %get3A_984 = vector.shape_cast %get3A_983 : vector<1x16xf32> to vector<16xf32>
        %mul3A_985 = arith.constant 8 : i32
        %mul3A_986 = arith.muli %scan3A_893, %mul3A_985 : i32
        %add3A_987 = arith.constant 5 : i32
        %add3A_988 = arith.addi %mul3A_986, %add3A_987 : i32
        %swap3A_989 = arith.index_cast %add3A_988 : i32 to index
        %swap3A_990 = arith.constant 0 : index
        %swap3A_991 = tpu.vector_load %arg12[%swap3A_989, %swap3A_990] {strides = array<i32>} : memref<32x128xf32, #tpu.memory_space<vmem>>, vector<1x16xf32>,
        %swap3A_992 = vector.shape_cast %swap3A_991 : vector<1x16xf32> to vector<16xf32>
        %swap3A_993 = vector.shape_cast %get3A_984 : vector<16xf32> to vector<1x16xf32>
        tpu.vector_store %arg12[%swap3A_989, %swap3A_990], %swap3A_993 {strides = array<i32>} : memref<32x128xf32, #tpu.memory_space<vmem>>, vector<1x16xf32>,
        %mul3A_994 = arith.constant 8 : i32
        %mul3A_995 = arith.muli %scan3A_893, %mul3A_994 : i32
        %add3A_996 = arith.constant 6 : i32
        %add3A_997 = arith.addi %mul3A_995, %add3A_996 : i32
        %get3A_998 = arith.index_cast %add3A_997 : i32 to index
        %get3A_999 = arith.constant 0 : index
        %get3A_1000 = tpu.vector_load %arg10[%get3A_998, %get3A_999] {strides = array<i32>} : memref<32x16xf32, #tpu.memory_space<vmem>>, vector<1x16xf32>,
        %get3A_1001 = vector.shape_cast %get3A_1000 : vector<1x16xf32> to vector<16xf32>
        %mul3A_1002 = arith.constant 8 : i32
        %mul3A_1003 = arith.muli %scan3A_893, %mul3A_1002 : i32
        %add3A_1004 = arith.constant 6 : i32
        %add3A_1005 = arith.addi %mul3A_1003, %add3A_1004 : i32
        %swap3A_1006 = arith.index_cast %add3A_1005 : i32 to index
        %swap3A_1007 = arith.constant 0 : index
        %swap3A_1008 = tpu.vector_load %arg12[%swap3A_1006, %swap3A_1007] {strides = array<i32>} : memref<32x128xf32, #tpu.memory_space<vmem>>, vector<1x16xf32>,
        %swap3A_1009 = vector.shape_cast %swap3A_1008 : vector<1x16xf32> to vector<16xf32>
        %swap3A_1010 = vector.shape_cast %get3A_1001 : vector<16xf32> to vector<1x16xf32>
        tpu.vector_store %arg12[%swap3A_1006, %swap3A_1007], %swap3A_1010 {strides = array<i32>} : memref<32x128xf32, #tpu.memory_space<vmem>>, vector<1x16xf32>,
        %mul3A_1011 = arith.constant 8 : i32
        %mul3A_1012 = arith.muli %scan3A_893, %mul3A_1011 : i32
        %add3A_1013 = arith.constant 7 : i32
        %add3A_1014 = arith.addi %mul3A_1012, %add3A_1013 : i32
        %get3A_1015 = arith.index_cast %add3A_1014 : i32 to index
        %get3A_1016 = arith.constant 0 : index
        %get3A_1017 = tpu.vector_load %arg10[%get3A_1015, %get3A_1016] {strides = array<i32>} : memref<32x16xf32, #tpu.memory_space<vmem>>, vector<1x16xf32>,
        %get3A_1018 = vector.shape_cast %get3A_1017 : vector<1x16xf32> to vector<16xf32>
        %mul3A_1019 = arith.constant 8 : i32
        %mul3A_1020 = arith.muli %scan3A_893, %mul3A_1019 : i32
        %add3A_1021 = arith.constant 7 : i32
        %add3A_1022 = arith.addi %mul3A_1020, %add3A_1021 : i32
        %swap3A_1023 = arith.index_cast %add3A_1022 : i32 to index
        %swap3A_1024 = arith.constant 0 : index
        %swap3A_1025 = tpu.vector_load %arg12[%swap3A_1023, %swap3A_1024] {strides = array<i32>} : memref<32x128xf32, #tpu.memory_space<vmem>>, vector<1x16xf32>,
        %swap3A_1026 = vector.shape_cast %swap3A_1025 : vector<1x16xf32> to vector<16xf32>
        %swap3A_1027 = vector.shape_cast %get3A_1018 : vector<16xf32> to vector<1x16xf32>
        tpu.vector_store %arg12[%swap3A_1023, %swap3A_1024], %swap3A_1027 {strides = array<i32>} : memref<32x128xf32, #tpu.memory_space<vmem>>, vector<1x16xf32>,
      }
      %scan3A_106 = arith.constant 4 : i32
      %dma_start3A_107 = arith.constant 1 : i32
      %dma_start3A_108 = arith.constant 0 : i32
      %dma_start3A_109 = tpu.memref_slice %arg8[%dma_start3A_107, %dma_start3A_108] : memref<16x32xi32, #tpu.memory_space<vmem>> -> memref<1x32xi32, #tpu.memory_space<vmem>>
      %dma_start3A_110 = tpu.memref_squeeze %dma_start3A_109 : memref<1x32xi32, #tpu.memory_space<vmem>> -> memref<32xi32, #tpu.memory_space<vmem>>
      %dma_start3A_111 = arith.constant 0 : i32
      %dma_start3A_112 = arith.constant 0 : i32
      %dma_start3A_113 = tpu.memref_slice %arg14[%dma_start3A_111, %dma_start3A_112] : memref<10112x128xf32, #tpu.memory_space<vmem_shared>> -> memref<10112x128xf32, #tpu.memory_space<vmem_shared>>
      tpu.enqueue_indirect_dma source(%arg12 : memref<32x128xf32, #tpu.memory_space<vmem>>) target(%dma_start3A_113 : memref<10112x128xf32, #tpu.memory_space<vmem_shared>>) offsets(%dma_start3A_110 : memref<32xi32, #tpu.memory_space<vmem>>) semaphore(%arg18 : memref<!tpu.dma_semaphore, #tpu.memory_space<semaphore_mem>>) {add = true}
      %dma_start3A_114 = arith.constant 1 : i32
      %dma_start3A_115 = arith.constant 0 : i32
      %dma_start3A_116 = tpu.memref_slice %arg7[%dma_start3A_114, %dma_start3A_115] : memref<16x32xi32, #tpu.memory_space<vmem>> -> memref<1x32xi32, #tpu.memory_space<vmem>>
      %dma_start3A_117 = tpu.memref_squeeze %dma_start3A_116 : memref<1x32xi32, #tpu.memory_space<vmem>> -> memref<32xi32, #tpu.memory_space<vmem>>
      %dma_start3A_118 = arith.constant 0 : i32
      %dma_start3A_119 = arith.constant 0 : i32
      %dma_start3A_120 = tpu.memref_slice %arg14[%dma_start3A_118, %dma_start3A_119] : memref<10112x128xf32, #tpu.memory_space<vmem_shared>> -> memref<10112x128xf32, #tpu.memory_space<vmem_shared>>
      tpu.enqueue_indirect_dma source(%arg13 : memref<32x128xf32, #tpu.memory_space<vmem>>) target(%dma_start3A_120 : memref<10112x128xf32, #tpu.memory_space<vmem_shared>>) offsets(%dma_start3A_117 : memref<32xi32, #tpu.memory_space<vmem>>) semaphore(%arg19 : memref<!tpu.dma_semaphore, #tpu.memory_space<semaphore_mem>>) {add = true}
      %dma_wait3A_121 = arith.constant 0 : i32
      %dma_wait3A_122 = arith.constant 0 : i32
      %dma_wait3A_123 = tpu.memref_slice %arg7[%dma_wait3A_121, %dma_wait3A_122] : memref<16x32xi32, #tpu.memory_space<vmem>> -> memref<1x32xi32, #tpu.memory_space<vmem>>
      %dma_wait3A_124 = tpu.memref_squeeze %dma_wait3A_123 : memref<1x32xi32, #tpu.memory_space<vmem>> -> memref<32xi32, #tpu.memory_space<vmem>>
      %dma_wait3A_125 = arith.constant 0 : i32
      %dma_wait3A_126 = arith.constant 0 : i32
      %dma_wait3A_127 = tpu.memref_slice %arg14[%dma_wait3A_125, %dma_wait3A_126] : memref<10112x128xf32, #tpu.memory_space<vmem_shared>> -> memref<10112x128xf32, #tpu.memory_space<vmem_shared>>
      tpu.wait_indirect_dma semaphore(%arg19 : memref<!tpu.dma_semaphore, #tpu.memory_space<semaphore_mem>>) src(%arg13 : memref<32x128xf32, #tpu.memory_space<vmem>>) dst(%dma_wait3A_127 : memref<10112x128xf32, #tpu.memory_space<vmem_shared>>)
      %add3A_128 = arith.constant 2 : i32
      %add3A_129 = arith.addi %add3A_34, %add3A_128 : i32
      %add3A_130 = arith.constant 1 : i32
      %add3A_131 = arith.addi %add3A_129, %add3A_130 : i32
      %dma_start3A_132 = arith.constant 0 : i32
      %dma_start3A_133 = arith.constant 0 : i32
      %dma_start3A_134 = tpu.memref_slice %arg4[%add3A_131, %dma_start3A_132, %dma_start3A_133] : memref<10240x32x16xf32, #tpu.memory_space<hbm>> -> memref<1x32x16xf32, #tpu.memory_space<hbm>>
      %dma_start3A_135 = tpu.memref_squeeze %dma_start3A_134 : memref<1x32x16xf32, #tpu.memory_space<hbm>> -> memref<32x16xf32, #tpu.memory_space<hbm>>
      %dma_start3A_136 = arith.constant 0 : i32
      %dma_start3A_137 = arith.constant 0 : i32
      %dma_start3A_138 = tpu.memref_slice %arg4[%add3A_131, %dma_start3A_136, %dma_start3A_137] : memref<10240x32x16xf32, #tpu.memory_space<hbm>> -> memref<1x32x16xf32, #tpu.memory_space<hbm>>
      %dma_start3A_139 = tpu.memref_squeeze %dma_start3A_138 : memref<1x32x16xf32, #tpu.memory_space<hbm>> -> memref<32x16xf32, #tpu.memory_space<hbm>>
      tpu.enqueue_dma source(%dma_start3A_139 : memref<32x16xf32, #tpu.memory_space<hbm>>) target(%arg10 : memref<32x16xf32, #tpu.memory_space<vmem>>) target_semaphore(%arg16 : memref<!tpu.dma_semaphore, #tpu.memory_space<semaphore_mem>>)
      %dma_wait3A_140 = arith.constant 0 : i32
      %dma_wait3A_141 = arith.constant 0 : i32
      %dma_wait3A_142 = tpu.memref_slice %arg8[%dma_wait3A_140, %dma_wait3A_141] : memref<16x32xi32, #tpu.memory_space<vmem>> -> memref<1x32xi32, #tpu.memory_space<vmem>>
      %dma_wait3A_143 = tpu.memref_squeeze %dma_wait3A_142 : memref<1x32xi32, #tpu.memory_space<vmem>> -> memref<32xi32, #tpu.memory_space<vmem>>
      %dma_wait3A_144 = arith.constant 0 : i32
      %dma_wait3A_145 = arith.constant 0 : i32
      %dma_wait3A_146 = tpu.memref_slice %arg14[%dma_wait3A_144, %dma_wait3A_145] : memref<10112x128xf32, #tpu.memory_space<vmem_shared>> -> memref<10112x128xf32, #tpu.memory_space<vmem_shared>>
      tpu.wait_indirect_dma semaphore(%arg17 : memref<!tpu.dma_semaphore, #tpu.memory_space<semaphore_mem>>) src(%arg11 : memref<32x128xf32, #tpu.memory_space<vmem>>) dst(%dma_wait3A_146 : memref<10112x128xf32, #tpu.memory_space<vmem_shared>>)
      %dma_wait3A_147 = arith.constant 0 : i32
      %dma_wait3A_148 = arith.constant 0 : i32
      %dma_wait3A_149 = tpu.memref_slice %arg4[%add3A_84, %dma_wait3A_147, %dma_wait3A_148] : memref<10240x32x16xf32, #tpu.memory_space<hbm>> -> memref<1x32x16xf32, #tpu.memory_space<hbm>>
      %dma_wait3A_150 = tpu.memref_squeeze %dma_wait3A_149 : memref<1x32x16xf32, #tpu.memory_space<hbm>> -> memref<32x16xf32, #tpu.memory_space<hbm>>
      %dma_wait3A_151 = arith.constant 0 : i32
      %dma_wait3A_152 = arith.constant 0 : i32
      %dma_wait3A_153 = tpu.memref_slice %arg4[%add3A_84, %dma_wait3A_151, %dma_wait3A_152] : memref<10240x32x16xf32, #tpu.memory_space<hbm>> -> memref<1x32x16xf32, #tpu.memory_space<hbm>>
      %dma_wait3A_154 = tpu.memref_squeeze %dma_wait3A_153 : memref<1x32x16xf32, #tpu.memory_space<hbm>> -> memref<32x16xf32, #tpu.memory_space<hbm>>
      tpu.wait_dma2 semaphore(%arg15 : memref<!tpu.dma_semaphore, #tpu.memory_space<semaphore_mem>>) src(%dma_wait3A_154 : memref<32x16xf32, #tpu.memory_space<hbm>>) dst(%arg9 : memref<32x16xf32, #tpu.memory_space<vmem>>)
      %scan3A_155 = arith.constant 0 : i32
      %scan3A_156 = arith.constant 0 : i32
      %scan3A_157 = arith.constant 4 : i32
      %scan3A_158 = arith.addi %scan3A_156, %scan3A_157 : i32
      %scan3A_159 = arith.constant 1 : i32
      scf.for %scan3A_893 = %scan3A_156 to %scan3A_158 step %scan3A_159  : i32 {
        %mul3A_894 = arith.constant 8 : i32
        %mul3A_895 = arith.muli %scan3A_893, %mul3A_894 : i32
        %add3A_896 = arith.constant 0 : i32
        %add3A_897 = arith.addi %mul3A_895, %add3A_896 : i32
        %get3A = arith.index_cast %add3A_897 : i32 to index
        %get3A_898 = arith.constant 0 : index
        %get3A_899 = tpu.vector_load %arg9[%get3A, %get3A_898] {strides = array<i32>} : memref<32x16xf32, #tpu.memory_space<vmem>>, vector<1x16xf32>,
        %get3A_900 = vector.shape_cast %get3A_899 : vector<1x16xf32> to vector<16xf32>
        %mul3A_901 = arith.constant 8 : i32
        %mul3A_902 = arith.muli %scan3A_893, %mul3A_901 : i32
        %add3A_903 = arith.constant 0 : i32
        %add3A_904 = arith.addi %mul3A_902, %add3A_903 : i32
        %swap3A = arith.index_cast %add3A_904 : i32 to index
        %swap3A_905 = arith.constant 0 : index
        %swap3A_906 = tpu.vector_load %arg11[%swap3A, %swap3A_905] {strides = array<i32>} : memref<32x128xf32, #tpu.memory_space<vmem>>, vector<1x16xf32>,
        %swap3A_907 = vector.shape_cast %swap3A_906 : vector<1x16xf32> to vector<16xf32>
        %swap3A_908 = vector.shape_cast %get3A_900 : vector<16xf32> to vector<1x16xf32>
        tpu.vector_store %arg11[%swap3A, %swap3A_905], %swap3A_908 {strides = array<i32>} : memref<32x128xf32, #tpu.memory_space<vmem>>, vector<1x16xf32>,
        %mul3A_909 = arith.constant 8 : i32
        %mul3A_910 = arith.muli %scan3A_893, %mul3A_909 : i32
        %add3A_911 = arith.constant 1 : i32
        %add3A_912 = arith.addi %mul3A_910, %add3A_911 : i32
        %get3A_913 = arith.index_cast %add3A_912 : i32 to index
        %get3A_914 = arith.constant 0 : index
        %get3A_915 = tpu.vector_load %arg9[%get3A_913, %get3A_914] {strides = array<i32>} : memref<32x16xf32, #tpu.memory_space<vmem>>, vector<1x16xf32>,
        %get3A_916 = vector.shape_cast %get3A_915 : vector<1x16xf32> to vector<16xf32>
        %mul3A_917 = arith.constant 8 : i32
        %mul3A_918 = arith.muli %scan3A_893, %mul3A_917 : i32
        %add3A_919 = arith.constant 1 : i32
        %add3A_920 = arith.addi %mul3A_918, %add3A_919 : i32
        %swap3A_921 = arith.index_cast %add3A_920 : i32 to index
        %swap3A_922 = arith.constant 0 : index
        %swap3A_923 = tpu.vector_load %arg11[%swap3A_921, %swap3A_922] {strides = array<i32>} : memref<32x128xf32, #tpu.memory_space<vmem>>, vector<1x16xf32>,
        %swap3A_924 = vector.shape_cast %swap3A_923 : vector<1x16xf32> to vector<16xf32>
        %swap3A_925 = vector.shape_cast %get3A_916 : vector<16xf32> to vector<1x16xf32>
        tpu.vector_store %arg11[%swap3A_921, %swap3A_922], %swap3A_925 {strides = array<i32>} : memref<32x128xf32, #tpu.memory_space<vmem>>, vector<1x16xf32>,
        %mul3A_926 = arith.constant 8 : i32
        %mul3A_927 = arith.muli %scan3A_893, %mul3A_926 : i32
        %add3A_928 = arith.constant 2 : i32
        %add3A_929 = arith.addi %mul3A_927, %add3A_928 : i32
        %get3A_930 = arith.index_cast %add3A_929 : i32 to index
        %get3A_931 = arith.constant 0 : index
        %get3A_932 = tpu.vector_load %arg9[%get3A_930, %get3A_931] {strides = array<i32>} : memref<32x16xf32, #tpu.memory_space<vmem>>, vector<1x16xf32>,
        %get3A_933 = vector.shape_cast %get3A_932 : vector<1x16xf32> to vector<16xf32>
        %mul3A_934 = arith.constant 8 : i32
        %mul3A_935 = arith.muli %scan3A_893, %mul3A_934 : i32
        %add3A_936 = arith.constant 2 : i32
        %add3A_937 = arith.addi %mul3A_935, %add3A_936 : i32
        %swap3A_938 = arith.index_cast %add3A_937 : i32 to index
        %swap3A_939 = arith.constant 0 : index
        %swap3A_940 = tpu.vector_load %arg11[%swap3A_938, %swap3A_939] {strides = array<i32>} : memref<32x128xf32, #tpu.memory_space<vmem>>, vector<1x16xf32>,
        %swap3A_941 = vector.shape_cast %swap3A_940 : vector<1x16xf32> to vector<16xf32>
        %swap3A_942 = vector.shape_cast %get3A_933 : vector<16xf32> to vector<1x16xf32>
        tpu.vector_store %arg11[%swap3A_938, %swap3A_939], %swap3A_942 {strides = array<i32>} : memref<32x128xf32, #tpu.memory_space<vmem>>, vector<1x16xf32>,
        %mul3A_943 = arith.constant 8 : i32
        %mul3A_944 = arith.muli %scan3A_893, %mul3A_943 : i32
        %add3A_945 = arith.constant 3 : i32
        %add3A_946 = arith.addi %mul3A_944, %add3A_945 : i32
        %get3A_947 = arith.index_cast %add3A_946 : i32 to index
        %get3A_948 = arith.constant 0 : index
        %get3A_949 = tpu.vector_load %arg9[%get3A_947, %get3A_948] {strides = array<i32>} : memref<32x16xf32, #tpu.memory_space<vmem>>, vector<1x16xf32>,
        %get3A_950 = vector.shape_cast %get3A_949 : vector<1x16xf32> to vector<16xf32>
        %mul3A_951 = arith.constant 8 : i32
        %mul3A_952 = arith.muli %scan3A_893, %mul3A_951 : i32
        %add3A_953 = arith.constant 3 : i32
        %add3A_954 = arith.addi %mul3A_952, %add3A_953 : i32
        %swap3A_955 = arith.index_cast %add3A_954 : i32 to index
        %swap3A_956 = arith.constant 0 : index
        %swap3A_957 = tpu.vector_load %arg11[%swap3A_955, %swap3A_956] {strides = array<i32>} : memref<32x128xf32, #tpu.memory_space<vmem>>, vector<1x16xf32>,
        %swap3A_958 = vector.shape_cast %swap3A_957 : vector<1x16xf32> to vector<16xf32>
        %swap3A_959 = vector.shape_cast %get3A_950 : vector<16xf32> to vector<1x16xf32>
        tpu.vector_store %arg11[%swap3A_955, %swap3A_956], %swap3A_959 {strides = array<i32>} : memref<32x128xf32, #tpu.memory_space<vmem>>, vector<1x16xf32>,
        %mul3A_960 = arith.constant 8 : i32
        %mul3A_961 = arith.muli %scan3A_893, %mul3A_960 : i32
        %add3A_962 = arith.constant 4 : i32
        %add3A_963 = arith.addi %mul3A_961, %add3A_962 : i32
        %get3A_964 = arith.index_cast %add3A_963 : i32 to index
        %get3A_965 = arith.constant 0 : index
        %get3A_966 = tpu.vector_load %arg9[%get3A_964, %get3A_965] {strides = array<i32>} : memref<32x16xf32, #tpu.memory_space<vmem>>, vector<1x16xf32>,
        %get3A_967 = vector.shape_cast %get3A_966 : vector<1x16xf32> to vector<16xf32>
        %mul3A_968 = arith.constant 8 : i32
        %mul3A_969 = arith.muli %scan3A_893, %mul3A_968 : i32
        %add3A_970 = arith.constant 4 : i32
        %add3A_971 = arith.addi %mul3A_969, %add3A_970 : i32
        %swap3A_972 = arith.index_cast %add3A_971 : i32 to index
        %swap3A_973 = arith.constant 0 : index
        %swap3A_974 = tpu.vector_load %arg11[%swap3A_972, %swap3A_973] {strides = array<i32>} : memref<32x128xf32, #tpu.memory_space<vmem>>, vector<1x16xf32>,
        %swap3A_975 = vector.shape_cast %swap3A_974 : vector<1x16xf32> to vector<16xf32>
        %swap3A_976 = vector.shape_cast %get3A_967 : vector<16xf32> to vector<1x16xf32>
        tpu.vector_store %arg11[%swap3A_972, %swap3A_973], %swap3A_976 {strides = array<i32>} : memref<32x128xf32, #tpu.memory_space<vmem>>, vector<1x16xf32>,
        %mul3A_977 = arith.constant 8 : i32
        %mul3A_978 = arith.muli %scan3A_893, %mul3A_977 : i32
        %add3A_979 = arith.constant 5 : i32
        %add3A_980 = arith.addi %mul3A_978, %add3A_979 : i32
        %get3A_981 = arith.index_cast %add3A_980 : i32 to index
        %get3A_982 = arith.constant 0 : index
        %get3A_983 = tpu.vector_load %arg9[%get3A_981, %get3A_982] {strides = array<i32>} : memref<32x16xf32, #tpu.memory_space<vmem>>, vector<1x16xf32>,
        %get3A_984 = vector.shape_cast %get3A_983 : vector<1x16xf32> to vector<16xf32>
        %mul3A_985 = arith.constant 8 : i32
        %mul3A_986 = arith.muli %scan3A_893, %mul3A_985 : i32
        %add3A_987 = arith.constant 5 : i32
        %add3A_988 = arith.addi %mul3A_986, %add3A_987 : i32
        %swap3A_989 = arith.index_cast %add3A_988 : i32 to index
        %swap3A_990 = arith.constant 0 : index
        %swap3A_991 = tpu.vector_load %arg11[%swap3A_989, %swap3A_990] {strides = array<i32>} : memref<32x128xf32, #tpu.memory_space<vmem>>, vector<1x16xf32>,
        %swap3A_992 = vector.shape_cast %swap3A_991 : vector<1x16xf32> to vector<16xf32>
        %swap3A_993 = vector.shape_cast %get3A_984 : vector<16xf32> to vector<1x16xf32>
        tpu.vector_store %arg11[%swap3A_989, %swap3A_990], %swap3A_993 {strides = array<i32>} : memref<32x128xf32, #tpu.memory_space<vmem>>, vector<1x16xf32>,
        %mul3A_994 = arith.constant 8 : i32
        %mul3A_995 = arith.muli %scan3A_893, %mul3A_994 : i32
        %add3A_996 = arith.constant 6 : i32
        %add3A_997 = arith.addi %mul3A_995, %add3A_996 : i32
        %get3A_998 = arith.index_cast %add3A_997 : i32 to index
        %get3A_999 = arith.constant 0 : index
        %get3A_1000 = tpu.vector_load %arg9[%get3A_998, %get3A_999] {strides = array<i32>} : memref<32x16xf32, #tpu.memory_space<vmem>>, vector<1x16xf32>,
        %get3A_1001 = vector.shape_cast %get3A_1000 : vector<1x16xf32> to vector<16xf32>
        %mul3A_1002 = arith.constant 8 : i32
        %mul3A_1003 = arith.muli %scan3A_893, %mul3A_1002 : i32
        %add3A_1004 = arith.constant 6 : i32
        %add3A_1005 = arith.addi %mul3A_1003, %add3A_1004 : i32
        %swap3A_1006 = arith.index_cast %add3A_1005 : i32 to index
        %swap3A_1007 = arith.constant 0 : index
        %swap3A_1008 = tpu.vector_load %arg11[%swap3A_1006, %swap3A_1007] {strides = array<i32>} : memref<32x128xf32, #tpu.memory_space<vmem>>, vector<1x16xf32>,
        %swap3A_1009 = vector.shape_cast %swap3A_1008 : vector<1x16xf32> to vector<16xf32>
        %swap3A_1010 = vector.shape_cast %get3A_1001 : vector<16xf32> to vector<1x16xf32>
        tpu.vector_store %arg11[%swap3A_1006, %swap3A_1007], %swap3A_1010 {strides = array<i32>} : memref<32x128xf32, #tpu.memory_space<vmem>>, vector<1x16xf32>,
        %mul3A_1011 = arith.constant 8 : i32
        %mul3A_1012 = arith.muli %scan3A_893, %mul3A_1011 : i32
        %add3A_1013 = arith.constant 7 : i32
        %add3A_1014 = arith.addi %mul3A_1012, %add3A_1013 : i32
        %get3A_1015 = arith.index_cast %add3A_1014 : i32 to index
        %get3A_1016 = arith.constant 0 : index
        %get3A_1017 = tpu.vector_load %arg9[%get3A_1015, %get3A_1016] {strides = array<i32>} : memref<32x16xf32, #tpu.memory_space<vmem>>, vector<1x16xf32>,
        %get3A_1018 = vector.shape_cast %get3A_1017 : vector<1x16xf32> to vector<16xf32>
        %mul3A_1019 = arith.constant 8 : i32
        %mul3A_1020 = arith.muli %scan3A_893, %mul3A_1019 : i32
        %add3A_1021 = arith.constant 7 : i32
        %add3A_1022 = arith.addi %mul3A_1020, %add3A_1021 : i32
        %swap3A_1023 = arith.index_cast %add3A_1022 : i32 to index
        %swap3A_1024 = arith.constant 0 : index
        %swap3A_1025 = tpu.vector_load %arg11[%swap3A_1023, %swap3A_1024] {strides = array<i32>} : memref<32x128xf32, #tpu.memory_space<vmem>>, vector<1x16xf32>,
        %swap3A_1026 = vector.shape_cast %swap3A_1025 : vector<1x16xf32> to vector<16xf32>
        %swap3A_1027 = vector.shape_cast %get3A_1018 : vector<16xf32> to vector<1x16xf32>
        tpu.vector_store %arg11[%swap3A_1023, %swap3A_1024], %swap3A_1027 {strides = array<i32>} : memref<32x128xf32, #tpu.memory_space<vmem>>, vector<1x16xf32>,
      }
      %scan3A_160 = arith.constant 4 : i32
      %dma_start3A_161 = arith.constant 2 : i32
      %dma_start3A_162 = arith.constant 0 : i32
      %dma_start3A_163 = tpu.memref_slice %arg8[%dma_start3A_161, %dma_start3A_162] : memref<16x32xi32, #tpu.memory_space<vmem>> -> memref<1x32xi32, #tpu.memory_space<vmem>>
      %dma_start3A_164 = tpu.memref_squeeze %dma_start3A_163 : memref<1x32xi32, #tpu.memory_space<vmem>> -> memref<32xi32, #tpu.memory_space<vmem>>
      %dma_start3A_165 = arith.constant 0 : i32
      %dma_start3A_166 = arith.constant 0 : i32
      %dma_start3A_167 = tpu.memref_slice %arg14[%dma_start3A_165, %dma_start3A_166] : memref<10112x128xf32, #tpu.memory_space<vmem_shared>> -> memref<10112x128xf32, #tpu.memory_space<vmem_shared>>
      tpu.enqueue_indirect_dma source(%arg11 : memref<32x128xf32, #tpu.memory_space<vmem>>) target(%dma_start3A_167 : memref<10112x128xf32, #tpu.memory_space<vmem_shared>>) offsets(%dma_start3A_164 : memref<32xi32, #tpu.memory_space<vmem>>) semaphore(%arg17 : memref<!tpu.dma_semaphore, #tpu.memory_space<semaphore_mem>>) {add = true}
      %dma_start3A_168 = arith.constant 2 : i32
      %dma_start3A_169 = arith.constant 0 : i32
      %dma_start3A_170 = tpu.memref_slice %arg7[%dma_start3A_168, %dma_start3A_169] : memref<16x32xi32, #tpu.memory_space<vmem>> -> memref<1x32xi32, #tpu.memory_space<vmem>>
      %dma_start3A_171 = tpu.memref_squeeze %dma_start3A_170 : memref<1x32xi32, #tpu.memory_space<vmem>> -> memref<32xi32, #tpu.memory_space<vmem>>
      %dma_start3A_172 = arith.constant 0 : i32
      %dma_start3A_173 = arith.constant 0 : i32
      %dma_start3A_174 = tpu.memref_slice %arg14[%dma_start3A_172, %dma_start3A_173] : memref<10112x128xf32, #tpu.memory_space<vmem_shared>> -> memref<10112x128xf32, #tpu.memory_space<vmem_shared>>
      tpu.enqueue_indirect_dma source(%arg13 : memref<32x128xf32, #tpu.memory_space<vmem>>) target(%dma_start3A_174 : memref<10112x128xf32, #tpu.memory_space<vmem_shared>>) offsets(%dma_start3A_171 : memref<32xi32, #tpu.memory_space<vmem>>) semaphore(%arg19 : memref<!tpu.dma_semaphore, #tpu.memory_space<semaphore_mem>>) {add = true}
      %dma_wait3A_175 = arith.constant 1 : i32
      %dma_wait3A_176 = arith.constant 0 : i32
      %dma_wait3A_177 = tpu.memref_slice %arg7[%dma_wait3A_175, %dma_wait3A_176] : memref<16x32xi32, #tpu.memory_space<vmem>> -> memref<1x32xi32, #tpu.memory_space<vmem>>
      %dma_wait3A_178 = tpu.memref_squeeze %dma_wait3A_177 : memref<1x32xi32, #tpu.memory_space<vmem>> -> memref<32xi32, #tpu.memory_space<vmem>>
      %dma_wait3A_179 = arith.constant 0 : i32
      %dma_wait3A_180 = arith.constant 0 : i32
      %dma_wait3A_181 = tpu.memref_slice %arg14[%dma_wait3A_179, %dma_wait3A_180] : memref<10112x128xf32, #tpu.memory_space<vmem_shared>> -> memref<10112x128xf32, #tpu.memory_space<vmem_shared>>
      tpu.wait_indirect_dma semaphore(%arg19 : memref<!tpu.dma_semaphore, #tpu.memory_space<semaphore_mem>>) src(%arg13 : memref<32x128xf32, #tpu.memory_space<vmem>>) dst(%dma_wait3A_181 : memref<10112x128xf32, #tpu.memory_space<vmem_shared>>)
      %add3A_182 = arith.constant 3 : i32
      %add3A_183 = arith.addi %add3A_34, %add3A_182 : i32
      %add3A_184 = arith.constant 1 : i32
      %add3A_185 = arith.addi %add3A_183, %add3A_184 : i32
      %dma_start3A_186 = arith.constant 0 : i32
      %dma_start3A_187 = arith.constant 0 : i32
      %dma_start3A_188 = tpu.memref_slice %arg4[%add3A_185, %dma_start3A_186, %dma_start3A_187] : memref<10240x32x16xf32, #tpu.memory_space<hbm>> -> memref<1x32x16xf32, #tpu.memory_space<hbm>>
      %dma_start3A_189 = tpu.memref_squeeze %dma_start3A_188 : memref<1x32x16xf32, #tpu.memory_space<hbm>> -> memref<32x16xf32, #tpu.memory_space<hbm>>
      %dma_start3A_190 = arith.constant 0 : i32
      %dma_start3A_191 = arith.constant 0 : i32
      %dma_start3A_192 = tpu.memref_slice %arg4[%add3A_185, %dma_start3A_190, %dma_start3A_191] : memref<10240x32x16xf32, #tpu.memory_space<hbm>> -> memref<1x32x16xf32, #tpu.memory_space<hbm>>
      %dma_start3A_193 = tpu.memref_squeeze %dma_start3A_192 : memref<1x32x16xf32, #tpu.memory_space<hbm>> -> memref<32x16xf32, #tpu.memory_space<hbm>>
      tpu.enqueue_dma source(%dma_start3A_193 : memref<32x16xf32, #tpu.memory_space<hbm>>) target(%arg9 : memref<32x16xf32, #tpu.memory_space<vmem>>) target_semaphore(%arg15 : memref<!tpu.dma_semaphore, #tpu.memory_space<semaphore_mem>>)
      %dma_wait3A_194 = arith.constant 1 : i32
      %dma_wait3A_195 = arith.constant 0 : i32
      %dma_wait3A_196 = tpu.memref_slice %arg8[%dma_wait3A_194, %dma_wait3A_195] : memref<16x32xi32, #tpu.memory_space<vmem>> -> memref<1x32xi32, #tpu.memory_space<vmem>>
      %dma_wait3A_197 = tpu.memref_squeeze %dma_wait3A_196 : memref<1x32xi32, #tpu.memory_space<vmem>> -> memref<32xi32, #tpu.memory_space<vmem>>
      %dma_wait3A_198 = arith.constant 0 : i32
      %dma_wait3A_199 = arith.constant 0 : i32
      %dma_wait3A_200 = tpu.memref_slice %arg14[%dma_wait3A_198, %dma_wait3A_199] : memref<10112x128xf32, #tpu.memory_space<vmem_shared>> -> memref<10112x128xf32, #tpu.memory_space<vmem_shared>>
      tpu.wait_indirect_dma semaphore(%arg18 : memref<!tpu.dma_semaphore, #tpu.memory_space<semaphore_mem>>) src(%arg12 : memref<32x128xf32, #tpu.memory_space<vmem>>) dst(%dma_wait3A_200 : memref<10112x128xf32, #tpu.memory_space<vmem_shared>>)
      %dma_wait3A_201 = arith.constant 0 : i32
      %dma_wait3A_202 = arith.constant 0 : i32
      %dma_wait3A_203 = tpu.memref_slice %arg4[%add3A_131, %dma_wait3A_201, %dma_wait3A_202] : memref<10240x32x16xf32, #tpu.memory_space<hbm>> -> memref<1x32x16xf32, #tpu.memory_space<hbm>>
      %dma_wait3A_204 = tpu.memref_squeeze %dma_wait3A_203 : memref<1x32x16xf32, #tpu.memory_space<hbm>> -> memref<32x16xf32, #tpu.memory_space<hbm>>
      %dma_wait3A_205 = arith.constant 0 : i32
      %dma_wait3A_206 = arith.constant 0 : i32
      %dma_wait3A_207 = tpu.memref_slice %arg4[%add3A_131, %dma_wait3A_205, %dma_wait3A_206] : memref<10240x32x16xf32, #tpu.memory_space<hbm>> -> memref<1x32x16xf32, #tpu.memory_space<hbm>>
      %dma_wait3A_208 = tpu.memref_squeeze %dma_wait3A_207 : memref<1x32x16xf32, #tpu.memory_space<hbm>> -> memref<32x16xf32, #tpu.memory_space<hbm>>
      tpu.wait_dma2 semaphore(%arg16 : memref<!tpu.dma_semaphore, #tpu.memory_space<semaphore_mem>>) src(%dma_wait3A_208 : memref<32x16xf32, #tpu.memory_space<hbm>>) dst(%arg10 : memref<32x16xf32, #tpu.memory_space<vmem>>)
      %scan3A_209 = arith.constant 0 : i32
      %scan3A_210 = arith.constant 0 : i32
      %scan3A_211 = arith.constant 4 : i32
      %scan3A_212 = arith.addi %scan3A_210, %scan3A_211 : i32
      %scan3A_213 = arith.constant 1 : i32
      scf.for %scan3A_893 = %scan3A_210 to %scan3A_212 step %scan3A_213  : i32 {
        %mul3A_894 = arith.constant 8 : i32
        %mul3A_895 = arith.muli %scan3A_893, %mul3A_894 : i32
        %add3A_896 = arith.constant 0 : i32
        %add3A_897 = arith.addi %mul3A_895, %add3A_896 : i32
        %get3A = arith.index_cast %add3A_897 : i32 to index
        %get3A_898 = arith.constant 0 : index
        %get3A_899 = tpu.vector_load %arg10[%get3A, %get3A_898] {strides = array<i32>} : memref<32x16xf32, #tpu.memory_space<vmem>>, vector<1x16xf32>,
        %get3A_900 = vector.shape_cast %get3A_899 : vector<1x16xf32> to vector<16xf32>
        %mul3A_901 = arith.constant 8 : i32
        %mul3A_902 = arith.muli %scan3A_893, %mul3A_901 : i32
        %add3A_903 = arith.constant 0 : i32
        %add3A_904 = arith.addi %mul3A_902, %add3A_903 : i32
        %swap3A = arith.index_cast %add3A_904 : i32 to index
        %swap3A_905 = arith.constant 0 : index
        %swap3A_906 = tpu.vector_load %arg12[%swap3A, %swap3A_905] {strides = array<i32>} : memref<32x128xf32, #tpu.memory_space<vmem>>, vector<1x16xf32>,
        %swap3A_907 = vector.shape_cast %swap3A_906 : vector<1x16xf32> to vector<16xf32>
        %swap3A_908 = vector.shape_cast %get3A_900 : vector<16xf32> to vector<1x16xf32>
        tpu.vector_store %arg12[%swap3A, %swap3A_905], %swap3A_908 {strides = array<i32>} : memref<32x128xf32, #tpu.memory_space<vmem>>, vector<1x16xf32>,
        %mul3A_909 = arith.constant 8 : i32
        %mul3A_910 = arith.muli %scan3A_893, %mul3A_909 : i32
        %add3A_911 = arith.constant 1 : i32
        %add3A_912 = arith.addi %mul3A_910, %add3A_911 : i32
        %get3A_913 = arith.index_cast %add3A_912 : i32 to index
        %get3A_914 = arith.constant 0 : index
        %get3A_915 = tpu.vector_load %arg10[%get3A_913, %get3A_914] {strides = array<i32>} : memref<32x16xf32, #tpu.memory_space<vmem>>, vector<1x16xf32>,
        %get3A_916 = vector.shape_cast %get3A_915 : vector<1x16xf32> to vector<16xf32>
        %mul3A_917 = arith.constant 8 : i32
        %mul3A_918 = arith.muli %scan3A_893, %mul3A_917 : i32
        %add3A_919 = arith.constant 1 : i32
        %add3A_920 = arith.addi %mul3A_918, %add3A_919 : i32
        %swap3A_921 = arith.index_cast %add3A_920 : i32 to index
        %swap3A_922 = arith.constant 0 : index
        %swap3A_923 = tpu.vector_load %arg12[%swap3A_921, %swap3A_922] {strides = array<i32>} : memref<32x128xf32, #tpu.memory_space<vmem>>, vector<1x16xf32>,
        %swap3A_924 = vector.shape_cast %swap3A_923 : vector<1x16xf32> to vector<16xf32>
        %swap3A_925 = vector.shape_cast %get3A_916 : vector<16xf32> to vector<1x16xf32>
        tpu.vector_store %arg12[%swap3A_921, %swap3A_922], %swap3A_925 {strides = array<i32>} : memref<32x128xf32, #tpu.memory_space<vmem>>, vector<1x16xf32>,
        %mul3A_926 = arith.constant 8 : i32
        %mul3A_927 = arith.muli %scan3A_893, %mul3A_926 : i32
        %add3A_928 = arith.constant 2 : i32
        %add3A_929 = arith.addi %mul3A_927, %add3A_928 : i32
        %get3A_930 = arith.index_cast %add3A_929 : i32 to index
        %get3A_931 = arith.constant 0 : index
        %get3A_932 = tpu.vector_load %arg10[%get3A_930, %get3A_931] {strides = array<i32>} : memref<32x16xf32, #tpu.memory_space<vmem>>, vector<1x16xf32>,
        %get3A_933 = vector.shape_cast %get3A_932 : vector<1x16xf32> to vector<16xf32>
        %mul3A_934 = arith.constant 8 : i32
        %mul3A_935 = arith.muli %scan3A_893, %mul3A_934 : i32
        %add3A_936 = arith.constant 2 : i32
        %add3A_937 = arith.addi %mul3A_935, %add3A_936 : i32
        %swap3A_938 = arith.index_cast %add3A_937 : i32 to index
        %swap3A_939 = arith.constant 0 : index
        %swap3A_940 = tpu.vector_load %arg12[%swap3A_938, %swap3A_939] {strides = array<i32>} : memref<32x128xf32, #tpu.memory_space<vmem>>, vector<1x16xf32>,
        %swap3A_941 = vector.shape_cast %swap3A_940 : vector<1x16xf32> to vector<16xf32>
        %swap3A_942 = vector.shape_cast %get3A_933 : vector<16xf32> to vector<1x16xf32>
        tpu.vector_store %arg12[%swap3A_938, %swap3A_939], %swap3A_942 {strides = array<i32>} : memref<32x128xf32, #tpu.memory_space<vmem>>, vector<1x16xf32>,
        %mul3A_943 = arith.constant 8 : i32
        %mul3A_944 = arith.muli %scan3A_893, %mul3A_943 : i32
        %add3A_945 = arith.constant 3 : i32
        %add3A_946 = arith.addi %mul3A_944, %add3A_945 : i32
        %get3A_947 = arith.index_cast %add3A_946 : i32 to index
        %get3A_948 = arith.constant 0 : index
        %get3A_949 = tpu.vector_load %arg10[%get3A_947, %get3A_948] {strides = array<i32>} : memref<32x16xf32, #tpu.memory_space<vmem>>, vector<1x16xf32>,
        %get3A_950 = vector.shape_cast %get3A_949 : vector<1x16xf32> to vector<16xf32>
        %mul3A_951 = arith.constant 8 : i32
        %mul3A_952 = arith.muli %scan3A_893, %mul3A_951 : i32
        %add3A_953 = arith.constant 3 : i32
        %add3A_954 = arith.addi %mul3A_952, %add3A_953 : i32
        %swap3A_955 = arith.index_cast %add3A_954 : i32 to index
        %swap3A_956 = arith.constant 0 : index
        %swap3A_957 = tpu.vector_load %arg12[%swap3A_955, %swap3A_956] {strides = array<i32>} : memref<32x128xf32, #tpu.memory_space<vmem>>, vector<1x16xf32>,
        %swap3A_958 = vector.shape_cast %swap3A_957 : vector<1x16xf32> to vector<16xf32>
        %swap3A_959 = vector.shape_cast %get3A_950 : vector<16xf32> to vector<1x16xf32>
        tpu.vector_store %arg12[%swap3A_955, %swap3A_956], %swap3A_959 {strides = array<i32>} : memref<32x128xf32, #tpu.memory_space<vmem>>, vector<1x16xf32>,
        %mul3A_960 = arith.constant 8 : i32
        %mul3A_961 = arith.muli %scan3A_893, %mul3A_960 : i32
        %add3A_962 = arith.constant 4 : i32
        %add3A_963 = arith.addi %mul3A_961, %add3A_962 : i32
        %get3A_964 = arith.index_cast %add3A_963 : i32 to index
        %get3A_965 = arith.constant 0 : index
        %get3A_966 = tpu.vector_load %arg10[%get3A_964, %get3A_965] {strides = array<i32>} : memref<32x16xf32, #tpu.memory_space<vmem>>, vector<1x16xf32>,
        %get3A_967 = vector.shape_cast %get3A_966 : vector<1x16xf32> to vector<16xf32>
        %mul3A_968 = arith.constant 8 : i32
        %mul3A_969 = arith.muli %scan3A_893, %mul3A_968 : i32
        %add3A_970 = arith.constant 4 : i32
        %add3A_971 = arith.addi %mul3A_969, %add3A_970 : i32
        %swap3A_972 = arith.index_cast %add3A_971 : i32 to index
        %swap3A_973 = arith.constant 0 : index
        %swap3A_974 = tpu.vector_load %arg12[%swap3A_972, %swap3A_973] {strides = array<i32>} : memref<32x128xf32, #tpu.memory_space<vmem>>, vector<1x16xf32>,
        %swap3A_975 = vector.shape_cast %swap3A_974 : vector<1x16xf32> to vector<16xf32>
        %swap3A_976 = vector.shape_cast %get3A_967 : vector<16xf32> to vector<1x16xf32>
        tpu.vector_store %arg12[%swap3A_972, %swap3A_973], %swap3A_976 {strides = array<i32>} : memref<32x128xf32, #tpu.memory_space<vmem>>, vector<1x16xf32>,
        %mul3A_977 = arith.constant 8 : i32
        %mul3A_978 = arith.muli %scan3A_893, %mul3A_977 : i32
        %add3A_979 = arith.constant 5 : i32
        %add3A_980 = arith.addi %mul3A_978, %add3A_979 : i32
        %get3A_981 = arith.index_cast %add3A_980 : i32 to index
        %get3A_982 = arith.constant 0 : index
        %get3A_983 = tpu.vector_load %arg10[%get3A_981, %get3A_982] {strides = array<i32>} : memref<32x16xf32, #tpu.memory_space<vmem>>, vector<1x16xf32>,
        %get3A_984 = vector.shape_cast %get3A_983 : vector<1x16xf32> to vector<16xf32>
        %mul3A_985 = arith.constant 8 : i32
        %mul3A_986 = arith.muli %scan3A_893, %mul3A_985 : i32
        %add3A_987 = arith.constant 5 : i32
        %add3A_988 = arith.addi %mul3A_986, %add3A_987 : i32
        %swap3A_989 = arith.index_cast %add3A_988 : i32 to index
        %swap3A_990 = arith.constant 0 : index
        %swap3A_991 = tpu.vector_load %arg12[%swap3A_989, %swap3A_990] {strides = array<i32>} : memref<32x128xf32, #tpu.memory_space<vmem>>, vector<1x16xf32>,
        %swap3A_992 = vector.shape_cast %swap3A_991 : vector<1x16xf32> to vector<16xf32>
        %swap3A_993 = vector.shape_cast %get3A_984 : vector<16xf32> to vector<1x16xf32>
        tpu.vector_store %arg12[%swap3A_989, %swap3A_990], %swap3A_993 {strides = array<i32>} : memref<32x128xf32, #tpu.memory_space<vmem>>, vector<1x16xf32>,
        %mul3A_994 = arith.constant 8 : i32
        %mul3A_995 = arith.muli %scan3A_893, %mul3A_994 : i32
        %add3A_996 = arith.constant 6 : i32
        %add3A_997 = arith.addi %mul3A_995, %add3A_996 : i32
        %get3A_998 = arith.index_cast %add3A_997 : i32 to index
        %get3A_999 = arith.constant 0 : index
        %get3A_1000 = tpu.vector_load %arg10[%get3A_998, %get3A_999] {strides = array<i32>} : memref<32x16xf32, #tpu.memory_space<vmem>>, vector<1x16xf32>,
        %get3A_1001 = vector.shape_cast %get3A_1000 : vector<1x16xf32> to vector<16xf32>
        %mul3A_1002 = arith.constant 8 : i32
        %mul3A_1003 = arith.muli %scan3A_893, %mul3A_1002 : i32
        %add3A_1004 = arith.constant 6 : i32
        %add3A_1005 = arith.addi %mul3A_1003, %add3A_1004 : i32
        %swap3A_1006 = arith.index_cast %add3A_1005 : i32 to index
        %swap3A_1007 = arith.constant 0 : index
        %swap3A_1008 = tpu.vector_load %arg12[%swap3A_1006, %swap3A_1007] {strides = array<i32>} : memref<32x128xf32, #tpu.memory_space<vmem>>, vector<1x16xf32>,
        %swap3A_1009 = vector.shape_cast %swap3A_1008 : vector<1x16xf32> to vector<16xf32>
        %swap3A_1010 = vector.shape_cast %get3A_1001 : vector<16xf32> to vector<1x16xf32>
        tpu.vector_store %arg12[%swap3A_1006, %swap3A_1007], %swap3A_1010 {strides = array<i32>} : memref<32x128xf32, #tpu.memory_space<vmem>>, vector<1x16xf32>,
        %mul3A_1011 = arith.constant 8 : i32
        %mul3A_1012 = arith.muli %scan3A_893, %mul3A_1011 : i32
        %add3A_1013 = arith.constant 7 : i32
        %add3A_1014 = arith.addi %mul3A_1012, %add3A_1013 : i32
        %get3A_1015 = arith.index_cast %add3A_1014 : i32 to index
        %get3A_1016 = arith.constant 0 : index
        %get3A_1017 = tpu.vector_load %arg10[%get3A_1015, %get3A_1016] {strides = array<i32>} : memref<32x16xf32, #tpu.memory_space<vmem>>, vector<1x16xf32>,
        %get3A_1018 = vector.shape_cast %get3A_1017 : vector<1x16xf32> to vector<16xf32>
        %mul3A_1019 = arith.constant 8 : i32
        %mul3A_1020 = arith.muli %scan3A_893, %mul3A_1019 : i32
        %add3A_1021 = arith.constant 7 : i32
        %add3A_1022 = arith.addi %mul3A_1020, %add3A_1021 : i32
        %swap3A_1023 = arith.index_cast %add3A_1022 : i32 to index
        %swap3A_1024 = arith.constant 0 : index
        %swap3A_1025 = tpu.vector_load %arg12[%swap3A_1023, %swap3A_1024] {strides = array<i32>} : memref<32x128xf32, #tpu.memory_space<vmem>>, vector<1x16xf32>,
        %swap3A_1026 = vector.shape_cast %swap3A_1025 : vector<1x16xf32> to vector<16xf32>
        %swap3A_1027 = vector.shape_cast %get3A_1018 : vector<16xf32> to vector<1x16xf32>
        tpu.vector_store %arg12[%swap3A_1023, %swap3A_1024], %swap3A_1027 {strides = array<i32>} : memref<32x128xf32, #tpu.memory_space<vmem>>, vector<1x16xf32>,
      }
      %scan3A_214 = arith.constant 4 : i32
      %dma_start3A_215 = arith.constant 3 : i32
      %dma_start3A_216 = arith.constant 0 : i32
      %dma_start3A_217 = tpu.memref_slice %arg8[%dma_start3A_215, %dma_start3A_216] : memref<16x32xi32, #tpu.memory_space<vmem>> -> memref<1x32xi32, #tpu.memory_space<vmem>>
      %dma_start3A_218 = tpu.memref_squeeze %dma_start3A_217 : memref<1x32xi32, #tpu.memory_space<vmem>> -> memref<32xi32, #tpu.memory_space<vmem>>
      %dma_start3A_219 = arith.constant 0 : i32
      %dma_start3A_220 = arith.constant 0 : i32
      %dma_start3A_221 = tpu.memref_slice %arg14[%dma_start3A_219, %dma_start3A_220] : memref<10112x128xf32, #tpu.memory_space<vmem_shared>> -> memref<10112x128xf32, #tpu.memory_space<vmem_shared>>
      tpu.enqueue_indirect_dma source(%arg12 : memref<32x128xf32, #tpu.memory_space<vmem>>) target(%dma_start3A_221 : memref<10112x128xf32, #tpu.memory_space<vmem_shared>>) offsets(%dma_start3A_218 : memref<32xi32, #tpu.memory_space<vmem>>) semaphore(%arg18 : memref<!tpu.dma_semaphore, #tpu.memory_space<semaphore_mem>>) {add = true}
      %dma_start3A_222 = arith.constant 3 : i32
      %dma_start3A_223 = arith.constant 0 : i32
      %dma_start3A_224 = tpu.memref_slice %arg7[%dma_start3A_222, %dma_start3A_223] : memref<16x32xi32, #tpu.memory_space<vmem>> -> memref<1x32xi32, #tpu.memory_space<vmem>>
      %dma_start3A_225 = tpu.memref_squeeze %dma_start3A_224 : memref<1x32xi32, #tpu.memory_space<vmem>> -> memref<32xi32, #tpu.memory_space<vmem>>
      %dma_start3A_226 = arith.constant 0 : i32
      %dma_start3A_227 = arith.constant 0 : i32
      %dma_start3A_228 = tpu.memref_slice %arg14[%dma_start3A_226, %dma_start3A_227] : memref<10112x128xf32, #tpu.memory_space<vmem_shared>> -> memref<10112x128xf32, #tpu.memory_space<vmem_shared>>
      tpu.enqueue_indirect_dma source(%arg13 : memref<32x128xf32, #tpu.memory_space<vmem>>) target(%dma_start3A_228 : memref<10112x128xf32, #tpu.memory_space<vmem_shared>>) offsets(%dma_start3A_225 : memref<32xi32, #tpu.memory_space<vmem>>) semaphore(%arg19 : memref<!tpu.dma_semaphore, #tpu.memory_space<semaphore_mem>>) {add = true}
      %dma_wait3A_229 = arith.constant 2 : i32
      %dma_wait3A_230 = arith.constant 0 : i32
      %dma_wait3A_231 = tpu.memref_slice %arg7[%dma_wait3A_229, %dma_wait3A_230] : memref<16x32xi32, #tpu.memory_space<vmem>> -> memref<1x32xi32, #tpu.memory_space<vmem>>
      %dma_wait3A_232 = tpu.memref_squeeze %dma_wait3A_231 : memref<1x32xi32, #tpu.memory_space<vmem>> -> memref<32xi32, #tpu.memory_space<vmem>>
      %dma_wait3A_233 = arith.constant 0 : i32
      %dma_wait3A_234 = arith.constant 0 : i32
      %dma_wait3A_235 = tpu.memref_slice %arg14[%dma_wait3A_233, %dma_wait3A_234] : memref<10112x128xf32, #tpu.memory_space<vmem_shared>> -> memref<10112x128xf32, #tpu.memory_space<vmem_shared>>
      tpu.wait_indirect_dma semaphore(%arg19 : memref<!tpu.dma_semaphore, #tpu.memory_space<semaphore_mem>>) src(%arg13 : memref<32x128xf32, #tpu.memory_space<vmem>>) dst(%dma_wait3A_235 : memref<10112x128xf32, #tpu.memory_space<vmem_shared>>)
      %add3A_236 = arith.constant 4 : i32
      %add3A_237 = arith.addi %add3A_34, %add3A_236 : i32
      %add3A_238 = arith.constant 1 : i32
      %add3A_239 = arith.addi %add3A_237, %add3A_238 : i32
      %dma_start3A_240 = arith.constant 0 : i32
      %dma_start3A_241 = arith.constant 0 : i32
      %dma_start3A_242 = tpu.memref_slice %arg4[%add3A_239, %dma_start3A_240, %dma_start3A_241] : memref<10240x32x16xf32, #tpu.memory_space<hbm>> -> memref<1x32x16xf32, #tpu.memory_space<hbm>>
      %dma_start3A_243 = tpu.memref_squeeze %dma_start3A_242 : memref<1x32x16xf32, #tpu.memory_space<hbm>> -> memref<32x16xf32, #tpu.memory_space<hbm>>
      %dma_start3A_244 = arith.constant 0 : i32
      %dma_start3A_245 = arith.constant 0 : i32
      %dma_start3A_246 = tpu.memref_slice %arg4[%add3A_239, %dma_start3A_244, %dma_start3A_245] : memref<10240x32x16xf32, #tpu.memory_space<hbm>> -> memref<1x32x16xf32, #tpu.memory_space<hbm>>
      %dma_start3A_247 = tpu.memref_squeeze %dma_start3A_246 : memref<1x32x16xf32, #tpu.memory_space<hbm>> -> memref<32x16xf32, #tpu.memory_space<hbm>>
      tpu.enqueue_dma source(%dma_start3A_247 : memref<32x16xf32, #tpu.memory_space<hbm>>) target(%arg10 : memref<32x16xf32, #tpu.memory_space<vmem>>) target_semaphore(%arg16 : memref<!tpu.dma_semaphore, #tpu.memory_space<semaphore_mem>>)
      %dma_wait3A_248 = arith.constant 2 : i32
      %dma_wait3A_249 = arith.constant 0 : i32
      %dma_wait3A_250 = tpu.memref_slice %arg8[%dma_wait3A_248, %dma_wait3A_249] : memref<16x32xi32, #tpu.memory_space<vmem>> -> memref<1x32xi32, #tpu.memory_space<vmem>>
      %dma_wait3A_251 = tpu.memref_squeeze %dma_wait3A_250 : memref<1x32xi32, #tpu.memory_space<vmem>> -> memref<32xi32, #tpu.memory_space<vmem>>
      %dma_wait3A_252 = arith.constant 0 : i32
      %dma_wait3A_253 = arith.constant 0 : i32
      %dma_wait3A_254 = tpu.memref_slice %arg14[%dma_wait3A_252, %dma_wait3A_253] : memref<10112x128xf32, #tpu.memory_space<vmem_shared>> -> memref<10112x128xf32, #tpu.memory_space<vmem_shared>>
      tpu.wait_indirect_dma semaphore(%arg17 : memref<!tpu.dma_semaphore, #tpu.memory_space<semaphore_mem>>) src(%arg11 : memref<32x128xf32, #tpu.memory_space<vmem>>) dst(%dma_wait3A_254 : memref<10112x128xf32, #tpu.memory_space<vmem_shared>>)
      %dma_wait3A_255 = arith.constant 0 : i32
      %dma_wait3A_256 = arith.constant 0 : i32
      %dma_wait3A_257 = tpu.memref_slice %arg4[%add3A_185, %dma_wait3A_255, %dma_wait3A_256] : memref<10240x32x16xf32, #tpu.memory_space<hbm>> -> memref<1x32x16xf32, #tpu.memory_space<hbm>>
      %dma_wait3A_258 = tpu.memref_squeeze %dma_wait3A_257 : memref<1x32x16xf32, #tpu.memory_space<hbm>> -> memref<32x16xf32, #tpu.memory_space<hbm>>
      %dma_wait3A_259 = arith.constant 0 : i32
      %dma_wait3A_260 = arith.constant 0 : i32
      %dma_wait3A_261 = tpu.memref_slice %arg4[%add3A_185, %dma_wait3A_259, %dma_wait3A_260] : memref<10240x32x16xf32, #tpu.memory_space<hbm>> -> memref<1x32x16xf32, #tpu.memory_space<hbm>>
      %dma_wait3A_262 = tpu.memref_squeeze %dma_wait3A_261 : memref<1x32x16xf32, #tpu.memory_space<hbm>> -> memref<32x16xf32, #tpu.memory_space<hbm>>
      tpu.wait_dma2 semaphore(%arg15 : memref<!tpu.dma_semaphore, #tpu.memory_space<semaphore_mem>>) src(%dma_wait3A_262 : memref<32x16xf32, #tpu.memory_space<hbm>>) dst(%arg9 : memref<32x16xf32, #tpu.memory_space<vmem>>)
      %scan3A_263 = arith.constant 0 : i32
      %scan3A_264 = arith.constant 0 : i32
      %scan3A_265 = arith.constant 4 : i32
      %scan3A_266 = arith.addi %scan3A_264, %scan3A_265 : i32
      %scan3A_267 = arith.constant 1 : i32
      scf.for %scan3A_893 = %scan3A_264 to %scan3A_266 step %scan3A_267  : i32 {
        %mul3A_894 = arith.constant 8 : i32
        %mul3A_895 = arith.muli %scan3A_893, %mul3A_894 : i32
        %add3A_896 = arith.constant 0 : i32
        %add3A_897 = arith.addi %mul3A_895, %add3A_896 : i32
        %get3A = arith.index_cast %add3A_897 : i32 to index
        %get3A_898 = arith.constant 0 : index
        %get3A_899 = tpu.vector_load %arg9[%get3A, %get3A_898] {strides = array<i32>} : memref<32x16xf32, #tpu.memory_space<vmem>>, vector<1x16xf32>,
        %get3A_900 = vector.shape_cast %get3A_899 : vector<1x16xf32> to vector<16xf32>
        %mul3A_901 = arith.constant 8 : i32
        %mul3A_902 = arith.muli %scan3A_893, %mul3A_901 : i32
        %add3A_903 = arith.constant 0 : i32
        %add3A_904 = arith.addi %mul3A_902, %add3A_903 : i32
        %swap3A = arith.index_cast %add3A_904 : i32 to index
        %swap3A_905 = arith.constant 0 : index
        %swap3A_906 = tpu.vector_load %arg11[%swap3A, %swap3A_905] {strides = array<i32>} : memref<32x128xf32, #tpu.memory_space<vmem>>, vector<1x16xf32>,
        %swap3A_907 = vector.shape_cast %swap3A_906 : vector<1x16xf32> to vector<16xf32>
        %swap3A_908 = vector.shape_cast %get3A_900 : vector<16xf32> to vector<1x16xf32>
        tpu.vector_store %arg11[%swap3A, %swap3A_905], %swap3A_908 {strides = array<i32>} : memref<32x128xf32, #tpu.memory_space<vmem>>, vector<1x16xf32>,
        %mul3A_909 = arith.constant 8 : i32
        %mul3A_910 = arith.muli %scan3A_893, %mul3A_909 : i32
        %add3A_911 = arith.constant 1 : i32
        %add3A_912 = arith.addi %mul3A_910, %add3A_911 : i32
        %get3A_913 = arith.index_cast %add3A_912 : i32 to index
        %get3A_914 = arith.constant 0 : index
        %get3A_915 = tpu.vector_load %arg9[%get3A_913, %get3A_914] {strides = array<i32>} : memref<32x16xf32, #tpu.memory_space<vmem>>, vector<1x16xf32>,
        %get3A_916 = vector.shape_cast %get3A_915 : vector<1x16xf32> to vector<16xf32>
        %mul3A_917 = arith.constant 8 : i32
        %mul3A_918 = arith.muli %scan3A_893, %mul3A_917 : i32
        %add3A_919 = arith.constant 1 : i32
        %add3A_920 = arith.addi %mul3A_918, %add3A_919 : i32
        %swap3A_921 = arith.index_cast %add3A_920 : i32 to index
        %swap3A_922 = arith.constant 0 : index
        %swap3A_923 = tpu.vector_load %arg11[%swap3A_921, %swap3A_922] {strides = array<i32>} : memref<32x128xf32, #tpu.memory_space<vmem>>, vector<1x16xf32>,
        %swap3A_924 = vector.shape_cast %swap3A_923 : vector<1x16xf32> to vector<16xf32>
        %swap3A_925 = vector.shape_cast %get3A_916 : vector<16xf32> to vector<1x16xf32>
        tpu.vector_store %arg11[%swap3A_921, %swap3A_922], %swap3A_925 {strides = array<i32>} : memref<32x128xf32, #tpu.memory_space<vmem>>, vector<1x16xf32>,
        %mul3A_926 = arith.constant 8 : i32
        %mul3A_927 = arith.muli %scan3A_893, %mul3A_926 : i32
        %add3A_928 = arith.constant 2 : i32
        %add3A_929 = arith.addi %mul3A_927, %add3A_928 : i32
        %get3A_930 = arith.index_cast %add3A_929 : i32 to index
        %get3A_931 = arith.constant 0 : index
        %get3A_932 = tpu.vector_load %arg9[%get3A_930, %get3A_931] {strides = array<i32>} : memref<32x16xf32, #tpu.memory_space<vmem>>, vector<1x16xf32>,
        %get3A_933 = vector.shape_cast %get3A_932 : vector<1x16xf32> to vector<16xf32>
        %mul3A_934 = arith.constant 8 : i32
        %mul3A_935 = arith.muli %scan3A_893, %mul3A_934 : i32
        %add3A_936 = arith.constant 2 : i32
        %add3A_937 = arith.addi %mul3A_935, %add3A_936 : i32
        %swap3A_938 = arith.index_cast %add3A_937 : i32 to index
        %swap3A_939 = arith.constant 0 : index
        %swap3A_940 = tpu.vector_load %arg11[%swap3A_938, %swap3A_939] {strides = array<i32>} : memref<32x128xf32, #tpu.memory_space<vmem>>, vector<1x16xf32>,
        %swap3A_941 = vector.shape_cast %swap3A_940 : vector<1x16xf32> to vector<16xf32>
        %swap3A_942 = vector.shape_cast %get3A_933 : vector<16xf32> to vector<1x16xf32>
        tpu.vector_store %arg11[%swap3A_938, %swap3A_939], %swap3A_942 {strides = array<i32>} : memref<32x128xf32, #tpu.memory_space<vmem>>, vector<1x16xf32>,
        %mul3A_943 = arith.constant 8 : i32
        %mul3A_944 = arith.muli %scan3A_893, %mul3A_943 : i32
        %add3A_945 = arith.constant 3 : i32
        %add3A_946 = arith.addi %mul3A_944, %add3A_945 : i32
        %get3A_947 = arith.index_cast %add3A_946 : i32 to index
        %get3A_948 = arith.constant 0 : index
        %get3A_949 = tpu.vector_load %arg9[%get3A_947, %get3A_948] {strides = array<i32>} : memref<32x16xf32, #tpu.memory_space<vmem>>, vector<1x16xf32>,
        %get3A_950 = vector.shape_cast %get3A_949 : vector<1x16xf32> to vector<16xf32>
        %mul3A_951 = arith.constant 8 : i32
        %mul3A_952 = arith.muli %scan3A_893, %mul3A_951 : i32
        %add3A_953 = arith.constant 3 : i32
        %add3A_954 = arith.addi %mul3A_952, %add3A_953 : i32
        %swap3A_955 = arith.index_cast %add3A_954 : i32 to index
        %swap3A_956 = arith.constant 0 : index
        %swap3A_957 = tpu.vector_load %arg11[%swap3A_955, %swap3A_956] {strides = array<i32>} : memref<32x128xf32, #tpu.memory_space<vmem>>, vector<1x16xf32>,
        %swap3A_958 = vector.shape_cast %swap3A_957 : vector<1x16xf32> to vector<16xf32>
        %swap3A_959 = vector.shape_cast %get3A_950 : vector<16xf32> to vector<1x16xf32>
        tpu.vector_store %arg11[%swap3A_955, %swap3A_956], %swap3A_959 {strides = array<i32>} : memref<32x128xf32, #tpu.memory_space<vmem>>, vector<1x16xf32>,
        %mul3A_960 = arith.constant 8 : i32
        %mul3A_961 = arith.muli %scan3A_893, %mul3A_960 : i32
        %add3A_962 = arith.constant 4 : i32
        %add3A_963 = arith.addi %mul3A_961, %add3A_962 : i32
        %get3A_964 = arith.index_cast %add3A_963 : i32 to index
        %get3A_965 = arith.constant 0 : index
        %get3A_966 = tpu.vector_load %arg9[%get3A_964, %get3A_965] {strides = array<i32>} : memref<32x16xf32, #tpu.memory_space<vmem>>, vector<1x16xf32>,
        %get3A_967 = vector.shape_cast %get3A_966 : vector<1x16xf32> to vector<16xf32>
        %mul3A_968 = arith.constant 8 : i32
        %mul3A_969 = arith.muli %scan3A_893, %mul3A_968 : i32
        %add3A_970 = arith.constant 4 : i32
        %add3A_971 = arith.addi %mul3A_969, %add3A_970 : i32
        %swap3A_972 = arith.index_cast %add3A_971 : i32 to index
        %swap3A_973 = arith.constant 0 : index
        %swap3A_974 = tpu.vector_load %arg11[%swap3A_972, %swap3A_973] {strides = array<i32>} : memref<32x128xf32, #tpu.memory_space<vmem>>, vector<1x16xf32>,
        %swap3A_975 = vector.shape_cast %swap3A_974 : vector<1x16xf32> to vector<16xf32>
        %swap3A_976 = vector.shape_cast %get3A_967 : vector<16xf32> to vector<1x16xf32>
        tpu.vector_store %arg11[%swap3A_972, %swap3A_973], %swap3A_976 {strides = array<i32>} : memref<32x128xf32, #tpu.memory_space<vmem>>, vector<1x16xf32>,
        %mul3A_977 = arith.constant 8 : i32
        %mul3A_978 = arith.muli %scan3A_893, %mul3A_977 : i32
        %add3A_979 = arith.constant 5 : i32
        %add3A_980 = arith.addi %mul3A_978, %add3A_979 : i32
        %get3A_981 = arith.index_cast %add3A_980 : i32 to index
        %get3A_982 = arith.constant 0 : index
        %get3A_983 = tpu.vector_load %arg9[%get3A_981, %get3A_982] {strides = array<i32>} : memref<32x16xf32, #tpu.memory_space<vmem>>, vector<1x16xf32>,
        %get3A_984 = vector.shape_cast %get3A_983 : vector<1x16xf32> to vector<16xf32>
        %mul3A_985 = arith.constant 8 : i32
        %mul3A_986 = arith.muli %scan3A_893, %mul3A_985 : i32
        %add3A_987 = arith.constant 5 : i32
        %add3A_988 = arith.addi %mul3A_986, %add3A_987 : i32
        %swap3A_989 = arith.index_cast %add3A_988 : i32 to index
        %swap3A_990 = arith.constant 0 : index
        %swap3A_991 = tpu.vector_load %arg11[%swap3A_989, %swap3A_990] {strides = array<i32>} : memref<32x128xf32, #tpu.memory_space<vmem>>, vector<1x16xf32>,
        %swap3A_992 = vector.shape_cast %swap3A_991 : vector<1x16xf32> to vector<16xf32>
        %swap3A_993 = vector.shape_cast %get3A_984 : vector<16xf32> to vector<1x16xf32>
        tpu.vector_store %arg11[%swap3A_989, %swap3A_990], %swap3A_993 {strides = array<i32>} : memref<32x128xf32, #tpu.memory_space<vmem>>, vector<1x16xf32>,
        %mul3A_994 = arith.constant 8 : i32
        %mul3A_995 = arith.muli %scan3A_893, %mul3A_994 : i32
        %add3A_996 = arith.constant 6 : i32
        %add3A_997 = arith.addi %mul3A_995, %add3A_996 : i32
        %get3A_998 = arith.index_cast %add3A_997 : i32 to index
        %get3A_999 = arith.constant 0 : index
        %get3A_1000 = tpu.vector_load %arg9[%get3A_998, %get3A_999] {strides = array<i32>} : memref<32x16xf32, #tpu.memory_space<vmem>>, vector<1x16xf32>,
        %get3A_1001 = vector.shape_cast %get3A_1000 : vector<1x16xf32> to vector<16xf32>
        %mul3A_1002 = arith.constant 8 : i32
        %mul3A_1003 = arith.muli %scan3A_893, %mul3A_1002 : i32
        %add3A_1004 = arith.constant 6 : i32
        %add3A_1005 = arith.addi %mul3A_1003, %add3A_1004 : i32
        %swap3A_1006 = arith.index_cast %add3A_1005 : i32 to index
        %swap3A_1007 = arith.constant 0 : index
        %swap3A_1008 = tpu.vector_load %arg11[%swap3A_1006, %swap3A_1007] {strides = array<i32>} : memref<32x128xf32, #tpu.memory_space<vmem>>, vector<1x16xf32>,
        %swap3A_1009 = vector.shape_cast %swap3A_1008 : vector<1x16xf32> to vector<16xf32>
        %swap3A_1010 = vector.shape_cast %get3A_1001 : vector<16xf32> to vector<1x16xf32>
        tpu.vector_store %arg11[%swap3A_1006, %swap3A_1007], %swap3A_1010 {strides = array<i32>} : memref<32x128xf32, #tpu.memory_space<vmem>>, vector<1x16xf32>,
        %mul3A_1011 = arith.constant 8 : i32
        %mul3A_1012 = arith.muli %scan3A_893, %mul3A_1011 : i32
        %add3A_1013 = arith.constant 7 : i32
        %add3A_1014 = arith.addi %mul3A_1012, %add3A_1013 : i32
        %get3A_1015 = arith.index_cast %add3A_1014 : i32 to index
        %get3A_1016 = arith.constant 0 : index
        %get3A_1017 = tpu.vector_load %arg9[%get3A_1015, %get3A_1016] {strides = array<i32>} : memref<32x16xf32, #tpu.memory_space<vmem>>, vector<1x16xf32>,
        %get3A_1018 = vector.shape_cast %get3A_1017 : vector<1x16xf32> to vector<16xf32>
        %mul3A_1019 = arith.constant 8 : i32
        %mul3A_1020 = arith.muli %scan3A_893, %mul3A_1019 : i32
        %add3A_1021 = arith.constant 7 : i32
        %add3A_1022 = arith.addi %mul3A_1020, %add3A_1021 : i32
        %swap3A_1023 = arith.index_cast %add3A_1022 : i32 to index
        %swap3A_1024 = arith.constant 0 : index
        %swap3A_1025 = tpu.vector_load %arg11[%swap3A_1023, %swap3A_1024] {strides = array<i32>} : memref<32x128xf32, #tpu.memory_space<vmem>>, vector<1x16xf32>,
        %swap3A_1026 = vector.shape_cast %swap3A_1025 : vector<1x16xf32> to vector<16xf32>
        %swap3A_1027 = vector.shape_cast %get3A_1018 : vector<16xf32> to vector<1x16xf32>
        tpu.vector_store %arg11[%swap3A_1023, %swap3A_1024], %swap3A_1027 {strides = array<i32>} : memref<32x128xf32, #tpu.memory_space<vmem>>, vector<1x16xf32>,
      }
      %scan3A_268 = arith.constant 4 : i32
      %dma_start3A_269 = arith.constant 4 : i32
      %dma_start3A_270 = arith.constant 0 : i32
      %dma_start3A_271 = tpu.memref_slice %arg8[%dma_start3A_269, %dma_start3A_270] : memref<16x32xi32, #tpu.memory_space<vmem>> -> memref<1x32xi32, #tpu.memory_space<vmem>>
      %dma_start3A_272 = tpu.memref_squeeze %dma_start3A_271 : memref<1x32xi32, #tpu.memory_space<vmem>> -> memref<32xi32, #tpu.memory_space<vmem>>
      %dma_start3A_273 = arith.constant 0 : i32
      %dma_start3A_274 = arith.constant 0 : i32
      %dma_start3A_275 = tpu.memref_slice %arg14[%dma_start3A_273, %dma_start3A_274] : memref<10112x128xf32, #tpu.memory_space<vmem_shared>> -> memref<10112x128xf32, #tpu.memory_space<vmem_shared>>
      tpu.enqueue_indirect_dma source(%arg11 : memref<32x128xf32, #tpu.memory_space<vmem>>) target(%dma_start3A_275 : memref<10112x128xf32, #tpu.memory_space<vmem_shared>>) offsets(%dma_start3A_272 : memref<32xi32, #tpu.memory_space<vmem>>) semaphore(%arg17 : memref<!tpu.dma_semaphore, #tpu.memory_space<semaphore_mem>>) {add = true}
      %dma_start3A_276 = arith.constant 4 : i32
      %dma_start3A_277 = arith.constant 0 : i32
      %dma_start3A_278 = tpu.memref_slice %arg7[%dma_start3A_276, %dma_start3A_277] : memref<16x32xi32, #tpu.memory_space<vmem>> -> memref<1x32xi32, #tpu.memory_space<vmem>>
      %dma_start3A_279 = tpu.memref_squeeze %dma_start3A_278 : memref<1x32xi32, #tpu.memory_space<vmem>> -> memref<32xi32, #tpu.memory_space<vmem>>
      %dma_start3A_280 = arith.constant 0 : i32
      %dma_start3A_281 = arith.constant 0 : i32
      %dma_start3A_282 = tpu.memref_slice %arg14[%dma_start3A_280, %dma_start3A_281] : memref<10112x128xf32, #tpu.memory_space<vmem_shared>> -> memref<10112x128xf32, #tpu.memory_space<vmem_shared>>
      tpu.enqueue_indirect_dma source(%arg13 : memref<32x128xf32, #tpu.memory_space<vmem>>) target(%dma_start3A_282 : memref<10112x128xf32, #tpu.memory_space<vmem_shared>>) offsets(%dma_start3A_279 : memref<32xi32, #tpu.memory_space<vmem>>) semaphore(%arg19 : memref<!tpu.dma_semaphore, #tpu.memory_space<semaphore_mem>>) {add = true}
      %dma_wait3A_283 = arith.constant 3 : i32
      %dma_wait3A_284 = arith.constant 0 : i32
      %dma_wait3A_285 = tpu.memref_slice %arg7[%dma_wait3A_283, %dma_wait3A_284] : memref<16x32xi32, #tpu.memory_space<vmem>> -> memref<1x32xi32, #tpu.memory_space<vmem>>
      %dma_wait3A_286 = tpu.memref_squeeze %dma_wait3A_285 : memref<1x32xi32, #tpu.memory_space<vmem>> -> memref<32xi32, #tpu.memory_space<vmem>>
      %dma_wait3A_287 = arith.constant 0 : i32
      %dma_wait3A_288 = arith.constant 0 : i32
      %dma_wait3A_289 = tpu.memref_slice %arg14[%dma_wait3A_287, %dma_wait3A_288] : memref<10112x128xf32, #tpu.memory_space<vmem_shared>> -> memref<10112x128xf32, #tpu.memory_space<vmem_shared>>
      tpu.wait_indirect_dma semaphore(%arg19 : memref<!tpu.dma_semaphore, #tpu.memory_space<semaphore_mem>>) src(%arg13 : memref<32x128xf32, #tpu.memory_space<vmem>>) dst(%dma_wait3A_289 : memref<10112x128xf32, #tpu.memory_space<vmem_shared>>)
      %add3A_290 = arith.constant 5 : i32
      %add3A_291 = arith.addi %add3A_34, %add3A_290 : i32
      %add3A_292 = arith.constant 1 : i32
      %add3A_293 = arith.addi %add3A_291, %add3A_292 : i32
      %dma_start3A_294 = arith.constant 0 : i32
      %dma_start3A_295 = arith.constant 0 : i32
      %dma_start3A_296 = tpu.memref_slice %arg4[%add3A_293, %dma_start3A_294, %dma_start3A_295] : memref<10240x32x16xf32, #tpu.memory_space<hbm>> -> memref<1x32x16xf32, #tpu.memory_space<hbm>>
      %dma_start3A_297 = tpu.memref_squeeze %dma_start3A_296 : memref<1x32x16xf32, #tpu.memory_space<hbm>> -> memref<32x16xf32, #tpu.memory_space<hbm>>
      %dma_start3A_298 = arith.constant 0 : i32
      %dma_start3A_299 = arith.constant 0 : i32
      %dma_start3A_300 = tpu.memref_slice %arg4[%add3A_293, %dma_start3A_298, %dma_start3A_299] : memref<10240x32x16xf32, #tpu.memory_space<hbm>> -> memref<1x32x16xf32, #tpu.memory_space<hbm>>
      %dma_start3A_301 = tpu.memref_squeeze %dma_start3A_300 : memref<1x32x16xf32, #tpu.memory_space<hbm>> -> memref<32x16xf32, #tpu.memory_space<hbm>>
      tpu.enqueue_dma source(%dma_start3A_301 : memref<32x16xf32, #tpu.memory_space<hbm>>) target(%arg9 : memref<32x16xf32, #tpu.memory_space<vmem>>) target_semaphore(%arg15 : memref<!tpu.dma_semaphore, #tpu.memory_space<semaphore_mem>>)
      %dma_wait3A_302 = arith.constant 3 : i32
      %dma_wait3A_303 = arith.constant 0 : i32
      %dma_wait3A_304 = tpu.memref_slice %arg8[%dma_wait3A_302, %dma_wait3A_303] : memref<16x32xi32, #tpu.memory_space<vmem>> -> memref<1x32xi32, #tpu.memory_space<vmem>>
      %dma_wait3A_305 = tpu.memref_squeeze %dma_wait3A_304 : memref<1x32xi32, #tpu.memory_space<vmem>> -> memref<32xi32, #tpu.memory_space<vmem>>
      %dma_wait3A_306 = arith.constant 0 : i32
      %dma_wait3A_307 = arith.constant 0 : i32
      %dma_wait3A_308 = tpu.memref_slice %arg14[%dma_wait3A_306, %dma_wait3A_307] : memref<10112x128xf32, #tpu.memory_space<vmem_shared>> -> memref<10112x128xf32, #tpu.memory_space<vmem_shared>>
      tpu.wait_indirect_dma semaphore(%arg18 : memref<!tpu.dma_semaphore, #tpu.memory_space<semaphore_mem>>) src(%arg12 : memref<32x128xf32, #tpu.memory_space<vmem>>) dst(%dma_wait3A_308 : memref<10112x128xf32, #tpu.memory_space<vmem_shared>>)
      %dma_wait3A_309 = arith.constant 0 : i32
      %dma_wait3A_310 = arith.constant 0 : i32
      %dma_wait3A_311 = tpu.memref_slice %arg4[%add3A_239, %dma_wait3A_309, %dma_wait3A_310] : memref<10240x32x16xf32, #tpu.memory_space<hbm>> -> memref<1x32x16xf32, #tpu.memory_space<hbm>>
      %dma_wait3A_312 = tpu.memref_squeeze %dma_wait3A_311 : memref<1x32x16xf32, #tpu.memory_space<hbm>> -> memref<32x16xf32, #tpu.memory_space<hbm>>
      %dma_wait3A_313 = arith.constant 0 : i32
      %dma_wait3A_314 = arith.constant 0 : i32
      %dma_wait3A_315 = tpu.memref_slice %arg4[%add3A_239, %dma_wait3A_313, %dma_wait3A_314] : memref<10240x32x16xf32, #tpu.memory_space<hbm>> -> memref<1x32x16xf32, #tpu.memory_space<hbm>>
      %dma_wait3A_316 = tpu.memref_squeeze %dma_wait3A_315 : memref<1x32x16xf32, #tpu.memory_space<hbm>> -> memref<32x16xf32, #tpu.memory_space<hbm>>
      tpu.wait_dma2 semaphore(%arg16 : memref<!tpu.dma_semaphore, #tpu.memory_space<semaphore_mem>>) src(%dma_wait3A_316 : memref<32x16xf32, #tpu.memory_space<hbm>>) dst(%arg10 : memref<32x16xf32, #tpu.memory_space<vmem>>)
      %scan3A_317 = arith.constant 0 : i32
      %scan3A_318 = arith.constant 0 : i32
      %scan3A_319 = arith.constant 4 : i32
      %scan3A_320 = arith.addi %scan3A_318, %scan3A_319 : i32
      %scan3A_321 = arith.constant 1 : i32
      scf.for %scan3A_893 = %scan3A_318 to %scan3A_320 step %scan3A_321  : i32 {
        %mul3A_894 = arith.constant 8 : i32
        %mul3A_895 = arith.muli %scan3A_893, %mul3A_894 : i32
        %add3A_896 = arith.constant 0 : i32
        %add3A_897 = arith.addi %mul3A_895, %add3A_896 : i32
        %get3A = arith.index_cast %add3A_897 : i32 to index
        %get3A_898 = arith.constant 0 : index
        %get3A_899 = tpu.vector_load %arg10[%get3A, %get3A_898] {strides = array<i32>} : memref<32x16xf32, #tpu.memory_space<vmem>>, vector<1x16xf32>,
        %get3A_900 = vector.shape_cast %get3A_899 : vector<1x16xf32> to vector<16xf32>
        %mul3A_901 = arith.constant 8 : i32
        %mul3A_902 = arith.muli %scan3A_893, %mul3A_901 : i32
        %add3A_903 = arith.constant 0 : i32
        %add3A_904 = arith.addi %mul3A_902, %add3A_903 : i32
        %swap3A = arith.index_cast %add3A_904 : i32 to index
        %swap3A_905 = arith.constant 0 : index
        %swap3A_906 = tpu.vector_load %arg12[%swap3A, %swap3A_905] {strides = array<i32>} : memref<32x128xf32, #tpu.memory_space<vmem>>, vector<1x16xf32>,
        %swap3A_907 = vector.shape_cast %swap3A_906 : vector<1x16xf32> to vector<16xf32>
        %swap3A_908 = vector.shape_cast %get3A_900 : vector<16xf32> to vector<1x16xf32>
        tpu.vector_store %arg12[%swap3A, %swap3A_905], %swap3A_908 {strides = array<i32>} : memref<32x128xf32, #tpu.memory_space<vmem>>, vector<1x16xf32>,
        %mul3A_909 = arith.constant 8 : i32
        %mul3A_910 = arith.muli %scan3A_893, %mul3A_909 : i32
        %add3A_911 = arith.constant 1 : i32
        %add3A_912 = arith.addi %mul3A_910, %add3A_911 : i32
        %get3A_913 = arith.index_cast %add3A_912 : i32 to index
        %get3A_914 = arith.constant 0 : index
        %get3A_915 = tpu.vector_load %arg10[%get3A_913, %get3A_914] {strides = array<i32>} : memref<32x16xf32, #tpu.memory_space<vmem>>, vector<1x16xf32>,
        %get3A_916 = vector.shape_cast %get3A_915 : vector<1x16xf32> to vector<16xf32>
        %mul3A_917 = arith.constant 8 : i32
        %mul3A_918 = arith.muli %scan3A_893, %mul3A_917 : i32
        %add3A_919 = arith.constant 1 : i32
        %add3A_920 = arith.addi %mul3A_918, %add3A_919 : i32
        %swap3A_921 = arith.index_cast %add3A_920 : i32 to index
        %swap3A_922 = arith.constant 0 : index
        %swap3A_923 = tpu.vector_load %arg12[%swap3A_921, %swap3A_922] {strides = array<i32>} : memref<32x128xf32, #tpu.memory_space<vmem>>, vector<1x16xf32>,
        %swap3A_924 = vector.shape_cast %swap3A_923 : vector<1x16xf32> to vector<16xf32>
        %swap3A_925 = vector.shape_cast %get3A_916 : vector<16xf32> to vector<1x16xf32>
        tpu.vector_store %arg12[%swap3A_921, %swap3A_922], %swap3A_925 {strides = array<i32>} : memref<32x128xf32, #tpu.memory_space<vmem>>, vector<1x16xf32>,
        %mul3A_926 = arith.constant 8 : i32
        %mul3A_927 = arith.muli %scan3A_893, %mul3A_926 : i32
        %add3A_928 = arith.constant 2 : i32
        %add3A_929 = arith.addi %mul3A_927, %add3A_928 : i32
        %get3A_930 = arith.index_cast %add3A_929 : i32 to index
        %get3A_931 = arith.constant 0 : index
        %get3A_932 = tpu.vector_load %arg10[%get3A_930, %get3A_931] {strides = array<i32>} : memref<32x16xf32, #tpu.memory_space<vmem>>, vector<1x16xf32>,
        %get3A_933 = vector.shape_cast %get3A_932 : vector<1x16xf32> to vector<16xf32>
        %mul3A_934 = arith.constant 8 : i32
        %mul3A_935 = arith.muli %scan3A_893, %mul3A_934 : i32
        %add3A_936 = arith.constant 2 : i32
        %add3A_937 = arith.addi %mul3A_935, %add3A_936 : i32
        %swap3A_938 = arith.index_cast %add3A_937 : i32 to index
        %swap3A_939 = arith.constant 0 : index
        %swap3A_940 = tpu.vector_load %arg12[%swap3A_938, %swap3A_939] {strides = array<i32>} : memref<32x128xf32, #tpu.memory_space<vmem>>, vector<1x16xf32>,
        %swap3A_941 = vector.shape_cast %swap3A_940 : vector<1x16xf32> to vector<16xf32>
        %swap3A_942 = vector.shape_cast %get3A_933 : vector<16xf32> to vector<1x16xf32>
        tpu.vector_store %arg12[%swap3A_938, %swap3A_939], %swap3A_942 {strides = array<i32>} : memref<32x128xf32, #tpu.memory_space<vmem>>, vector<1x16xf32>,
        %mul3A_943 = arith.constant 8 : i32
        %mul3A_944 = arith.muli %scan3A_893, %mul3A_943 : i32
        %add3A_945 = arith.constant 3 : i32
        %add3A_946 = arith.addi %mul3A_944, %add3A_945 : i32
        %get3A_947 = arith.index_cast %add3A_946 : i32 to index
        %get3A_948 = arith.constant 0 : index
        %get3A_949 = tpu.vector_load %arg10[%get3A_947, %get3A_948] {strides = array<i32>} : memref<32x16xf32, #tpu.memory_space<vmem>>, vector<1x16xf32>,
        %get3A_950 = vector.shape_cast %get3A_949 : vector<1x16xf32> to vector<16xf32>
        %mul3A_951 = arith.constant 8 : i32
        %mul3A_952 = arith.muli %scan3A_893, %mul3A_951 : i32
        %add3A_953 = arith.constant 3 : i32
        %add3A_954 = arith.addi %mul3A_952, %add3A_953 : i32
        %swap3A_955 = arith.index_cast %add3A_954 : i32 to index
        %swap3A_956 = arith.constant 0 : index
        %swap3A_957 = tpu.vector_load %arg12[%swap3A_955, %swap3A_956] {strides = array<i32>} : memref<32x128xf32, #tpu.memory_space<vmem>>, vector<1x16xf32>,
        %swap3A_958 = vector.shape_cast %swap3A_957 : vector<1x16xf32> to vector<16xf32>
        %swap3A_959 = vector.shape_cast %get3A_950 : vector<16xf32> to vector<1x16xf32>
        tpu.vector_store %arg12[%swap3A_955, %swap3A_956], %swap3A_959 {strides = array<i32>} : memref<32x128xf32, #tpu.memory_space<vmem>>, vector<1x16xf32>,
        %mul3A_960 = arith.constant 8 : i32
        %mul3A_961 = arith.muli %scan3A_893, %mul3A_960 : i32
        %add3A_962 = arith.constant 4 : i32
        %add3A_963 = arith.addi %mul3A_961, %add3A_962 : i32
        %get3A_964 = arith.index_cast %add3A_963 : i32 to index
        %get3A_965 = arith.constant 0 : index
        %get3A_966 = tpu.vector_load %arg10[%get3A_964, %get3A_965] {strides = array<i32>} : memref<32x16xf32, #tpu.memory_space<vmem>>, vector<1x16xf32>,
        %get3A_967 = vector.shape_cast %get3A_966 : vector<1x16xf32> to vector<16xf32>
        %mul3A_968 = arith.constant 8 : i32
        %mul3A_969 = arith.muli %scan3A_893, %mul3A_968 : i32
        %add3A_970 = arith.constant 4 : i32
        %add3A_971 = arith.addi %mul3A_969, %add3A_970 : i32
        %swap3A_972 = arith.index_cast %add3A_971 : i32 to index
        %swap3A_973 = arith.constant 0 : index
        %swap3A_974 = tpu.vector_load %arg12[%swap3A_972, %swap3A_973] {strides = array<i32>} : memref<32x128xf32, #tpu.memory_space<vmem>>, vector<1x16xf32>,
        %swap3A_975 = vector.shape_cast %swap3A_974 : vector<1x16xf32> to vector<16xf32>
        %swap3A_976 = vector.shape_cast %get3A_967 : vector<16xf32> to vector<1x16xf32>
        tpu.vector_store %arg12[%swap3A_972, %swap3A_973], %swap3A_976 {strides = array<i32>} : memref<32x128xf32, #tpu.memory_space<vmem>>, vector<1x16xf32>,
        %mul3A_977 = arith.constant 8 : i32
        %mul3A_978 = arith.muli %scan3A_893, %mul3A_977 : i32
        %add3A_979 = arith.constant 5 : i32
        %add3A_980 = arith.addi %mul3A_978, %add3A_979 : i32
        %get3A_981 = arith.index_cast %add3A_980 : i32 to index
        %get3A_982 = arith.constant 0 : index
        %get3A_983 = tpu.vector_load %arg10[%get3A_981, %get3A_982] {strides = array<i32>} : memref<32x16xf32, #tpu.memory_space<vmem>>, vector<1x16xf32>,
        %get3A_984 = vector.shape_cast %get3A_983 : vector<1x16xf32> to vector<16xf32>
        %mul3A_985 = arith.constant 8 : i32
        %mul3A_986 = arith.muli %scan3A_893, %mul3A_985 : i32
        %add3A_987 = arith.constant 5 : i32
        %add3A_988 = arith.addi %mul3A_986, %add3A_987 : i32
        %swap3A_989 = arith.index_cast %add3A_988 : i32 to index
        %swap3A_990 = arith.constant 0 : index
        %swap3A_991 = tpu.vector_load %arg12[%swap3A_989, %swap3A_990] {strides = array<i32>} : memref<32x128xf32, #tpu.memory_space<vmem>>, vector<1x16xf32>,
        %swap3A_992 = vector.shape_cast %swap3A_991 : vector<1x16xf32> to vector<16xf32>
        %swap3A_993 = vector.shape_cast %get3A_984 : vector<16xf32> to vector<1x16xf32>
        tpu.vector_store %arg12[%swap3A_989, %swap3A_990], %swap3A_993 {strides = array<i32>} : memref<32x128xf32, #tpu.memory_space<vmem>>, vector<1x16xf32>,
        %mul3A_994 = arith.constant 8 : i32
        %mul3A_995 = arith.muli %scan3A_893, %mul3A_994 : i32
        %add3A_996 = arith.constant 6 : i32
        %add3A_997 = arith.addi %mul3A_995, %add3A_996 : i32
        %get3A_998 = arith.index_cast %add3A_997 : i32 to index
        %get3A_999 = arith.constant 0 : index
        %get3A_1000 = tpu.vector_load %arg10[%get3A_998, %get3A_999] {strides = array<i32>} : memref<32x16xf32, #tpu.memory_space<vmem>>, vector<1x16xf32>,
        %get3A_1001 = vector.shape_cast %get3A_1000 : vector<1x16xf32> to vector<16xf32>
        %mul3A_1002 = arith.constant 8 : i32
        %mul3A_1003 = arith.muli %scan3A_893, %mul3A_1002 : i32
        %add3A_1004 = arith.constant 6 : i32
        %add3A_1005 = arith.addi %mul3A_1003, %add3A_1004 : i32
        %swap3A_1006 = arith.index_cast %add3A_1005 : i32 to index
        %swap3A_1007 = arith.constant 0 : index
        %swap3A_1008 = tpu.vector_load %arg12[%swap3A_1006, %swap3A_1007] {strides = array<i32>} : memref<32x128xf32, #tpu.memory_space<vmem>>, vector<1x16xf32>,
        %swap3A_1009 = vector.shape_cast %swap3A_1008 : vector<1x16xf32> to vector<16xf32>
        %swap3A_1010 = vector.shape_cast %get3A_1001 : vector<16xf32> to vector<1x16xf32>
        tpu.vector_store %arg12[%swap3A_1006, %swap3A_1007], %swap3A_1010 {strides = array<i32>} : memref<32x128xf32, #tpu.memory_space<vmem>>, vector<1x16xf32>,
        %mul3A_1011 = arith.constant 8 : i32
        %mul3A_1012 = arith.muli %scan3A_893, %mul3A_1011 : i32
        %add3A_1013 = arith.constant 7 : i32
        %add3A_1014 = arith.addi %mul3A_1012, %add3A_1013 : i32
        %get3A_1015 = arith.index_cast %add3A_1014 : i32 to index
        %get3A_1016 = arith.constant 0 : index
        %get3A_1017 = tpu.vector_load %arg10[%get3A_1015, %get3A_1016] {strides = array<i32>} : memref<32x16xf32, #tpu.memory_space<vmem>>, vector<1x16xf32>,
        %get3A_1018 = vector.shape_cast %get3A_1017 : vector<1x16xf32> to vector<16xf32>
        %mul3A_1019 = arith.constant 8 : i32
        %mul3A_1020 = arith.muli %scan3A_893, %mul3A_1019 : i32
        %add3A_1021 = arith.constant 7 : i32
        %add3A_1022 = arith.addi %mul3A_1020, %add3A_1021 : i32
        %swap3A_1023 = arith.index_cast %add3A_1022 : i32 to index
        %swap3A_1024 = arith.constant 0 : index
        %swap3A_1025 = tpu.vector_load %arg12[%swap3A_1023, %swap3A_1024] {strides = array<i32>} : memref<32x128xf32, #tpu.memory_space<vmem>>, vector<1x16xf32>,
        %swap3A_1026 = vector.shape_cast %swap3A_1025 : vector<1x16xf32> to vector<16xf32>
        %swap3A_1027 = vector.shape_cast %get3A_1018 : vector<16xf32> to vector<1x16xf32>
        tpu.vector_store %arg12[%swap3A_1023, %swap3A_1024], %swap3A_1027 {strides = array<i32>} : memref<32x128xf32, #tpu.memory_space<vmem>>, vector<1x16xf32>,
      }
      %scan3A_322 = arith.constant 4 : i32
      %dma_start3A_323 = arith.constant 5 : i32
      %dma_start3A_324 = arith.constant 0 : i32
      %dma_start3A_325 = tpu.memref_slice %arg8[%dma_start3A_323, %dma_start3A_324] : memref<16x32xi32, #tpu.memory_space<vmem>> -> memref<1x32xi32, #tpu.memory_space<vmem>>
      %dma_start3A_326 = tpu.memref_squeeze %dma_start3A_325 : memref<1x32xi32, #tpu.memory_space<vmem>> -> memref<32xi32, #tpu.memory_space<vmem>>
      %dma_start3A_327 = arith.constant 0 : i32
      %dma_start3A_328 = arith.constant 0 : i32
      %dma_start3A_329 = tpu.memref_slice %arg14[%dma_start3A_327, %dma_start3A_328] : memref<10112x128xf32, #tpu.memory_space<vmem_shared>> -> memref<10112x128xf32, #tpu.memory_space<vmem_shared>>
      tpu.enqueue_indirect_dma source(%arg12 : memref<32x128xf32, #tpu.memory_space<vmem>>) target(%dma_start3A_329 : memref<10112x128xf32, #tpu.memory_space<vmem_shared>>) offsets(%dma_start3A_326 : memref<32xi32, #tpu.memory_space<vmem>>) semaphore(%arg18 : memref<!tpu.dma_semaphore, #tpu.memory_space<semaphore_mem>>) {add = true}
      %dma_start3A_330 = arith.constant 5 : i32
      %dma_start3A_331 = arith.constant 0 : i32
      %dma_start3A_332 = tpu.memref_slice %arg7[%dma_start3A_330, %dma_start3A_331] : memref<16x32xi32, #tpu.memory_space<vmem>> -> memref<1x32xi32, #tpu.memory_space<vmem>>
      %dma_start3A_333 = tpu.memref_squeeze %dma_start3A_332 : memref<1x32xi32, #tpu.memory_space<vmem>> -> memref<32xi32, #tpu.memory_space<vmem>>
      %dma_start3A_334 = arith.constant 0 : i32
      %dma_start3A_335 = arith.constant 0 : i32
      %dma_start3A_336 = tpu.memref_slice %arg14[%dma_start3A_334, %dma_start3A_335] : memref<10112x128xf32, #tpu.memory_space<vmem_shared>> -> memref<10112x128xf32, #tpu.memory_space<vmem_shared>>
      tpu.enqueue_indirect_dma source(%arg13 : memref<32x128xf32, #tpu.memory_space<vmem>>) target(%dma_start3A_336 : memref<10112x128xf32, #tpu.memory_space<vmem_shared>>) offsets(%dma_start3A_333 : memref<32xi32, #tpu.memory_space<vmem>>) semaphore(%arg19 : memref<!tpu.dma_semaphore, #tpu.memory_space<semaphore_mem>>) {add = true}
      %dma_wait3A_337 = arith.constant 4 : i32
      %dma_wait3A_338 = arith.constant 0 : i32
      %dma_wait3A_339 = tpu.memref_slice %arg7[%dma_wait3A_337, %dma_wait3A_338] : memref<16x32xi32, #tpu.memory_space<vmem>> -> memref<1x32xi32, #tpu.memory_space<vmem>>
      %dma_wait3A_340 = tpu.memref_squeeze %dma_wait3A_339 : memref<1x32xi32, #tpu.memory_space<vmem>> -> memref<32xi32, #tpu.memory_space<vmem>>
      %dma_wait3A_341 = arith.constant 0 : i32
      %dma_wait3A_342 = arith.constant 0 : i32
      %dma_wait3A_343 = tpu.memref_slice %arg14[%dma_wait3A_341, %dma_wait3A_342] : memref<10112x128xf32, #tpu.memory_space<vmem_shared>> -> memref<10112x128xf32, #tpu.memory_space<vmem_shared>>
      tpu.wait_indirect_dma semaphore(%arg19 : memref<!tpu.dma_semaphore, #tpu.memory_space<semaphore_mem>>) src(%arg13 : memref<32x128xf32, #tpu.memory_space<vmem>>) dst(%dma_wait3A_343 : memref<10112x128xf32, #tpu.memory_space<vmem_shared>>)
      %add3A_344 = arith.constant 6 : i32
      %add3A_345 = arith.addi %add3A_34, %add3A_344 : i32
      %add3A_346 = arith.constant 1 : i32
      %add3A_347 = arith.addi %add3A_345, %add3A_346 : i32
      %dma_start3A_348 = arith.constant 0 : i32
      %dma_start3A_349 = arith.constant 0 : i32
      %dma_start3A_350 = tpu.memref_slice %arg4[%add3A_347, %dma_start3A_348, %dma_start3A_349] : memref<10240x32x16xf32, #tpu.memory_space<hbm>> -> memref<1x32x16xf32, #tpu.memory_space<hbm>>
      %dma_start3A_351 = tpu.memref_squeeze %dma_start3A_350 : memref<1x32x16xf32, #tpu.memory_space<hbm>> -> memref<32x16xf32, #tpu.memory_space<hbm>>
      %dma_start3A_352 = arith.constant 0 : i32
      %dma_start3A_353 = arith.constant 0 : i32
      %dma_start3A_354 = tpu.memref_slice %arg4[%add3A_347, %dma_start3A_352, %dma_start3A_353] : memref<10240x32x16xf32, #tpu.memory_space<hbm>> -> memref<1x32x16xf32, #tpu.memory_space<hbm>>
      %dma_start3A_355 = tpu.memref_squeeze %dma_start3A_354 : memref<1x32x16xf32, #tpu.memory_space<hbm>> -> memref<32x16xf32, #tpu.memory_space<hbm>>
      tpu.enqueue_dma source(%dma_start3A_355 : memref<32x16xf32, #tpu.memory_space<hbm>>) target(%arg10 : memref<32x16xf32, #tpu.memory_space<vmem>>) target_semaphore(%arg16 : memref<!tpu.dma_semaphore, #tpu.memory_space<semaphore_mem>>)
      %dma_wait3A_356 = arith.constant 4 : i32
      %dma_wait3A_357 = arith.constant 0 : i32
      %dma_wait3A_358 = tpu.memref_slice %arg8[%dma_wait3A_356, %dma_wait3A_357] : memref<16x32xi32, #tpu.memory_space<vmem>> -> memref<1x32xi32, #tpu.memory_space<vmem>>
      %dma_wait3A_359 = tpu.memref_squeeze %dma_wait3A_358 : memref<1x32xi32, #tpu.memory_space<vmem>> -> memref<32xi32, #tpu.memory_space<vmem>>
      %dma_wait3A_360 = arith.constant 0 : i32
      %dma_wait3A_361 = arith.constant 0 : i32
      %dma_wait3A_362 = tpu.memref_slice %arg14[%dma_wait3A_360, %dma_wait3A_361] : memref<10112x128xf32, #tpu.memory_space<vmem_shared>> -> memref<10112x128xf32, #tpu.memory_space<vmem_shared>>
      tpu.wait_indirect_dma semaphore(%arg17 : memref<!tpu.dma_semaphore, #tpu.memory_space<semaphore_mem>>) src(%arg11 : memref<32x128xf32, #tpu.memory_space<vmem>>) dst(%dma_wait3A_362 : memref<10112x128xf32, #tpu.memory_space<vmem_shared>>)
      %dma_wait3A_363 = arith.constant 0 : i32
      %dma_wait3A_364 = arith.constant 0 : i32
      %dma_wait3A_365 = tpu.memref_slice %arg4[%add3A_293, %dma_wait3A_363, %dma_wait3A_364] : memref<10240x32x16xf32, #tpu.memory_space<hbm>> -> memref<1x32x16xf32, #tpu.memory_space<hbm>>
      %dma_wait3A_366 = tpu.memref_squeeze %dma_wait3A_365 : memref<1x32x16xf32, #tpu.memory_space<hbm>> -> memref<32x16xf32, #tpu.memory_space<hbm>>
      %dma_wait3A_367 = arith.constant 0 : i32
      %dma_wait3A_368 = arith.constant 0 : i32
      %dma_wait3A_369 = tpu.memref_slice %arg4[%add3A_293, %dma_wait3A_367, %dma_wait3A_368] : memref<10240x32x16xf32, #tpu.memory_space<hbm>> -> memref<1x32x16xf32, #tpu.memory_space<hbm>>
      %dma_wait3A_370 = tpu.memref_squeeze %dma_wait3A_369 : memref<1x32x16xf32, #tpu.memory_space<hbm>> -> memref<32x16xf32, #tpu.memory_space<hbm>>
      tpu.wait_dma2 semaphore(%arg15 : memref<!tpu.dma_semaphore, #tpu.memory_space<semaphore_mem>>) src(%dma_wait3A_370 : memref<32x16xf32, #tpu.memory_space<hbm>>) dst(%arg9 : memref<32x16xf32, #tpu.memory_space<vmem>>)
      %scan3A_371 = arith.constant 0 : i32
      %scan3A_372 = arith.constant 0 : i32
      %scan3A_373 = arith.constant 4 : i32
      %scan3A_374 = arith.addi %scan3A_372, %scan3A_373 : i32
      %scan3A_375 = arith.constant 1 : i32
      scf.for %scan3A_893 = %scan3A_372 to %scan3A_374 step %scan3A_375  : i32 {
        %mul3A_894 = arith.constant 8 : i32
        %mul3A_895 = arith.muli %scan3A_893, %mul3A_894 : i32
        %add3A_896 = arith.constant 0 : i32
        %add3A_897 = arith.addi %mul3A_895, %add3A_896 : i32
        %get3A = arith.index_cast %add3A_897 : i32 to index
        %get3A_898 = arith.constant 0 : index
        %get3A_899 = tpu.vector_load %arg9[%get3A, %get3A_898] {strides = array<i32>} : memref<32x16xf32, #tpu.memory_space<vmem>>, vector<1x16xf32>,
        %get3A_900 = vector.shape_cast %get3A_899 : vector<1x16xf32> to vector<16xf32>
        %mul3A_901 = arith.constant 8 : i32
        %mul3A_902 = arith.muli %scan3A_893, %mul3A_901 : i32
        %add3A_903 = arith.constant 0 : i32
        %add3A_904 = arith.addi %mul3A_902, %add3A_903 : i32
        %swap3A = arith.index_cast %add3A_904 : i32 to index
        %swap3A_905 = arith.constant 0 : index
        %swap3A_906 = tpu.vector_load %arg11[%swap3A, %swap3A_905] {strides = array<i32>} : memref<32x128xf32, #tpu.memory_space<vmem>>, vector<1x16xf32>,
        %swap3A_907 = vector.shape_cast %swap3A_906 : vector<1x16xf32> to vector<16xf32>
        %swap3A_908 = vector.shape_cast %get3A_900 : vector<16xf32> to vector<1x16xf32>
        tpu.vector_store %arg11[%swap3A, %swap3A_905], %swap3A_908 {strides = array<i32>} : memref<32x128xf32, #tpu.memory_space<vmem>>, vector<1x16xf32>,
        %mul3A_909 = arith.constant 8 : i32
        %mul3A_910 = arith.muli %scan3A_893, %mul3A_909 : i32
        %add3A_911 = arith.constant 1 : i32
        %add3A_912 = arith.addi %mul3A_910, %add3A_911 : i32
        %get3A_913 = arith.index_cast %add3A_912 : i32 to index
        %get3A_914 = arith.constant 0 : index
        %get3A_915 = tpu.vector_load %arg9[%get3A_913, %get3A_914] {strides = array<i32>} : memref<32x16xf32, #tpu.memory_space<vmem>>, vector<1x16xf32>,
        %get3A_916 = vector.shape_cast %get3A_915 : vector<1x16xf32> to vector<16xf32>
        %mul3A_917 = arith.constant 8 : i32
        %mul3A_918 = arith.muli %scan3A_893, %mul3A_917 : i32
        %add3A_919 = arith.constant 1 : i32
        %add3A_920 = arith.addi %mul3A_918, %add3A_919 : i32
        %swap3A_921 = arith.index_cast %add3A_920 : i32 to index
        %swap3A_922 = arith.constant 0 : index
        %swap3A_923 = tpu.vector_load %arg11[%swap3A_921, %swap3A_922] {strides = array<i32>} : memref<32x128xf32, #tpu.memory_space<vmem>>, vector<1x16xf32>,
        %swap3A_924 = vector.shape_cast %swap3A_923 : vector<1x16xf32> to vector<16xf32>
        %swap3A_925 = vector.shape_cast %get3A_916 : vector<16xf32> to vector<1x16xf32>
        tpu.vector_store %arg11[%swap3A_921, %swap3A_922], %swap3A_925 {strides = array<i32>} : memref<32x128xf32, #tpu.memory_space<vmem>>, vector<1x16xf32>,
        %mul3A_926 = arith.constant 8 : i32
        %mul3A_927 = arith.muli %scan3A_893, %mul3A_926 : i32
        %add3A_928 = arith.constant 2 : i32
        %add3A_929 = arith.addi %mul3A_927, %add3A_928 : i32
        %get3A_930 = arith.index_cast %add3A_929 : i32 to index
        %get3A_931 = arith.constant 0 : index
        %get3A_932 = tpu.vector_load %arg9[%get3A_930, %get3A_931] {strides = array<i32>} : memref<32x16xf32, #tpu.memory_space<vmem>>, vector<1x16xf32>,
        %get3A_933 = vector.shape_cast %get3A_932 : vector<1x16xf32> to vector<16xf32>
        %mul3A_934 = arith.constant 8 : i32
        %mul3A_935 = arith.muli %scan3A_893, %mul3A_934 : i32
        %add3A_936 = arith.constant 2 : i32
        %add3A_937 = arith.addi %mul3A_935, %add3A_936 : i32
        %swap3A_938 = arith.index_cast %add3A_937 : i32 to index
        %swap3A_939 = arith.constant 0 : index
        %swap3A_940 = tpu.vector_load %arg11[%swap3A_938, %swap3A_939] {strides = array<i32>} : memref<32x128xf32, #tpu.memory_space<vmem>>, vector<1x16xf32>,
        %swap3A_941 = vector.shape_cast %swap3A_940 : vector<1x16xf32> to vector<16xf32>
        %swap3A_942 = vector.shape_cast %get3A_933 : vector<16xf32> to vector<1x16xf32>
        tpu.vector_store %arg11[%swap3A_938, %swap3A_939], %swap3A_942 {strides = array<i32>} : memref<32x128xf32, #tpu.memory_space<vmem>>, vector<1x16xf32>,
        %mul3A_943 = arith.constant 8 : i32
        %mul3A_944 = arith.muli %scan3A_893, %mul3A_943 : i32
        %add3A_945 = arith.constant 3 : i32
        %add3A_946 = arith.addi %mul3A_944, %add3A_945 : i32
        %get3A_947 = arith.index_cast %add3A_946 : i32 to index
        %get3A_948 = arith.constant 0 : index
        %get3A_949 = tpu.vector_load %arg9[%get3A_947, %get3A_948] {strides = array<i32>} : memref<32x16xf32, #tpu.memory_space<vmem>>, vector<1x16xf32>,
        %get3A_950 = vector.shape_cast %get3A_949 : vector<1x16xf32> to vector<16xf32>
        %mul3A_951 = arith.constant 8 : i32
        %mul3A_952 = arith.muli %scan3A_893, %mul3A_951 : i32
        %add3A_953 = arith.constant 3 : i32
        %add3A_954 = arith.addi %mul3A_952, %add3A_953 : i32
        %swap3A_955 = arith.index_cast %add3A_954 : i32 to index
        %swap3A_956 = arith.constant 0 : index
        %swap3A_957 = tpu.vector_load %arg11[%swap3A_955, %swap3A_956] {strides = array<i32>} : memref<32x128xf32, #tpu.memory_space<vmem>>, vector<1x16xf32>,
        %swap3A_958 = vector.shape_cast %swap3A_957 : vector<1x16xf32> to vector<16xf32>
        %swap3A_959 = vector.shape_cast %get3A_950 : vector<16xf32> to vector<1x16xf32>
        tpu.vector_store %arg11[%swap3A_955, %swap3A_956], %swap3A_959 {strides = array<i32>} : memref<32x128xf32, #tpu.memory_space<vmem>>, vector<1x16xf32>,
        %mul3A_960 = arith.constant 8 : i32
        %mul3A_961 = arith.muli %scan3A_893, %mul3A_960 : i32
        %add3A_962 = arith.constant 4 : i32
        %add3A_963 = arith.addi %mul3A_961, %add3A_962 : i32
        %get3A_964 = arith.index_cast %add3A_963 : i32 to index
        %get3A_965 = arith.constant 0 : index
        %get3A_966 = tpu.vector_load %arg9[%get3A_964, %get3A_965] {strides = array<i32>} : memref<32x16xf32, #tpu.memory_space<vmem>>, vector<1x16xf32>,
        %get3A_967 = vector.shape_cast %get3A_966 : vector<1x16xf32> to vector<16xf32>
        %mul3A_968 = arith.constant 8 : i32
        %mul3A_969 = arith.muli %scan3A_893, %mul3A_968 : i32
        %add3A_970 = arith.constant 4 : i32
        %add3A_971 = arith.addi %mul3A_969, %add3A_970 : i32
        %swap3A_972 = arith.index_cast %add3A_971 : i32 to index
        %swap3A_973 = arith.constant 0 : index
        %swap3A_974 = tpu.vector_load %arg11[%swap3A_972, %swap3A_973] {strides = array<i32>} : memref<32x128xf32, #tpu.memory_space<vmem>>, vector<1x16xf32>,
        %swap3A_975 = vector.shape_cast %swap3A_974 : vector<1x16xf32> to vector<16xf32>
        %swap3A_976 = vector.shape_cast %get3A_967 : vector<16xf32> to vector<1x16xf32>
        tpu.vector_store %arg11[%swap3A_972, %swap3A_973], %swap3A_976 {strides = array<i32>} : memref<32x128xf32, #tpu.memory_space<vmem>>, vector<1x16xf32>,
        %mul3A_977 = arith.constant 8 : i32
        %mul3A_978 = arith.muli %scan3A_893, %mul3A_977 : i32
        %add3A_979 = arith.constant 5 : i32
        %add3A_980 = arith.addi %mul3A_978, %add3A_979 : i32
        %get3A_981 = arith.index_cast %add3A_980 : i32 to index
        %get3A_982 = arith.constant 0 : index
        %get3A_983 = tpu.vector_load %arg9[%get3A_981, %get3A_982] {strides = array<i32>} : memref<32x16xf32, #tpu.memory_space<vmem>>, vector<1x16xf32>,
        %get3A_984 = vector.shape_cast %get3A_983 : vector<1x16xf32> to vector<16xf32>
        %mul3A_985 = arith.constant 8 : i32
        %mul3A_986 = arith.muli %scan3A_893, %mul3A_985 : i32
        %add3A_987 = arith.constant 5 : i32
        %add3A_988 = arith.addi %mul3A_986, %add3A_987 : i32
        %swap3A_989 = arith.index_cast %add3A_988 : i32 to index
        %swap3A_990 = arith.constant 0 : index
        %swap3A_991 = tpu.vector_load %arg11[%swap3A_989, %swap3A_990] {strides = array<i32>} : memref<32x128xf32, #tpu.memory_space<vmem>>, vector<1x16xf32>,
        %swap3A_992 = vector.shape_cast %swap3A_991 : vector<1x16xf32> to vector<16xf32>
        %swap3A_993 = vector.shape_cast %get3A_984 : vector<16xf32> to vector<1x16xf32>
        tpu.vector_store %arg11[%swap3A_989, %swap3A_990], %swap3A_993 {strides = array<i32>} : memref<32x128xf32, #tpu.memory_space<vmem>>, vector<1x16xf32>,
        %mul3A_994 = arith.constant 8 : i32
        %mul3A_995 = arith.muli %scan3A_893, %mul3A_994 : i32
        %add3A_996 = arith.constant 6 : i32
        %add3A_997 = arith.addi %mul3A_995, %add3A_996 : i32
        %get3A_998 = arith.index_cast %add3A_997 : i32 to index
        %get3A_999 = arith.constant 0 : index
        %get3A_1000 = tpu.vector_load %arg9[%get3A_998, %get3A_999] {strides = array<i32>} : memref<32x16xf32, #tpu.memory_space<vmem>>, vector<1x16xf32>,
        %get3A_1001 = vector.shape_cast %get3A_1000 : vector<1x16xf32> to vector<16xf32>
        %mul3A_1002 = arith.constant 8 : i32
        %mul3A_1003 = arith.muli %scan3A_893, %mul3A_1002 : i32
        %add3A_1004 = arith.constant 6 : i32
        %add3A_1005 = arith.addi %mul3A_1003, %add3A_1004 : i32
        %swap3A_1006 = arith.index_cast %add3A_1005 : i32 to index
        %swap3A_1007 = arith.constant 0 : index
        %swap3A_1008 = tpu.vector_load %arg11[%swap3A_1006, %swap3A_1007] {strides = array<i32>} : memref<32x128xf32, #tpu.memory_space<vmem>>, vector<1x16xf32>,
        %swap3A_1009 = vector.shape_cast %swap3A_1008 : vector<1x16xf32> to vector<16xf32>
        %swap3A_1010 = vector.shape_cast %get3A_1001 : vector<16xf32> to vector<1x16xf32>
        tpu.vector_store %arg11[%swap3A_1006, %swap3A_1007], %swap3A_1010 {strides = array<i32>} : memref<32x128xf32, #tpu.memory_space<vmem>>, vector<1x16xf32>,
        %mul3A_1011 = arith.constant 8 : i32
        %mul3A_1012 = arith.muli %scan3A_893, %mul3A_1011 : i32
        %add3A_1013 = arith.constant 7 : i32
        %add3A_1014 = arith.addi %mul3A_1012, %add3A_1013 : i32
        %get3A_1015 = arith.index_cast %add3A_1014 : i32 to index
        %get3A_1016 = arith.constant 0 : index
        %get3A_1017 = tpu.vector_load %arg9[%get3A_1015, %get3A_1016] {strides = array<i32>} : memref<32x16xf32, #tpu.memory_space<vmem>>, vector<1x16xf32>,
        %get3A_1018 = vector.shape_cast %get3A_1017 : vector<1x16xf32> to vector<16xf32>
        %mul3A_1019 = arith.constant 8 : i32
        %mul3A_1020 = arith.muli %scan3A_893, %mul3A_1019 : i32
        %add3A_1021 = arith.constant 7 : i32
        %add3A_1022 = arith.addi %mul3A_1020, %add3A_1021 : i32
        %swap3A_1023 = arith.index_cast %add3A_1022 : i32 to index
        %swap3A_1024 = arith.constant 0 : index
        %swap3A_1025 = tpu.vector_load %arg11[%swap3A_1023, %swap3A_1024] {strides = array<i32>} : memref<32x128xf32, #tpu.memory_space<vmem>>, vector<1x16xf32>,
        %swap3A_1026 = vector.shape_cast %swap3A_1025 : vector<1x16xf32> to vector<16xf32>
        %swap3A_1027 = vector.shape_cast %get3A_1018 : vector<16xf32> to vector<1x16xf32>
        tpu.vector_store %arg11[%swap3A_1023, %swap3A_1024], %swap3A_1027 {strides = array<i32>} : memref<32x128xf32, #tpu.memory_space<vmem>>, vector<1x16xf32>,
      }
      %scan3A_376 = arith.constant 4 : i32
      %dma_start3A_377 = arith.constant 6 : i32
      %dma_start3A_378 = arith.constant 0 : i32
      %dma_start3A_379 = tpu.memref_slice %arg8[%dma_start3A_377, %dma_start3A_378] : memref<16x32xi32, #tpu.memory_space<vmem>> -> memref<1x32xi32, #tpu.memory_space<vmem>>
      %dma_start3A_380 = tpu.memref_squeeze %dma_start3A_379 : memref<1x32xi32, #tpu.memory_space<vmem>> -> memref<32xi32, #tpu.memory_space<vmem>>
      %dma_start3A_381 = arith.constant 0 : i32
      %dma_start3A_382 = arith.constant 0 : i32
      %dma_start3A_383 = tpu.memref_slice %arg14[%dma_start3A_381, %dma_start3A_382] : memref<10112x128xf32, #tpu.memory_space<vmem_shared>> -> memref<10112x128xf32, #tpu.memory_space<vmem_shared>>
      tpu.enqueue_indirect_dma source(%arg11 : memref<32x128xf32, #tpu.memory_space<vmem>>) target(%dma_start3A_383 : memref<10112x128xf32, #tpu.memory_space<vmem_shared>>) offsets(%dma_start3A_380 : memref<32xi32, #tpu.memory_space<vmem>>) semaphore(%arg17 : memref<!tpu.dma_semaphore, #tpu.memory_space<semaphore_mem>>) {add = true}
      %dma_start3A_384 = arith.constant 6 : i32
      %dma_start3A_385 = arith.constant 0 : i32
      %dma_start3A_386 = tpu.memref_slice %arg7[%dma_start3A_384, %dma_start3A_385] : memref<16x32xi32, #tpu.memory_space<vmem>> -> memref<1x32xi32, #tpu.memory_space<vmem>>
      %dma_start3A_387 = tpu.memref_squeeze %dma_start3A_386 : memref<1x32xi32, #tpu.memory_space<vmem>> -> memref<32xi32, #tpu.memory_space<vmem>>
      %dma_start3A_388 = arith.constant 0 : i32
      %dma_start3A_389 = arith.constant 0 : i32
      %dma_start3A_390 = tpu.memref_slice %arg14[%dma_start3A_388, %dma_start3A_389] : memref<10112x128xf32, #tpu.memory_space<vmem_shared>> -> memref<10112x128xf32, #tpu.memory_space<vmem_shared>>
      tpu.enqueue_indirect_dma source(%arg13 : memref<32x128xf32, #tpu.memory_space<vmem>>) target(%dma_start3A_390 : memref<10112x128xf32, #tpu.memory_space<vmem_shared>>) offsets(%dma_start3A_387 : memref<32xi32, #tpu.memory_space<vmem>>) semaphore(%arg19 : memref<!tpu.dma_semaphore, #tpu.memory_space<semaphore_mem>>) {add = true}
      %dma_wait3A_391 = arith.constant 5 : i32
      %dma_wait3A_392 = arith.constant 0 : i32
      %dma_wait3A_393 = tpu.memref_slice %arg7[%dma_wait3A_391, %dma_wait3A_392] : memref<16x32xi32, #tpu.memory_space<vmem>> -> memref<1x32xi32, #tpu.memory_space<vmem>>
      %dma_wait3A_394 = tpu.memref_squeeze %dma_wait3A_393 : memref<1x32xi32, #tpu.memory_space<vmem>> -> memref<32xi32, #tpu.memory_space<vmem>>
      %dma_wait3A_395 = arith.constant 0 : i32
      %dma_wait3A_396 = arith.constant 0 : i32
      %dma_wait3A_397 = tpu.memref_slice %arg14[%dma_wait3A_395, %dma_wait3A_396] : memref<10112x128xf32, #tpu.memory_space<vmem_shared>> -> memref<10112x128xf32, #tpu.memory_space<vmem_shared>>
      tpu.wait_indirect_dma semaphore(%arg19 : memref<!tpu.dma_semaphore, #tpu.memory_space<semaphore_mem>>) src(%arg13 : memref<32x128xf32, #tpu.memory_space<vmem>>) dst(%dma_wait3A_397 : memref<10112x128xf32, #tpu.memory_space<vmem_shared>>)
      %add3A_398 = arith.constant 7 : i32
      %add3A_399 = arith.addi %add3A_34, %add3A_398 : i32
      %add3A_400 = arith.constant 1 : i32
      %add3A_401 = arith.addi %add3A_399, %add3A_400 : i32
      %dma_start3A_402 = arith.constant 0 : i32
      %dma_start3A_403 = arith.constant 0 : i32
      %dma_start3A_404 = tpu.memref_slice %arg4[%add3A_401, %dma_start3A_402, %dma_start3A_403] : memref<10240x32x16xf32, #tpu.memory_space<hbm>> -> memref<1x32x16xf32, #tpu.memory_space<hbm>>
      %dma_start3A_405 = tpu.memref_squeeze %dma_start3A_404 : memref<1x32x16xf32, #tpu.memory_space<hbm>> -> memref<32x16xf32, #tpu.memory_space<hbm>>
      %dma_start3A_406 = arith.constant 0 : i32
      %dma_start3A_407 = arith.constant 0 : i32
      %dma_start3A_408 = tpu.memref_slice %arg4[%add3A_401, %dma_start3A_406, %dma_start3A_407] : memref<10240x32x16xf32, #tpu.memory_space<hbm>> -> memref<1x32x16xf32, #tpu.memory_space<hbm>>
      %dma_start3A_409 = tpu.memref_squeeze %dma_start3A_408 : memref<1x32x16xf32, #tpu.memory_space<hbm>> -> memref<32x16xf32, #tpu.memory_space<hbm>>
      tpu.enqueue_dma source(%dma_start3A_409 : memref<32x16xf32, #tpu.memory_space<hbm>>) target(%arg9 : memref<32x16xf32, #tpu.memory_space<vmem>>) target_semaphore(%arg15 : memref<!tpu.dma_semaphore, #tpu.memory_space<semaphore_mem>>)
      %dma_wait3A_410 = arith.constant 5 : i32
      %dma_wait3A_411 = arith.constant 0 : i32
      %dma_wait3A_412 = tpu.memref_slice %arg8[%dma_wait3A_410, %dma_wait3A_411] : memref<16x32xi32, #tpu.memory_space<vmem>> -> memref<1x32xi32, #tpu.memory_space<vmem>>
      %dma_wait3A_413 = tpu.memref_squeeze %dma_wait3A_412 : memref<1x32xi32, #tpu.memory_space<vmem>> -> memref<32xi32, #tpu.memory_space<vmem>>
      %dma_wait3A_414 = arith.constant 0 : i32
      %dma_wait3A_415 = arith.constant 0 : i32
      %dma_wait3A_416 = tpu.memref_slice %arg14[%dma_wait3A_414, %dma_wait3A_415] : memref<10112x128xf32, #tpu.memory_space<vmem_shared>> -> memref<10112x128xf32, #tpu.memory_space<vmem_shared>>
      tpu.wait_indirect_dma semaphore(%arg18 : memref<!tpu.dma_semaphore, #tpu.memory_space<semaphore_mem>>) src(%arg12 : memref<32x128xf32, #tpu.memory_space<vmem>>) dst(%dma_wait3A_416 : memref<10112x128xf32, #tpu.memory_space<vmem_shared>>)
      %dma_wait3A_417 = arith.constant 0 : i32
      %dma_wait3A_418 = arith.constant 0 : i32
      %dma_wait3A_419 = tpu.memref_slice %arg4[%add3A_347, %dma_wait3A_417, %dma_wait3A_418] : memref<10240x32x16xf32, #tpu.memory_space<hbm>> -> memref<1x32x16xf32, #tpu.memory_space<hbm>>
      %dma_wait3A_420 = tpu.memref_squeeze %dma_wait3A_419 : memref<1x32x16xf32, #tpu.memory_space<hbm>> -> memref<32x16xf32, #tpu.memory_space<hbm>>
      %dma_wait3A_421 = arith.constant 0 : i32
      %dma_wait3A_422 = arith.constant 0 : i32
      %dma_wait3A_423 = tpu.memref_slice %arg4[%add3A_347, %dma_wait3A_421, %dma_wait3A_422] : memref<10240x32x16xf32, #tpu.memory_space<hbm>> -> memref<1x32x16xf32, #tpu.memory_space<hbm>>
      %dma_wait3A_424 = tpu.memref_squeeze %dma_wait3A_423 : memref<1x32x16xf32, #tpu.memory_space<hbm>> -> memref<32x16xf32, #tpu.memory_space<hbm>>
      tpu.wait_dma2 semaphore(%arg16 : memref<!tpu.dma_semaphore, #tpu.memory_space<semaphore_mem>>) src(%dma_wait3A_424 : memref<32x16xf32, #tpu.memory_space<hbm>>) dst(%arg10 : memref<32x16xf32, #tpu.memory_space<vmem>>)
      %scan3A_425 = arith.constant 0 : i32
      %scan3A_426 = arith.constant 0 : i32
      %scan3A_427 = arith.constant 4 : i32
      %scan3A_428 = arith.addi %scan3A_426, %scan3A_427 : i32
      %scan3A_429 = arith.constant 1 : i32
      scf.for %scan3A_893 = %scan3A_426 to %scan3A_428 step %scan3A_429  : i32 {
        %mul3A_894 = arith.constant 8 : i32
        %mul3A_895 = arith.muli %scan3A_893, %mul3A_894 : i32
        %add3A_896 = arith.constant 0 : i32
        %add3A_897 = arith.addi %mul3A_895, %add3A_896 : i32
        %get3A = arith.index_cast %add3A_897 : i32 to index
        %get3A_898 = arith.constant 0 : index
        %get3A_899 = tpu.vector_load %arg10[%get3A, %get3A_898] {strides = array<i32>} : memref<32x16xf32, #tpu.memory_space<vmem>>, vector<1x16xf32>,
        %get3A_900 = vector.shape_cast %get3A_899 : vector<1x16xf32> to vector<16xf32>
        %mul3A_901 = arith.constant 8 : i32
        %mul3A_902 = arith.muli %scan3A_893, %mul3A_901 : i32
        %add3A_903 = arith.constant 0 : i32
        %add3A_904 = arith.addi %mul3A_902, %add3A_903 : i32
        %swap3A = arith.index_cast %add3A_904 : i32 to index
        %swap3A_905 = arith.constant 0 : index
        %swap3A_906 = tpu.vector_load %arg12[%swap3A, %swap3A_905] {strides = array<i32>} : memref<32x128xf32, #tpu.memory_space<vmem>>, vector<1x16xf32>,
        %swap3A_907 = vector.shape_cast %swap3A_906 : vector<1x16xf32> to vector<16xf32>
        %swap3A_908 = vector.shape_cast %get3A_900 : vector<16xf32> to vector<1x16xf32>
        tpu.vector_store %arg12[%swap3A, %swap3A_905], %swap3A_908 {strides = array<i32>} : memref<32x128xf32, #tpu.memory_space<vmem>>, vector<1x16xf32>,
        %mul3A_909 = arith.constant 8 : i32
        %mul3A_910 = arith.muli %scan3A_893, %mul3A_909 : i32
        %add3A_911 = arith.constant 1 : i32
        %add3A_912 = arith.addi %mul3A_910, %add3A_911 : i32
        %get3A_913 = arith.index_cast %add3A_912 : i32 to index
        %get3A_914 = arith.constant 0 : index
        %get3A_915 = tpu.vector_load %arg10[%get3A_913, %get3A_914] {strides = array<i32>} : memref<32x16xf32, #tpu.memory_space<vmem>>, vector<1x16xf32>,
        %get3A_916 = vector.shape_cast %get3A_915 : vector<1x16xf32> to vector<16xf32>
        %mul3A_917 = arith.constant 8 : i32
        %mul3A_918 = arith.muli %scan3A_893, %mul3A_917 : i32
        %add3A_919 = arith.constant 1 : i32
        %add3A_920 = arith.addi %mul3A_918, %add3A_919 : i32
        %swap3A_921 = arith.index_cast %add3A_920 : i32 to index
        %swap3A_922 = arith.constant 0 : index
        %swap3A_923 = tpu.vector_load %arg12[%swap3A_921, %swap3A_922] {strides = array<i32>} : memref<32x128xf32, #tpu.memory_space<vmem>>, vector<1x16xf32>,
        %swap3A_924 = vector.shape_cast %swap3A_923 : vector<1x16xf32> to vector<16xf32>
        %swap3A_925 = vector.shape_cast %get3A_916 : vector<16xf32> to vector<1x16xf32>
        tpu.vector_store %arg12[%swap3A_921, %swap3A_922], %swap3A_925 {strides = array<i32>} : memref<32x128xf32, #tpu.memory_space<vmem>>, vector<1x16xf32>,
        %mul3A_926 = arith.constant 8 : i32
        %mul3A_927 = arith.muli %scan3A_893, %mul3A_926 : i32
        %add3A_928 = arith.constant 2 : i32
        %add3A_929 = arith.addi %mul3A_927, %add3A_928 : i32
        %get3A_930 = arith.index_cast %add3A_929 : i32 to index
        %get3A_931 = arith.constant 0 : index
        %get3A_932 = tpu.vector_load %arg10[%get3A_930, %get3A_931] {strides = array<i32>} : memref<32x16xf32, #tpu.memory_space<vmem>>, vector<1x16xf32>,
        %get3A_933 = vector.shape_cast %get3A_932 : vector<1x16xf32> to vector<16xf32>
        %mul3A_934 = arith.constant 8 : i32
        %mul3A_935 = arith.muli %scan3A_893, %mul3A_934 : i32
        %add3A_936 = arith.constant 2 : i32
        %add3A_937 = arith.addi %mul3A_935, %add3A_936 : i32
        %swap3A_938 = arith.index_cast %add3A_937 : i32 to index
        %swap3A_939 = arith.constant 0 : index
        %swap3A_940 = tpu.vector_load %arg12[%swap3A_938, %swap3A_939] {strides = array<i32>} : memref<32x128xf32, #tpu.memory_space<vmem>>, vector<1x16xf32>,
        %swap3A_941 = vector.shape_cast %swap3A_940 : vector<1x16xf32> to vector<16xf32>
        %swap3A_942 = vector.shape_cast %get3A_933 : vector<16xf32> to vector<1x16xf32>
        tpu.vector_store %arg12[%swap3A_938, %swap3A_939], %swap3A_942 {strides = array<i32>} : memref<32x128xf32, #tpu.memory_space<vmem>>, vector<1x16xf32>,
        %mul3A_943 = arith.constant 8 : i32
        %mul3A_944 = arith.muli %scan3A_893, %mul3A_943 : i32
        %add3A_945 = arith.constant 3 : i32
        %add3A_946 = arith.addi %mul3A_944, %add3A_945 : i32
        %get3A_947 = arith.index_cast %add3A_946 : i32 to index
        %get3A_948 = arith.constant 0 : index
        %get3A_949 = tpu.vector_load %arg10[%get3A_947, %get3A_948] {strides = array<i32>} : memref<32x16xf32, #tpu.memory_space<vmem>>, vector<1x16xf32>,
        %get3A_950 = vector.shape_cast %get3A_949 : vector<1x16xf32> to vector<16xf32>
        %mul3A_951 = arith.constant 8 : i32
        %mul3A_952 = arith.muli %scan3A_893, %mul3A_951 : i32
        %add3A_953 = arith.constant 3 : i32
        %add3A_954 = arith.addi %mul3A_952, %add3A_953 : i32
        %swap3A_955 = arith.index_cast %add3A_954 : i32 to index
        %swap3A_956 = arith.constant 0 : index
        %swap3A_957 = tpu.vector_load %arg12[%swap3A_955, %swap3A_956] {strides = array<i32>} : memref<32x128xf32, #tpu.memory_space<vmem>>, vector<1x16xf32>,
        %swap3A_958 = vector.shape_cast %swap3A_957 : vector<1x16xf32> to vector<16xf32>
        %swap3A_959 = vector.shape_cast %get3A_950 : vector<16xf32> to vector<1x16xf32>
        tpu.vector_store %arg12[%swap3A_955, %swap3A_956], %swap3A_959 {strides = array<i32>} : memref<32x128xf32, #tpu.memory_space<vmem>>, vector<1x16xf32>,
        %mul3A_960 = arith.constant 8 : i32
        %mul3A_961 = arith.muli %scan3A_893, %mul3A_960 : i32
        %add3A_962 = arith.constant 4 : i32
        %add3A_963 = arith.addi %mul3A_961, %add3A_962 : i32
        %get3A_964 = arith.index_cast %add3A_963 : i32 to index
        %get3A_965 = arith.constant 0 : index
        %get3A_966 = tpu.vector_load %arg10[%get3A_964, %get3A_965] {strides = array<i32>} : memref<32x16xf32, #tpu.memory_space<vmem>>, vector<1x16xf32>,
        %get3A_967 = vector.shape_cast %get3A_966 : vector<1x16xf32> to vector<16xf32>
        %mul3A_968 = arith.constant 8 : i32
        %mul3A_969 = arith.muli %scan3A_893, %mul3A_968 : i32
        %add3A_970 = arith.constant 4 : i32
        %add3A_971 = arith.addi %mul3A_969, %add3A_970 : i32
        %swap3A_972 = arith.index_cast %add3A_971 : i32 to index
        %swap3A_973 = arith.constant 0 : index
        %swap3A_974 = tpu.vector_load %arg12[%swap3A_972, %swap3A_973] {strides = array<i32>} : memref<32x128xf32, #tpu.memory_space<vmem>>, vector<1x16xf32>,
        %swap3A_975 = vector.shape_cast %swap3A_974 : vector<1x16xf32> to vector<16xf32>
        %swap3A_976 = vector.shape_cast %get3A_967 : vector<16xf32> to vector<1x16xf32>
        tpu.vector_store %arg12[%swap3A_972, %swap3A_973], %swap3A_976 {strides = array<i32>} : memref<32x128xf32, #tpu.memory_space<vmem>>, vector<1x16xf32>,
        %mul3A_977 = arith.constant 8 : i32
        %mul3A_978 = arith.muli %scan3A_893, %mul3A_977 : i32
        %add3A_979 = arith.constant 5 : i32
        %add3A_980 = arith.addi %mul3A_978, %add3A_979 : i32
        %get3A_981 = arith.index_cast %add3A_980 : i32 to index
        %get3A_982 = arith.constant 0 : index
        %get3A_983 = tpu.vector_load %arg10[%get3A_981, %get3A_982] {strides = array<i32>} : memref<32x16xf32, #tpu.memory_space<vmem>>, vector<1x16xf32>,
        %get3A_984 = vector.shape_cast %get3A_983 : vector<1x16xf32> to vector<16xf32>
        %mul3A_985 = arith.constant 8 : i32
        %mul3A_986 = arith.muli %scan3A_893, %mul3A_985 : i32
        %add3A_987 = arith.constant 5 : i32
        %add3A_988 = arith.addi %mul3A_986, %add3A_987 : i32
        %swap3A_989 = arith.index_cast %add3A_988 : i32 to index
        %swap3A_990 = arith.constant 0 : index
        %swap3A_991 = tpu.vector_load %arg12[%swap3A_989, %swap3A_990] {strides = array<i32>} : memref<32x128xf32, #tpu.memory_space<vmem>>, vector<1x16xf32>,
        %swap3A_992 = vector.shape_cast %swap3A_991 : vector<1x16xf32> to vector<16xf32>
        %swap3A_993 = vector.shape_cast %get3A_984 : vector<16xf32> to vector<1x16xf32>
        tpu.vector_store %arg12[%swap3A_989, %swap3A_990], %swap3A_993 {strides = array<i32>} : memref<32x128xf32, #tpu.memory_space<vmem>>, vector<1x16xf32>,
        %mul3A_994 = arith.constant 8 : i32
        %mul3A_995 = arith.muli %scan3A_893, %mul3A_994 : i32
        %add3A_996 = arith.constant 6 : i32
        %add3A_997 = arith.addi %mul3A_995, %add3A_996 : i32
        %get3A_998 = arith.index_cast %add3A_997 : i32 to index
        %get3A_999 = arith.constant 0 : index
        %get3A_1000 = tpu.vector_load %arg10[%get3A_998, %get3A_999] {strides = array<i32>} : memref<32x16xf32, #tpu.memory_space<vmem>>, vector<1x16xf32>,
        %get3A_1001 = vector.shape_cast %get3A_1000 : vector<1x16xf32> to vector<16xf32>
        %mul3A_1002 = arith.constant 8 : i32
        %mul3A_1003 = arith.muli %scan3A_893, %mul3A_1002 : i32
        %add3A_1004 = arith.constant 6 : i32
        %add3A_1005 = arith.addi %mul3A_1003, %add3A_1004 : i32
        %swap3A_1006 = arith.index_cast %add3A_1005 : i32 to index
        %swap3A_1007 = arith.constant 0 : index
        %swap3A_1008 = tpu.vector_load %arg12[%swap3A_1006, %swap3A_1007] {strides = array<i32>} : memref<32x128xf32, #tpu.memory_space<vmem>>, vector<1x16xf32>,
        %swap3A_1009 = vector.shape_cast %swap3A_1008 : vector<1x16xf32> to vector<16xf32>
        %swap3A_1010 = vector.shape_cast %get3A_1001 : vector<16xf32> to vector<1x16xf32>
        tpu.vector_store %arg12[%swap3A_1006, %swap3A_1007], %swap3A_1010 {strides = array<i32>} : memref<32x128xf32, #tpu.memory_space<vmem>>, vector<1x16xf32>,
        %mul3A_1011 = arith.constant 8 : i32
        %mul3A_1012 = arith.muli %scan3A_893, %mul3A_1011 : i32
        %add3A_1013 = arith.constant 7 : i32
        %add3A_1014 = arith.addi %mul3A_1012, %add3A_1013 : i32
        %get3A_1015 = arith.index_cast %add3A_1014 : i32 to index
        %get3A_1016 = arith.constant 0 : index
        %get3A_1017 = tpu.vector_load %arg10[%get3A_1015, %get3A_1016] {strides = array<i32>} : memref<32x16xf32, #tpu.memory_space<vmem>>, vector<1x16xf32>,
        %get3A_1018 = vector.shape_cast %get3A_1017 : vector<1x16xf32> to vector<16xf32>
        %mul3A_1019 = arith.constant 8 : i32
        %mul3A_1020 = arith.muli %scan3A_893, %mul3A_1019 : i32
        %add3A_1021 = arith.constant 7 : i32
        %add3A_1022 = arith.addi %mul3A_1020, %add3A_1021 : i32
        %swap3A_1023 = arith.index_cast %add3A_1022 : i32 to index
        %swap3A_1024 = arith.constant 0 : index
        %swap3A_1025 = tpu.vector_load %arg12[%swap3A_1023, %swap3A_1024] {strides = array<i32>} : memref<32x128xf32, #tpu.memory_space<vmem>>, vector<1x16xf32>,
        %swap3A_1026 = vector.shape_cast %swap3A_1025 : vector<1x16xf32> to vector<16xf32>
        %swap3A_1027 = vector.shape_cast %get3A_1018 : vector<16xf32> to vector<1x16xf32>
        tpu.vector_store %arg12[%swap3A_1023, %swap3A_1024], %swap3A_1027 {strides = array<i32>} : memref<32x128xf32, #tpu.memory_space<vmem>>, vector<1x16xf32>,
      }
      %scan3A_430 = arith.constant 4 : i32
      %dma_start3A_431 = arith.constant 7 : i32
      %dma_start3A_432 = arith.constant 0 : i32
      %dma_start3A_433 = tpu.memref_slice %arg8[%dma_start3A_431, %dma_start3A_432] : memref<16x32xi32, #tpu.memory_space<vmem>> -> memref<1x32xi32, #tpu.memory_space<vmem>>
      %dma_start3A_434 = tpu.memref_squeeze %dma_start3A_433 : memref<1x32xi32, #tpu.memory_space<vmem>> -> memref<32xi32, #tpu.memory_space<vmem>>
      %dma_start3A_435 = arith.constant 0 : i32
      %dma_start3A_436 = arith.constant 0 : i32
      %dma_start3A_437 = tpu.memref_slice %arg14[%dma_start3A_435, %dma_start3A_436] : memref<10112x128xf32, #tpu.memory_space<vmem_shared>> -> memref<10112x128xf32, #tpu.memory_space<vmem_shared>>
      tpu.enqueue_indirect_dma source(%arg12 : memref<32x128xf32, #tpu.memory_space<vmem>>) target(%dma_start3A_437 : memref<10112x128xf32, #tpu.memory_space<vmem_shared>>) offsets(%dma_start3A_434 : memref<32xi32, #tpu.memory_space<vmem>>) semaphore(%arg18 : memref<!tpu.dma_semaphore, #tpu.memory_space<semaphore_mem>>) {add = true}
      %dma_start3A_438 = arith.constant 7 : i32
      %dma_start3A_439 = arith.constant 0 : i32
      %dma_start3A_440 = tpu.memref_slice %arg7[%dma_start3A_438, %dma_start3A_439] : memref<16x32xi32, #tpu.memory_space<vmem>> -> memref<1x32xi32, #tpu.memory_space<vmem>>
      %dma_start3A_441 = tpu.memref_squeeze %dma_start3A_440 : memref<1x32xi32, #tpu.memory_space<vmem>> -> memref<32xi32, #tpu.memory_space<vmem>>
      %dma_start3A_442 = arith.constant 0 : i32
      %dma_start3A_443 = arith.constant 0 : i32
      %dma_start3A_444 = tpu.memref_slice %arg14[%dma_start3A_442, %dma_start3A_443] : memref<10112x128xf32, #tpu.memory_space<vmem_shared>> -> memref<10112x128xf32, #tpu.memory_space<vmem_shared>>
      tpu.enqueue_indirect_dma source(%arg13 : memref<32x128xf32, #tpu.memory_space<vmem>>) target(%dma_start3A_444 : memref<10112x128xf32, #tpu.memory_space<vmem_shared>>) offsets(%dma_start3A_441 : memref<32xi32, #tpu.memory_space<vmem>>) semaphore(%arg19 : memref<!tpu.dma_semaphore, #tpu.memory_space<semaphore_mem>>) {add = true}
      %dma_wait3A_445 = arith.constant 6 : i32
      %dma_wait3A_446 = arith.constant 0 : i32
      %dma_wait3A_447 = tpu.memref_slice %arg7[%dma_wait3A_445, %dma_wait3A_446] : memref<16x32xi32, #tpu.memory_space<vmem>> -> memref<1x32xi32, #tpu.memory_space<vmem>>
      %dma_wait3A_448 = tpu.memref_squeeze %dma_wait3A_447 : memref<1x32xi32, #tpu.memory_space<vmem>> -> memref<32xi32, #tpu.memory_space<vmem>>
      %dma_wait3A_449 = arith.constant 0 : i32
      %dma_wait3A_450 = arith.constant 0 : i32
      %dma_wait3A_451 = tpu.memref_slice %arg14[%dma_wait3A_449, %dma_wait3A_450] : memref<10112x128xf32, #tpu.memory_space<vmem_shared>> -> memref<10112x128xf32, #tpu.memory_space<vmem_shared>>
      tpu.wait_indirect_dma semaphore(%arg19 : memref<!tpu.dma_semaphore, #tpu.memory_space<semaphore_mem>>) src(%arg13 : memref<32x128xf32, #tpu.memory_space<vmem>>) dst(%dma_wait3A_451 : memref<10112x128xf32, #tpu.memory_space<vmem_shared>>)
      %add3A_452 = arith.constant 8 : i32
      %add3A_453 = arith.addi %add3A_34, %add3A_452 : i32
      %add3A_454 = arith.constant 1 : i32
      %add3A_455 = arith.addi %add3A_453, %add3A_454 : i32
      %dma_start3A_456 = arith.constant 0 : i32
      %dma_start3A_457 = arith.constant 0 : i32
      %dma_start3A_458 = tpu.memref_slice %arg4[%add3A_455, %dma_start3A_456, %dma_start3A_457] : memref<10240x32x16xf32, #tpu.memory_space<hbm>> -> memref<1x32x16xf32, #tpu.memory_space<hbm>>
      %dma_start3A_459 = tpu.memref_squeeze %dma_start3A_458 : memref<1x32x16xf32, #tpu.memory_space<hbm>> -> memref<32x16xf32, #tpu.memory_space<hbm>>
      %dma_start3A_460 = arith.constant 0 : i32
      %dma_start3A_461 = arith.constant 0 : i32
      %dma_start3A_462 = tpu.memref_slice %arg4[%add3A_455, %dma_start3A_460, %dma_start3A_461] : memref<10240x32x16xf32, #tpu.memory_space<hbm>> -> memref<1x32x16xf32, #tpu.memory_space<hbm>>
      %dma_start3A_463 = tpu.memref_squeeze %dma_start3A_462 : memref<1x32x16xf32, #tpu.memory_space<hbm>> -> memref<32x16xf32, #tpu.memory_space<hbm>>
      tpu.enqueue_dma source(%dma_start3A_463 : memref<32x16xf32, #tpu.memory_space<hbm>>) target(%arg10 : memref<32x16xf32, #tpu.memory_space<vmem>>) target_semaphore(%arg16 : memref<!tpu.dma_semaphore, #tpu.memory_space<semaphore_mem>>)
      %dma_wait3A_464 = arith.constant 6 : i32
      %dma_wait3A_465 = arith.constant 0 : i32
      %dma_wait3A_466 = tpu.memref_slice %arg8[%dma_wait3A_464, %dma_wait3A_465] : memref<16x32xi32, #tpu.memory_space<vmem>> -> memref<1x32xi32, #tpu.memory_space<vmem>>
      %dma_wait3A_467 = tpu.memref_squeeze %dma_wait3A_466 : memref<1x32xi32, #tpu.memory_space<vmem>> -> memref<32xi32, #tpu.memory_space<vmem>>
      %dma_wait3A_468 = arith.constant 0 : i32
      %dma_wait3A_469 = arith.constant 0 : i32
      %dma_wait3A_470 = tpu.memref_slice %arg14[%dma_wait3A_468, %dma_wait3A_469] : memref<10112x128xf32, #tpu.memory_space<vmem_shared>> -> memref<10112x128xf32, #tpu.memory_space<vmem_shared>>
      tpu.wait_indirect_dma semaphore(%arg17 : memref<!tpu.dma_semaphore, #tpu.memory_space<semaphore_mem>>) src(%arg11 : memref<32x128xf32, #tpu.memory_space<vmem>>) dst(%dma_wait3A_470 : memref<10112x128xf32, #tpu.memory_space<vmem_shared>>)
      %dma_wait3A_471 = arith.constant 0 : i32
      %dma_wait3A_472 = arith.constant 0 : i32
      %dma_wait3A_473 = tpu.memref_slice %arg4[%add3A_401, %dma_wait3A_471, %dma_wait3A_472] : memref<10240x32x16xf32, #tpu.memory_space<hbm>> -> memref<1x32x16xf32, #tpu.memory_space<hbm>>
      %dma_wait3A_474 = tpu.memref_squeeze %dma_wait3A_473 : memref<1x32x16xf32, #tpu.memory_space<hbm>> -> memref<32x16xf32, #tpu.memory_space<hbm>>
      %dma_wait3A_475 = arith.constant 0 : i32
      %dma_wait3A_476 = arith.constant 0 : i32
      %dma_wait3A_477 = tpu.memref_slice %arg4[%add3A_401, %dma_wait3A_475, %dma_wait3A_476] : memref<10240x32x16xf32, #tpu.memory_space<hbm>> -> memref<1x32x16xf32, #tpu.memory_space<hbm>>
      %dma_wait3A_478 = tpu.memref_squeeze %dma_wait3A_477 : memref<1x32x16xf32, #tpu.memory_space<hbm>> -> memref<32x16xf32, #tpu.memory_space<hbm>>
      tpu.wait_dma2 semaphore(%arg15 : memref<!tpu.dma_semaphore, #tpu.memory_space<semaphore_mem>>) src(%dma_wait3A_478 : memref<32x16xf32, #tpu.memory_space<hbm>>) dst(%arg9 : memref<32x16xf32, #tpu.memory_space<vmem>>)
      %scan3A_479 = arith.constant 0 : i32
      %scan3A_480 = arith.constant 0 : i32
      %scan3A_481 = arith.constant 4 : i32
      %scan3A_482 = arith.addi %scan3A_480, %scan3A_481 : i32
      %scan3A_483 = arith.constant 1 : i32
      scf.for %scan3A_893 = %scan3A_480 to %scan3A_482 step %scan3A_483  : i32 {
        %mul3A_894 = arith.constant 8 : i32
        %mul3A_895 = arith.muli %scan3A_893, %mul3A_894 : i32
        %add3A_896 = arith.constant 0 : i32
        %add3A_897 = arith.addi %mul3A_895, %add3A_896 : i32
        %get3A = arith.index_cast %add3A_897 : i32 to index
        %get3A_898 = arith.constant 0 : index
        %get3A_899 = tpu.vector_load %arg9[%get3A, %get3A_898] {strides = array<i32>} : memref<32x16xf32, #tpu.memory_space<vmem>>, vector<1x16xf32>,
        %get3A_900 = vector.shape_cast %get3A_899 : vector<1x16xf32> to vector<16xf32>
        %mul3A_901 = arith.constant 8 : i32
        %mul3A_902 = arith.muli %scan3A_893, %mul3A_901 : i32
        %add3A_903 = arith.constant 0 : i32
        %add3A_904 = arith.addi %mul3A_902, %add3A_903 : i32
        %swap3A = arith.index_cast %add3A_904 : i32 to index
        %swap3A_905 = arith.constant 0 : index
        %swap3A_906 = tpu.vector_load %arg11[%swap3A, %swap3A_905] {strides = array<i32>} : memref<32x128xf32, #tpu.memory_space<vmem>>, vector<1x16xf32>,
        %swap3A_907 = vector.shape_cast %swap3A_906 : vector<1x16xf32> to vector<16xf32>
        %swap3A_908 = vector.shape_cast %get3A_900 : vector<16xf32> to vector<1x16xf32>
        tpu.vector_store %arg11[%swap3A, %swap3A_905], %swap3A_908 {strides = array<i32>} : memref<32x128xf32, #tpu.memory_space<vmem>>, vector<1x16xf32>,
        %mul3A_909 = arith.constant 8 : i32
        %mul3A_910 = arith.muli %scan3A_893, %mul3A_909 : i32
        %add3A_911 = arith.constant 1 : i32
        %add3A_912 = arith.addi %mul3A_910, %add3A_911 : i32
        %get3A_913 = arith.index_cast %add3A_912 : i32 to index
        %get3A_914 = arith.constant 0 : index
        %get3A_915 = tpu.vector_load %arg9[%get3A_913, %get3A_914] {strides = array<i32>} : memref<32x16xf32, #tpu.memory_space<vmem>>, vector<1x16xf32>,
        %get3A_916 = vector.shape_cast %get3A_915 : vector<1x16xf32> to vector<16xf32>
        %mul3A_917 = arith.constant 8 : i32
        %mul3A_918 = arith.muli %scan3A_893, %mul3A_917 : i32
        %add3A_919 = arith.constant 1 : i32
        %add3A_920 = arith.addi %mul3A_918, %add3A_919 : i32
        %swap3A_921 = arith.index_cast %add3A_920 : i32 to index
        %swap3A_922 = arith.constant 0 : index
        %swap3A_923 = tpu.vector_load %arg11[%swap3A_921, %swap3A_922] {strides = array<i32>} : memref<32x128xf32, #tpu.memory_space<vmem>>, vector<1x16xf32>,
        %swap3A_924 = vector.shape_cast %swap3A_923 : vector<1x16xf32> to vector<16xf32>
        %swap3A_925 = vector.shape_cast %get3A_916 : vector<16xf32> to vector<1x16xf32>
        tpu.vector_store %arg11[%swap3A_921, %swap3A_922], %swap3A_925 {strides = array<i32>} : memref<32x128xf32, #tpu.memory_space<vmem>>, vector<1x16xf32>,
        %mul3A_926 = arith.constant 8 : i32
        %mul3A_927 = arith.muli %scan3A_893, %mul3A_926 : i32
        %add3A_928 = arith.constant 2 : i32
        %add3A_929 = arith.addi %mul3A_927, %add3A_928 : i32
        %get3A_930 = arith.index_cast %add3A_929 : i32 to index
        %get3A_931 = arith.constant 0 : index
        %get3A_932 = tpu.vector_load %arg9[%get3A_930, %get3A_931] {strides = array<i32>} : memref<32x16xf32, #tpu.memory_space<vmem>>, vector<1x16xf32>,
        %get3A_933 = vector.shape_cast %get3A_932 : vector<1x16xf32> to vector<16xf32>
        %mul3A_934 = arith.constant 8 : i32
        %mul3A_935 = arith.muli %scan3A_893, %mul3A_934 : i32
        %add3A_936 = arith.constant 2 : i32
        %add3A_937 = arith.addi %mul3A_935, %add3A_936 : i32
        %swap3A_938 = arith.index_cast %add3A_937 : i32 to index
        %swap3A_939 = arith.constant 0 : index
        %swap3A_940 = tpu.vector_load %arg11[%swap3A_938, %swap3A_939] {strides = array<i32>} : memref<32x128xf32, #tpu.memory_space<vmem>>, vector<1x16xf32>,
        %swap3A_941 = vector.shape_cast %swap3A_940 : vector<1x16xf32> to vector<16xf32>
        %swap3A_942 = vector.shape_cast %get3A_933 : vector<16xf32> to vector<1x16xf32>
        tpu.vector_store %arg11[%swap3A_938, %swap3A_939], %swap3A_942 {strides = array<i32>} : memref<32x128xf32, #tpu.memory_space<vmem>>, vector<1x16xf32>,
        %mul3A_943 = arith.constant 8 : i32
        %mul3A_944 = arith.muli %scan3A_893, %mul3A_943 : i32
        %add3A_945 = arith.constant 3 : i32
        %add3A_946 = arith.addi %mul3A_944, %add3A_945 : i32
        %get3A_947 = arith.index_cast %add3A_946 : i32 to index
        %get3A_948 = arith.constant 0 : index
        %get3A_949 = tpu.vector_load %arg9[%get3A_947, %get3A_948] {strides = array<i32>} : memref<32x16xf32, #tpu.memory_space<vmem>>, vector<1x16xf32>,
        %get3A_950 = vector.shape_cast %get3A_949 : vector<1x16xf32> to vector<16xf32>
        %mul3A_951 = arith.constant 8 : i32
        %mul3A_952 = arith.muli %scan3A_893, %mul3A_951 : i32
        %add3A_953 = arith.constant 3 : i32
        %add3A_954 = arith.addi %mul3A_952, %add3A_953 : i32
        %swap3A_955 = arith.index_cast %add3A_954 : i32 to index
        %swap3A_956 = arith.constant 0 : index
        %swap3A_957 = tpu.vector_load %arg11[%swap3A_955, %swap3A_956] {strides = array<i32>} : memref<32x128xf32, #tpu.memory_space<vmem>>, vector<1x16xf32>,
        %swap3A_958 = vector.shape_cast %swap3A_957 : vector<1x16xf32> to vector<16xf32>
        %swap3A_959 = vector.shape_cast %get3A_950 : vector<16xf32> to vector<1x16xf32>
        tpu.vector_store %arg11[%swap3A_955, %swap3A_956], %swap3A_959 {strides = array<i32>} : memref<32x128xf32, #tpu.memory_space<vmem>>, vector<1x16xf32>,
        %mul3A_960 = arith.constant 8 : i32
        %mul3A_961 = arith.muli %scan3A_893, %mul3A_960 : i32
        %add3A_962 = arith.constant 4 : i32
        %add3A_963 = arith.addi %mul3A_961, %add3A_962 : i32
        %get3A_964 = arith.index_cast %add3A_963 : i32 to index
        %get3A_965 = arith.constant 0 : index
        %get3A_966 = tpu.vector_load %arg9[%get3A_964, %get3A_965] {strides = array<i32>} : memref<32x16xf32, #tpu.memory_space<vmem>>, vector<1x16xf32>,
        %get3A_967 = vector.shape_cast %get3A_966 : vector<1x16xf32> to vector<16xf32>
        %mul3A_968 = arith.constant 8 : i32
        %mul3A_969 = arith.muli %scan3A_893, %mul3A_968 : i32
        %add3A_970 = arith.constant 4 : i32
        %add3A_971 = arith.addi %mul3A_969, %add3A_970 : i32
        %swap3A_972 = arith.index_cast %add3A_971 : i32 to index
        %swap3A_973 = arith.constant 0 : index
        %swap3A_974 = tpu.vector_load %arg11[%swap3A_972, %swap3A_973] {strides = array<i32>} : memref<32x128xf32, #tpu.memory_space<vmem>>, vector<1x16xf32>,
        %swap3A_975 = vector.shape_cast %swap3A_974 : vector<1x16xf32> to vector<16xf32>
        %swap3A_976 = vector.shape_cast %get3A_967 : vector<16xf32> to vector<1x16xf32>
        tpu.vector_store %arg11[%swap3A_972, %swap3A_973], %swap3A_976 {strides = array<i32>} : memref<32x128xf32, #tpu.memory_space<vmem>>, vector<1x16xf32>,
        %mul3A_977 = arith.constant 8 : i32
        %mul3A_978 = arith.muli %scan3A_893, %mul3A_977 : i32
        %add3A_979 = arith.constant 5 : i32
        %add3A_980 = arith.addi %mul3A_978, %add3A_979 : i32
        %get3A_981 = arith.index_cast %add3A_980 : i32 to index
        %get3A_982 = arith.constant 0 : index
        %get3A_983 = tpu.vector_load %arg9[%get3A_981, %get3A_982] {strides = array<i32>} : memref<32x16xf32, #tpu.memory_space<vmem>>, vector<1x16xf32>,
        %get3A_984 = vector.shape_cast %get3A_983 : vector<1x16xf32> to vector<16xf32>
        %mul3A_985 = arith.constant 8 : i32
        %mul3A_986 = arith.muli %scan3A_893, %mul3A_985 : i32
        %add3A_987 = arith.constant 5 : i32
        %add3A_988 = arith.addi %mul3A_986, %add3A_987 : i32
        %swap3A_989 = arith.index_cast %add3A_988 : i32 to index
        %swap3A_990 = arith.constant 0 : index
        %swap3A_991 = tpu.vector_load %arg11[%swap3A_989, %swap3A_990] {strides = array<i32>} : memref<32x128xf32, #tpu.memory_space<vmem>>, vector<1x16xf32>,
        %swap3A_992 = vector.shape_cast %swap3A_991 : vector<1x16xf32> to vector<16xf32>
        %swap3A_993 = vector.shape_cast %get3A_984 : vector<16xf32> to vector<1x16xf32>
        tpu.vector_store %arg11[%swap3A_989, %swap3A_990], %swap3A_993 {strides = array<i32>} : memref<32x128xf32, #tpu.memory_space<vmem>>, vector<1x16xf32>,
        %mul3A_994 = arith.constant 8 : i32
        %mul3A_995 = arith.muli %scan3A_893, %mul3A_994 : i32
        %add3A_996 = arith.constant 6 : i32
        %add3A_997 = arith.addi %mul3A_995, %add3A_996 : i32
        %get3A_998 = arith.index_cast %add3A_997 : i32 to index
        %get3A_999 = arith.constant 0 : index
        %get3A_1000 = tpu.vector_load %arg9[%get3A_998, %get3A_999] {strides = array<i32>} : memref<32x16xf32, #tpu.memory_space<vmem>>, vector<1x16xf32>,
        %get3A_1001 = vector.shape_cast %get3A_1000 : vector<1x16xf32> to vector<16xf32>
        %mul3A_1002 = arith.constant 8 : i32
        %mul3A_1003 = arith.muli %scan3A_893, %mul3A_1002 : i32
        %add3A_1004 = arith.constant 6 : i32
        %add3A_1005 = arith.addi %mul3A_1003, %add3A_1004 : i32
        %swap3A_1006 = arith.index_cast %add3A_1005 : i32 to index
        %swap3A_1007 = arith.constant 0 : index
        %swap3A_1008 = tpu.vector_load %arg11[%swap3A_1006, %swap3A_1007] {strides = array<i32>} : memref<32x128xf32, #tpu.memory_space<vmem>>, vector<1x16xf32>,
        %swap3A_1009 = vector.shape_cast %swap3A_1008 : vector<1x16xf32> to vector<16xf32>
        %swap3A_1010 = vector.shape_cast %get3A_1001 : vector<16xf32> to vector<1x16xf32>
        tpu.vector_store %arg11[%swap3A_1006, %swap3A_1007], %swap3A_1010 {strides = array<i32>} : memref<32x128xf32, #tpu.memory_space<vmem>>, vector<1x16xf32>,
        %mul3A_1011 = arith.constant 8 : i32
        %mul3A_1012 = arith.muli %scan3A_893, %mul3A_1011 : i32
        %add3A_1013 = arith.constant 7 : i32
        %add3A_1014 = arith.addi %mul3A_1012, %add3A_1013 : i32
        %get3A_1015 = arith.index_cast %add3A_1014 : i32 to index
        %get3A_1016 = arith.constant 0 : index
        %get3A_1017 = tpu.vector_load %arg9[%get3A_1015, %get3A_1016] {strides = array<i32>} : memref<32x16xf32, #tpu.memory_space<vmem>>, vector<1x16xf32>,
        %get3A_1018 = vector.shape_cast %get3A_1017 : vector<1x16xf32> to vector<16xf32>
        %mul3A_1019 = arith.constant 8 : i32
        %mul3A_1020 = arith.muli %scan3A_893, %mul3A_1019 : i32
        %add3A_1021 = arith.constant 7 : i32
        %add3A_1022 = arith.addi %mul3A_1020, %add3A_1021 : i32
        %swap3A_1023 = arith.index_cast %add3A_1022 : i32 to index
        %swap3A_1024 = arith.constant 0 : index
        %swap3A_1025 = tpu.vector_load %arg11[%swap3A_1023, %swap3A_1024] {strides = array<i32>} : memref<32x128xf32, #tpu.memory_space<vmem>>, vector<1x16xf32>,
        %swap3A_1026 = vector.shape_cast %swap3A_1025 : vector<1x16xf32> to vector<16xf32>
        %swap3A_1027 = vector.shape_cast %get3A_1018 : vector<16xf32> to vector<1x16xf32>
        tpu.vector_store %arg11[%swap3A_1023, %swap3A_1024], %swap3A_1027 {strides = array<i32>} : memref<32x128xf32, #tpu.memory_space<vmem>>, vector<1x16xf32>,
      }
      %scan3A_484 = arith.constant 4 : i32
      %dma_start3A_485 = arith.constant 8 : i32
      %dma_start3A_486 = arith.constant 0 : i32
      %dma_start3A_487 = tpu.memref_slice %arg8[%dma_start3A_485, %dma_start3A_486] : memref<16x32xi32, #tpu.memory_space<vmem>> -> memref<1x32xi32, #tpu.memory_space<vmem>>
      %dma_start3A_488 = tpu.memref_squeeze %dma_start3A_487 : memref<1x32xi32, #tpu.memory_space<vmem>> -> memref<32xi32, #tpu.memory_space<vmem>>
      %dma_start3A_489 = arith.constant 0 : i32
      %dma_start3A_490 = arith.constant 0 : i32
      %dma_start3A_491 = tpu.memref_slice %arg14[%dma_start3A_489, %dma_start3A_490] : memref<10112x128xf32, #tpu.memory_space<vmem_shared>> -> memref<10112x128xf32, #tpu.memory_space<vmem_shared>>
      tpu.enqueue_indirect_dma source(%arg11 : memref<32x128xf32, #tpu.memory_space<vmem>>) target(%dma_start3A_491 : memref<10112x128xf32, #tpu.memory_space<vmem_shared>>) offsets(%dma_start3A_488 : memref<32xi32, #tpu.memory_space<vmem>>) semaphore(%arg17 : memref<!tpu.dma_semaphore, #tpu.memory_space<semaphore_mem>>) {add = true}
      %dma_start3A_492 = arith.constant 8 : i32
      %dma_start3A_493 = arith.constant 0 : i32
      %dma_start3A_494 = tpu.memref_slice %arg7[%dma_start3A_492, %dma_start3A_493] : memref<16x32xi32, #tpu.memory_space<vmem>> -> memref<1x32xi32, #tpu.memory_space<vmem>>
      %dma_start3A_495 = tpu.memref_squeeze %dma_start3A_494 : memref<1x32xi32, #tpu.memory_space<vmem>> -> memref<32xi32, #tpu.memory_space<vmem>>
      %dma_start3A_496 = arith.constant 0 : i32
      %dma_start3A_497 = arith.constant 0 : i32
      %dma_start3A_498 = tpu.memref_slice %arg14[%dma_start3A_496, %dma_start3A_497] : memref<10112x128xf32, #tpu.memory_space<vmem_shared>> -> memref<10112x128xf32, #tpu.memory_space<vmem_shared>>
      tpu.enqueue_indirect_dma source(%arg13 : memref<32x128xf32, #tpu.memory_space<vmem>>) target(%dma_start3A_498 : memref<10112x128xf32, #tpu.memory_space<vmem_shared>>) offsets(%dma_start3A_495 : memref<32xi32, #tpu.memory_space<vmem>>) semaphore(%arg19 : memref<!tpu.dma_semaphore, #tpu.memory_space<semaphore_mem>>) {add = true}
      %dma_wait3A_499 = arith.constant 7 : i32
      %dma_wait3A_500 = arith.constant 0 : i32
      %dma_wait3A_501 = tpu.memref_slice %arg7[%dma_wait3A_499, %dma_wait3A_500] : memref<16x32xi32, #tpu.memory_space<vmem>> -> memref<1x32xi32, #tpu.memory_space<vmem>>
      %dma_wait3A_502 = tpu.memref_squeeze %dma_wait3A_501 : memref<1x32xi32, #tpu.memory_space<vmem>> -> memref<32xi32, #tpu.memory_space<vmem>>
      %dma_wait3A_503 = arith.constant 0 : i32
      %dma_wait3A_504 = arith.constant 0 : i32
      %dma_wait3A_505 = tpu.memref_slice %arg14[%dma_wait3A_503, %dma_wait3A_504] : memref<10112x128xf32, #tpu.memory_space<vmem_shared>> -> memref<10112x128xf32, #tpu.memory_space<vmem_shared>>
      tpu.wait_indirect_dma semaphore(%arg19 : memref<!tpu.dma_semaphore, #tpu.memory_space<semaphore_mem>>) src(%arg13 : memref<32x128xf32, #tpu.memory_space<vmem>>) dst(%dma_wait3A_505 : memref<10112x128xf32, #tpu.memory_space<vmem_shared>>)
      %add3A_506 = arith.constant 9 : i32
      %add3A_507 = arith.addi %add3A_34, %add3A_506 : i32
      %add3A_508 = arith.constant 1 : i32
      %add3A_509 = arith.addi %add3A_507, %add3A_508 : i32
      %dma_start3A_510 = arith.constant 0 : i32
      %dma_start3A_511 = arith.constant 0 : i32
      %dma_start3A_512 = tpu.memref_slice %arg4[%add3A_509, %dma_start3A_510, %dma_start3A_511] : memref<10240x32x16xf32, #tpu.memory_space<hbm>> -> memref<1x32x16xf32, #tpu.memory_space<hbm>>
      %dma_start3A_513 = tpu.memref_squeeze %dma_start3A_512 : memref<1x32x16xf32, #tpu.memory_space<hbm>> -> memref<32x16xf32, #tpu.memory_space<hbm>>
      %dma_start3A_514 = arith.constant 0 : i32
      %dma_start3A_515 = arith.constant 0 : i32
      %dma_start3A_516 = tpu.memref_slice %arg4[%add3A_509, %dma_start3A_514, %dma_start3A_515] : memref<10240x32x16xf32, #tpu.memory_space<hbm>> -> memref<1x32x16xf32, #tpu.memory_space<hbm>>
      %dma_start3A_517 = tpu.memref_squeeze %dma_start3A_516 : memref<1x32x16xf32, #tpu.memory_space<hbm>> -> memref<32x16xf32, #tpu.memory_space<hbm>>
      tpu.enqueue_dma source(%dma_start3A_517 : memref<32x16xf32, #tpu.memory_space<hbm>>) target(%arg9 : memref<32x16xf32, #tpu.memory_space<vmem>>) target_semaphore(%arg15 : memref<!tpu.dma_semaphore, #tpu.memory_space<semaphore_mem>>)
      %dma_wait3A_518 = arith.constant 7 : i32
      %dma_wait3A_519 = arith.constant 0 : i32
      %dma_wait3A_520 = tpu.memref_slice %arg8[%dma_wait3A_518, %dma_wait3A_519] : memref<16x32xi32, #tpu.memory_space<vmem>> -> memref<1x32xi32, #tpu.memory_space<vmem>>
      %dma_wait3A_521 = tpu.memref_squeeze %dma_wait3A_520 : memref<1x32xi32, #tpu.memory_space<vmem>> -> memref<32xi32, #tpu.memory_space<vmem>>
      %dma_wait3A_522 = arith.constant 0 : i32
      %dma_wait3A_523 = arith.constant 0 : i32
      %dma_wait3A_524 = tpu.memref_slice %arg14[%dma_wait3A_522, %dma_wait3A_523] : memref<10112x128xf32, #tpu.memory_space<vmem_shared>> -> memref<10112x128xf32, #tpu.memory_space<vmem_shared>>
      tpu.wait_indirect_dma semaphore(%arg18 : memref<!tpu.dma_semaphore, #tpu.memory_space<semaphore_mem>>) src(%arg12 : memref<32x128xf32, #tpu.memory_space<vmem>>) dst(%dma_wait3A_524 : memref<10112x128xf32, #tpu.memory_space<vmem_shared>>)
      %dma_wait3A_525 = arith.constant 0 : i32
      %dma_wait3A_526 = arith.constant 0 : i32
      %dma_wait3A_527 = tpu.memref_slice %arg4[%add3A_455, %dma_wait3A_525, %dma_wait3A_526] : memref<10240x32x16xf32, #tpu.memory_space<hbm>> -> memref<1x32x16xf32, #tpu.memory_space<hbm>>
      %dma_wait3A_528 = tpu.memref_squeeze %dma_wait3A_527 : memref<1x32x16xf32, #tpu.memory_space<hbm>> -> memref<32x16xf32, #tpu.memory_space<hbm>>
      %dma_wait3A_529 = arith.constant 0 : i32
      %dma_wait3A_530 = arith.constant 0 : i32
      %dma_wait3A_531 = tpu.memref_slice %arg4[%add3A_455, %dma_wait3A_529, %dma_wait3A_530] : memref<10240x32x16xf32, #tpu.memory_space<hbm>> -> memref<1x32x16xf32, #tpu.memory_space<hbm>>
      %dma_wait3A_532 = tpu.memref_squeeze %dma_wait3A_531 : memref<1x32x16xf32, #tpu.memory_space<hbm>> -> memref<32x16xf32, #tpu.memory_space<hbm>>
      tpu.wait_dma2 semaphore(%arg16 : memref<!tpu.dma_semaphore, #tpu.memory_space<semaphore_mem>>) src(%dma_wait3A_532 : memref<32x16xf32, #tpu.memory_space<hbm>>) dst(%arg10 : memref<32x16xf32, #tpu.memory_space<vmem>>)
      %scan3A_533 = arith.constant 0 : i32
      %scan3A_534 = arith.constant 0 : i32
      %scan3A_535 = arith.constant 4 : i32
      %scan3A_536 = arith.addi %scan3A_534, %scan3A_535 : i32
      %scan3A_537 = arith.constant 1 : i32
      scf.for %scan3A_893 = %scan3A_534 to %scan3A_536 step %scan3A_537  : i32 {
        %mul3A_894 = arith.constant 8 : i32
        %mul3A_895 = arith.muli %scan3A_893, %mul3A_894 : i32
        %add3A_896 = arith.constant 0 : i32
        %add3A_897 = arith.addi %mul3A_895, %add3A_896 : i32
        %get3A = arith.index_cast %add3A_897 : i32 to index
        %get3A_898 = arith.constant 0 : index
        %get3A_899 = tpu.vector_load %arg10[%get3A, %get3A_898] {strides = array<i32>} : memref<32x16xf32, #tpu.memory_space<vmem>>, vector<1x16xf32>,
        %get3A_900 = vector.shape_cast %get3A_899 : vector<1x16xf32> to vector<16xf32>
        %mul3A_901 = arith.constant 8 : i32
        %mul3A_902 = arith.muli %scan3A_893, %mul3A_901 : i32
        %add3A_903 = arith.constant 0 : i32
        %add3A_904 = arith.addi %mul3A_902, %add3A_903 : i32
        %swap3A = arith.index_cast %add3A_904 : i32 to index
        %swap3A_905 = arith.constant 0 : index
        %swap3A_906 = tpu.vector_load %arg12[%swap3A, %swap3A_905] {strides = array<i32>} : memref<32x128xf32, #tpu.memory_space<vmem>>, vector<1x16xf32>,
        %swap3A_907 = vector.shape_cast %swap3A_906 : vector<1x16xf32> to vector<16xf32>
        %swap3A_908 = vector.shape_cast %get3A_900 : vector<16xf32> to vector<1x16xf32>
        tpu.vector_store %arg12[%swap3A, %swap3A_905], %swap3A_908 {strides = array<i32>} : memref<32x128xf32, #tpu.memory_space<vmem>>, vector<1x16xf32>,
        %mul3A_909 = arith.constant 8 : i32
        %mul3A_910 = arith.muli %scan3A_893, %mul3A_909 : i32
        %add3A_911 = arith.constant 1 : i32
        %add3A_912 = arith.addi %mul3A_910, %add3A_911 : i32
        %get3A_913 = arith.index_cast %add3A_912 : i32 to index
        %get3A_914 = arith.constant 0 : index
        %get3A_915 = tpu.vector_load %arg10[%get3A_913, %get3A_914] {strides = array<i32>} : memref<32x16xf32, #tpu.memory_space<vmem>>, vector<1x16xf32>,
        %get3A_916 = vector.shape_cast %get3A_915 : vector<1x16xf32> to vector<16xf32>
        %mul3A_917 = arith.constant 8 : i32
        %mul3A_918 = arith.muli %scan3A_893, %mul3A_917 : i32
        %add3A_919 = arith.constant 1 : i32
        %add3A_920 = arith.addi %mul3A_918, %add3A_919 : i32
        %swap3A_921 = arith.index_cast %add3A_920 : i32 to index
        %swap3A_922 = arith.constant 0 : index
        %swap3A_923 = tpu.vector_load %arg12[%swap3A_921, %swap3A_922] {strides = array<i32>} : memref<32x128xf32, #tpu.memory_space<vmem>>, vector<1x16xf32>,
        %swap3A_924 = vector.shape_cast %swap3A_923 : vector<1x16xf32> to vector<16xf32>
        %swap3A_925 = vector.shape_cast %get3A_916 : vector<16xf32> to vector<1x16xf32>
        tpu.vector_store %arg12[%swap3A_921, %swap3A_922], %swap3A_925 {strides = array<i32>} : memref<32x128xf32, #tpu.memory_space<vmem>>, vector<1x16xf32>,
        %mul3A_926 = arith.constant 8 : i32
        %mul3A_927 = arith.muli %scan3A_893, %mul3A_926 : i32
        %add3A_928 = arith.constant 2 : i32
        %add3A_929 = arith.addi %mul3A_927, %add3A_928 : i32
        %get3A_930 = arith.index_cast %add3A_929 : i32 to index
        %get3A_931 = arith.constant 0 : index
        %get3A_932 = tpu.vector_load %arg10[%get3A_930, %get3A_931] {strides = array<i32>} : memref<32x16xf32, #tpu.memory_space<vmem>>, vector<1x16xf32>,
        %get3A_933 = vector.shape_cast %get3A_932 : vector<1x16xf32> to vector<16xf32>
        %mul3A_934 = arith.constant 8 : i32
        %mul3A_935 = arith.muli %scan3A_893, %mul3A_934 : i32
        %add3A_936 = arith.constant 2 : i32
        %add3A_937 = arith.addi %mul3A_935, %add3A_936 : i32
        %swap3A_938 = arith.index_cast %add3A_937 : i32 to index
        %swap3A_939 = arith.constant 0 : index
        %swap3A_940 = tpu.vector_load %arg12[%swap3A_938, %swap3A_939] {strides = array<i32>} : memref<32x128xf32, #tpu.memory_space<vmem>>, vector<1x16xf32>,
        %swap3A_941 = vector.shape_cast %swap3A_940 : vector<1x16xf32> to vector<16xf32>
        %swap3A_942 = vector.shape_cast %get3A_933 : vector<16xf32> to vector<1x16xf32>
        tpu.vector_store %arg12[%swap3A_938, %swap3A_939], %swap3A_942 {strides = array<i32>} : memref<32x128xf32, #tpu.memory_space<vmem>>, vector<1x16xf32>,
        %mul3A_943 = arith.constant 8 : i32
        %mul3A_944 = arith.muli %scan3A_893, %mul3A_943 : i32
        %add3A_945 = arith.constant 3 : i32
        %add3A_946 = arith.addi %mul3A_944, %add3A_945 : i32
        %get3A_947 = arith.index_cast %add3A_946 : i32 to index
        %get3A_948 = arith.constant 0 : index
        %get3A_949 = tpu.vector_load %arg10[%get3A_947, %get3A_948] {strides = array<i32>} : memref<32x16xf32, #tpu.memory_space<vmem>>, vector<1x16xf32>,
        %get3A_950 = vector.shape_cast %get3A_949 : vector<1x16xf32> to vector<16xf32>
        %mul3A_951 = arith.constant 8 : i32
        %mul3A_952 = arith.muli %scan3A_893, %mul3A_951 : i32
        %add3A_953 = arith.constant 3 : i32
        %add3A_954 = arith.addi %mul3A_952, %add3A_953 : i32
        %swap3A_955 = arith.index_cast %add3A_954 : i32 to index
        %swap3A_956 = arith.constant 0 : index
        %swap3A_957 = tpu.vector_load %arg12[%swap3A_955, %swap3A_956] {strides = array<i32>} : memref<32x128xf32, #tpu.memory_space<vmem>>, vector<1x16xf32>,
        %swap3A_958 = vector.shape_cast %swap3A_957 : vector<1x16xf32> to vector<16xf32>
        %swap3A_959 = vector.shape_cast %get3A_950 : vector<16xf32> to vector<1x16xf32>
        tpu.vector_store %arg12[%swap3A_955, %swap3A_956], %swap3A_959 {strides = array<i32>} : memref<32x128xf32, #tpu.memory_space<vmem>>, vector<1x16xf32>,
        %mul3A_960 = arith.constant 8 : i32
        %mul3A_961 = arith.muli %scan3A_893, %mul3A_960 : i32
        %add3A_962 = arith.constant 4 : i32
        %add3A_963 = arith.addi %mul3A_961, %add3A_962 : i32
        %get3A_964 = arith.index_cast %add3A_963 : i32 to index
        %get3A_965 = arith.constant 0 : index
        %get3A_966 = tpu.vector_load %arg10[%get3A_964, %get3A_965] {strides = array<i32>} : memref<32x16xf32, #tpu.memory_space<vmem>>, vector<1x16xf32>,
        %get3A_967 = vector.shape_cast %get3A_966 : vector<1x16xf32> to vector<16xf32>
        %mul3A_968 = arith.constant 8 : i32
        %mul3A_969 = arith.muli %scan3A_893, %mul3A_968 : i32
        %add3A_970 = arith.constant 4 : i32
        %add3A_971 = arith.addi %mul3A_969, %add3A_970 : i32
        %swap3A_972 = arith.index_cast %add3A_971 : i32 to index
        %swap3A_973 = arith.constant 0 : index
        %swap3A_974 = tpu.vector_load %arg12[%swap3A_972, %swap3A_973] {strides = array<i32>} : memref<32x128xf32, #tpu.memory_space<vmem>>, vector<1x16xf32>,
        %swap3A_975 = vector.shape_cast %swap3A_974 : vector<1x16xf32> to vector<16xf32>
        %swap3A_976 = vector.shape_cast %get3A_967 : vector<16xf32> to vector<1x16xf32>
        tpu.vector_store %arg12[%swap3A_972, %swap3A_973], %swap3A_976 {strides = array<i32>} : memref<32x128xf32, #tpu.memory_space<vmem>>, vector<1x16xf32>,
        %mul3A_977 = arith.constant 8 : i32
        %mul3A_978 = arith.muli %scan3A_893, %mul3A_977 : i32
        %add3A_979 = arith.constant 5 : i32
        %add3A_980 = arith.addi %mul3A_978, %add3A_979 : i32
        %get3A_981 = arith.index_cast %add3A_980 : i32 to index
        %get3A_982 = arith.constant 0 : index
        %get3A_983 = tpu.vector_load %arg10[%get3A_981, %get3A_982] {strides = array<i32>} : memref<32x16xf32, #tpu.memory_space<vmem>>, vector<1x16xf32>,
        %get3A_984 = vector.shape_cast %get3A_983 : vector<1x16xf32> to vector<16xf32>
        %mul3A_985 = arith.constant 8 : i32
        %mul3A_986 = arith.muli %scan3A_893, %mul3A_985 : i32
        %add3A_987 = arith.constant 5 : i32
        %add3A_988 = arith.addi %mul3A_986, %add3A_987 : i32
        %swap3A_989 = arith.index_cast %add3A_988 : i32 to index
        %swap3A_990 = arith.constant 0 : index
        %swap3A_991 = tpu.vector_load %arg12[%swap3A_989, %swap3A_990] {strides = array<i32>} : memref<32x128xf32, #tpu.memory_space<vmem>>, vector<1x16xf32>,
        %swap3A_992 = vector.shape_cast %swap3A_991 : vector<1x16xf32> to vector<16xf32>
        %swap3A_993 = vector.shape_cast %get3A_984 : vector<16xf32> to vector<1x16xf32>
        tpu.vector_store %arg12[%swap3A_989, %swap3A_990], %swap3A_993 {strides = array<i32>} : memref<32x128xf32, #tpu.memory_space<vmem>>, vector<1x16xf32>,
        %mul3A_994 = arith.constant 8 : i32
        %mul3A_995 = arith.muli %scan3A_893, %mul3A_994 : i32
        %add3A_996 = arith.constant 6 : i32
        %add3A_997 = arith.addi %mul3A_995, %add3A_996 : i32
        %get3A_998 = arith.index_cast %add3A_997 : i32 to index
        %get3A_999 = arith.constant 0 : index
        %get3A_1000 = tpu.vector_load %arg10[%get3A_998, %get3A_999] {strides = array<i32>} : memref<32x16xf32, #tpu.memory_space<vmem>>, vector<1x16xf32>,
        %get3A_1001 = vector.shape_cast %get3A_1000 : vector<1x16xf32> to vector<16xf32>
        %mul3A_1002 = arith.constant 8 : i32
        %mul3A_1003 = arith.muli %scan3A_893, %mul3A_1002 : i32
        %add3A_1004 = arith.constant 6 : i32
        %add3A_1005 = arith.addi %mul3A_1003, %add3A_1004 : i32
        %swap3A_1006 = arith.index_cast %add3A_1005 : i32 to index
        %swap3A_1007 = arith.constant 0 : index
        %swap3A_1008 = tpu.vector_load %arg12[%swap3A_1006, %swap3A_1007] {strides = array<i32>} : memref<32x128xf32, #tpu.memory_space<vmem>>, vector<1x16xf32>,
        %swap3A_1009 = vector.shape_cast %swap3A_1008 : vector<1x16xf32> to vector<16xf32>
        %swap3A_1010 = vector.shape_cast %get3A_1001 : vector<16xf32> to vector<1x16xf32>
        tpu.vector_store %arg12[%swap3A_1006, %swap3A_1007], %swap3A_1010 {strides = array<i32>} : memref<32x128xf32, #tpu.memory_space<vmem>>, vector<1x16xf32>,
        %mul3A_1011 = arith.constant 8 : i32
        %mul3A_1012 = arith.muli %scan3A_893, %mul3A_1011 : i32
        %add3A_1013 = arith.constant 7 : i32
        %add3A_1014 = arith.addi %mul3A_1012, %add3A_1013 : i32
        %get3A_1015 = arith.index_cast %add3A_1014 : i32 to index
        %get3A_1016 = arith.constant 0 : index
        %get3A_1017 = tpu.vector_load %arg10[%get3A_1015, %get3A_1016] {strides = array<i32>} : memref<32x16xf32, #tpu.memory_space<vmem>>, vector<1x16xf32>,
        %get3A_1018 = vector.shape_cast %get3A_1017 : vector<1x16xf32> to vector<16xf32>
        %mul3A_1019 = arith.constant 8 : i32
        %mul3A_1020 = arith.muli %scan3A_893, %mul3A_1019 : i32
        %add3A_1021 = arith.constant 7 : i32
        %add3A_1022 = arith.addi %mul3A_1020, %add3A_1021 : i32
        %swap3A_1023 = arith.index_cast %add3A_1022 : i32 to index
        %swap3A_1024 = arith.constant 0 : index
        %swap3A_1025 = tpu.vector_load %arg12[%swap3A_1023, %swap3A_1024] {strides = array<i32>} : memref<32x128xf32, #tpu.memory_space<vmem>>, vector<1x16xf32>,
        %swap3A_1026 = vector.shape_cast %swap3A_1025 : vector<1x16xf32> to vector<16xf32>
        %swap3A_1027 = vector.shape_cast %get3A_1018 : vector<16xf32> to vector<1x16xf32>
        tpu.vector_store %arg12[%swap3A_1023, %swap3A_1024], %swap3A_1027 {strides = array<i32>} : memref<32x128xf32, #tpu.memory_space<vmem>>, vector<1x16xf32>,
      }
      %scan3A_538 = arith.constant 4 : i32
      %dma_start3A_539 = arith.constant 9 : i32
      %dma_start3A_540 = arith.constant 0 : i32
      %dma_start3A_541 = tpu.memref_slice %arg8[%dma_start3A_539, %dma_start3A_540] : memref<16x32xi32, #tpu.memory_space<vmem>> -> memref<1x32xi32, #tpu.memory_space<vmem>>
      %dma_start3A_542 = tpu.memref_squeeze %dma_start3A_541 : memref<1x32xi32, #tpu.memory_space<vmem>> -> memref<32xi32, #tpu.memory_space<vmem>>
      %dma_start3A_543 = arith.constant 0 : i32
      %dma_start3A_544 = arith.constant 0 : i32
      %dma_start3A_545 = tpu.memref_slice %arg14[%dma_start3A_543, %dma_start3A_544] : memref<10112x128xf32, #tpu.memory_space<vmem_shared>> -> memref<10112x128xf32, #tpu.memory_space<vmem_shared>>
      tpu.enqueue_indirect_dma source(%arg12 : memref<32x128xf32, #tpu.memory_space<vmem>>) target(%dma_start3A_545 : memref<10112x128xf32, #tpu.memory_space<vmem_shared>>) offsets(%dma_start3A_542 : memref<32xi32, #tpu.memory_space<vmem>>) semaphore(%arg18 : memref<!tpu.dma_semaphore, #tpu.memory_space<semaphore_mem>>) {add = true}
      %dma_start3A_546 = arith.constant 9 : i32
      %dma_start3A_547 = arith.constant 0 : i32
      %dma_start3A_548 = tpu.memref_slice %arg7[%dma_start3A_546, %dma_start3A_547] : memref<16x32xi32, #tpu.memory_space<vmem>> -> memref<1x32xi32, #tpu.memory_space<vmem>>
      %dma_start3A_549 = tpu.memref_squeeze %dma_start3A_548 : memref<1x32xi32, #tpu.memory_space<vmem>> -> memref<32xi32, #tpu.memory_space<vmem>>
      %dma_start3A_550 = arith.constant 0 : i32
      %dma_start3A_551 = arith.constant 0 : i32
      %dma_start3A_552 = tpu.memref_slice %arg14[%dma_start3A_550, %dma_start3A_551] : memref<10112x128xf32, #tpu.memory_space<vmem_shared>> -> memref<10112x128xf32, #tpu.memory_space<vmem_shared>>
      tpu.enqueue_indirect_dma source(%arg13 : memref<32x128xf32, #tpu.memory_space<vmem>>) target(%dma_start3A_552 : memref<10112x128xf32, #tpu.memory_space<vmem_shared>>) offsets(%dma_start3A_549 : memref<32xi32, #tpu.memory_space<vmem>>) semaphore(%arg19 : memref<!tpu.dma_semaphore, #tpu.memory_space<semaphore_mem>>) {add = true}
      %dma_wait3A_553 = arith.constant 8 : i32
      %dma_wait3A_554 = arith.constant 0 : i32
      %dma_wait3A_555 = tpu.memref_slice %arg7[%dma_wait3A_553, %dma_wait3A_554] : memref<16x32xi32, #tpu.memory_space<vmem>> -> memref<1x32xi32, #tpu.memory_space<vmem>>
      %dma_wait3A_556 = tpu.memref_squeeze %dma_wait3A_555 : memref<1x32xi32, #tpu.memory_space<vmem>> -> memref<32xi32, #tpu.memory_space<vmem>>
      %dma_wait3A_557 = arith.constant 0 : i32
      %dma_wait3A_558 = arith.constant 0 : i32
      %dma_wait3A_559 = tpu.memref_slice %arg14[%dma_wait3A_557, %dma_wait3A_558] : memref<10112x128xf32, #tpu.memory_space<vmem_shared>> -> memref<10112x128xf32, #tpu.memory_space<vmem_shared>>
      tpu.wait_indirect_dma semaphore(%arg19 : memref<!tpu.dma_semaphore, #tpu.memory_space<semaphore_mem>>) src(%arg13 : memref<32x128xf32, #tpu.memory_space<vmem>>) dst(%dma_wait3A_559 : memref<10112x128xf32, #tpu.memory_space<vmem_shared>>)
      %add3A_560 = arith.constant 10 : i32
      %add3A_561 = arith.addi %add3A_34, %add3A_560 : i32
      %add3A_562 = arith.constant 1 : i32
      %add3A_563 = arith.addi %add3A_561, %add3A_562 : i32
      %dma_start3A_564 = arith.constant 0 : i32
      %dma_start3A_565 = arith.constant 0 : i32
      %dma_start3A_566 = tpu.memref_slice %arg4[%add3A_563, %dma_start3A_564, %dma_start3A_565] : memref<10240x32x16xf32, #tpu.memory_space<hbm>> -> memref<1x32x16xf32, #tpu.memory_space<hbm>>
      %dma_start3A_567 = tpu.memref_squeeze %dma_start3A_566 : memref<1x32x16xf32, #tpu.memory_space<hbm>> -> memref<32x16xf32, #tpu.memory_space<hbm>>
      %dma_start3A_568 = arith.constant 0 : i32
      %dma_start3A_569 = arith.constant 0 : i32
      %dma_start3A_570 = tpu.memref_slice %arg4[%add3A_563, %dma_start3A_568, %dma_start3A_569] : memref<10240x32x16xf32, #tpu.memory_space<hbm>> -> memref<1x32x16xf32, #tpu.memory_space<hbm>>
      %dma_start3A_571 = tpu.memref_squeeze %dma_start3A_570 : memref<1x32x16xf32, #tpu.memory_space<hbm>> -> memref<32x16xf32, #tpu.memory_space<hbm>>
      tpu.enqueue_dma source(%dma_start3A_571 : memref<32x16xf32, #tpu.memory_space<hbm>>) target(%arg10 : memref<32x16xf32, #tpu.memory_space<vmem>>) target_semaphore(%arg16 : memref<!tpu.dma_semaphore, #tpu.memory_space<semaphore_mem>>)
      %dma_wait3A_572 = arith.constant 8 : i32
      %dma_wait3A_573 = arith.constant 0 : i32
      %dma_wait3A_574 = tpu.memref_slice %arg8[%dma_wait3A_572, %dma_wait3A_573] : memref<16x32xi32, #tpu.memory_space<vmem>> -> memref<1x32xi32, #tpu.memory_space<vmem>>
      %dma_wait3A_575 = tpu.memref_squeeze %dma_wait3A_574 : memref<1x32xi32, #tpu.memory_space<vmem>> -> memref<32xi32, #tpu.memory_space<vmem>>
      %dma_wait3A_576 = arith.constant 0 : i32
      %dma_wait3A_577 = arith.constant 0 : i32
      %dma_wait3A_578 = tpu.memref_slice %arg14[%dma_wait3A_576, %dma_wait3A_577] : memref<10112x128xf32, #tpu.memory_space<vmem_shared>> -> memref<10112x128xf32, #tpu.memory_space<vmem_shared>>
      tpu.wait_indirect_dma semaphore(%arg17 : memref<!tpu.dma_semaphore, #tpu.memory_space<semaphore_mem>>) src(%arg11 : memref<32x128xf32, #tpu.memory_space<vmem>>) dst(%dma_wait3A_578 : memref<10112x128xf32, #tpu.memory_space<vmem_shared>>)
      %dma_wait3A_579 = arith.constant 0 : i32
      %dma_wait3A_580 = arith.constant 0 : i32
      %dma_wait3A_581 = tpu.memref_slice %arg4[%add3A_509, %dma_wait3A_579, %dma_wait3A_580] : memref<10240x32x16xf32, #tpu.memory_space<hbm>> -> memref<1x32x16xf32, #tpu.memory_space<hbm>>
      %dma_wait3A_582 = tpu.memref_squeeze %dma_wait3A_581 : memref<1x32x16xf32, #tpu.memory_space<hbm>> -> memref<32x16xf32, #tpu.memory_space<hbm>>
      %dma_wait3A_583 = arith.constant 0 : i32
      %dma_wait3A_584 = arith.constant 0 : i32
      %dma_wait3A_585 = tpu.memref_slice %arg4[%add3A_509, %dma_wait3A_583, %dma_wait3A_584] : memref<10240x32x16xf32, #tpu.memory_space<hbm>> -> memref<1x32x16xf32, #tpu.memory_space<hbm>>
      %dma_wait3A_586 = tpu.memref_squeeze %dma_wait3A_585 : memref<1x32x16xf32, #tpu.memory_space<hbm>> -> memref<32x16xf32, #tpu.memory_space<hbm>>
      tpu.wait_dma2 semaphore(%arg15 : memref<!tpu.dma_semaphore, #tpu.memory_space<semaphore_mem>>) src(%dma_wait3A_586 : memref<32x16xf32, #tpu.memory_space<hbm>>) dst(%arg9 : memref<32x16xf32, #tpu.memory_space<vmem>>)
      %scan3A_587 = arith.constant 0 : i32
      %scan3A_588 = arith.constant 0 : i32
      %scan3A_589 = arith.constant 4 : i32
      %scan3A_590 = arith.addi %scan3A_588, %scan3A_589 : i32
      %scan3A_591 = arith.constant 1 : i32
      scf.for %scan3A_893 = %scan3A_588 to %scan3A_590 step %scan3A_591  : i32 {
        %mul3A_894 = arith.constant 8 : i32
        %mul3A_895 = arith.muli %scan3A_893, %mul3A_894 : i32
        %add3A_896 = arith.constant 0 : i32
        %add3A_897 = arith.addi %mul3A_895, %add3A_896 : i32
        %get3A = arith.index_cast %add3A_897 : i32 to index
        %get3A_898 = arith.constant 0 : index
        %get3A_899 = tpu.vector_load %arg9[%get3A, %get3A_898] {strides = array<i32>} : memref<32x16xf32, #tpu.memory_space<vmem>>, vector<1x16xf32>,
        %get3A_900 = vector.shape_cast %get3A_899 : vector<1x16xf32> to vector<16xf32>
        %mul3A_901 = arith.constant 8 : i32
        %mul3A_902 = arith.muli %scan3A_893, %mul3A_901 : i32
        %add3A_903 = arith.constant 0 : i32
        %add3A_904 = arith.addi %mul3A_902, %add3A_903 : i32
        %swap3A = arith.index_cast %add3A_904 : i32 to index
        %swap3A_905 = arith.constant 0 : index
        %swap3A_906 = tpu.vector_load %arg11[%swap3A, %swap3A_905] {strides = array<i32>} : memref<32x128xf32, #tpu.memory_space<vmem>>, vector<1x16xf32>,
        %swap3A_907 = vector.shape_cast %swap3A_906 : vector<1x16xf32> to vector<16xf32>
        %swap3A_908 = vector.shape_cast %get3A_900 : vector<16xf32> to vector<1x16xf32>
        tpu.vector_store %arg11[%swap3A, %swap3A_905], %swap3A_908 {strides = array<i32>} : memref<32x128xf32, #tpu.memory_space<vmem>>, vector<1x16xf32>,
        %mul3A_909 = arith.constant 8 : i32
        %mul3A_910 = arith.muli %scan3A_893, %mul3A_909 : i32
        %add3A_911 = arith.constant 1 : i32
        %add3A_912 = arith.addi %mul3A_910, %add3A_911 : i32
        %get3A_913 = arith.index_cast %add3A_912 : i32 to index
        %get3A_914 = arith.constant 0 : index
        %get3A_915 = tpu.vector_load %arg9[%get3A_913, %get3A_914] {strides = array<i32>} : memref<32x16xf32, #tpu.memory_space<vmem>>, vector<1x16xf32>,
        %get3A_916 = vector.shape_cast %get3A_915 : vector<1x16xf32> to vector<16xf32>
        %mul3A_917 = arith.constant 8 : i32
        %mul3A_918 = arith.muli %scan3A_893, %mul3A_917 : i32
        %add3A_919 = arith.constant 1 : i32
        %add3A_920 = arith.addi %mul3A_918, %add3A_919 : i32
        %swap3A_921 = arith.index_cast %add3A_920 : i32 to index
        %swap3A_922 = arith.constant 0 : index
        %swap3A_923 = tpu.vector_load %arg11[%swap3A_921, %swap3A_922] {strides = array<i32>} : memref<32x128xf32, #tpu.memory_space<vmem>>, vector<1x16xf32>,
        %swap3A_924 = vector.shape_cast %swap3A_923 : vector<1x16xf32> to vector<16xf32>
        %swap3A_925 = vector.shape_cast %get3A_916 : vector<16xf32> to vector<1x16xf32>
        tpu.vector_store %arg11[%swap3A_921, %swap3A_922], %swap3A_925 {strides = array<i32>} : memref<32x128xf32, #tpu.memory_space<vmem>>, vector<1x16xf32>,
        %mul3A_926 = arith.constant 8 : i32
        %mul3A_927 = arith.muli %scan3A_893, %mul3A_926 : i32
        %add3A_928 = arith.constant 2 : i32
        %add3A_929 = arith.addi %mul3A_927, %add3A_928 : i32
        %get3A_930 = arith.index_cast %add3A_929 : i32 to index
        %get3A_931 = arith.constant 0 : index
        %get3A_932 = tpu.vector_load %arg9[%get3A_930, %get3A_931] {strides = array<i32>} : memref<32x16xf32, #tpu.memory_space<vmem>>, vector<1x16xf32>,
        %get3A_933 = vector.shape_cast %get3A_932 : vector<1x16xf32> to vector<16xf32>
        %mul3A_934 = arith.constant 8 : i32
        %mul3A_935 = arith.muli %scan3A_893, %mul3A_934 : i32
        %add3A_936 = arith.constant 2 : i32
        %add3A_937 = arith.addi %mul3A_935, %add3A_936 : i32
        %swap3A_938 = arith.index_cast %add3A_937 : i32 to index
        %swap3A_939 = arith.constant 0 : index
        %swap3A_940 = tpu.vector_load %arg11[%swap3A_938, %swap3A_939] {strides = array<i32>} : memref<32x128xf32, #tpu.memory_space<vmem>>, vector<1x16xf32>,
        %swap3A_941 = vector.shape_cast %swap3A_940 : vector<1x16xf32> to vector<16xf32>
        %swap3A_942 = vector.shape_cast %get3A_933 : vector<16xf32> to vector<1x16xf32>
        tpu.vector_store %arg11[%swap3A_938, %swap3A_939], %swap3A_942 {strides = array<i32>} : memref<32x128xf32, #tpu.memory_space<vmem>>, vector<1x16xf32>,
        %mul3A_943 = arith.constant 8 : i32
        %mul3A_944 = arith.muli %scan3A_893, %mul3A_943 : i32
        %add3A_945 = arith.constant 3 : i32
        %add3A_946 = arith.addi %mul3A_944, %add3A_945 : i32
        %get3A_947 = arith.index_cast %add3A_946 : i32 to index
        %get3A_948 = arith.constant 0 : index
        %get3A_949 = tpu.vector_load %arg9[%get3A_947, %get3A_948] {strides = array<i32>} : memref<32x16xf32, #tpu.memory_space<vmem>>, vector<1x16xf32>,
        %get3A_950 = vector.shape_cast %get3A_949 : vector<1x16xf32> to vector<16xf32>
        %mul3A_951 = arith.constant 8 : i32
        %mul3A_952 = arith.muli %scan3A_893, %mul3A_951 : i32
        %add3A_953 = arith.constant 3 : i32
        %add3A_954 = arith.addi %mul3A_952, %add3A_953 : i32
        %swap3A_955 = arith.index_cast %add3A_954 : i32 to index
        %swap3A_956 = arith.constant 0 : index
        %swap3A_957 = tpu.vector_load %arg11[%swap3A_955, %swap3A_956] {strides = array<i32>} : memref<32x128xf32, #tpu.memory_space<vmem>>, vector<1x16xf32>,
        %swap3A_958 = vector.shape_cast %swap3A_957 : vector<1x16xf32> to vector<16xf32>
        %swap3A_959 = vector.shape_cast %get3A_950 : vector<16xf32> to vector<1x16xf32>
        tpu.vector_store %arg11[%swap3A_955, %swap3A_956], %swap3A_959 {strides = array<i32>} : memref<32x128xf32, #tpu.memory_space<vmem>>, vector<1x16xf32>,
        %mul3A_960 = arith.constant 8 : i32
        %mul3A_961 = arith.muli %scan3A_893, %mul3A_960 : i32
        %add3A_962 = arith.constant 4 : i32
        %add3A_963 = arith.addi %mul3A_961, %add3A_962 : i32
        %get3A_964 = arith.index_cast %add3A_963 : i32 to index
        %get3A_965 = arith.constant 0 : index
        %get3A_966 = tpu.vector_load %arg9[%get3A_964, %get3A_965] {strides = array<i32>} : memref<32x16xf32, #tpu.memory_space<vmem>>, vector<1x16xf32>,
        %get3A_967 = vector.shape_cast %get3A_966 : vector<1x16xf32> to vector<16xf32>
        %mul3A_968 = arith.constant 8 : i32
        %mul3A_969 = arith.muli %scan3A_893, %mul3A_968 : i32
        %add3A_970 = arith.constant 4 : i32
        %add3A_971 = arith.addi %mul3A_969, %add3A_970 : i32
        %swap3A_972 = arith.index_cast %add3A_971 : i32 to index
        %swap3A_973 = arith.constant 0 : index
        %swap3A_974 = tpu.vector_load %arg11[%swap3A_972, %swap3A_973] {strides = array<i32>} : memref<32x128xf32, #tpu.memory_space<vmem>>, vector<1x16xf32>,
        %swap3A_975 = vector.shape_cast %swap3A_974 : vector<1x16xf32> to vector<16xf32>
        %swap3A_976 = vector.shape_cast %get3A_967 : vector<16xf32> to vector<1x16xf32>
        tpu.vector_store %arg11[%swap3A_972, %swap3A_973], %swap3A_976 {strides = array<i32>} : memref<32x128xf32, #tpu.memory_space<vmem>>, vector<1x16xf32>,
        %mul3A_977 = arith.constant 8 : i32
        %mul3A_978 = arith.muli %scan3A_893, %mul3A_977 : i32
        %add3A_979 = arith.constant 5 : i32
        %add3A_980 = arith.addi %mul3A_978, %add3A_979 : i32
        %get3A_981 = arith.index_cast %add3A_980 : i32 to index
        %get3A_982 = arith.constant 0 : index
        %get3A_983 = tpu.vector_load %arg9[%get3A_981, %get3A_982] {strides = array<i32>} : memref<32x16xf32, #tpu.memory_space<vmem>>, vector<1x16xf32>,
        %get3A_984 = vector.shape_cast %get3A_983 : vector<1x16xf32> to vector<16xf32>
        %mul3A_985 = arith.constant 8 : i32
        %mul3A_986 = arith.muli %scan3A_893, %mul3A_985 : i32
        %add3A_987 = arith.constant 5 : i32
        %add3A_988 = arith.addi %mul3A_986, %add3A_987 : i32
        %swap3A_989 = arith.index_cast %add3A_988 : i32 to index
        %swap3A_990 = arith.constant 0 : index
        %swap3A_991 = tpu.vector_load %arg11[%swap3A_989, %swap3A_990] {strides = array<i32>} : memref<32x128xf32, #tpu.memory_space<vmem>>, vector<1x16xf32>,
        %swap3A_992 = vector.shape_cast %swap3A_991 : vector<1x16xf32> to vector<16xf32>
        %swap3A_993 = vector.shape_cast %get3A_984 : vector<16xf32> to vector<1x16xf32>
        tpu.vector_store %arg11[%swap3A_989, %swap3A_990], %swap3A_993 {strides = array<i32>} : memref<32x128xf32, #tpu.memory_space<vmem>>, vector<1x16xf32>,
        %mul3A_994 = arith.constant 8 : i32
        %mul3A_995 = arith.muli %scan3A_893, %mul3A_994 : i32
        %add3A_996 = arith.constant 6 : i32
        %add3A_997 = arith.addi %mul3A_995, %add3A_996 : i32
        %get3A_998 = arith.index_cast %add3A_997 : i32 to index
        %get3A_999 = arith.constant 0 : index
        %get3A_1000 = tpu.vector_load %arg9[%get3A_998, %get3A_999] {strides = array<i32>} : memref<32x16xf32, #tpu.memory_space<vmem>>, vector<1x16xf32>,
        %get3A_1001 = vector.shape_cast %get3A_1000 : vector<1x16xf32> to vector<16xf32>
        %mul3A_1002 = arith.constant 8 : i32
        %mul3A_1003 = arith.muli %scan3A_893, %mul3A_1002 : i32
        %add3A_1004 = arith.constant 6 : i32
        %add3A_1005 = arith.addi %mul3A_1003, %add3A_1004 : i32
        %swap3A_1006 = arith.index_cast %add3A_1005 : i32 to index
        %swap3A_1007 = arith.constant 0 : index
        %swap3A_1008 = tpu.vector_load %arg11[%swap3A_1006, %swap3A_1007] {strides = array<i32>} : memref<32x128xf32, #tpu.memory_space<vmem>>, vector<1x16xf32>,
        %swap3A_1009 = vector.shape_cast %swap3A_1008 : vector<1x16xf32> to vector<16xf32>
        %swap3A_1010 = vector.shape_cast %get3A_1001 : vector<16xf32> to vector<1x16xf32>
        tpu.vector_store %arg11[%swap3A_1006, %swap3A_1007], %swap3A_1010 {strides = array<i32>} : memref<32x128xf32, #tpu.memory_space<vmem>>, vector<1x16xf32>,
        %mul3A_1011 = arith.constant 8 : i32
        %mul3A_1012 = arith.muli %scan3A_893, %mul3A_1011 : i32
        %add3A_1013 = arith.constant 7 : i32
        %add3A_1014 = arith.addi %mul3A_1012, %add3A_1013 : i32
        %get3A_1015 = arith.index_cast %add3A_1014 : i32 to index
        %get3A_1016 = arith.constant 0 : index
        %get3A_1017 = tpu.vector_load %arg9[%get3A_1015, %get3A_1016] {strides = array<i32>} : memref<32x16xf32, #tpu.memory_space<vmem>>, vector<1x16xf32>,
        %get3A_1018 = vector.shape_cast %get3A_1017 : vector<1x16xf32> to vector<16xf32>
        %mul3A_1019 = arith.constant 8 : i32
        %mul3A_1020 = arith.muli %scan3A_893, %mul3A_1019 : i32
        %add3A_1021 = arith.constant 7 : i32
        %add3A_1022 = arith.addi %mul3A_1020, %add3A_1021 : i32
        %swap3A_1023 = arith.index_cast %add3A_1022 : i32 to index
        %swap3A_1024 = arith.constant 0 : index
        %swap3A_1025 = tpu.vector_load %arg11[%swap3A_1023, %swap3A_1024] {strides = array<i32>} : memref<32x128xf32, #tpu.memory_space<vmem>>, vector<1x16xf32>,
        %swap3A_1026 = vector.shape_cast %swap3A_1025 : vector<1x16xf32> to vector<16xf32>
        %swap3A_1027 = vector.shape_cast %get3A_1018 : vector<16xf32> to vector<1x16xf32>
        tpu.vector_store %arg11[%swap3A_1023, %swap3A_1024], %swap3A_1027 {strides = array<i32>} : memref<32x128xf32, #tpu.memory_space<vmem>>, vector<1x16xf32>,
      }
      %scan3A_592 = arith.constant 4 : i32
      %dma_start3A_593 = arith.constant 10 : i32
      %dma_start3A_594 = arith.constant 0 : i32
      %dma_start3A_595 = tpu.memref_slice %arg8[%dma_start3A_593, %dma_start3A_594] : memref<16x32xi32, #tpu.memory_space<vmem>> -> memref<1x32xi32, #tpu.memory_space<vmem>>
      %dma_start3A_596 = tpu.memref_squeeze %dma_start3A_595 : memref<1x32xi32, #tpu.memory_space<vmem>> -> memref<32xi32, #tpu.memory_space<vmem>>
      %dma_start3A_597 = arith.constant 0 : i32
      %dma_start3A_598 = arith.constant 0 : i32
      %dma_start3A_599 = tpu.memref_slice %arg14[%dma_start3A_597, %dma_start3A_598] : memref<10112x128xf32, #tpu.memory_space<vmem_shared>> -> memref<10112x128xf32, #tpu.memory_space<vmem_shared>>
      tpu.enqueue_indirect_dma source(%arg11 : memref<32x128xf32, #tpu.memory_space<vmem>>) target(%dma_start3A_599 : memref<10112x128xf32, #tpu.memory_space<vmem_shared>>) offsets(%dma_start3A_596 : memref<32xi32, #tpu.memory_space<vmem>>) semaphore(%arg17 : memref<!tpu.dma_semaphore, #tpu.memory_space<semaphore_mem>>) {add = true}
      %dma_start3A_600 = arith.constant 10 : i32
      %dma_start3A_601 = arith.constant 0 : i32
      %dma_start3A_602 = tpu.memref_slice %arg7[%dma_start3A_600, %dma_start3A_601] : memref<16x32xi32, #tpu.memory_space<vmem>> -> memref<1x32xi32, #tpu.memory_space<vmem>>
      %dma_start3A_603 = tpu.memref_squeeze %dma_start3A_602 : memref<1x32xi32, #tpu.memory_space<vmem>> -> memref<32xi32, #tpu.memory_space<vmem>>
      %dma_start3A_604 = arith.constant 0 : i32
      %dma_start3A_605 = arith.constant 0 : i32
      %dma_start3A_606 = tpu.memref_slice %arg14[%dma_start3A_604, %dma_start3A_605] : memref<10112x128xf32, #tpu.memory_space<vmem_shared>> -> memref<10112x128xf32, #tpu.memory_space<vmem_shared>>
      tpu.enqueue_indirect_dma source(%arg13 : memref<32x128xf32, #tpu.memory_space<vmem>>) target(%dma_start3A_606 : memref<10112x128xf32, #tpu.memory_space<vmem_shared>>) offsets(%dma_start3A_603 : memref<32xi32, #tpu.memory_space<vmem>>) semaphore(%arg19 : memref<!tpu.dma_semaphore, #tpu.memory_space<semaphore_mem>>) {add = true}
      %dma_wait3A_607 = arith.constant 9 : i32
      %dma_wait3A_608 = arith.constant 0 : i32
      %dma_wait3A_609 = tpu.memref_slice %arg7[%dma_wait3A_607, %dma_wait3A_608] : memref<16x32xi32, #tpu.memory_space<vmem>> -> memref<1x32xi32, #tpu.memory_space<vmem>>
      %dma_wait3A_610 = tpu.memref_squeeze %dma_wait3A_609 : memref<1x32xi32, #tpu.memory_space<vmem>> -> memref<32xi32, #tpu.memory_space<vmem>>
      %dma_wait3A_611 = arith.constant 0 : i32
      %dma_wait3A_612 = arith.constant 0 : i32
      %dma_wait3A_613 = tpu.memref_slice %arg14[%dma_wait3A_611, %dma_wait3A_612] : memref<10112x128xf32, #tpu.memory_space<vmem_shared>> -> memref<10112x128xf32, #tpu.memory_space<vmem_shared>>
      tpu.wait_indirect_dma semaphore(%arg19 : memref<!tpu.dma_semaphore, #tpu.memory_space<semaphore_mem>>) src(%arg13 : memref<32x128xf32, #tpu.memory_space<vmem>>) dst(%dma_wait3A_613 : memref<10112x128xf32, #tpu.memory_space<vmem_shared>>)
      %add3A_614 = arith.constant 11 : i32
      %add3A_615 = arith.addi %add3A_34, %add3A_614 : i32
      %add3A_616 = arith.constant 1 : i32
      %add3A_617 = arith.addi %add3A_615, %add3A_616 : i32
      %dma_start3A_618 = arith.constant 0 : i32
      %dma_start3A_619 = arith.constant 0 : i32
      %dma_start3A_620 = tpu.memref_slice %arg4[%add3A_617, %dma_start3A_618, %dma_start3A_619] : memref<10240x32x16xf32, #tpu.memory_space<hbm>> -> memref<1x32x16xf32, #tpu.memory_space<hbm>>
      %dma_start3A_621 = tpu.memref_squeeze %dma_start3A_620 : memref<1x32x16xf32, #tpu.memory_space<hbm>> -> memref<32x16xf32, #tpu.memory_space<hbm>>
      %dma_start3A_622 = arith.constant 0 : i32
      %dma_start3A_623 = arith.constant 0 : i32
      %dma_start3A_624 = tpu.memref_slice %arg4[%add3A_617, %dma_start3A_622, %dma_start3A_623] : memref<10240x32x16xf32, #tpu.memory_space<hbm>> -> memref<1x32x16xf32, #tpu.memory_space<hbm>>
      %dma_start3A_625 = tpu.memref_squeeze %dma_start3A_624 : memref<1x32x16xf32, #tpu.memory_space<hbm>> -> memref<32x16xf32, #tpu.memory_space<hbm>>
      tpu.enqueue_dma source(%dma_start3A_625 : memref<32x16xf32, #tpu.memory_space<hbm>>) target(%arg9 : memref<32x16xf32, #tpu.memory_space<vmem>>) target_semaphore(%arg15 : memref<!tpu.dma_semaphore, #tpu.memory_space<semaphore_mem>>)
      %dma_wait3A_626 = arith.constant 9 : i32
      %dma_wait3A_627 = arith.constant 0 : i32
      %dma_wait3A_628 = tpu.memref_slice %arg8[%dma_wait3A_626, %dma_wait3A_627] : memref<16x32xi32, #tpu.memory_space<vmem>> -> memref<1x32xi32, #tpu.memory_space<vmem>>
      %dma_wait3A_629 = tpu.memref_squeeze %dma_wait3A_628 : memref<1x32xi32, #tpu.memory_space<vmem>> -> memref<32xi32, #tpu.memory_space<vmem>>
      %dma_wait3A_630 = arith.constant 0 : i32
      %dma_wait3A_631 = arith.constant 0 : i32
      %dma_wait3A_632 = tpu.memref_slice %arg14[%dma_wait3A_630, %dma_wait3A_631] : memref<10112x128xf32, #tpu.memory_space<vmem_shared>> -> memref<10112x128xf32, #tpu.memory_space<vmem_shared>>
      tpu.wait_indirect_dma semaphore(%arg18 : memref<!tpu.dma_semaphore, #tpu.memory_space<semaphore_mem>>) src(%arg12 : memref<32x128xf32, #tpu.memory_space<vmem>>) dst(%dma_wait3A_632 : memref<10112x128xf32, #tpu.memory_space<vmem_shared>>)
      %dma_wait3A_633 = arith.constant 0 : i32
      %dma_wait3A_634 = arith.constant 0 : i32
      %dma_wait3A_635 = tpu.memref_slice %arg4[%add3A_563, %dma_wait3A_633, %dma_wait3A_634] : memref<10240x32x16xf32, #tpu.memory_space<hbm>> -> memref<1x32x16xf32, #tpu.memory_space<hbm>>
      %dma_wait3A_636 = tpu.memref_squeeze %dma_wait3A_635 : memref<1x32x16xf32, #tpu.memory_space<hbm>> -> memref<32x16xf32, #tpu.memory_space<hbm>>
      %dma_wait3A_637 = arith.constant 0 : i32
      %dma_wait3A_638 = arith.constant 0 : i32
      %dma_wait3A_639 = tpu.memref_slice %arg4[%add3A_563, %dma_wait3A_637, %dma_wait3A_638] : memref<10240x32x16xf32, #tpu.memory_space<hbm>> -> memref<1x32x16xf32, #tpu.memory_space<hbm>>
      %dma_wait3A_640 = tpu.memref_squeeze %dma_wait3A_639 : memref<1x32x16xf32, #tpu.memory_space<hbm>> -> memref<32x16xf32, #tpu.memory_space<hbm>>
      tpu.wait_dma2 semaphore(%arg16 : memref<!tpu.dma_semaphore, #tpu.memory_space<semaphore_mem>>) src(%dma_wait3A_640 : memref<32x16xf32, #tpu.memory_space<hbm>>) dst(%arg10 : memref<32x16xf32, #tpu.memory_space<vmem>>)
      %scan3A_641 = arith.constant 0 : i32
      %scan3A_642 = arith.constant 0 : i32
      %scan3A_643 = arith.constant 4 : i32
      %scan3A_644 = arith.addi %scan3A_642, %scan3A_643 : i32
      %scan3A_645 = arith.constant 1 : i32
      scf.for %scan3A_893 = %scan3A_642 to %scan3A_644 step %scan3A_645  : i32 {
        %mul3A_894 = arith.constant 8 : i32
        %mul3A_895 = arith.muli %scan3A_893, %mul3A_894 : i32
        %add3A_896 = arith.constant 0 : i32
        %add3A_897 = arith.addi %mul3A_895, %add3A_896 : i32
        %get3A = arith.index_cast %add3A_897 : i32 to index
        %get3A_898 = arith.constant 0 : index
        %get3A_899 = tpu.vector_load %arg10[%get3A, %get3A_898] {strides = array<i32>} : memref<32x16xf32, #tpu.memory_space<vmem>>, vector<1x16xf32>,
        %get3A_900 = vector.shape_cast %get3A_899 : vector<1x16xf32> to vector<16xf32>
        %mul3A_901 = arith.constant 8 : i32
        %mul3A_902 = arith.muli %scan3A_893, %mul3A_901 : i32
        %add3A_903 = arith.constant 0 : i32
        %add3A_904 = arith.addi %mul3A_902, %add3A_903 : i32
        %swap3A = arith.index_cast %add3A_904 : i32 to index
        %swap3A_905 = arith.constant 0 : index
        %swap3A_906 = tpu.vector_load %arg12[%swap3A, %swap3A_905] {strides = array<i32>} : memref<32x128xf32, #tpu.memory_space<vmem>>, vector<1x16xf32>,
        %swap3A_907 = vector.shape_cast %swap3A_906 : vector<1x16xf32> to vector<16xf32>
        %swap3A_908 = vector.shape_cast %get3A_900 : vector<16xf32> to vector<1x16xf32>
        tpu.vector_store %arg12[%swap3A, %swap3A_905], %swap3A_908 {strides = array<i32>} : memref<32x128xf32, #tpu.memory_space<vmem>>, vector<1x16xf32>,
        %mul3A_909 = arith.constant 8 : i32
        %mul3A_910 = arith.muli %scan3A_893, %mul3A_909 : i32
        %add3A_911 = arith.constant 1 : i32
        %add3A_912 = arith.addi %mul3A_910, %add3A_911 : i32
        %get3A_913 = arith.index_cast %add3A_912 : i32 to index
        %get3A_914 = arith.constant 0 : index
        %get3A_915 = tpu.vector_load %arg10[%get3A_913, %get3A_914] {strides = array<i32>} : memref<32x16xf32, #tpu.memory_space<vmem>>, vector<1x16xf32>,
        %get3A_916 = vector.shape_cast %get3A_915 : vector<1x16xf32> to vector<16xf32>
        %mul3A_917 = arith.constant 8 : i32
        %mul3A_918 = arith.muli %scan3A_893, %mul3A_917 : i32
        %add3A_919 = arith.constant 1 : i32
        %add3A_920 = arith.addi %mul3A_918, %add3A_919 : i32
        %swap3A_921 = arith.index_cast %add3A_920 : i32 to index
        %swap3A_922 = arith.constant 0 : index
        %swap3A_923 = tpu.vector_load %arg12[%swap3A_921, %swap3A_922] {strides = array<i32>} : memref<32x128xf32, #tpu.memory_space<vmem>>, vector<1x16xf32>,
        %swap3A_924 = vector.shape_cast %swap3A_923 : vector<1x16xf32> to vector<16xf32>
        %swap3A_925 = vector.shape_cast %get3A_916 : vector<16xf32> to vector<1x16xf32>
        tpu.vector_store %arg12[%swap3A_921, %swap3A_922], %swap3A_925 {strides = array<i32>} : memref<32x128xf32, #tpu.memory_space<vmem>>, vector<1x16xf32>,
        %mul3A_926 = arith.constant 8 : i32
        %mul3A_927 = arith.muli %scan3A_893, %mul3A_926 : i32
        %add3A_928 = arith.constant 2 : i32
        %add3A_929 = arith.addi %mul3A_927, %add3A_928 : i32
        %get3A_930 = arith.index_cast %add3A_929 : i32 to index
        %get3A_931 = arith.constant 0 : index
        %get3A_932 = tpu.vector_load %arg10[%get3A_930, %get3A_931] {strides = array<i32>} : memref<32x16xf32, #tpu.memory_space<vmem>>, vector<1x16xf32>,
        %get3A_933 = vector.shape_cast %get3A_932 : vector<1x16xf32> to vector<16xf32>
        %mul3A_934 = arith.constant 8 : i32
        %mul3A_935 = arith.muli %scan3A_893, %mul3A_934 : i32
        %add3A_936 = arith.constant 2 : i32
        %add3A_937 = arith.addi %mul3A_935, %add3A_936 : i32
        %swap3A_938 = arith.index_cast %add3A_937 : i32 to index
        %swap3A_939 = arith.constant 0 : index
        %swap3A_940 = tpu.vector_load %arg12[%swap3A_938, %swap3A_939] {strides = array<i32>} : memref<32x128xf32, #tpu.memory_space<vmem>>, vector<1x16xf32>,
        %swap3A_941 = vector.shape_cast %swap3A_940 : vector<1x16xf32> to vector<16xf32>
        %swap3A_942 = vector.shape_cast %get3A_933 : vector<16xf32> to vector<1x16xf32>
        tpu.vector_store %arg12[%swap3A_938, %swap3A_939], %swap3A_942 {strides = array<i32>} : memref<32x128xf32, #tpu.memory_space<vmem>>, vector<1x16xf32>,
        %mul3A_943 = arith.constant 8 : i32
        %mul3A_944 = arith.muli %scan3A_893, %mul3A_943 : i32
        %add3A_945 = arith.constant 3 : i32
        %add3A_946 = arith.addi %mul3A_944, %add3A_945 : i32
        %get3A_947 = arith.index_cast %add3A_946 : i32 to index
        %get3A_948 = arith.constant 0 : index
        %get3A_949 = tpu.vector_load %arg10[%get3A_947, %get3A_948] {strides = array<i32>} : memref<32x16xf32, #tpu.memory_space<vmem>>, vector<1x16xf32>,
        %get3A_950 = vector.shape_cast %get3A_949 : vector<1x16xf32> to vector<16xf32>
        %mul3A_951 = arith.constant 8 : i32
        %mul3A_952 = arith.muli %scan3A_893, %mul3A_951 : i32
        %add3A_953 = arith.constant 3 : i32
        %add3A_954 = arith.addi %mul3A_952, %add3A_953 : i32
        %swap3A_955 = arith.index_cast %add3A_954 : i32 to index
        %swap3A_956 = arith.constant 0 : index
        %swap3A_957 = tpu.vector_load %arg12[%swap3A_955, %swap3A_956] {strides = array<i32>} : memref<32x128xf32, #tpu.memory_space<vmem>>, vector<1x16xf32>,
        %swap3A_958 = vector.shape_cast %swap3A_957 : vector<1x16xf32> to vector<16xf32>
        %swap3A_959 = vector.shape_cast %get3A_950 : vector<16xf32> to vector<1x16xf32>
        tpu.vector_store %arg12[%swap3A_955, %swap3A_956], %swap3A_959 {strides = array<i32>} : memref<32x128xf32, #tpu.memory_space<vmem>>, vector<1x16xf32>,
        %mul3A_960 = arith.constant 8 : i32
        %mul3A_961 = arith.muli %scan3A_893, %mul3A_960 : i32
        %add3A_962 = arith.constant 4 : i32
        %add3A_963 = arith.addi %mul3A_961, %add3A_962 : i32
        %get3A_964 = arith.index_cast %add3A_963 : i32 to index
        %get3A_965 = arith.constant 0 : index
        %get3A_966 = tpu.vector_load %arg10[%get3A_964, %get3A_965] {strides = array<i32>} : memref<32x16xf32, #tpu.memory_space<vmem>>, vector<1x16xf32>,
        %get3A_967 = vector.shape_cast %get3A_966 : vector<1x16xf32> to vector<16xf32>
        %mul3A_968 = arith.constant 8 : i32
        %mul3A_969 = arith.muli %scan3A_893, %mul3A_968 : i32
        %add3A_970 = arith.constant 4 : i32
        %add3A_971 = arith.addi %mul3A_969, %add3A_970 : i32
        %swap3A_972 = arith.index_cast %add3A_971 : i32 to index
        %swap3A_973 = arith.constant 0 : index
        %swap3A_974 = tpu.vector_load %arg12[%swap3A_972, %swap3A_973] {strides = array<i32>} : memref<32x128xf32, #tpu.memory_space<vmem>>, vector<1x16xf32>,
        %swap3A_975 = vector.shape_cast %swap3A_974 : vector<1x16xf32> to vector<16xf32>
        %swap3A_976 = vector.shape_cast %get3A_967 : vector<16xf32> to vector<1x16xf32>
        tpu.vector_store %arg12[%swap3A_972, %swap3A_973], %swap3A_976 {strides = array<i32>} : memref<32x128xf32, #tpu.memory_space<vmem>>, vector<1x16xf32>,
        %mul3A_977 = arith.constant 8 : i32
        %mul3A_978 = arith.muli %scan3A_893, %mul3A_977 : i32
        %add3A_979 = arith.constant 5 : i32
        %add3A_980 = arith.addi %mul3A_978, %add3A_979 : i32
        %get3A_981 = arith.index_cast %add3A_980 : i32 to index
        %get3A_982 = arith.constant 0 : index
        %get3A_983 = tpu.vector_load %arg10[%get3A_981, %get3A_982] {strides = array<i32>} : memref<32x16xf32, #tpu.memory_space<vmem>>, vector<1x16xf32>,
        %get3A_984 = vector.shape_cast %get3A_983 : vector<1x16xf32> to vector<16xf32>
        %mul3A_985 = arith.constant 8 : i32
        %mul3A_986 = arith.muli %scan3A_893, %mul3A_985 : i32
        %add3A_987 = arith.constant 5 : i32
        %add3A_988 = arith.addi %mul3A_986, %add3A_987 : i32
        %swap3A_989 = arith.index_cast %add3A_988 : i32 to index
        %swap3A_990 = arith.constant 0 : index
        %swap3A_991 = tpu.vector_load %arg12[%swap3A_989, %swap3A_990] {strides = array<i32>} : memref<32x128xf32, #tpu.memory_space<vmem>>, vector<1x16xf32>,
        %swap3A_992 = vector.shape_cast %swap3A_991 : vector<1x16xf32> to vector<16xf32>
        %swap3A_993 = vector.shape_cast %get3A_984 : vector<16xf32> to vector<1x16xf32>
        tpu.vector_store %arg12[%swap3A_989, %swap3A_990], %swap3A_993 {strides = array<i32>} : memref<32x128xf32, #tpu.memory_space<vmem>>, vector<1x16xf32>,
        %mul3A_994 = arith.constant 8 : i32
        %mul3A_995 = arith.muli %scan3A_893, %mul3A_994 : i32
        %add3A_996 = arith.constant 6 : i32
        %add3A_997 = arith.addi %mul3A_995, %add3A_996 : i32
        %get3A_998 = arith.index_cast %add3A_997 : i32 to index
        %get3A_999 = arith.constant 0 : index
        %get3A_1000 = tpu.vector_load %arg10[%get3A_998, %get3A_999] {strides = array<i32>} : memref<32x16xf32, #tpu.memory_space<vmem>>, vector<1x16xf32>,
        %get3A_1001 = vector.shape_cast %get3A_1000 : vector<1x16xf32> to vector<16xf32>
        %mul3A_1002 = arith.constant 8 : i32
        %mul3A_1003 = arith.muli %scan3A_893, %mul3A_1002 : i32
        %add3A_1004 = arith.constant 6 : i32
        %add3A_1005 = arith.addi %mul3A_1003, %add3A_1004 : i32
        %swap3A_1006 = arith.index_cast %add3A_1005 : i32 to index
        %swap3A_1007 = arith.constant 0 : index
        %swap3A_1008 = tpu.vector_load %arg12[%swap3A_1006, %swap3A_1007] {strides = array<i32>} : memref<32x128xf32, #tpu.memory_space<vmem>>, vector<1x16xf32>,
        %swap3A_1009 = vector.shape_cast %swap3A_1008 : vector<1x16xf32> to vector<16xf32>
        %swap3A_1010 = vector.shape_cast %get3A_1001 : vector<16xf32> to vector<1x16xf32>
        tpu.vector_store %arg12[%swap3A_1006, %swap3A_1007], %swap3A_1010 {strides = array<i32>} : memref<32x128xf32, #tpu.memory_space<vmem>>, vector<1x16xf32>,
        %mul3A_1011 = arith.constant 8 : i32
        %mul3A_1012 = arith.muli %scan3A_893, %mul3A_1011 : i32
        %add3A_1013 = arith.constant 7 : i32
        %add3A_1014 = arith.addi %mul3A_1012, %add3A_1013 : i32
        %get3A_1015 = arith.index_cast %add3A_1014 : i32 to index
        %get3A_1016 = arith.constant 0 : index
        %get3A_1017 = tpu.vector_load %arg10[%get3A_1015, %get3A_1016] {strides = array<i32>} : memref<32x16xf32, #tpu.memory_space<vmem>>, vector<1x16xf32>,
        %get3A_1018 = vector.shape_cast %get3A_1017 : vector<1x16xf32> to vector<16xf32>
        %mul3A_1019 = arith.constant 8 : i32
        %mul3A_1020 = arith.muli %scan3A_893, %mul3A_1019 : i32
        %add3A_1021 = arith.constant 7 : i32
        %add3A_1022 = arith.addi %mul3A_1020, %add3A_1021 : i32
        %swap3A_1023 = arith.index_cast %add3A_1022 : i32 to index
        %swap3A_1024 = arith.constant 0 : index
        %swap3A_1025 = tpu.vector_load %arg12[%swap3A_1023, %swap3A_1024] {strides = array<i32>} : memref<32x128xf32, #tpu.memory_space<vmem>>, vector<1x16xf32>,
        %swap3A_1026 = vector.shape_cast %swap3A_1025 : vector<1x16xf32> to vector<16xf32>
        %swap3A_1027 = vector.shape_cast %get3A_1018 : vector<16xf32> to vector<1x16xf32>
        tpu.vector_store %arg12[%swap3A_1023, %swap3A_1024], %swap3A_1027 {strides = array<i32>} : memref<32x128xf32, #tpu.memory_space<vmem>>, vector<1x16xf32>,
      }
      %scan3A_646 = arith.constant 4 : i32
      %dma_start3A_647 = arith.constant 11 : i32
      %dma_start3A_648 = arith.constant 0 : i32
      %dma_start3A_649 = tpu.memref_slice %arg8[%dma_start3A_647, %dma_start3A_648] : memref<16x32xi32, #tpu.memory_space<vmem>> -> memref<1x32xi32, #tpu.memory_space<vmem>>
      %dma_start3A_650 = tpu.memref_squeeze %dma_start3A_649 : memref<1x32xi32, #tpu.memory_space<vmem>> -> memref<32xi32, #tpu.memory_space<vmem>>
      %dma_start3A_651 = arith.constant 0 : i32
      %dma_start3A_652 = arith.constant 0 : i32
      %dma_start3A_653 = tpu.memref_slice %arg14[%dma_start3A_651, %dma_start3A_652] : memref<10112x128xf32, #tpu.memory_space<vmem_shared>> -> memref<10112x128xf32, #tpu.memory_space<vmem_shared>>
      tpu.enqueue_indirect_dma source(%arg12 : memref<32x128xf32, #tpu.memory_space<vmem>>) target(%dma_start3A_653 : memref<10112x128xf32, #tpu.memory_space<vmem_shared>>) offsets(%dma_start3A_650 : memref<32xi32, #tpu.memory_space<vmem>>) semaphore(%arg18 : memref<!tpu.dma_semaphore, #tpu.memory_space<semaphore_mem>>) {add = true}
      %dma_start3A_654 = arith.constant 11 : i32
      %dma_start3A_655 = arith.constant 0 : i32
      %dma_start3A_656 = tpu.memref_slice %arg7[%dma_start3A_654, %dma_start3A_655] : memref<16x32xi32, #tpu.memory_space<vmem>> -> memref<1x32xi32, #tpu.memory_space<vmem>>
      %dma_start3A_657 = tpu.memref_squeeze %dma_start3A_656 : memref<1x32xi32, #tpu.memory_space<vmem>> -> memref<32xi32, #tpu.memory_space<vmem>>
      %dma_start3A_658 = arith.constant 0 : i32
      %dma_start3A_659 = arith.constant 0 : i32
      %dma_start3A_660 = tpu.memref_slice %arg14[%dma_start3A_658, %dma_start3A_659] : memref<10112x128xf32, #tpu.memory_space<vmem_shared>> -> memref<10112x128xf32, #tpu.memory_space<vmem_shared>>
      tpu.enqueue_indirect_dma source(%arg13 : memref<32x128xf32, #tpu.memory_space<vmem>>) target(%dma_start3A_660 : memref<10112x128xf32, #tpu.memory_space<vmem_shared>>) offsets(%dma_start3A_657 : memref<32xi32, #tpu.memory_space<vmem>>) semaphore(%arg19 : memref<!tpu.dma_semaphore, #tpu.memory_space<semaphore_mem>>) {add = true}
      %dma_wait3A_661 = arith.constant 10 : i32
      %dma_wait3A_662 = arith.constant 0 : i32
      %dma_wait3A_663 = tpu.memref_slice %arg7[%dma_wait3A_661, %dma_wait3A_662] : memref<16x32xi32, #tpu.memory_space<vmem>> -> memref<1x32xi32, #tpu.memory_space<vmem>>
      %dma_wait3A_664 = tpu.memref_squeeze %dma_wait3A_663 : memref<1x32xi32, #tpu.memory_space<vmem>> -> memref<32xi32, #tpu.memory_space<vmem>>
      %dma_wait3A_665 = arith.constant 0 : i32
      %dma_wait3A_666 = arith.constant 0 : i32
      %dma_wait3A_667 = tpu.memref_slice %arg14[%dma_wait3A_665, %dma_wait3A_666] : memref<10112x128xf32, #tpu.memory_space<vmem_shared>> -> memref<10112x128xf32, #tpu.memory_space<vmem_shared>>
      tpu.wait_indirect_dma semaphore(%arg19 : memref<!tpu.dma_semaphore, #tpu.memory_space<semaphore_mem>>) src(%arg13 : memref<32x128xf32, #tpu.memory_space<vmem>>) dst(%dma_wait3A_667 : memref<10112x128xf32, #tpu.memory_space<vmem_shared>>)
      %add3A_668 = arith.constant 12 : i32
      %add3A_669 = arith.addi %add3A_34, %add3A_668 : i32
      %add3A_670 = arith.constant 1 : i32
      %add3A_671 = arith.addi %add3A_669, %add3A_670 : i32
      %dma_start3A_672 = arith.constant 0 : i32
      %dma_start3A_673 = arith.constant 0 : i32
      %dma_start3A_674 = tpu.memref_slice %arg4[%add3A_671, %dma_start3A_672, %dma_start3A_673] : memref<10240x32x16xf32, #tpu.memory_space<hbm>> -> memref<1x32x16xf32, #tpu.memory_space<hbm>>
      %dma_start3A_675 = tpu.memref_squeeze %dma_start3A_674 : memref<1x32x16xf32, #tpu.memory_space<hbm>> -> memref<32x16xf32, #tpu.memory_space<hbm>>
      %dma_start3A_676 = arith.constant 0 : i32
      %dma_start3A_677 = arith.constant 0 : i32
      %dma_start3A_678 = tpu.memref_slice %arg4[%add3A_671, %dma_start3A_676, %dma_start3A_677] : memref<10240x32x16xf32, #tpu.memory_space<hbm>> -> memref<1x32x16xf32, #tpu.memory_space<hbm>>
      %dma_start3A_679 = tpu.memref_squeeze %dma_start3A_678 : memref<1x32x16xf32, #tpu.memory_space<hbm>> -> memref<32x16xf32, #tpu.memory_space<hbm>>
      tpu.enqueue_dma source(%dma_start3A_679 : memref<32x16xf32, #tpu.memory_space<hbm>>) target(%arg10 : memref<32x16xf32, #tpu.memory_space<vmem>>) target_semaphore(%arg16 : memref<!tpu.dma_semaphore, #tpu.memory_space<semaphore_mem>>)
      %dma_wait3A_680 = arith.constant 10 : i32
      %dma_wait3A_681 = arith.constant 0 : i32
      %dma_wait3A_682 = tpu.memref_slice %arg8[%dma_wait3A_680, %dma_wait3A_681] : memref<16x32xi32, #tpu.memory_space<vmem>> -> memref<1x32xi32, #tpu.memory_space<vmem>>
      %dma_wait3A_683 = tpu.memref_squeeze %dma_wait3A_682 : memref<1x32xi32, #tpu.memory_space<vmem>> -> memref<32xi32, #tpu.memory_space<vmem>>
      %dma_wait3A_684 = arith.constant 0 : i32
      %dma_wait3A_685 = arith.constant 0 : i32
      %dma_wait3A_686 = tpu.memref_slice %arg14[%dma_wait3A_684, %dma_wait3A_685] : memref<10112x128xf32, #tpu.memory_space<vmem_shared>> -> memref<10112x128xf32, #tpu.memory_space<vmem_shared>>
      tpu.wait_indirect_dma semaphore(%arg17 : memref<!tpu.dma_semaphore, #tpu.memory_space<semaphore_mem>>) src(%arg11 : memref<32x128xf32, #tpu.memory_space<vmem>>) dst(%dma_wait3A_686 : memref<10112x128xf32, #tpu.memory_space<vmem_shared>>)
      %dma_wait3A_687 = arith.constant 0 : i32
      %dma_wait3A_688 = arith.constant 0 : i32
      %dma_wait3A_689 = tpu.memref_slice %arg4[%add3A_617, %dma_wait3A_687, %dma_wait3A_688] : memref<10240x32x16xf32, #tpu.memory_space<hbm>> -> memref<1x32x16xf32, #tpu.memory_space<hbm>>
      %dma_wait3A_690 = tpu.memref_squeeze %dma_wait3A_689 : memref<1x32x16xf32, #tpu.memory_space<hbm>> -> memref<32x16xf32, #tpu.memory_space<hbm>>
      %dma_wait3A_691 = arith.constant 0 : i32
      %dma_wait3A_692 = arith.constant 0 : i32
      %dma_wait3A_693 = tpu.memref_slice %arg4[%add3A_617, %dma_wait3A_691, %dma_wait3A_692] : memref<10240x32x16xf32, #tpu.memory_space<hbm>> -> memref<1x32x16xf32, #tpu.memory_space<hbm>>
      %dma_wait3A_694 = tpu.memref_squeeze %dma_wait3A_693 : memref<1x32x16xf32, #tpu.memory_space<hbm>> -> memref<32x16xf32, #tpu.memory_space<hbm>>
      tpu.wait_dma2 semaphore(%arg15 : memref<!tpu.dma_semaphore, #tpu.memory_space<semaphore_mem>>) src(%dma_wait3A_694 : memref<32x16xf32, #tpu.memory_space<hbm>>) dst(%arg9 : memref<32x16xf32, #tpu.memory_space<vmem>>)
      %scan3A_695 = arith.constant 0 : i32
      %scan3A_696 = arith.constant 0 : i32
      %scan3A_697 = arith.constant 4 : i32
      %scan3A_698 = arith.addi %scan3A_696, %scan3A_697 : i32
      %scan3A_699 = arith.constant 1 : i32
      scf.for %scan3A_893 = %scan3A_696 to %scan3A_698 step %scan3A_699  : i32 {
        %mul3A_894 = arith.constant 8 : i32
        %mul3A_895 = arith.muli %scan3A_893, %mul3A_894 : i32
        %add3A_896 = arith.constant 0 : i32
        %add3A_897 = arith.addi %mul3A_895, %add3A_896 : i32
        %get3A = arith.index_cast %add3A_897 : i32 to index
        %get3A_898 = arith.constant 0 : index
        %get3A_899 = tpu.vector_load %arg9[%get3A, %get3A_898] {strides = array<i32>} : memref<32x16xf32, #tpu.memory_space<vmem>>, vector<1x16xf32>,
        %get3A_900 = vector.shape_cast %get3A_899 : vector<1x16xf32> to vector<16xf32>
        %mul3A_901 = arith.constant 8 : i32
        %mul3A_902 = arith.muli %scan3A_893, %mul3A_901 : i32
        %add3A_903 = arith.constant 0 : i32
        %add3A_904 = arith.addi %mul3A_902, %add3A_903 : i32
        %swap3A = arith.index_cast %add3A_904 : i32 to index
        %swap3A_905 = arith.constant 0 : index
        %swap3A_906 = tpu.vector_load %arg11[%swap3A, %swap3A_905] {strides = array<i32>} : memref<32x128xf32, #tpu.memory_space<vmem>>, vector<1x16xf32>,
        %swap3A_907 = vector.shape_cast %swap3A_906 : vector<1x16xf32> to vector<16xf32>
        %swap3A_908 = vector.shape_cast %get3A_900 : vector<16xf32> to vector<1x16xf32>
        tpu.vector_store %arg11[%swap3A, %swap3A_905], %swap3A_908 {strides = array<i32>} : memref<32x128xf32, #tpu.memory_space<vmem>>, vector<1x16xf32>,
        %mul3A_909 = arith.constant 8 : i32
        %mul3A_910 = arith.muli %scan3A_893, %mul3A_909 : i32
        %add3A_911 = arith.constant 1 : i32
        %add3A_912 = arith.addi %mul3A_910, %add3A_911 : i32
        %get3A_913 = arith.index_cast %add3A_912 : i32 to index
        %get3A_914 = arith.constant 0 : index
        %get3A_915 = tpu.vector_load %arg9[%get3A_913, %get3A_914] {strides = array<i32>} : memref<32x16xf32, #tpu.memory_space<vmem>>, vector<1x16xf32>,
        %get3A_916 = vector.shape_cast %get3A_915 : vector<1x16xf32> to vector<16xf32>
        %mul3A_917 = arith.constant 8 : i32
        %mul3A_918 = arith.muli %scan3A_893, %mul3A_917 : i32
        %add3A_919 = arith.constant 1 : i32
        %add3A_920 = arith.addi %mul3A_918, %add3A_919 : i32
        %swap3A_921 = arith.index_cast %add3A_920 : i32 to index
        %swap3A_922 = arith.constant 0 : index
        %swap3A_923 = tpu.vector_load %arg11[%swap3A_921, %swap3A_922] {strides = array<i32>} : memref<32x128xf32, #tpu.memory_space<vmem>>, vector<1x16xf32>,
        %swap3A_924 = vector.shape_cast %swap3A_923 : vector<1x16xf32> to vector<16xf32>
        %swap3A_925 = vector.shape_cast %get3A_916 : vector<16xf32> to vector<1x16xf32>
        tpu.vector_store %arg11[%swap3A_921, %swap3A_922], %swap3A_925 {strides = array<i32>} : memref<32x128xf32, #tpu.memory_space<vmem>>, vector<1x16xf32>,
        %mul3A_926 = arith.constant 8 : i32
        %mul3A_927 = arith.muli %scan3A_893, %mul3A_926 : i32
        %add3A_928 = arith.constant 2 : i32
        %add3A_929 = arith.addi %mul3A_927, %add3A_928 : i32
        %get3A_930 = arith.index_cast %add3A_929 : i32 to index
        %get3A_931 = arith.constant 0 : index
        %get3A_932 = tpu.vector_load %arg9[%get3A_930, %get3A_931] {strides = array<i32>} : memref<32x16xf32, #tpu.memory_space<vmem>>, vector<1x16xf32>,
        %get3A_933 = vector.shape_cast %get3A_932 : vector<1x16xf32> to vector<16xf32>
        %mul3A_934 = arith.constant 8 : i32
        %mul3A_935 = arith.muli %scan3A_893, %mul3A_934 : i32
        %add3A_936 = arith.constant 2 : i32
        %add3A_937 = arith.addi %mul3A_935, %add3A_936 : i32
        %swap3A_938 = arith.index_cast %add3A_937 : i32 to index
        %swap3A_939 = arith.constant 0 : index
        %swap3A_940 = tpu.vector_load %arg11[%swap3A_938, %swap3A_939] {strides = array<i32>} : memref<32x128xf32, #tpu.memory_space<vmem>>, vector<1x16xf32>,
        %swap3A_941 = vector.shape_cast %swap3A_940 : vector<1x16xf32> to vector<16xf32>
        %swap3A_942 = vector.shape_cast %get3A_933 : vector<16xf32> to vector<1x16xf32>
        tpu.vector_store %arg11[%swap3A_938, %swap3A_939], %swap3A_942 {strides = array<i32>} : memref<32x128xf32, #tpu.memory_space<vmem>>, vector<1x16xf32>,
        %mul3A_943 = arith.constant 8 : i32
        %mul3A_944 = arith.muli %scan3A_893, %mul3A_943 : i32
        %add3A_945 = arith.constant 3 : i32
        %add3A_946 = arith.addi %mul3A_944, %add3A_945 : i32
        %get3A_947 = arith.index_cast %add3A_946 : i32 to index
        %get3A_948 = arith.constant 0 : index
        %get3A_949 = tpu.vector_load %arg9[%get3A_947, %get3A_948] {strides = array<i32>} : memref<32x16xf32, #tpu.memory_space<vmem>>, vector<1x16xf32>,
        %get3A_950 = vector.shape_cast %get3A_949 : vector<1x16xf32> to vector<16xf32>
        %mul3A_951 = arith.constant 8 : i32
        %mul3A_952 = arith.muli %scan3A_893, %mul3A_951 : i32
        %add3A_953 = arith.constant 3 : i32
        %add3A_954 = arith.addi %mul3A_952, %add3A_953 : i32
        %swap3A_955 = arith.index_cast %add3A_954 : i32 to index
        %swap3A_956 = arith.constant 0 : index
        %swap3A_957 = tpu.vector_load %arg11[%swap3A_955, %swap3A_956] {strides = array<i32>} : memref<32x128xf32, #tpu.memory_space<vmem>>, vector<1x16xf32>,
        %swap3A_958 = vector.shape_cast %swap3A_957 : vector<1x16xf32> to vector<16xf32>
        %swap3A_959 = vector.shape_cast %get3A_950 : vector<16xf32> to vector<1x16xf32>
        tpu.vector_store %arg11[%swap3A_955, %swap3A_956], %swap3A_959 {strides = array<i32>} : memref<32x128xf32, #tpu.memory_space<vmem>>, vector<1x16xf32>,
        %mul3A_960 = arith.constant 8 : i32
        %mul3A_961 = arith.muli %scan3A_893, %mul3A_960 : i32
        %add3A_962 = arith.constant 4 : i32
        %add3A_963 = arith.addi %mul3A_961, %add3A_962 : i32
        %get3A_964 = arith.index_cast %add3A_963 : i32 to index
        %get3A_965 = arith.constant 0 : index
        %get3A_966 = tpu.vector_load %arg9[%get3A_964, %get3A_965] {strides = array<i32>} : memref<32x16xf32, #tpu.memory_space<vmem>>, vector<1x16xf32>,
        %get3A_967 = vector.shape_cast %get3A_966 : vector<1x16xf32> to vector<16xf32>
        %mul3A_968 = arith.constant 8 : i32
        %mul3A_969 = arith.muli %scan3A_893, %mul3A_968 : i32
        %add3A_970 = arith.constant 4 : i32
        %add3A_971 = arith.addi %mul3A_969, %add3A_970 : i32
        %swap3A_972 = arith.index_cast %add3A_971 : i32 to index
        %swap3A_973 = arith.constant 0 : index
        %swap3A_974 = tpu.vector_load %arg11[%swap3A_972, %swap3A_973] {strides = array<i32>} : memref<32x128xf32, #tpu.memory_space<vmem>>, vector<1x16xf32>,
        %swap3A_975 = vector.shape_cast %swap3A_974 : vector<1x16xf32> to vector<16xf32>
        %swap3A_976 = vector.shape_cast %get3A_967 : vector<16xf32> to vector<1x16xf32>
        tpu.vector_store %arg11[%swap3A_972, %swap3A_973], %swap3A_976 {strides = array<i32>} : memref<32x128xf32, #tpu.memory_space<vmem>>, vector<1x16xf32>,
        %mul3A_977 = arith.constant 8 : i32
        %mul3A_978 = arith.muli %scan3A_893, %mul3A_977 : i32
        %add3A_979 = arith.constant 5 : i32
        %add3A_980 = arith.addi %mul3A_978, %add3A_979 : i32
        %get3A_981 = arith.index_cast %add3A_980 : i32 to index
        %get3A_982 = arith.constant 0 : index
        %get3A_983 = tpu.vector_load %arg9[%get3A_981, %get3A_982] {strides = array<i32>} : memref<32x16xf32, #tpu.memory_space<vmem>>, vector<1x16xf32>,
        %get3A_984 = vector.shape_cast %get3A_983 : vector<1x16xf32> to vector<16xf32>
        %mul3A_985 = arith.constant 8 : i32
        %mul3A_986 = arith.muli %scan3A_893, %mul3A_985 : i32
        %add3A_987 = arith.constant 5 : i32
        %add3A_988 = arith.addi %mul3A_986, %add3A_987 : i32
        %swap3A_989 = arith.index_cast %add3A_988 : i32 to index
        %swap3A_990 = arith.constant 0 : index
        %swap3A_991 = tpu.vector_load %arg11[%swap3A_989, %swap3A_990] {strides = array<i32>} : memref<32x128xf32, #tpu.memory_space<vmem>>, vector<1x16xf32>,
        %swap3A_992 = vector.shape_cast %swap3A_991 : vector<1x16xf32> to vector<16xf32>
        %swap3A_993 = vector.shape_cast %get3A_984 : vector<16xf32> to vector<1x16xf32>
        tpu.vector_store %arg11[%swap3A_989, %swap3A_990], %swap3A_993 {strides = array<i32>} : memref<32x128xf32, #tpu.memory_space<vmem>>, vector<1x16xf32>,
        %mul3A_994 = arith.constant 8 : i32
        %mul3A_995 = arith.muli %scan3A_893, %mul3A_994 : i32
        %add3A_996 = arith.constant 6 : i32
        %add3A_997 = arith.addi %mul3A_995, %add3A_996 : i32
        %get3A_998 = arith.index_cast %add3A_997 : i32 to index
        %get3A_999 = arith.constant 0 : index
        %get3A_1000 = tpu.vector_load %arg9[%get3A_998, %get3A_999] {strides = array<i32>} : memref<32x16xf32, #tpu.memory_space<vmem>>, vector<1x16xf32>,
        %get3A_1001 = vector.shape_cast %get3A_1000 : vector<1x16xf32> to vector<16xf32>
        %mul3A_1002 = arith.constant 8 : i32
        %mul3A_1003 = arith.muli %scan3A_893, %mul3A_1002 : i32
        %add3A_1004 = arith.constant 6 : i32
        %add3A_1005 = arith.addi %mul3A_1003, %add3A_1004 : i32
        %swap3A_1006 = arith.index_cast %add3A_1005 : i32 to index
        %swap3A_1007 = arith.constant 0 : index
        %swap3A_1008 = tpu.vector_load %arg11[%swap3A_1006, %swap3A_1007] {strides = array<i32>} : memref<32x128xf32, #tpu.memory_space<vmem>>, vector<1x16xf32>,
        %swap3A_1009 = vector.shape_cast %swap3A_1008 : vector<1x16xf32> to vector<16xf32>
        %swap3A_1010 = vector.shape_cast %get3A_1001 : vector<16xf32> to vector<1x16xf32>
        tpu.vector_store %arg11[%swap3A_1006, %swap3A_1007], %swap3A_1010 {strides = array<i32>} : memref<32x128xf32, #tpu.memory_space<vmem>>, vector<1x16xf32>,
        %mul3A_1011 = arith.constant 8 : i32
        %mul3A_1012 = arith.muli %scan3A_893, %mul3A_1011 : i32
        %add3A_1013 = arith.constant 7 : i32
        %add3A_1014 = arith.addi %mul3A_1012, %add3A_1013 : i32
        %get3A_1015 = arith.index_cast %add3A_1014 : i32 to index
        %get3A_1016 = arith.constant 0 : index
        %get3A_1017 = tpu.vector_load %arg9[%get3A_1015, %get3A_1016] {strides = array<i32>} : memref<32x16xf32, #tpu.memory_space<vmem>>, vector<1x16xf32>,
        %get3A_1018 = vector.shape_cast %get3A_1017 : vector<1x16xf32> to vector<16xf32>
        %mul3A_1019 = arith.constant 8 : i32
        %mul3A_1020 = arith.muli %scan3A_893, %mul3A_1019 : i32
        %add3A_1021 = arith.constant 7 : i32
        %add3A_1022 = arith.addi %mul3A_1020, %add3A_1021 : i32
        %swap3A_1023 = arith.index_cast %add3A_1022 : i32 to index
        %swap3A_1024 = arith.constant 0 : index
        %swap3A_1025 = tpu.vector_load %arg11[%swap3A_1023, %swap3A_1024] {strides = array<i32>} : memref<32x128xf32, #tpu.memory_space<vmem>>, vector<1x16xf32>,
        %swap3A_1026 = vector.shape_cast %swap3A_1025 : vector<1x16xf32> to vector<16xf32>
        %swap3A_1027 = vector.shape_cast %get3A_1018 : vector<16xf32> to vector<1x16xf32>
        tpu.vector_store %arg11[%swap3A_1023, %swap3A_1024], %swap3A_1027 {strides = array<i32>} : memref<32x128xf32, #tpu.memory_space<vmem>>, vector<1x16xf32>,
      }
      %scan3A_700 = arith.constant 4 : i32
      %dma_start3A_701 = arith.constant 12 : i32
      %dma_start3A_702 = arith.constant 0 : i32
      %dma_start3A_703 = tpu.memref_slice %arg8[%dma_start3A_701, %dma_start3A_702] : memref<16x32xi32, #tpu.memory_space<vmem>> -> memref<1x32xi32, #tpu.memory_space<vmem>>
      %dma_start3A_704 = tpu.memref_squeeze %dma_start3A_703 : memref<1x32xi32, #tpu.memory_space<vmem>> -> memref<32xi32, #tpu.memory_space<vmem>>
      %dma_start3A_705 = arith.constant 0 : i32
      %dma_start3A_706 = arith.constant 0 : i32
      %dma_start3A_707 = tpu.memref_slice %arg14[%dma_start3A_705, %dma_start3A_706] : memref<10112x128xf32, #tpu.memory_space<vmem_shared>> -> memref<10112x128xf32, #tpu.memory_space<vmem_shared>>
      tpu.enqueue_indirect_dma source(%arg11 : memref<32x128xf32, #tpu.memory_space<vmem>>) target(%dma_start3A_707 : memref<10112x128xf32, #tpu.memory_space<vmem_shared>>) offsets(%dma_start3A_704 : memref<32xi32, #tpu.memory_space<vmem>>) semaphore(%arg17 : memref<!tpu.dma_semaphore, #tpu.memory_space<semaphore_mem>>) {add = true}
      %dma_start3A_708 = arith.constant 12 : i32
      %dma_start3A_709 = arith.constant 0 : i32
      %dma_start3A_710 = tpu.memref_slice %arg7[%dma_start3A_708, %dma_start3A_709] : memref<16x32xi32, #tpu.memory_space<vmem>> -> memref<1x32xi32, #tpu.memory_space<vmem>>
      %dma_start3A_711 = tpu.memref_squeeze %dma_start3A_710 : memref<1x32xi32, #tpu.memory_space<vmem>> -> memref<32xi32, #tpu.memory_space<vmem>>
      %dma_start3A_712 = arith.constant 0 : i32
      %dma_start3A_713 = arith.constant 0 : i32
      %dma_start3A_714 = tpu.memref_slice %arg14[%dma_start3A_712, %dma_start3A_713] : memref<10112x128xf32, #tpu.memory_space<vmem_shared>> -> memref<10112x128xf32, #tpu.memory_space<vmem_shared>>
      tpu.enqueue_indirect_dma source(%arg13 : memref<32x128xf32, #tpu.memory_space<vmem>>) target(%dma_start3A_714 : memref<10112x128xf32, #tpu.memory_space<vmem_shared>>) offsets(%dma_start3A_711 : memref<32xi32, #tpu.memory_space<vmem>>) semaphore(%arg19 : memref<!tpu.dma_semaphore, #tpu.memory_space<semaphore_mem>>) {add = true}
      %dma_wait3A_715 = arith.constant 11 : i32
      %dma_wait3A_716 = arith.constant 0 : i32
      %dma_wait3A_717 = tpu.memref_slice %arg7[%dma_wait3A_715, %dma_wait3A_716] : memref<16x32xi32, #tpu.memory_space<vmem>> -> memref<1x32xi32, #tpu.memory_space<vmem>>
      %dma_wait3A_718 = tpu.memref_squeeze %dma_wait3A_717 : memref<1x32xi32, #tpu.memory_space<vmem>> -> memref<32xi32, #tpu.memory_space<vmem>>
      %dma_wait3A_719 = arith.constant 0 : i32
      %dma_wait3A_720 = arith.constant 0 : i32
      %dma_wait3A_721 = tpu.memref_slice %arg14[%dma_wait3A_719, %dma_wait3A_720] : memref<10112x128xf32, #tpu.memory_space<vmem_shared>> -> memref<10112x128xf32, #tpu.memory_space<vmem_shared>>
      tpu.wait_indirect_dma semaphore(%arg19 : memref<!tpu.dma_semaphore, #tpu.memory_space<semaphore_mem>>) src(%arg13 : memref<32x128xf32, #tpu.memory_space<vmem>>) dst(%dma_wait3A_721 : memref<10112x128xf32, #tpu.memory_space<vmem_shared>>)
      %add3A_722 = arith.constant 13 : i32
      %add3A_723 = arith.addi %add3A_34, %add3A_722 : i32
      %add3A_724 = arith.constant 1 : i32
      %add3A_725 = arith.addi %add3A_723, %add3A_724 : i32
      %dma_start3A_726 = arith.constant 0 : i32
      %dma_start3A_727 = arith.constant 0 : i32
      %dma_start3A_728 = tpu.memref_slice %arg4[%add3A_725, %dma_start3A_726, %dma_start3A_727] : memref<10240x32x16xf32, #tpu.memory_space<hbm>> -> memref<1x32x16xf32, #tpu.memory_space<hbm>>
      %dma_start3A_729 = tpu.memref_squeeze %dma_start3A_728 : memref<1x32x16xf32, #tpu.memory_space<hbm>> -> memref<32x16xf32, #tpu.memory_space<hbm>>
      %dma_start3A_730 = arith.constant 0 : i32
      %dma_start3A_731 = arith.constant 0 : i32
      %dma_start3A_732 = tpu.memref_slice %arg4[%add3A_725, %dma_start3A_730, %dma_start3A_731] : memref<10240x32x16xf32, #tpu.memory_space<hbm>> -> memref<1x32x16xf32, #tpu.memory_space<hbm>>
      %dma_start3A_733 = tpu.memref_squeeze %dma_start3A_732 : memref<1x32x16xf32, #tpu.memory_space<hbm>> -> memref<32x16xf32, #tpu.memory_space<hbm>>
      tpu.enqueue_dma source(%dma_start3A_733 : memref<32x16xf32, #tpu.memory_space<hbm>>) target(%arg9 : memref<32x16xf32, #tpu.memory_space<vmem>>) target_semaphore(%arg15 : memref<!tpu.dma_semaphore, #tpu.memory_space<semaphore_mem>>)
      %dma_wait3A_734 = arith.constant 11 : i32
      %dma_wait3A_735 = arith.constant 0 : i32
      %dma_wait3A_736 = tpu.memref_slice %arg8[%dma_wait3A_734, %dma_wait3A_735] : memref<16x32xi32, #tpu.memory_space<vmem>> -> memref<1x32xi32, #tpu.memory_space<vmem>>
      %dma_wait3A_737 = tpu.memref_squeeze %dma_wait3A_736 : memref<1x32xi32, #tpu.memory_space<vmem>> -> memref<32xi32, #tpu.memory_space<vmem>>
      %dma_wait3A_738 = arith.constant 0 : i32
      %dma_wait3A_739 = arith.constant 0 : i32
      %dma_wait3A_740 = tpu.memref_slice %arg14[%dma_wait3A_738, %dma_wait3A_739] : memref<10112x128xf32, #tpu.memory_space<vmem_shared>> -> memref<10112x128xf32, #tpu.memory_space<vmem_shared>>
      tpu.wait_indirect_dma semaphore(%arg18 : memref<!tpu.dma_semaphore, #tpu.memory_space<semaphore_mem>>) src(%arg12 : memref<32x128xf32, #tpu.memory_space<vmem>>) dst(%dma_wait3A_740 : memref<10112x128xf32, #tpu.memory_space<vmem_shared>>)
      %dma_wait3A_741 = arith.constant 0 : i32
      %dma_wait3A_742 = arith.constant 0 : i32
      %dma_wait3A_743 = tpu.memref_slice %arg4[%add3A_671, %dma_wait3A_741, %dma_wait3A_742] : memref<10240x32x16xf32, #tpu.memory_space<hbm>> -> memref<1x32x16xf32, #tpu.memory_space<hbm>>
      %dma_wait3A_744 = tpu.memref_squeeze %dma_wait3A_743 : memref<1x32x16xf32, #tpu.memory_space<hbm>> -> memref<32x16xf32, #tpu.memory_space<hbm>>
      %dma_wait3A_745 = arith.constant 0 : i32
      %dma_wait3A_746 = arith.constant 0 : i32
      %dma_wait3A_747 = tpu.memref_slice %arg4[%add3A_671, %dma_wait3A_745, %dma_wait3A_746] : memref<10240x32x16xf32, #tpu.memory_space<hbm>> -> memref<1x32x16xf32, #tpu.memory_space<hbm>>
      %dma_wait3A_748 = tpu.memref_squeeze %dma_wait3A_747 : memref<1x32x16xf32, #tpu.memory_space<hbm>> -> memref<32x16xf32, #tpu.memory_space<hbm>>
      tpu.wait_dma2 semaphore(%arg16 : memref<!tpu.dma_semaphore, #tpu.memory_space<semaphore_mem>>) src(%dma_wait3A_748 : memref<32x16xf32, #tpu.memory_space<hbm>>) dst(%arg10 : memref<32x16xf32, #tpu.memory_space<vmem>>)
      %scan3A_749 = arith.constant 0 : i32
      %scan3A_750 = arith.constant 0 : i32
      %scan3A_751 = arith.constant 4 : i32
      %scan3A_752 = arith.addi %scan3A_750, %scan3A_751 : i32
      %scan3A_753 = arith.constant 1 : i32
      scf.for %scan3A_893 = %scan3A_750 to %scan3A_752 step %scan3A_753  : i32 {
        %mul3A_894 = arith.constant 8 : i32
        %mul3A_895 = arith.muli %scan3A_893, %mul3A_894 : i32
        %add3A_896 = arith.constant 0 : i32
        %add3A_897 = arith.addi %mul3A_895, %add3A_896 : i32
        %get3A = arith.index_cast %add3A_897 : i32 to index
        %get3A_898 = arith.constant 0 : index
        %get3A_899 = tpu.vector_load %arg10[%get3A, %get3A_898] {strides = array<i32>} : memref<32x16xf32, #tpu.memory_space<vmem>>, vector<1x16xf32>,
        %get3A_900 = vector.shape_cast %get3A_899 : vector<1x16xf32> to vector<16xf32>
        %mul3A_901 = arith.constant 8 : i32
        %mul3A_902 = arith.muli %scan3A_893, %mul3A_901 : i32
        %add3A_903 = arith.constant 0 : i32
        %add3A_904 = arith.addi %mul3A_902, %add3A_903 : i32
        %swap3A = arith.index_cast %add3A_904 : i32 to index
        %swap3A_905 = arith.constant 0 : index
        %swap3A_906 = tpu.vector_load %arg12[%swap3A, %swap3A_905] {strides = array<i32>} : memref<32x128xf32, #tpu.memory_space<vmem>>, vector<1x16xf32>,
        %swap3A_907 = vector.shape_cast %swap3A_906 : vector<1x16xf32> to vector<16xf32>
        %swap3A_908 = vector.shape_cast %get3A_900 : vector<16xf32> to vector<1x16xf32>
        tpu.vector_store %arg12[%swap3A, %swap3A_905], %swap3A_908 {strides = array<i32>} : memref<32x128xf32, #tpu.memory_space<vmem>>, vector<1x16xf32>,
        %mul3A_909 = arith.constant 8 : i32
        %mul3A_910 = arith.muli %scan3A_893, %mul3A_909 : i32
        %add3A_911 = arith.constant 1 : i32
        %add3A_912 = arith.addi %mul3A_910, %add3A_911 : i32
        %get3A_913 = arith.index_cast %add3A_912 : i32 to index
        %get3A_914 = arith.constant 0 : index
        %get3A_915 = tpu.vector_load %arg10[%get3A_913, %get3A_914] {strides = array<i32>} : memref<32x16xf32, #tpu.memory_space<vmem>>, vector<1x16xf32>,
        %get3A_916 = vector.shape_cast %get3A_915 : vector<1x16xf32> to vector<16xf32>
        %mul3A_917 = arith.constant 8 : i32
        %mul3A_918 = arith.muli %scan3A_893, %mul3A_917 : i32
        %add3A_919 = arith.constant 1 : i32
        %add3A_920 = arith.addi %mul3A_918, %add3A_919 : i32
        %swap3A_921 = arith.index_cast %add3A_920 : i32 to index
        %swap3A_922 = arith.constant 0 : index
        %swap3A_923 = tpu.vector_load %arg12[%swap3A_921, %swap3A_922] {strides = array<i32>} : memref<32x128xf32, #tpu.memory_space<vmem>>, vector<1x16xf32>,
        %swap3A_924 = vector.shape_cast %swap3A_923 : vector<1x16xf32> to vector<16xf32>
        %swap3A_925 = vector.shape_cast %get3A_916 : vector<16xf32> to vector<1x16xf32>
        tpu.vector_store %arg12[%swap3A_921, %swap3A_922], %swap3A_925 {strides = array<i32>} : memref<32x128xf32, #tpu.memory_space<vmem>>, vector<1x16xf32>,
        %mul3A_926 = arith.constant 8 : i32
        %mul3A_927 = arith.muli %scan3A_893, %mul3A_926 : i32
        %add3A_928 = arith.constant 2 : i32
        %add3A_929 = arith.addi %mul3A_927, %add3A_928 : i32
        %get3A_930 = arith.index_cast %add3A_929 : i32 to index
        %get3A_931 = arith.constant 0 : index
        %get3A_932 = tpu.vector_load %arg10[%get3A_930, %get3A_931] {strides = array<i32>} : memref<32x16xf32, #tpu.memory_space<vmem>>, vector<1x16xf32>,
        %get3A_933 = vector.shape_cast %get3A_932 : vector<1x16xf32> to vector<16xf32>
        %mul3A_934 = arith.constant 8 : i32
        %mul3A_935 = arith.muli %scan3A_893, %mul3A_934 : i32
        %add3A_936 = arith.constant 2 : i32
        %add3A_937 = arith.addi %mul3A_935, %add3A_936 : i32
        %swap3A_938 = arith.index_cast %add3A_937 : i32 to index
        %swap3A_939 = arith.constant 0 : index
        %swap3A_940 = tpu.vector_load %arg12[%swap3A_938, %swap3A_939] {strides = array<i32>} : memref<32x128xf32, #tpu.memory_space<vmem>>, vector<1x16xf32>,
        %swap3A_941 = vector.shape_cast %swap3A_940 : vector<1x16xf32> to vector<16xf32>
        %swap3A_942 = vector.shape_cast %get3A_933 : vector<16xf32> to vector<1x16xf32>
        tpu.vector_store %arg12[%swap3A_938, %swap3A_939], %swap3A_942 {strides = array<i32>} : memref<32x128xf32, #tpu.memory_space<vmem>>, vector<1x16xf32>,
        %mul3A_943 = arith.constant 8 : i32
        %mul3A_944 = arith.muli %scan3A_893, %mul3A_943 : i32
        %add3A_945 = arith.constant 3 : i32
        %add3A_946 = arith.addi %mul3A_944, %add3A_945 : i32
        %get3A_947 = arith.index_cast %add3A_946 : i32 to index
        %get3A_948 = arith.constant 0 : index
        %get3A_949 = tpu.vector_load %arg10[%get3A_947, %get3A_948] {strides = array<i32>} : memref<32x16xf32, #tpu.memory_space<vmem>>, vector<1x16xf32>,
        %get3A_950 = vector.shape_cast %get3A_949 : vector<1x16xf32> to vector<16xf32>
        %mul3A_951 = arith.constant 8 : i32
        %mul3A_952 = arith.muli %scan3A_893, %mul3A_951 : i32
        %add3A_953 = arith.constant 3 : i32
        %add3A_954 = arith.addi %mul3A_952, %add3A_953 : i32
        %swap3A_955 = arith.index_cast %add3A_954 : i32 to index
        %swap3A_956 = arith.constant 0 : index
        %swap3A_957 = tpu.vector_load %arg12[%swap3A_955, %swap3A_956] {strides = array<i32>} : memref<32x128xf32, #tpu.memory_space<vmem>>, vector<1x16xf32>,
        %swap3A_958 = vector.shape_cast %swap3A_957 : vector<1x16xf32> to vector<16xf32>
        %swap3A_959 = vector.shape_cast %get3A_950 : vector<16xf32> to vector<1x16xf32>
        tpu.vector_store %arg12[%swap3A_955, %swap3A_956], %swap3A_959 {strides = array<i32>} : memref<32x128xf32, #tpu.memory_space<vmem>>, vector<1x16xf32>,
        %mul3A_960 = arith.constant 8 : i32
        %mul3A_961 = arith.muli %scan3A_893, %mul3A_960 : i32
        %add3A_962 = arith.constant 4 : i32
        %add3A_963 = arith.addi %mul3A_961, %add3A_962 : i32
        %get3A_964 = arith.index_cast %add3A_963 : i32 to index
        %get3A_965 = arith.constant 0 : index
        %get3A_966 = tpu.vector_load %arg10[%get3A_964, %get3A_965] {strides = array<i32>} : memref<32x16xf32, #tpu.memory_space<vmem>>, vector<1x16xf32>,
        %get3A_967 = vector.shape_cast %get3A_966 : vector<1x16xf32> to vector<16xf32>
        %mul3A_968 = arith.constant 8 : i32
        %mul3A_969 = arith.muli %scan3A_893, %mul3A_968 : i32
        %add3A_970 = arith.constant 4 : i32
        %add3A_971 = arith.addi %mul3A_969, %add3A_970 : i32
        %swap3A_972 = arith.index_cast %add3A_971 : i32 to index
        %swap3A_973 = arith.constant 0 : index
        %swap3A_974 = tpu.vector_load %arg12[%swap3A_972, %swap3A_973] {strides = array<i32>} : memref<32x128xf32, #tpu.memory_space<vmem>>, vector<1x16xf32>,
        %swap3A_975 = vector.shape_cast %swap3A_974 : vector<1x16xf32> to vector<16xf32>
        %swap3A_976 = vector.shape_cast %get3A_967 : vector<16xf32> to vector<1x16xf32>
        tpu.vector_store %arg12[%swap3A_972, %swap3A_973], %swap3A_976 {strides = array<i32>} : memref<32x128xf32, #tpu.memory_space<vmem>>, vector<1x16xf32>,
        %mul3A_977 = arith.constant 8 : i32
        %mul3A_978 = arith.muli %scan3A_893, %mul3A_977 : i32
        %add3A_979 = arith.constant 5 : i32
        %add3A_980 = arith.addi %mul3A_978, %add3A_979 : i32
        %get3A_981 = arith.index_cast %add3A_980 : i32 to index
        %get3A_982 = arith.constant 0 : index
        %get3A_983 = tpu.vector_load %arg10[%get3A_981, %get3A_982] {strides = array<i32>} : memref<32x16xf32, #tpu.memory_space<vmem>>, vector<1x16xf32>,
        %get3A_984 = vector.shape_cast %get3A_983 : vector<1x16xf32> to vector<16xf32>
        %mul3A_985 = arith.constant 8 : i32
        %mul3A_986 = arith.muli %scan3A_893, %mul3A_985 : i32
        %add3A_987 = arith.constant 5 : i32
        %add3A_988 = arith.addi %mul3A_986, %add3A_987 : i32
        %swap3A_989 = arith.index_cast %add3A_988 : i32 to index
        %swap3A_990 = arith.constant 0 : index
        %swap3A_991 = tpu.vector_load %arg12[%swap3A_989, %swap3A_990] {strides = array<i32>} : memref<32x128xf32, #tpu.memory_space<vmem>>, vector<1x16xf32>,
        %swap3A_992 = vector.shape_cast %swap3A_991 : vector<1x16xf32> to vector<16xf32>
        %swap3A_993 = vector.shape_cast %get3A_984 : vector<16xf32> to vector<1x16xf32>
        tpu.vector_store %arg12[%swap3A_989, %swap3A_990], %swap3A_993 {strides = array<i32>} : memref<32x128xf32, #tpu.memory_space<vmem>>, vector<1x16xf32>,
        %mul3A_994 = arith.constant 8 : i32
        %mul3A_995 = arith.muli %scan3A_893, %mul3A_994 : i32
        %add3A_996 = arith.constant 6 : i32
        %add3A_997 = arith.addi %mul3A_995, %add3A_996 : i32
        %get3A_998 = arith.index_cast %add3A_997 : i32 to index
        %get3A_999 = arith.constant 0 : index
        %get3A_1000 = tpu.vector_load %arg10[%get3A_998, %get3A_999] {strides = array<i32>} : memref<32x16xf32, #tpu.memory_space<vmem>>, vector<1x16xf32>,
        %get3A_1001 = vector.shape_cast %get3A_1000 : vector<1x16xf32> to vector<16xf32>
        %mul3A_1002 = arith.constant 8 : i32
        %mul3A_1003 = arith.muli %scan3A_893, %mul3A_1002 : i32
        %add3A_1004 = arith.constant 6 : i32
        %add3A_1005 = arith.addi %mul3A_1003, %add3A_1004 : i32
        %swap3A_1006 = arith.index_cast %add3A_1005 : i32 to index
        %swap3A_1007 = arith.constant 0 : index
        %swap3A_1008 = tpu.vector_load %arg12[%swap3A_1006, %swap3A_1007] {strides = array<i32>} : memref<32x128xf32, #tpu.memory_space<vmem>>, vector<1x16xf32>,
        %swap3A_1009 = vector.shape_cast %swap3A_1008 : vector<1x16xf32> to vector<16xf32>
        %swap3A_1010 = vector.shape_cast %get3A_1001 : vector<16xf32> to vector<1x16xf32>
        tpu.vector_store %arg12[%swap3A_1006, %swap3A_1007], %swap3A_1010 {strides = array<i32>} : memref<32x128xf32, #tpu.memory_space<vmem>>, vector<1x16xf32>,
        %mul3A_1011 = arith.constant 8 : i32
        %mul3A_1012 = arith.muli %scan3A_893, %mul3A_1011 : i32
        %add3A_1013 = arith.constant 7 : i32
        %add3A_1014 = arith.addi %mul3A_1012, %add3A_1013 : i32
        %get3A_1015 = arith.index_cast %add3A_1014 : i32 to index
        %get3A_1016 = arith.constant 0 : index
        %get3A_1017 = tpu.vector_load %arg10[%get3A_1015, %get3A_1016] {strides = array<i32>} : memref<32x16xf32, #tpu.memory_space<vmem>>, vector<1x16xf32>,
        %get3A_1018 = vector.shape_cast %get3A_1017 : vector<1x16xf32> to vector<16xf32>
        %mul3A_1019 = arith.constant 8 : i32
        %mul3A_1020 = arith.muli %scan3A_893, %mul3A_1019 : i32
        %add3A_1021 = arith.constant 7 : i32
        %add3A_1022 = arith.addi %mul3A_1020, %add3A_1021 : i32
        %swap3A_1023 = arith.index_cast %add3A_1022 : i32 to index
        %swap3A_1024 = arith.constant 0 : index
        %swap3A_1025 = tpu.vector_load %arg12[%swap3A_1023, %swap3A_1024] {strides = array<i32>} : memref<32x128xf32, #tpu.memory_space<vmem>>, vector<1x16xf32>,
        %swap3A_1026 = vector.shape_cast %swap3A_1025 : vector<1x16xf32> to vector<16xf32>
        %swap3A_1027 = vector.shape_cast %get3A_1018 : vector<16xf32> to vector<1x16xf32>
        tpu.vector_store %arg12[%swap3A_1023, %swap3A_1024], %swap3A_1027 {strides = array<i32>} : memref<32x128xf32, #tpu.memory_space<vmem>>, vector<1x16xf32>,
      }
      %scan3A_754 = arith.constant 4 : i32
      %dma_start3A_755 = arith.constant 13 : i32
      %dma_start3A_756 = arith.constant 0 : i32
      %dma_start3A_757 = tpu.memref_slice %arg8[%dma_start3A_755, %dma_start3A_756] : memref<16x32xi32, #tpu.memory_space<vmem>> -> memref<1x32xi32, #tpu.memory_space<vmem>>
      %dma_start3A_758 = tpu.memref_squeeze %dma_start3A_757 : memref<1x32xi32, #tpu.memory_space<vmem>> -> memref<32xi32, #tpu.memory_space<vmem>>
      %dma_start3A_759 = arith.constant 0 : i32
      %dma_start3A_760 = arith.constant 0 : i32
      %dma_start3A_761 = tpu.memref_slice %arg14[%dma_start3A_759, %dma_start3A_760] : memref<10112x128xf32, #tpu.memory_space<vmem_shared>> -> memref<10112x128xf32, #tpu.memory_space<vmem_shared>>
      tpu.enqueue_indirect_dma source(%arg12 : memref<32x128xf32, #tpu.memory_space<vmem>>) target(%dma_start3A_761 : memref<10112x128xf32, #tpu.memory_space<vmem_shared>>) offsets(%dma_start3A_758 : memref<32xi32, #tpu.memory_space<vmem>>) semaphore(%arg18 : memref<!tpu.dma_semaphore, #tpu.memory_space<semaphore_mem>>) {add = true}
      %dma_start3A_762 = arith.constant 13 : i32
      %dma_start3A_763 = arith.constant 0 : i32
      %dma_start3A_764 = tpu.memref_slice %arg7[%dma_start3A_762, %dma_start3A_763] : memref<16x32xi32, #tpu.memory_space<vmem>> -> memref<1x32xi32, #tpu.memory_space<vmem>>
      %dma_start3A_765 = tpu.memref_squeeze %dma_start3A_764 : memref<1x32xi32, #tpu.memory_space<vmem>> -> memref<32xi32, #tpu.memory_space<vmem>>
      %dma_start3A_766 = arith.constant 0 : i32
      %dma_start3A_767 = arith.constant 0 : i32
      %dma_start3A_768 = tpu.memref_slice %arg14[%dma_start3A_766, %dma_start3A_767] : memref<10112x128xf32, #tpu.memory_space<vmem_shared>> -> memref<10112x128xf32, #tpu.memory_space<vmem_shared>>
      tpu.enqueue_indirect_dma source(%arg13 : memref<32x128xf32, #tpu.memory_space<vmem>>) target(%dma_start3A_768 : memref<10112x128xf32, #tpu.memory_space<vmem_shared>>) offsets(%dma_start3A_765 : memref<32xi32, #tpu.memory_space<vmem>>) semaphore(%arg19 : memref<!tpu.dma_semaphore, #tpu.memory_space<semaphore_mem>>) {add = true}
      %dma_wait3A_769 = arith.constant 12 : i32
      %dma_wait3A_770 = arith.constant 0 : i32
      %dma_wait3A_771 = tpu.memref_slice %arg7[%dma_wait3A_769, %dma_wait3A_770] : memref<16x32xi32, #tpu.memory_space<vmem>> -> memref<1x32xi32, #tpu.memory_space<vmem>>
      %dma_wait3A_772 = tpu.memref_squeeze %dma_wait3A_771 : memref<1x32xi32, #tpu.memory_space<vmem>> -> memref<32xi32, #tpu.memory_space<vmem>>
      %dma_wait3A_773 = arith.constant 0 : i32
      %dma_wait3A_774 = arith.constant 0 : i32
      %dma_wait3A_775 = tpu.memref_slice %arg14[%dma_wait3A_773, %dma_wait3A_774] : memref<10112x128xf32, #tpu.memory_space<vmem_shared>> -> memref<10112x128xf32, #tpu.memory_space<vmem_shared>>
      tpu.wait_indirect_dma semaphore(%arg19 : memref<!tpu.dma_semaphore, #tpu.memory_space<semaphore_mem>>) src(%arg13 : memref<32x128xf32, #tpu.memory_space<vmem>>) dst(%dma_wait3A_775 : memref<10112x128xf32, #tpu.memory_space<vmem_shared>>)
      %add3A_776 = arith.constant 14 : i32
      %add3A_777 = arith.addi %add3A_34, %add3A_776 : i32
      %add3A_778 = arith.constant 1 : i32
      %add3A_779 = arith.addi %add3A_777, %add3A_778 : i32
      %dma_start3A_780 = arith.constant 0 : i32
      %dma_start3A_781 = arith.constant 0 : i32
      %dma_start3A_782 = tpu.memref_slice %arg4[%add3A_779, %dma_start3A_780, %dma_start3A_781] : memref<10240x32x16xf32, #tpu.memory_space<hbm>> -> memref<1x32x16xf32, #tpu.memory_space<hbm>>
      %dma_start3A_783 = tpu.memref_squeeze %dma_start3A_782 : memref<1x32x16xf32, #tpu.memory_space<hbm>> -> memref<32x16xf32, #tpu.memory_space<hbm>>
      %dma_start3A_784 = arith.constant 0 : i32
      %dma_start3A_785 = arith.constant 0 : i32
      %dma_start3A_786 = tpu.memref_slice %arg4[%add3A_779, %dma_start3A_784, %dma_start3A_785] : memref<10240x32x16xf32, #tpu.memory_space<hbm>> -> memref<1x32x16xf32, #tpu.memory_space<hbm>>
      %dma_start3A_787 = tpu.memref_squeeze %dma_start3A_786 : memref<1x32x16xf32, #tpu.memory_space<hbm>> -> memref<32x16xf32, #tpu.memory_space<hbm>>
      tpu.enqueue_dma source(%dma_start3A_787 : memref<32x16xf32, #tpu.memory_space<hbm>>) target(%arg10 : memref<32x16xf32, #tpu.memory_space<vmem>>) target_semaphore(%arg16 : memref<!tpu.dma_semaphore, #tpu.memory_space<semaphore_mem>>)
      %dma_wait3A_788 = arith.constant 12 : i32
      %dma_wait3A_789 = arith.constant 0 : i32
      %dma_wait3A_790 = tpu.memref_slice %arg8[%dma_wait3A_788, %dma_wait3A_789] : memref<16x32xi32, #tpu.memory_space<vmem>> -> memref<1x32xi32, #tpu.memory_space<vmem>>
      %dma_wait3A_791 = tpu.memref_squeeze %dma_wait3A_790 : memref<1x32xi32, #tpu.memory_space<vmem>> -> memref<32xi32, #tpu.memory_space<vmem>>
      %dma_wait3A_792 = arith.constant 0 : i32
      %dma_wait3A_793 = arith.constant 0 : i32
      %dma_wait3A_794 = tpu.memref_slice %arg14[%dma_wait3A_792, %dma_wait3A_793] : memref<10112x128xf32, #tpu.memory_space<vmem_shared>> -> memref<10112x128xf32, #tpu.memory_space<vmem_shared>>
      tpu.wait_indirect_dma semaphore(%arg17 : memref<!tpu.dma_semaphore, #tpu.memory_space<semaphore_mem>>) src(%arg11 : memref<32x128xf32, #tpu.memory_space<vmem>>) dst(%dma_wait3A_794 : memref<10112x128xf32, #tpu.memory_space<vmem_shared>>)
      %dma_wait3A_795 = arith.constant 0 : i32
      %dma_wait3A_796 = arith.constant 0 : i32
      %dma_wait3A_797 = tpu.memref_slice %arg4[%add3A_725, %dma_wait3A_795, %dma_wait3A_796] : memref<10240x32x16xf32, #tpu.memory_space<hbm>> -> memref<1x32x16xf32, #tpu.memory_space<hbm>>
      %dma_wait3A_798 = tpu.memref_squeeze %dma_wait3A_797 : memref<1x32x16xf32, #tpu.memory_space<hbm>> -> memref<32x16xf32, #tpu.memory_space<hbm>>
      %dma_wait3A_799 = arith.constant 0 : i32
      %dma_wait3A_800 = arith.constant 0 : i32
      %dma_wait3A_801 = tpu.memref_slice %arg4[%add3A_725, %dma_wait3A_799, %dma_wait3A_800] : memref<10240x32x16xf32, #tpu.memory_space<hbm>> -> memref<1x32x16xf32, #tpu.memory_space<hbm>>
      %dma_wait3A_802 = tpu.memref_squeeze %dma_wait3A_801 : memref<1x32x16xf32, #tpu.memory_space<hbm>> -> memref<32x16xf32, #tpu.memory_space<hbm>>
      tpu.wait_dma2 semaphore(%arg15 : memref<!tpu.dma_semaphore, #tpu.memory_space<semaphore_mem>>) src(%dma_wait3A_802 : memref<32x16xf32, #tpu.memory_space<hbm>>) dst(%arg9 : memref<32x16xf32, #tpu.memory_space<vmem>>)
      %scan3A_803 = arith.constant 0 : i32
      %scan3A_804 = arith.constant 0 : i32
      %scan3A_805 = arith.constant 4 : i32
      %scan3A_806 = arith.addi %scan3A_804, %scan3A_805 : i32
      %scan3A_807 = arith.constant 1 : i32
      scf.for %scan3A_893 = %scan3A_804 to %scan3A_806 step %scan3A_807  : i32 {
        %mul3A_894 = arith.constant 8 : i32
        %mul3A_895 = arith.muli %scan3A_893, %mul3A_894 : i32
        %add3A_896 = arith.constant 0 : i32
        %add3A_897 = arith.addi %mul3A_895, %add3A_896 : i32
        %get3A = arith.index_cast %add3A_897 : i32 to index
        %get3A_898 = arith.constant 0 : index
        %get3A_899 = tpu.vector_load %arg9[%get3A, %get3A_898] {strides = array<i32>} : memref<32x16xf32, #tpu.memory_space<vmem>>, vector<1x16xf32>,
        %get3A_900 = vector.shape_cast %get3A_899 : vector<1x16xf32> to vector<16xf32>
        %mul3A_901 = arith.constant 8 : i32
        %mul3A_902 = arith.muli %scan3A_893, %mul3A_901 : i32
        %add3A_903 = arith.constant 0 : i32
        %add3A_904 = arith.addi %mul3A_902, %add3A_903 : i32
        %swap3A = arith.index_cast %add3A_904 : i32 to index
        %swap3A_905 = arith.constant 0 : index
        %swap3A_906 = tpu.vector_load %arg11[%swap3A, %swap3A_905] {strides = array<i32>} : memref<32x128xf32, #tpu.memory_space<vmem>>, vector<1x16xf32>,
        %swap3A_907 = vector.shape_cast %swap3A_906 : vector<1x16xf32> to vector<16xf32>
        %swap3A_908 = vector.shape_cast %get3A_900 : vector<16xf32> to vector<1x16xf32>
        tpu.vector_store %arg11[%swap3A, %swap3A_905], %swap3A_908 {strides = array<i32>} : memref<32x128xf32, #tpu.memory_space<vmem>>, vector<1x16xf32>,
        %mul3A_909 = arith.constant 8 : i32
        %mul3A_910 = arith.muli %scan3A_893, %mul3A_909 : i32
        %add3A_911 = arith.constant 1 : i32
        %add3A_912 = arith.addi %mul3A_910, %add3A_911 : i32
        %get3A_913 = arith.index_cast %add3A_912 : i32 to index
        %get3A_914 = arith.constant 0 : index
        %get3A_915 = tpu.vector_load %arg9[%get3A_913, %get3A_914] {strides = array<i32>} : memref<32x16xf32, #tpu.memory_space<vmem>>, vector<1x16xf32>,
        %get3A_916 = vector.shape_cast %get3A_915 : vector<1x16xf32> to vector<16xf32>
        %mul3A_917 = arith.constant 8 : i32
        %mul3A_918 = arith.muli %scan3A_893, %mul3A_917 : i32
        %add3A_919 = arith.constant 1 : i32
        %add3A_920 = arith.addi %mul3A_918, %add3A_919 : i32
        %swap3A_921 = arith.index_cast %add3A_920 : i32 to index
        %swap3A_922 = arith.constant 0 : index
        %swap3A_923 = tpu.vector_load %arg11[%swap3A_921, %swap3A_922] {strides = array<i32>} : memref<32x128xf32, #tpu.memory_space<vmem>>, vector<1x16xf32>,
        %swap3A_924 = vector.shape_cast %swap3A_923 : vector<1x16xf32> to vector<16xf32>
        %swap3A_925 = vector.shape_cast %get3A_916 : vector<16xf32> to vector<1x16xf32>
        tpu.vector_store %arg11[%swap3A_921, %swap3A_922], %swap3A_925 {strides = array<i32>} : memref<32x128xf32, #tpu.memory_space<vmem>>, vector<1x16xf32>,
        %mul3A_926 = arith.constant 8 : i32
        %mul3A_927 = arith.muli %scan3A_893, %mul3A_926 : i32
        %add3A_928 = arith.constant 2 : i32
        %add3A_929 = arith.addi %mul3A_927, %add3A_928 : i32
        %get3A_930 = arith.index_cast %add3A_929 : i32 to index
        %get3A_931 = arith.constant 0 : index
        %get3A_932 = tpu.vector_load %arg9[%get3A_930, %get3A_931] {strides = array<i32>} : memref<32x16xf32, #tpu.memory_space<vmem>>, vector<1x16xf32>,
        %get3A_933 = vector.shape_cast %get3A_932 : vector<1x16xf32> to vector<16xf32>
        %mul3A_934 = arith.constant 8 : i32
        %mul3A_935 = arith.muli %scan3A_893, %mul3A_934 : i32
        %add3A_936 = arith.constant 2 : i32
        %add3A_937 = arith.addi %mul3A_935, %add3A_936 : i32
        %swap3A_938 = arith.index_cast %add3A_937 : i32 to index
        %swap3A_939 = arith.constant 0 : index
        %swap3A_940 = tpu.vector_load %arg11[%swap3A_938, %swap3A_939] {strides = array<i32>} : memref<32x128xf32, #tpu.memory_space<vmem>>, vector<1x16xf32>,
        %swap3A_941 = vector.shape_cast %swap3A_940 : vector<1x16xf32> to vector<16xf32>
        %swap3A_942 = vector.shape_cast %get3A_933 : vector<16xf32> to vector<1x16xf32>
        tpu.vector_store %arg11[%swap3A_938, %swap3A_939], %swap3A_942 {strides = array<i32>} : memref<32x128xf32, #tpu.memory_space<vmem>>, vector<1x16xf32>,
        %mul3A_943 = arith.constant 8 : i32
        %mul3A_944 = arith.muli %scan3A_893, %mul3A_943 : i32
        %add3A_945 = arith.constant 3 : i32
        %add3A_946 = arith.addi %mul3A_944, %add3A_945 : i32
        %get3A_947 = arith.index_cast %add3A_946 : i32 to index
        %get3A_948 = arith.constant 0 : index
        %get3A_949 = tpu.vector_load %arg9[%get3A_947, %get3A_948] {strides = array<i32>} : memref<32x16xf32, #tpu.memory_space<vmem>>, vector<1x16xf32>,
        %get3A_950 = vector.shape_cast %get3A_949 : vector<1x16xf32> to vector<16xf32>
        %mul3A_951 = arith.constant 8 : i32
        %mul3A_952 = arith.muli %scan3A_893, %mul3A_951 : i32
        %add3A_953 = arith.constant 3 : i32
        %add3A_954 = arith.addi %mul3A_952, %add3A_953 : i32
        %swap3A_955 = arith.index_cast %add3A_954 : i32 to index
        %swap3A_956 = arith.constant 0 : index
        %swap3A_957 = tpu.vector_load %arg11[%swap3A_955, %swap3A_956] {strides = array<i32>} : memref<32x128xf32, #tpu.memory_space<vmem>>, vector<1x16xf32>,
        %swap3A_958 = vector.shape_cast %swap3A_957 : vector<1x16xf32> to vector<16xf32>
        %swap3A_959 = vector.shape_cast %get3A_950 : vector<16xf32> to vector<1x16xf32>
        tpu.vector_store %arg11[%swap3A_955, %swap3A_956], %swap3A_959 {strides = array<i32>} : memref<32x128xf32, #tpu.memory_space<vmem>>, vector<1x16xf32>,
        %mul3A_960 = arith.constant 8 : i32
        %mul3A_961 = arith.muli %scan3A_893, %mul3A_960 : i32
        %add3A_962 = arith.constant 4 : i32
        %add3A_963 = arith.addi %mul3A_961, %add3A_962 : i32
        %get3A_964 = arith.index_cast %add3A_963 : i32 to index
        %get3A_965 = arith.constant 0 : index
        %get3A_966 = tpu.vector_load %arg9[%get3A_964, %get3A_965] {strides = array<i32>} : memref<32x16xf32, #tpu.memory_space<vmem>>, vector<1x16xf32>,
        %get3A_967 = vector.shape_cast %get3A_966 : vector<1x16xf32> to vector<16xf32>
        %mul3A_968 = arith.constant 8 : i32
        %mul3A_969 = arith.muli %scan3A_893, %mul3A_968 : i32
        %add3A_970 = arith.constant 4 : i32
        %add3A_971 = arith.addi %mul3A_969, %add3A_970 : i32
        %swap3A_972 = arith.index_cast %add3A_971 : i32 to index
        %swap3A_973 = arith.constant 0 : index
        %swap3A_974 = tpu.vector_load %arg11[%swap3A_972, %swap3A_973] {strides = array<i32>} : memref<32x128xf32, #tpu.memory_space<vmem>>, vector<1x16xf32>,
        %swap3A_975 = vector.shape_cast %swap3A_974 : vector<1x16xf32> to vector<16xf32>
        %swap3A_976 = vector.shape_cast %get3A_967 : vector<16xf32> to vector<1x16xf32>
        tpu.vector_store %arg11[%swap3A_972, %swap3A_973], %swap3A_976 {strides = array<i32>} : memref<32x128xf32, #tpu.memory_space<vmem>>, vector<1x16xf32>,
        %mul3A_977 = arith.constant 8 : i32
        %mul3A_978 = arith.muli %scan3A_893, %mul3A_977 : i32
        %add3A_979 = arith.constant 5 : i32
        %add3A_980 = arith.addi %mul3A_978, %add3A_979 : i32
        %get3A_981 = arith.index_cast %add3A_980 : i32 to index
        %get3A_982 = arith.constant 0 : index
        %get3A_983 = tpu.vector_load %arg9[%get3A_981, %get3A_982] {strides = array<i32>} : memref<32x16xf32, #tpu.memory_space<vmem>>, vector<1x16xf32>,
        %get3A_984 = vector.shape_cast %get3A_983 : vector<1x16xf32> to vector<16xf32>
        %mul3A_985 = arith.constant 8 : i32
        %mul3A_986 = arith.muli %scan3A_893, %mul3A_985 : i32
        %add3A_987 = arith.constant 5 : i32
        %add3A_988 = arith.addi %mul3A_986, %add3A_987 : i32
        %swap3A_989 = arith.index_cast %add3A_988 : i32 to index
        %swap3A_990 = arith.constant 0 : index
        %swap3A_991 = tpu.vector_load %arg11[%swap3A_989, %swap3A_990] {strides = array<i32>} : memref<32x128xf32, #tpu.memory_space<vmem>>, vector<1x16xf32>,
        %swap3A_992 = vector.shape_cast %swap3A_991 : vector<1x16xf32> to vector<16xf32>
        %swap3A_993 = vector.shape_cast %get3A_984 : vector<16xf32> to vector<1x16xf32>
        tpu.vector_store %arg11[%swap3A_989, %swap3A_990], %swap3A_993 {strides = array<i32>} : memref<32x128xf32, #tpu.memory_space<vmem>>, vector<1x16xf32>,
        %mul3A_994 = arith.constant 8 : i32
        %mul3A_995 = arith.muli %scan3A_893, %mul3A_994 : i32
        %add3A_996 = arith.constant 6 : i32
        %add3A_997 = arith.addi %mul3A_995, %add3A_996 : i32
        %get3A_998 = arith.index_cast %add3A_997 : i32 to index
        %get3A_999 = arith.constant 0 : index
        %get3A_1000 = tpu.vector_load %arg9[%get3A_998, %get3A_999] {strides = array<i32>} : memref<32x16xf32, #tpu.memory_space<vmem>>, vector<1x16xf32>,
        %get3A_1001 = vector.shape_cast %get3A_1000 : vector<1x16xf32> to vector<16xf32>
        %mul3A_1002 = arith.constant 8 : i32
        %mul3A_1003 = arith.muli %scan3A_893, %mul3A_1002 : i32
        %add3A_1004 = arith.constant 6 : i32
        %add3A_1005 = arith.addi %mul3A_1003, %add3A_1004 : i32
        %swap3A_1006 = arith.index_cast %add3A_1005 : i32 to index
        %swap3A_1007 = arith.constant 0 : index
        %swap3A_1008 = tpu.vector_load %arg11[%swap3A_1006, %swap3A_1007] {strides = array<i32>} : memref<32x128xf32, #tpu.memory_space<vmem>>, vector<1x16xf32>,
        %swap3A_1009 = vector.shape_cast %swap3A_1008 : vector<1x16xf32> to vector<16xf32>
        %swap3A_1010 = vector.shape_cast %get3A_1001 : vector<16xf32> to vector<1x16xf32>
        tpu.vector_store %arg11[%swap3A_1006, %swap3A_1007], %swap3A_1010 {strides = array<i32>} : memref<32x128xf32, #tpu.memory_space<vmem>>, vector<1x16xf32>,
        %mul3A_1011 = arith.constant 8 : i32
        %mul3A_1012 = arith.muli %scan3A_893, %mul3A_1011 : i32
        %add3A_1013 = arith.constant 7 : i32
        %add3A_1014 = arith.addi %mul3A_1012, %add3A_1013 : i32
        %get3A_1015 = arith.index_cast %add3A_1014 : i32 to index
        %get3A_1016 = arith.constant 0 : index
        %get3A_1017 = tpu.vector_load %arg9[%get3A_1015, %get3A_1016] {strides = array<i32>} : memref<32x16xf32, #tpu.memory_space<vmem>>, vector<1x16xf32>,
        %get3A_1018 = vector.shape_cast %get3A_1017 : vector<1x16xf32> to vector<16xf32>
        %mul3A_1019 = arith.constant 8 : i32
        %mul3A_1020 = arith.muli %scan3A_893, %mul3A_1019 : i32
        %add3A_1021 = arith.constant 7 : i32
        %add3A_1022 = arith.addi %mul3A_1020, %add3A_1021 : i32
        %swap3A_1023 = arith.index_cast %add3A_1022 : i32 to index
        %swap3A_1024 = arith.constant 0 : index
        %swap3A_1025 = tpu.vector_load %arg11[%swap3A_1023, %swap3A_1024] {strides = array<i32>} : memref<32x128xf32, #tpu.memory_space<vmem>>, vector<1x16xf32>,
        %swap3A_1026 = vector.shape_cast %swap3A_1025 : vector<1x16xf32> to vector<16xf32>
        %swap3A_1027 = vector.shape_cast %get3A_1018 : vector<16xf32> to vector<1x16xf32>
        tpu.vector_store %arg11[%swap3A_1023, %swap3A_1024], %swap3A_1027 {strides = array<i32>} : memref<32x128xf32, #tpu.memory_space<vmem>>, vector<1x16xf32>,
      }
      %scan3A_808 = arith.constant 4 : i32
      %dma_start3A_809 = arith.constant 14 : i32
      %dma_start3A_810 = arith.constant 0 : i32
      %dma_start3A_811 = tpu.memref_slice %arg8[%dma_start3A_809, %dma_start3A_810] : memref<16x32xi32, #tpu.memory_space<vmem>> -> memref<1x32xi32, #tpu.memory_space<vmem>>
      %dma_start3A_812 = tpu.memref_squeeze %dma_start3A_811 : memref<1x32xi32, #tpu.memory_space<vmem>> -> memref<32xi32, #tpu.memory_space<vmem>>
      %dma_start3A_813 = arith.constant 0 : i32
      %dma_start3A_814 = arith.constant 0 : i32
      %dma_start3A_815 = tpu.memref_slice %arg14[%dma_start3A_813, %dma_start3A_814] : memref<10112x128xf32, #tpu.memory_space<vmem_shared>> -> memref<10112x128xf32, #tpu.memory_space<vmem_shared>>
      tpu.enqueue_indirect_dma source(%arg11 : memref<32x128xf32, #tpu.memory_space<vmem>>) target(%dma_start3A_815 : memref<10112x128xf32, #tpu.memory_space<vmem_shared>>) offsets(%dma_start3A_812 : memref<32xi32, #tpu.memory_space<vmem>>) semaphore(%arg17 : memref<!tpu.dma_semaphore, #tpu.memory_space<semaphore_mem>>) {add = true}
      %dma_start3A_816 = arith.constant 14 : i32
      %dma_start3A_817 = arith.constant 0 : i32
      %dma_start3A_818 = tpu.memref_slice %arg7[%dma_start3A_816, %dma_start3A_817] : memref<16x32xi32, #tpu.memory_space<vmem>> -> memref<1x32xi32, #tpu.memory_space<vmem>>
      %dma_start3A_819 = tpu.memref_squeeze %dma_start3A_818 : memref<1x32xi32, #tpu.memory_space<vmem>> -> memref<32xi32, #tpu.memory_space<vmem>>
      %dma_start3A_820 = arith.constant 0 : i32
      %dma_start3A_821 = arith.constant 0 : i32
      %dma_start3A_822 = tpu.memref_slice %arg14[%dma_start3A_820, %dma_start3A_821] : memref<10112x128xf32, #tpu.memory_space<vmem_shared>> -> memref<10112x128xf32, #tpu.memory_space<vmem_shared>>
      tpu.enqueue_indirect_dma source(%arg13 : memref<32x128xf32, #tpu.memory_space<vmem>>) target(%dma_start3A_822 : memref<10112x128xf32, #tpu.memory_space<vmem_shared>>) offsets(%dma_start3A_819 : memref<32xi32, #tpu.memory_space<vmem>>) semaphore(%arg19 : memref<!tpu.dma_semaphore, #tpu.memory_space<semaphore_mem>>) {add = true}
      %dma_wait3A_823 = arith.constant 13 : i32
      %dma_wait3A_824 = arith.constant 0 : i32
      %dma_wait3A_825 = tpu.memref_slice %arg7[%dma_wait3A_823, %dma_wait3A_824] : memref<16x32xi32, #tpu.memory_space<vmem>> -> memref<1x32xi32, #tpu.memory_space<vmem>>
      %dma_wait3A_826 = tpu.memref_squeeze %dma_wait3A_825 : memref<1x32xi32, #tpu.memory_space<vmem>> -> memref<32xi32, #tpu.memory_space<vmem>>
      %dma_wait3A_827 = arith.constant 0 : i32
      %dma_wait3A_828 = arith.constant 0 : i32
      %dma_wait3A_829 = tpu.memref_slice %arg14[%dma_wait3A_827, %dma_wait3A_828] : memref<10112x128xf32, #tpu.memory_space<vmem_shared>> -> memref<10112x128xf32, #tpu.memory_space<vmem_shared>>
      tpu.wait_indirect_dma semaphore(%arg19 : memref<!tpu.dma_semaphore, #tpu.memory_space<semaphore_mem>>) src(%arg13 : memref<32x128xf32, #tpu.memory_space<vmem>>) dst(%dma_wait3A_829 : memref<10112x128xf32, #tpu.memory_space<vmem_shared>>)
      %dma_wait3A_830 = arith.constant 13 : i32
      %dma_wait3A_831 = arith.constant 0 : i32
      %dma_wait3A_832 = tpu.memref_slice %arg8[%dma_wait3A_830, %dma_wait3A_831] : memref<16x32xi32, #tpu.memory_space<vmem>> -> memref<1x32xi32, #tpu.memory_space<vmem>>
      %dma_wait3A_833 = tpu.memref_squeeze %dma_wait3A_832 : memref<1x32xi32, #tpu.memory_space<vmem>> -> memref<32xi32, #tpu.memory_space<vmem>>
      %dma_wait3A_834 = arith.constant 0 : i32
      %dma_wait3A_835 = arith.constant 0 : i32
      %dma_wait3A_836 = tpu.memref_slice %arg14[%dma_wait3A_834, %dma_wait3A_835] : memref<10112x128xf32, #tpu.memory_space<vmem_shared>> -> memref<10112x128xf32, #tpu.memory_space<vmem_shared>>
      tpu.wait_indirect_dma semaphore(%arg18 : memref<!tpu.dma_semaphore, #tpu.memory_space<semaphore_mem>>) src(%arg12 : memref<32x128xf32, #tpu.memory_space<vmem>>) dst(%dma_wait3A_836 : memref<10112x128xf32, #tpu.memory_space<vmem_shared>>)
      %dma_wait3A_837 = arith.constant 0 : i32
      %dma_wait3A_838 = arith.constant 0 : i32
      %dma_wait3A_839 = tpu.memref_slice %arg4[%add3A_779, %dma_wait3A_837, %dma_wait3A_838] : memref<10240x32x16xf32, #tpu.memory_space<hbm>> -> memref<1x32x16xf32, #tpu.memory_space<hbm>>
      %dma_wait3A_840 = tpu.memref_squeeze %dma_wait3A_839 : memref<1x32x16xf32, #tpu.memory_space<hbm>> -> memref<32x16xf32, #tpu.memory_space<hbm>>
      %dma_wait3A_841 = arith.constant 0 : i32
      %dma_wait3A_842 = arith.constant 0 : i32
      %dma_wait3A_843 = tpu.memref_slice %arg4[%add3A_779, %dma_wait3A_841, %dma_wait3A_842] : memref<10240x32x16xf32, #tpu.memory_space<hbm>> -> memref<1x32x16xf32, #tpu.memory_space<hbm>>
      %dma_wait3A_844 = tpu.memref_squeeze %dma_wait3A_843 : memref<1x32x16xf32, #tpu.memory_space<hbm>> -> memref<32x16xf32, #tpu.memory_space<hbm>>
      tpu.wait_dma2 semaphore(%arg16 : memref<!tpu.dma_semaphore, #tpu.memory_space<semaphore_mem>>) src(%dma_wait3A_844 : memref<32x16xf32, #tpu.memory_space<hbm>>) dst(%arg10 : memref<32x16xf32, #tpu.memory_space<vmem>>)
      %scan3A_845 = arith.constant 0 : i32
      %scan3A_846 = arith.constant 0 : i32
      %scan3A_847 = arith.constant 4 : i32
      %scan3A_848 = arith.addi %scan3A_846, %scan3A_847 : i32
      %scan3A_849 = arith.constant 1 : i32
      scf.for %scan3A_893 = %scan3A_846 to %scan3A_848 step %scan3A_849  : i32 {
        %mul3A_894 = arith.constant 8 : i32
        %mul3A_895 = arith.muli %scan3A_893, %mul3A_894 : i32
        %add3A_896 = arith.constant 0 : i32
        %add3A_897 = arith.addi %mul3A_895, %add3A_896 : i32
        %get3A = arith.index_cast %add3A_897 : i32 to index
        %get3A_898 = arith.constant 0 : index
        %get3A_899 = tpu.vector_load %arg10[%get3A, %get3A_898] {strides = array<i32>} : memref<32x16xf32, #tpu.memory_space<vmem>>, vector<1x16xf32>,
        %get3A_900 = vector.shape_cast %get3A_899 : vector<1x16xf32> to vector<16xf32>
        %mul3A_901 = arith.constant 8 : i32
        %mul3A_902 = arith.muli %scan3A_893, %mul3A_901 : i32
        %add3A_903 = arith.constant 0 : i32
        %add3A_904 = arith.addi %mul3A_902, %add3A_903 : i32
        %swap3A = arith.index_cast %add3A_904 : i32 to index
        %swap3A_905 = arith.constant 0 : index
        %swap3A_906 = tpu.vector_load %arg12[%swap3A, %swap3A_905] {strides = array<i32>} : memref<32x128xf32, #tpu.memory_space<vmem>>, vector<1x16xf32>,
        %swap3A_907 = vector.shape_cast %swap3A_906 : vector<1x16xf32> to vector<16xf32>
        %swap3A_908 = vector.shape_cast %get3A_900 : vector<16xf32> to vector<1x16xf32>
        tpu.vector_store %arg12[%swap3A, %swap3A_905], %swap3A_908 {strides = array<i32>} : memref<32x128xf32, #tpu.memory_space<vmem>>, vector<1x16xf32>,
        %mul3A_909 = arith.constant 8 : i32
        %mul3A_910 = arith.muli %scan3A_893, %mul3A_909 : i32
        %add3A_911 = arith.constant 1 : i32
        %add3A_912 = arith.addi %mul3A_910, %add3A_911 : i32
        %get3A_913 = arith.index_cast %add3A_912 : i32 to index
        %get3A_914 = arith.constant 0 : index
        %get3A_915 = tpu.vector_load %arg10[%get3A_913, %get3A_914] {strides = array<i32>} : memref<32x16xf32, #tpu.memory_space<vmem>>, vector<1x16xf32>,
        %get3A_916 = vector.shape_cast %get3A_915 : vector<1x16xf32> to vector<16xf32>
        %mul3A_917 = arith.constant 8 : i32
        %mul3A_918 = arith.muli %scan3A_893, %mul3A_917 : i32
        %add3A_919 = arith.constant 1 : i32
        %add3A_920 = arith.addi %mul3A_918, %add3A_919 : i32
        %swap3A_921 = arith.index_cast %add3A_920 : i32 to index
        %swap3A_922 = arith.constant 0 : index
        %swap3A_923 = tpu.vector_load %arg12[%swap3A_921, %swap3A_922] {strides = array<i32>} : memref<32x128xf32, #tpu.memory_space<vmem>>, vector<1x16xf32>,
        %swap3A_924 = vector.shape_cast %swap3A_923 : vector<1x16xf32> to vector<16xf32>
        %swap3A_925 = vector.shape_cast %get3A_916 : vector<16xf32> to vector<1x16xf32>
        tpu.vector_store %arg12[%swap3A_921, %swap3A_922], %swap3A_925 {strides = array<i32>} : memref<32x128xf32, #tpu.memory_space<vmem>>, vector<1x16xf32>,
        %mul3A_926 = arith.constant 8 : i32
        %mul3A_927 = arith.muli %scan3A_893, %mul3A_926 : i32
        %add3A_928 = arith.constant 2 : i32
        %add3A_929 = arith.addi %mul3A_927, %add3A_928 : i32
        %get3A_930 = arith.index_cast %add3A_929 : i32 to index
        %get3A_931 = arith.constant 0 : index
        %get3A_932 = tpu.vector_load %arg10[%get3A_930, %get3A_931] {strides = array<i32>} : memref<32x16xf32, #tpu.memory_space<vmem>>, vector<1x16xf32>,
        %get3A_933 = vector.shape_cast %get3A_932 : vector<1x16xf32> to vector<16xf32>
        %mul3A_934 = arith.constant 8 : i32
        %mul3A_935 = arith.muli %scan3A_893, %mul3A_934 : i32
        %add3A_936 = arith.constant 2 : i32
        %add3A_937 = arith.addi %mul3A_935, %add3A_936 : i32
        %swap3A_938 = arith.index_cast %add3A_937 : i32 to index
        %swap3A_939 = arith.constant 0 : index
        %swap3A_940 = tpu.vector_load %arg12[%swap3A_938, %swap3A_939] {strides = array<i32>} : memref<32x128xf32, #tpu.memory_space<vmem>>, vector<1x16xf32>,
        %swap3A_941 = vector.shape_cast %swap3A_940 : vector<1x16xf32> to vector<16xf32>
        %swap3A_942 = vector.shape_cast %get3A_933 : vector<16xf32> to vector<1x16xf32>
        tpu.vector_store %arg12[%swap3A_938, %swap3A_939], %swap3A_942 {strides = array<i32>} : memref<32x128xf32, #tpu.memory_space<vmem>>, vector<1x16xf32>,
        %mul3A_943 = arith.constant 8 : i32
        %mul3A_944 = arith.muli %scan3A_893, %mul3A_943 : i32
        %add3A_945 = arith.constant 3 : i32
        %add3A_946 = arith.addi %mul3A_944, %add3A_945 : i32
        %get3A_947 = arith.index_cast %add3A_946 : i32 to index
        %get3A_948 = arith.constant 0 : index
        %get3A_949 = tpu.vector_load %arg10[%get3A_947, %get3A_948] {strides = array<i32>} : memref<32x16xf32, #tpu.memory_space<vmem>>, vector<1x16xf32>,
        %get3A_950 = vector.shape_cast %get3A_949 : vector<1x16xf32> to vector<16xf32>
        %mul3A_951 = arith.constant 8 : i32
        %mul3A_952 = arith.muli %scan3A_893, %mul3A_951 : i32
        %add3A_953 = arith.constant 3 : i32
        %add3A_954 = arith.addi %mul3A_952, %add3A_953 : i32
        %swap3A_955 = arith.index_cast %add3A_954 : i32 to index
        %swap3A_956 = arith.constant 0 : index
        %swap3A_957 = tpu.vector_load %arg12[%swap3A_955, %swap3A_956] {strides = array<i32>} : memref<32x128xf32, #tpu.memory_space<vmem>>, vector<1x16xf32>,
        %swap3A_958 = vector.shape_cast %swap3A_957 : vector<1x16xf32> to vector<16xf32>
        %swap3A_959 = vector.shape_cast %get3A_950 : vector<16xf32> to vector<1x16xf32>
        tpu.vector_store %arg12[%swap3A_955, %swap3A_956], %swap3A_959 {strides = array<i32>} : memref<32x128xf32, #tpu.memory_space<vmem>>, vector<1x16xf32>,
        %mul3A_960 = arith.constant 8 : i32
        %mul3A_961 = arith.muli %scan3A_893, %mul3A_960 : i32
        %add3A_962 = arith.constant 4 : i32
        %add3A_963 = arith.addi %mul3A_961, %add3A_962 : i32
        %get3A_964 = arith.index_cast %add3A_963 : i32 to index
        %get3A_965 = arith.constant 0 : index
        %get3A_966 = tpu.vector_load %arg10[%get3A_964, %get3A_965] {strides = array<i32>} : memref<32x16xf32, #tpu.memory_space<vmem>>, vector<1x16xf32>,
        %get3A_967 = vector.shape_cast %get3A_966 : vector<1x16xf32> to vector<16xf32>
        %mul3A_968 = arith.constant 8 : i32
        %mul3A_969 = arith.muli %scan3A_893, %mul3A_968 : i32
        %add3A_970 = arith.constant 4 : i32
        %add3A_971 = arith.addi %mul3A_969, %add3A_970 : i32
        %swap3A_972 = arith.index_cast %add3A_971 : i32 to index
        %swap3A_973 = arith.constant 0 : index
        %swap3A_974 = tpu.vector_load %arg12[%swap3A_972, %swap3A_973] {strides = array<i32>} : memref<32x128xf32, #tpu.memory_space<vmem>>, vector<1x16xf32>,
        %swap3A_975 = vector.shape_cast %swap3A_974 : vector<1x16xf32> to vector<16xf32>
        %swap3A_976 = vector.shape_cast %get3A_967 : vector<16xf32> to vector<1x16xf32>
        tpu.vector_store %arg12[%swap3A_972, %swap3A_973], %swap3A_976 {strides = array<i32>} : memref<32x128xf32, #tpu.memory_space<vmem>>, vector<1x16xf32>,
        %mul3A_977 = arith.constant 8 : i32
        %mul3A_978 = arith.muli %scan3A_893, %mul3A_977 : i32
        %add3A_979 = arith.constant 5 : i32
        %add3A_980 = arith.addi %mul3A_978, %add3A_979 : i32
        %get3A_981 = arith.index_cast %add3A_980 : i32 to index
        %get3A_982 = arith.constant 0 : index
        %get3A_983 = tpu.vector_load %arg10[%get3A_981, %get3A_982] {strides = array<i32>} : memref<32x16xf32, #tpu.memory_space<vmem>>, vector<1x16xf32>,
        %get3A_984 = vector.shape_cast %get3A_983 : vector<1x16xf32> to vector<16xf32>
        %mul3A_985 = arith.constant 8 : i32
        %mul3A_986 = arith.muli %scan3A_893, %mul3A_985 : i32
        %add3A_987 = arith.constant 5 : i32
        %add3A_988 = arith.addi %mul3A_986, %add3A_987 : i32
        %swap3A_989 = arith.index_cast %add3A_988 : i32 to index
        %swap3A_990 = arith.constant 0 : index
        %swap3A_991 = tpu.vector_load %arg12[%swap3A_989, %swap3A_990] {strides = array<i32>} : memref<32x128xf32, #tpu.memory_space<vmem>>, vector<1x16xf32>,
        %swap3A_992 = vector.shape_cast %swap3A_991 : vector<1x16xf32> to vector<16xf32>
        %swap3A_993 = vector.shape_cast %get3A_984 : vector<16xf32> to vector<1x16xf32>
        tpu.vector_store %arg12[%swap3A_989, %swap3A_990], %swap3A_993 {strides = array<i32>} : memref<32x128xf32, #tpu.memory_space<vmem>>, vector<1x16xf32>,
        %mul3A_994 = arith.constant 8 : i32
        %mul3A_995 = arith.muli %scan3A_893, %mul3A_994 : i32
        %add3A_996 = arith.constant 6 : i32
        %add3A_997 = arith.addi %mul3A_995, %add3A_996 : i32
        %get3A_998 = arith.index_cast %add3A_997 : i32 to index
        %get3A_999 = arith.constant 0 : index
        %get3A_1000 = tpu.vector_load %arg10[%get3A_998, %get3A_999] {strides = array<i32>} : memref<32x16xf32, #tpu.memory_space<vmem>>, vector<1x16xf32>,
        %get3A_1001 = vector.shape_cast %get3A_1000 : vector<1x16xf32> to vector<16xf32>
        %mul3A_1002 = arith.constant 8 : i32
        %mul3A_1003 = arith.muli %scan3A_893, %mul3A_1002 : i32
        %add3A_1004 = arith.constant 6 : i32
        %add3A_1005 = arith.addi %mul3A_1003, %add3A_1004 : i32
        %swap3A_1006 = arith.index_cast %add3A_1005 : i32 to index
        %swap3A_1007 = arith.constant 0 : index
        %swap3A_1008 = tpu.vector_load %arg12[%swap3A_1006, %swap3A_1007] {strides = array<i32>} : memref<32x128xf32, #tpu.memory_space<vmem>>, vector<1x16xf32>,
        %swap3A_1009 = vector.shape_cast %swap3A_1008 : vector<1x16xf32> to vector<16xf32>
        %swap3A_1010 = vector.shape_cast %get3A_1001 : vector<16xf32> to vector<1x16xf32>
        tpu.vector_store %arg12[%swap3A_1006, %swap3A_1007], %swap3A_1010 {strides = array<i32>} : memref<32x128xf32, #tpu.memory_space<vmem>>, vector<1x16xf32>,
        %mul3A_1011 = arith.constant 8 : i32
        %mul3A_1012 = arith.muli %scan3A_893, %mul3A_1011 : i32
        %add3A_1013 = arith.constant 7 : i32
        %add3A_1014 = arith.addi %mul3A_1012, %add3A_1013 : i32
        %get3A_1015 = arith.index_cast %add3A_1014 : i32 to index
        %get3A_1016 = arith.constant 0 : index
        %get3A_1017 = tpu.vector_load %arg10[%get3A_1015, %get3A_1016] {strides = array<i32>} : memref<32x16xf32, #tpu.memory_space<vmem>>, vector<1x16xf32>,
        %get3A_1018 = vector.shape_cast %get3A_1017 : vector<1x16xf32> to vector<16xf32>
        %mul3A_1019 = arith.constant 8 : i32
        %mul3A_1020 = arith.muli %scan3A_893, %mul3A_1019 : i32
        %add3A_1021 = arith.constant 7 : i32
        %add3A_1022 = arith.addi %mul3A_1020, %add3A_1021 : i32
        %swap3A_1023 = arith.index_cast %add3A_1022 : i32 to index
        %swap3A_1024 = arith.constant 0 : index
        %swap3A_1025 = tpu.vector_load %arg12[%swap3A_1023, %swap3A_1024] {strides = array<i32>} : memref<32x128xf32, #tpu.memory_space<vmem>>, vector<1x16xf32>,
        %swap3A_1026 = vector.shape_cast %swap3A_1025 : vector<1x16xf32> to vector<16xf32>
        %swap3A_1027 = vector.shape_cast %get3A_1018 : vector<16xf32> to vector<1x16xf32>
        tpu.vector_store %arg12[%swap3A_1023, %swap3A_1024], %swap3A_1027 {strides = array<i32>} : memref<32x128xf32, #tpu.memory_space<vmem>>, vector<1x16xf32>,
      }
      %scan3A_850 = arith.constant 4 : i32
      %dma_start3A_851 = arith.constant 15 : i32
      %dma_start3A_852 = arith.constant 0 : i32
      %dma_start3A_853 = tpu.memref_slice %arg8[%dma_start3A_851, %dma_start3A_852] : memref<16x32xi32, #tpu.memory_space<vmem>> -> memref<1x32xi32, #tpu.memory_space<vmem>>
      %dma_start3A_854 = tpu.memref_squeeze %dma_start3A_853 : memref<1x32xi32, #tpu.memory_space<vmem>> -> memref<32xi32, #tpu.memory_space<vmem>>
      %dma_start3A_855 = arith.constant 0 : i32
      %dma_start3A_856 = arith.constant 0 : i32
      %dma_start3A_857 = tpu.memref_slice %arg14[%dma_start3A_855, %dma_start3A_856] : memref<10112x128xf32, #tpu.memory_space<vmem_shared>> -> memref<10112x128xf32, #tpu.memory_space<vmem_shared>>
      tpu.enqueue_indirect_dma source(%arg12 : memref<32x128xf32, #tpu.memory_space<vmem>>) target(%dma_start3A_857 : memref<10112x128xf32, #tpu.memory_space<vmem_shared>>) offsets(%dma_start3A_854 : memref<32xi32, #tpu.memory_space<vmem>>) semaphore(%arg18 : memref<!tpu.dma_semaphore, #tpu.memory_space<semaphore_mem>>) {add = true}
      %dma_start3A_858 = arith.constant 15 : i32
      %dma_start3A_859 = arith.constant 0 : i32
      %dma_start3A_860 = tpu.memref_slice %arg7[%dma_start3A_858, %dma_start3A_859] : memref<16x32xi32, #tpu.memory_space<vmem>> -> memref<1x32xi32, #tpu.memory_space<vmem>>
      %dma_start3A_861 = tpu.memref_squeeze %dma_start3A_860 : memref<1x32xi32, #tpu.memory_space<vmem>> -> memref<32xi32, #tpu.memory_space<vmem>>
      %dma_start3A_862 = arith.constant 0 : i32
      %dma_start3A_863 = arith.constant 0 : i32
      %dma_start3A_864 = tpu.memref_slice %arg14[%dma_start3A_862, %dma_start3A_863] : memref<10112x128xf32, #tpu.memory_space<vmem_shared>> -> memref<10112x128xf32, #tpu.memory_space<vmem_shared>>
      tpu.enqueue_indirect_dma source(%arg13 : memref<32x128xf32, #tpu.memory_space<vmem>>) target(%dma_start3A_864 : memref<10112x128xf32, #tpu.memory_space<vmem_shared>>) offsets(%dma_start3A_861 : memref<32xi32, #tpu.memory_space<vmem>>) semaphore(%arg19 : memref<!tpu.dma_semaphore, #tpu.memory_space<semaphore_mem>>) {add = true}
      %dma_wait3A_865 = arith.constant 14 : i32
      %dma_wait3A_866 = arith.constant 0 : i32
      %dma_wait3A_867 = tpu.memref_slice %arg7[%dma_wait3A_865, %dma_wait3A_866] : memref<16x32xi32, #tpu.memory_space<vmem>> -> memref<1x32xi32, #tpu.memory_space<vmem>>
      %dma_wait3A_868 = tpu.memref_squeeze %dma_wait3A_867 : memref<1x32xi32, #tpu.memory_space<vmem>> -> memref<32xi32, #tpu.memory_space<vmem>>
      %dma_wait3A_869 = arith.constant 0 : i32
      %dma_wait3A_870 = arith.constant 0 : i32
      %dma_wait3A_871 = tpu.memref_slice %arg14[%dma_wait3A_869, %dma_wait3A_870] : memref<10112x128xf32, #tpu.memory_space<vmem_shared>> -> memref<10112x128xf32, #tpu.memory_space<vmem_shared>>
      tpu.wait_indirect_dma semaphore(%arg19 : memref<!tpu.dma_semaphore, #tpu.memory_space<semaphore_mem>>) src(%arg13 : memref<32x128xf32, #tpu.memory_space<vmem>>) dst(%dma_wait3A_871 : memref<10112x128xf32, #tpu.memory_space<vmem_shared>>)
      %dma_wait3A_872 = arith.constant 14 : i32
      %dma_wait3A_873 = arith.constant 0 : i32
      %dma_wait3A_874 = tpu.memref_slice %arg8[%dma_wait3A_872, %dma_wait3A_873] : memref<16x32xi32, #tpu.memory_space<vmem>> -> memref<1x32xi32, #tpu.memory_space<vmem>>
      %dma_wait3A_875 = tpu.memref_squeeze %dma_wait3A_874 : memref<1x32xi32, #tpu.memory_space<vmem>> -> memref<32xi32, #tpu.memory_space<vmem>>
      %dma_wait3A_876 = arith.constant 0 : i32
      %dma_wait3A_877 = arith.constant 0 : i32
      %dma_wait3A_878 = tpu.memref_slice %arg14[%dma_wait3A_876, %dma_wait3A_877] : memref<10112x128xf32, #tpu.memory_space<vmem_shared>> -> memref<10112x128xf32, #tpu.memory_space<vmem_shared>>
      tpu.wait_indirect_dma semaphore(%arg17 : memref<!tpu.dma_semaphore, #tpu.memory_space<semaphore_mem>>) src(%arg11 : memref<32x128xf32, #tpu.memory_space<vmem>>) dst(%dma_wait3A_878 : memref<10112x128xf32, #tpu.memory_space<vmem_shared>>)
      %dma_wait3A_879 = arith.constant 15 : i32
      %dma_wait3A_880 = arith.constant 0 : i32
      %dma_wait3A_881 = tpu.memref_slice %arg8[%dma_wait3A_879, %dma_wait3A_880] : memref<16x32xi32, #tpu.memory_space<vmem>> -> memref<1x32xi32, #tpu.memory_space<vmem>>
      %dma_wait3A_882 = tpu.memref_squeeze %dma_wait3A_881 : memref<1x32xi32, #tpu.memory_space<vmem>> -> memref<32xi32, #tpu.memory_space<vmem>>
      %dma_wait3A_883 = arith.constant 0 : i32
      %dma_wait3A_884 = arith.constant 0 : i32
      %dma_wait3A_885 = tpu.memref_slice %arg14[%dma_wait3A_883, %dma_wait3A_884] : memref<10112x128xf32, #tpu.memory_space<vmem_shared>> -> memref<10112x128xf32, #tpu.memory_space<vmem_shared>>
      tpu.wait_indirect_dma semaphore(%arg18 : memref<!tpu.dma_semaphore, #tpu.memory_space<semaphore_mem>>) src(%arg12 : memref<32x128xf32, #tpu.memory_space<vmem>>) dst(%dma_wait3A_885 : memref<10112x128xf32, #tpu.memory_space<vmem_shared>>)
      %dma_wait3A_886 = arith.constant 15 : i32
      %dma_wait3A_887 = arith.constant 0 : i32
      %dma_wait3A_888 = tpu.memref_slice %arg7[%dma_wait3A_886, %dma_wait3A_887] : memref<16x32xi32, #tpu.memory_space<vmem>> -> memref<1x32xi32, #tpu.memory_space<vmem>>
      %dma_wait3A_889 = tpu.memref_squeeze %dma_wait3A_888 : memref<1x32xi32, #tpu.memory_space<vmem>> -> memref<32xi32, #tpu.memory_space<vmem>>
      %dma_wait3A_890 = arith.constant 0 : i32
      %dma_wait3A_891 = arith.constant 0 : i32
      %dma_wait3A_892 = tpu.memref_slice %arg14[%dma_wait3A_890, %dma_wait3A_891] : memref<10112x128xf32, #tpu.memory_space<vmem_shared>> -> memref<10112x128xf32, #tpu.memory_space<vmem_shared>>
      tpu.wait_indirect_dma semaphore(%arg19 : memref<!tpu.dma_semaphore, #tpu.memory_space<semaphore_mem>>) src(%arg13 : memref<32x128xf32, #tpu.memory_space<vmem>>) dst(%dma_wait3A_892 : memref<10112x128xf32, #tpu.memory_space<vmem_shared>>)
    }
    %scan3A_29 = arith.constant 20 : i32
    %barrier3A_30 = arith.constant 0 : index
    tpu.barrier barrier_id(%barrier3A_30)
    "tpu.region"() ({
      %run_scoped3A = tpu.sem_alloc : memref<!tpu.dma_semaphore, #tpu.memory_space<semaphore_mem>>
      %dma_start3A = arith.constant 0 : i32
      %dma_start3A_31 = tpu.memref_slice %arg6[%arg0, %mul3A_2, %dma_start3A] : memref<2x10112x128xf32, #tpu.memory_space<hbm>> -> memref<1x632x128xf32, #tpu.memory_space<hbm>>
      %dma_start3A_32 = tpu.memref_squeeze %dma_start3A_31 : memref<1x632x128xf32, #tpu.memory_space<hbm>> -> memref<632x128xf32, #tpu.memory_space<hbm>>
      %dma_start3A_33 = arith.constant 0 : i32
      %dma_start3A_34 = tpu.memref_slice %arg14[%mul3A_2, %dma_start3A_33] : memref<10112x128xf32, #tpu.memory_space<vmem_shared>> -> memref<632x128xf32, #tpu.memory_space<vmem_shared>>
      tpu.enqueue_dma source(%dma_start3A_34 : memref<632x128xf32, #tpu.memory_space<vmem_shared>>) target(%dma_start3A_32 : memref<632x128xf32, #tpu.memory_space<hbm>>) target_semaphore(%run_scoped3A : memref<!tpu.dma_semaphore, #tpu.memory_space<semaphore_mem>>)
      %dma_wait3A = arith.constant 0 : i32
      %dma_wait3A_35 = tpu.memref_slice %arg6[%arg0, %mul3A_2, %dma_wait3A] : memref<2x10112x128xf32, #tpu.memory_space<hbm>> -> memref<1x632x128xf32, #tpu.memory_space<hbm>>
      %dma_wait3A_36 = tpu.memref_squeeze %dma_wait3A_35 : memref<1x632x128xf32, #tpu.memory_space<hbm>> -> memref<632x128xf32, #tpu.memory_space<hbm>>
      %dma_wait3A_37 = arith.constant 0 : i32
      %dma_wait3A_38 = tpu.memref_slice %arg14[%mul3A_2, %dma_wait3A_37] : memref<10112x128xf32, #tpu.memory_space<vmem_shared>> -> memref<632x128xf32, #tpu.memory_space<vmem_shared>>
      tpu.wait_dma2 semaphore(%run_scoped3A : memref<!tpu.dma_semaphore, #tpu.memory_space<semaphore_mem>>) src(%dma_wait3A_38 : memref<632x128xf32, #tpu.memory_space<vmem_shared>>) dst(%dma_wait3A_36 : memref<632x128xf32, #tpu.memory_space<hbm>>)
      tpu.yield
    }) : () -> ()
    return
  }
}

module attributes {stable_mosaic.version = 14 : i64} {
  func.func @_combine_body(%arg0: i32, %arg1: memref<2x2000x128xf32, #tpu.memory_space<vmem>>, %arg2: memref<2x2000x128xf32, #tpu.memory_space<vmem>>, %arg3: memref<128x128xf32, #tpu.memory_space<vmem>>, %arg4: memref<16x128xf32, #tpu.memory_space<vmem>>, %arg5: memref<1x128xf32, #tpu.memory_space<vmem>>, %arg6: memref<2000x128xf32, #tpu.memory_space<vmem>>) attributes {dimension_semantics = [#tpu.dimension_semantics<arbitrary>], iteration_bounds = array<i64: 5>, scalar_prefetch = 0 : i64, scratch_operands = 0 : i64, tpu.core_type = #tpu.core_type<tc>, window_params = [{transform_indices = @transform_0, window_bounds = array<i64: 2, 2000, 128>}, {transform_indices = @transform_1, window_bounds = array<i64: 2, 2000, 128>}, {pipeline_mode = #tpu.pipeline_mode<synchronous>, transform_indices = @transform_2, window_bounds = array<i64: 128, 128>}, {pipeline_mode = #tpu.pipeline_mode<synchronous>, transform_indices = @transform_3, window_bounds = array<i64: 16, 128>}, {pipeline_mode = #tpu.pipeline_mode<synchronous>, transform_indices = @transform_4, window_bounds = array<i64: 1, 128>}, {transform_indices = @transform_5, window_bounds = array<i64: 2000, 128>}]} {
    %get3A = arith.constant 0 : index
    %get3A_0 = arith.constant 0 : index
    %get3A_1 = arith.constant 0 : index
    %get3A_2 = vector.load %arg1[%get3A, %get3A_0, %get3A_1] : memref<2x2000x128xf32, #tpu.memory_space<vmem>>, vector<1x2000x128xf32>
    %get3A_3 = vector.shape_cast %get3A_2 : vector<1x2000x128xf32> to vector<2000x128xf32>
    %get3A_4 = arith.constant 1 : index
    %get3A_5 = arith.constant 0 : index
    %get3A_6 = arith.constant 0 : index
    %get3A_7 = vector.load %arg1[%get3A_4, %get3A_5, %get3A_6] : memref<2x2000x128xf32, #tpu.memory_space<vmem>>, vector<1x2000x128xf32>
    %get3A_8 = vector.shape_cast %get3A_7 : vector<1x2000x128xf32> to vector<2000x128xf32>
    %add3A = arith.addf %get3A_3, %get3A_8 : vector<2000x128xf32>
    %get3A_9 = arith.constant 0 : index
    %get3A_10 = arith.constant 0 : index
    %get3A_11 = arith.constant 0 : index
    %get3A_12 = vector.load %arg2[%get3A_9, %get3A_10, %get3A_11] : memref<2x2000x128xf32, #tpu.memory_space<vmem>>, vector<1x2000x128xf32>
    %get3A_13 = vector.shape_cast %get3A_12 : vector<1x2000x128xf32> to vector<2000x128xf32>
    %get3A_14 = arith.constant 1 : index
    %get3A_15 = arith.constant 0 : index
    %get3A_16 = arith.constant 0 : index
    %get3A_17 = vector.load %arg2[%get3A_14, %get3A_15, %get3A_16] : memref<2x2000x128xf32, #tpu.memory_space<vmem>>, vector<1x2000x128xf32>
    %get3A_18 = vector.shape_cast %get3A_17 : vector<1x2000x128xf32> to vector<2000x128xf32>
    %add3A_19 = arith.addf %get3A_13, %get3A_18 : vector<2000x128xf32>
    %slice3A = vector.extract_strided_slice %add3A_19 {offsets = [0, 0], sizes = [2000, 16], strides = [1, 1]} : vector<2000x128xf32> to vector<2000x16xf32>
    %slice3A_20 = vector.extract_strided_slice %add3A_19 {offsets = [0, 16], sizes = [2000, 1], strides = [1, 1]} : vector<2000x128xf32> to vector<2000x1xf32>
    %slice3A_21 = vector.extract_strided_slice %add3A_19 {offsets = [0, 17], sizes = [2000, 1], strides = [1, 1]} : vector<2000x128xf32> to vector<2000x1xf32>
    %get3A_22 = arith.constant 0 : index
    %get3A_23 = arith.constant 0 : index
    %get3A_24 = vector.load %arg3[%get3A_22, %get3A_23] : memref<128x128xf32, #tpu.memory_space<vmem>>, vector<128x128xf32>
    %dot_general3A = arith.constant dense<0.000000e+00> : vector<2000x128xf32>
    %dot_general3A_25 = tpu.matmul %add3A, %get3A_24, %dot_general3A {dimension_numbers = #tpu.dot_dimension_numbers<[1], [0], [0], [1], [0, 0, 1, 1], [], []>, transpose_lhs_hint = false} : vector<2000x128xf32>, vector<128x128xf32>, vector<2000x128xf32> -> vector<2000x128xf32>
    %get3A_26 = arith.constant 0 : index
    %get3A_27 = arith.constant 0 : index
    %get3A_28 = vector.load %arg4[%get3A_26, %get3A_27] : memref<16x128xf32, #tpu.memory_space<vmem>>, vector<16x128xf32>
    %dot_general3A_29 = arith.constant dense<0.000000e+00> : vector<2000x128xf32>
    %dot_general3A_30 = tpu.matmul %slice3A, %get3A_28, %dot_general3A_29 {dimension_numbers = #tpu.dot_dimension_numbers<[1], [0], [0], [1], [0, 0, 1, 1], [], []>, transpose_lhs_hint = false} : vector<2000x16xf32>, vector<16x128xf32>, vector<2000x128xf32> -> vector<2000x128xf32>
    %add3A_31 = arith.addf %dot_general3A_25, %dot_general3A_30 : vector<2000x128xf32>
    %get3A_32 = arith.constant 0 : index
    %get3A_33 = arith.constant 0 : index
    %get3A_34 = vector.load %arg5[%get3A_32, %get3A_33] : memref<1x128xf32, #tpu.memory_space<vmem>>, vector<1x128xf32>
    %mul3A = vector.broadcast %slice3A_20 : vector<2000x1xf32> to vector<2000x128xf32>
    %mul3A_35 = vector.broadcast %get3A_34 : vector<1x128xf32> to vector<2000x128xf32>
    %mul3A_36 = arith.mulf %mul3A, %mul3A_35 : vector<2000x128xf32>
    %add3A_37 = arith.addf %add3A_31, %mul3A_36 : vector<2000x128xf32>
    %max3A = arith.constant 1.000000e+00 : f32
    %max3A_38 = vector.broadcast %max3A : f32 to vector<2000x1xf32>
    %max3A_39 = arith.maximumf %slice3A_21, %max3A_38 : vector<2000x1xf32>
    %max3A_40 = arith.constant 1.000000e+00 : f32
    %max3A_41 = vector.broadcast %max3A_40 : f32 to vector<2000x1xf32>
    %max3A_42 = arith.maximumf %slice3A_20, %max3A_41 : vector<2000x1xf32>
    %mul3A_43 = arith.mulf %max3A_39, %max3A_42 : vector<2000x1xf32>
    %rsqrt3A = math.rsqrt %mul3A_43 : vector<2000x1xf32>
    %mul3A_44 = vector.broadcast %rsqrt3A : vector<2000x1xf32> to vector<2000x128xf32>
    %mul3A_45 = arith.mulf %add3A_37, %mul3A_44 : vector<2000x128xf32>
    %swap3A = arith.constant 0 : index
    %swap3A_46 = arith.constant 0 : index
    %swap3A_47 = vector.load %arg6[%swap3A, %swap3A_46] : memref<2000x128xf32, #tpu.memory_space<vmem>>, vector<2000x128xf32>
    tpu.vector_store %arg6[%swap3A, %swap3A_46], %mul3A_45 {strides = array<i32>} : memref<2000x128xf32, #tpu.memory_space<vmem>>, vector<2000x128xf32>,
    return
  }
  func.func @transform_0(%arg0: i32) -> (i32, i32, i32) {
    %c0_i32 = arith.constant 0 : i32
    %c0_i32_0 = arith.constant 0 : i32
    %c0_i32_1 = arith.constant 0 : i32
    return %c0_i32, %arg0, %c0_i32_0 : i32, i32, i32
  }
  func.func @transform_1(%arg0: i32) -> (i32, i32, i32) {
    %c0_i32 = arith.constant 0 : i32
    %c0_i32_0 = arith.constant 0 : i32
    %c0_i32_1 = arith.constant 0 : i32
    return %c0_i32, %arg0, %c0_i32_0 : i32, i32, i32
  }
  func.func @transform_2(%arg0: i32) -> (i32, i32) {
    %c0_i32 = arith.constant 0 : i32
    %c0_i32_0 = arith.constant 0 : i32
    %c0_i32_1 = arith.constant 0 : i32
    return %c0_i32, %c0_i32_0 : i32, i32
  }
  func.func @transform_3(%arg0: i32) -> (i32, i32) {
    %c0_i32 = arith.constant 0 : i32
    %c0_i32_0 = arith.constant 0 : i32
    %c0_i32_1 = arith.constant 0 : i32
    return %c0_i32, %c0_i32_0 : i32, i32
  }
  func.func @transform_4(%arg0: i32) -> (i32, i32) {
    %c0_i32 = arith.constant 0 : i32
    %c0_i32_0 = arith.constant 0 : i32
    %c0_i32_1 = arith.constant 0 : i32
    return %c0_i32, %c0_i32_0 : i32, i32
  }
  func.func @transform_5(%arg0: i32) -> (i32, i32) {
    %c0_i32 = arith.constant 0 : i32
    %c0_i32_0 = arith.constant 0 : i32
    return %arg0, %c0_i32 : i32, i32
  }
}

</mosaic_0001>

<sc_bundles>
// kernel: kernel.5.cloned.1.call-start
scs
__scs_entry_jumppad:
0x0: {  	(pc) =	sbr.rel $0x88, $3  }
0x1: {  	(tag) =	ssettag $0x0;
	lr =	simm.s32 $0x1  }
0x2: {  	[smem:$0x3F99] =	sst lr;
	_ =	strace $0xD0000000  }
0x3: {  	_ = 	snop  }
0x4: {  	_ = 	snop  }
0x5: {  	_ = 	snop  }
0x6: {  	_ = 	snop  }
0x7: {  	_ = 	snop  }
__scs_overlays_trampoline_lowered:
0x8: {  	[smem:$0x3FA8] =	sst s0  }
0x9: {  	[smem:$0x3FA9] =	sst s1  }
0xa: {  	[smem:$0x3FAA] =	sst s2  }
0xb: {  	[smem:$0x3FAB] =	sst s3  }
0xc: {  	[smem:$0x3FAC] =	sst s4  }
0xd: {  	[smem:$0x3FAD] =	sst s5  }
0xe: {  	[smem:$0x3FAE] =	sst s6  }
0xf: {  	[smem:$0x3FAF] =	sst s7  }
0x10: {  	[smem:$0x3FB0] =	sst s8  }
0x11: {  	[smem:$0x3FB1] =	sst s9;
	s0 =	simm.s32 @!p0 $0x0  }
0x12: {  	s1 =	sld [smem:$0x3F97];
	s0 =	simm.s32 @p0 $0x1  }
0x13: {  	[smem:$0x3FB2] =	sst s0;
	s0 =	simm.s32 @!p1 $0x0  }
0x14: {  	s2 =	sld [smem:$0x3F96];
	s0 =	simm.s32 @p1 $0x1  }
0x15: {  	[smem:$0x3FB3] =	sst s0;
	s0 =	simm.s32 @!p2 $0x0  }
0x16: {  	s3 =	sld [smem:$0x3FDB];
	s0 =	simm.s32 @p2 $0x1  }
0x17: {  	s4 =	simm.s32 $0x1BF5;
	[smem:$0x3FB5] =	sst s0  }
0x18: {  	s0 =	sld [smem:$0x3F98];
	_ =	swait.ge [sflag:s4], $0x0  }
0x19: {  	s7 =	sld [smem:$0x3F99]  }
0x1a: {  	s8 =	sadd.s32 $0xFFFFE003, lr  }
0x1b: {  	s9 =	sadd.s32 $0xFFFFFEF7, lr;
	s5 =	simm.s32 $0xFFFFFFFF;
	p2 =	slt.u32 s8, $0xFFFFF086  }
0x1c: {  	p1 =	slt.u32 s9, $0xF7A;
	s5 =	simm.s32 @!p2 $0x0  }
0x1d: {  	s5 =	simm.s32 @p1 $0x1;
	p0 =	seq.s32 s7, s2  }
0x1e: {  	s7 =	smul.u32 @!p0 $0xF7A, s2;
	p2 =	seq.s32 @!p0 s5, $0x0  }
0x1f: {  	s9 =	smul.u32 $0xF7A, s1;
	s8 =	simm.s32 @!p0 $0x1BF5;
	p2 =	por !p2, p0  }
0x20: {  	[sflag:s8] =	ssyncset.s32 @!p0 $0xFFFFF086;
	s6 =	sadd.s32 @!p0 s3, s7;
	s7 =	simm.s32 @!p0 $0x108  }
0x21: {  	s3 =	sadd.s32 s3, s9;
	s6 =	sadd.s32 @!p0 $0x88, s6;
	s7 =	simm.s32 @p2 $0x1082  }
0x22: {  	[simem:s7], [sflag:s8] =	dma.local @!p0 [hbm:s6], $0xF7A  }
0x23: {  	s9 =	sor.u32 $0xD0000000, s2;
	s6 =	simm.s32 $0x108;
	_ =	swait.ge @!p0 [sflag:s8], $0x0  }
0x24: {  	s3 =	sadd.s32 $0x88, s3;
	s6 =	simm.s32 @!p1 $0x1082;
	[sflag:s4] =	ssyncset.s32 $0xFFFFF086  }
0x25: {  	[simem:s6], [sflag:s4] =	dma.local [hbm:s3], $0xF7A  }
0x26: {  	[smem:$0x3F99] =	sst s1;
	(tag) =	ssettag s2;
	_ =	strace s9  }
0x27: {  	s1 =	sld [smem:$0x3FA9]  }
0x28: {  	s2 =	sld [smem:$0x3FAA]  }
0x29: {  	s4 =	sld [smem:$0x3FAC]  }
0x2a: {  	p0 =	seq.s32 s5, $0x0;
	s5 =	sld [smem:$0x3FAD]  }
0x2b: {  	s6 =	sld [smem:$0x3FAE]  }
0x2c: {  	s7 =	sld [smem:$0x3FAF]  }
0x2d: {  	s3 =	simm.s32 $0x108;
	s8 =	sld [smem:$0x3FB0]  }
0x2e: {  	s3 =	simm.s32 @!p0 $0x1082;
	s9 =	sld [smem:$0x3FB1]  }
0x2f: {  	lr =	sadd.s32 s0, s3;
	s0 =	sld [smem:$0x3FA8]  }
0x30: {  	s3 =	sld [smem:$0x3FAB]  }
0x31: {  	[smem:$0x3FB4] =	sst s10  }
0x32: {  	s10 =	sld [smem:$0x3FB2];
	_ =	sdelay $0x3  }
0x33: {  	p0 =	seq.s32 s10, $0x1;
	s10 =	sld [smem:$0x3FB4];
	_ =	sdelay $0x3  }
0x34: {  	[smem:$0x3FB4] =	sst s10  }
0x35: {  	s10 =	sld [smem:$0x3FB3];
	_ =	sdelay $0x3  }
0x36: {  	p1 =	seq.s32 s10, $0x1;
	s10 =	sld [smem:$0x3FB4];
	_ =	sdelay $0x3  }
0x37: {  	[smem:$0x3FB4] =	sst s10  }
0x38: {  	s10 =	sld [smem:$0x3FB5]  }
0x39: {  	_ = 	snop;
	(pc) =	sbr.ind lr, $3  }
0x3a: {  	_ = 	snop  }
0x3b: {  	_ = 	snop  }
0x3c: {  	p2 =	seq.s32 s10, $0x1;
	s10 =	sld [smem:$0x3FB4]  }
0x3d: {  	_ =	shalt  }
0x3e: {  	_ =	shalt  }
0x3f: {  	_ =	shalt  }
0x40: {  	_ =	shalt  }
0x41: {  	_ =	shalt  }
0x42: {  	_ =	shalt  }
0x43: {  	_ =	shalt  }
0x44: {  	_ =	shalt  }
0x45: {  	_ =	shalt  }
0x46: {  	_ =	shalt  }
0x47: {  	_ =	shalt  }
0x48: {  	_ =	shalt  }
0x49: {  	_ =	shalt  }
0x4a: {  	_ =	shalt  }
0x4b: {  	_ =	shalt  }
0x4c: {  	_ =	shalt  }
0x4d: {  	_ =	shalt  }
0x4e: {  	_ =	shalt  }
0x4f: {  	_ =	shalt  }
0x50: {  	_ =	shalt  }
0x51: {  	_ =	shalt  }
0x52: {  	_ =	shalt  }
0x53: {  	_ =	shalt  }
0x54: {  	_ =	shalt  }
0x55: {  	_ =	shalt  }
0x56: {  	_ =	shalt  }
0x57: {  	_ =	shalt  }
0x58: {  	_ =	shalt  }
0x59: {  	_ =	shalt  }
0x5a: {  	_ =	shalt  }
0x5b: {  	_ =	shalt  }
0x5c: {  	_ =	shalt  }
0x5d: {  	_ =	shalt  }
0x5e: {  	_ =	shalt  }
0x5f: {  	_ =	shalt  }
0x60: {  	_ =	shalt  }
0x61: {  	_ =	shalt  }
0x62: {  	_ =	shalt  }
0x63: {  	_ =	shalt  }
0x64: {  	_ =	shalt  }
0x65: {  	_ =	shalt  }
0x66: {  	_ =	shalt  }
0x67: {  	_ =	shalt  }
0x68: {  	_ =	shalt  }
0x69: {  	_ =	shalt  }
0x6a: {  	_ =	shalt  }
0x6b: {  	_ =	shalt  }
0x6c: {  	_ =	shalt  }
0x6d: {  	_ =	shalt  }
0x6e: {  	_ =	shalt  }
0x6f: {  	_ =	shalt  }
0x70: {  	_ =	shalt  }
0x71: {  	_ =	shalt  }
0x72: {  	_ =	shalt  }
0x73: {  	_ =	shalt  }
0x74: {  	_ =	shalt  }
0x75: {  	_ =	shalt  }
0x76: {  	_ =	shalt  }
0x77: {  	_ =	shalt  }
0x78: {  	_ =	shalt  }
0x79: {  	_ =	shalt  }
0x7a: {  	_ =	shalt  }
0x7b: {  	_ =	shalt  }
0x7c: {  	_ =	shalt  }
0x7d: {  	_ =	shalt  }
0x7e: {  	_ =	shalt  }
0x7f: {  	_ =	shalt  }
0x80: {  	_ =	shalt  }
0x81: {  	_ =	shalt  }
0x82: {  	_ =	shalt  }
0x83: {  	_ =	shalt  }
0x84: {  	_ =	shalt  }
0x85: {  	_ =	shalt  }
0x86: {  	_ =	shalt  }
0x87: {  	_ =	shalt  }
.Lfunc_end0:
.L_simem_size_0:
called_computation_lowered:
.L_overlay_start_0:
0x88: {  	s2 =	sld [smem:$0x3FD9]  }
0x89: {  	s3 =	sld [smem:$0x3FFE];
	_ =	sdelay $0x1  }
0x8a: {  	s1 =	srdreg.scid  }
0x8b: {  	s0 =	sand.u32 $0x1, s1  }
0x8c: {  	s17 =	sshll.u32 s0, $0xA;
	s2 =	sadd.s32 s3, s2  }
0x8d: {  	s2 =	sadd.s32 s2, s17  }
0x8e: {  	[smem:$0x3FC0] =	sst s2  }
0x8f: {  	_ = 	snop  }
0x90: {  	s18 =	sld [smem:$0x3FD0];
	(tm) =	ssettm $0x1  }
0x91: {  	s19 =	sld [smem:$0x3FFB];
	_ =	sdelay $0x3  }
0x92: {  	_ =	strace s19  }
0x93: {  	s2 =	sld [smem:$0x3FFC];
	_ =	sdelay $0x3  }
0x94: {  	_ =	strace s2  }
0x95: {  	s2 =	sld [smem:$0x3FFD];
	_ =	sdelay $0x3  }
0x96: {  	_ =	strace s2  }
0x97: {  	_ =	strace $0x8FFFFFFF  }
0x98: {  	s20 =	sld [smem:$0x3FDB];
	_ =	sdelay $0x1  }
0x99: {  	s4 =	simm.s32 $_scs_section_size  }
0x9a: {  	s5 =	simm.s32 $_size__tile_overlayer_lowered;
	s6 =	simm.s32 $_tile_overlayer_lowered  }
0x9b: {  	s7 =	simm.s32 $0x1BFF;
	s21 =	sshll.u32 s6, $0x1;
	s4 =	sadd.s32 s4, s20  }
0x9c: {  	s22 =	simm.s32 $0x0;
	s5 =	sshll.u32 s5, $0x1;
	s6 =	sadd.s32 s21, s4  }
0x9d: {  	[timem:s22], [sflag:s7] =	dma.local [hbm:s6], s5  }
0x9e: {  	_ =	swait.ge [sflag:s7], s5  }
0x9f: {  	s5 =	ssub.s32 $0x0, s5;
	[sflag:s7] =	ssyncset.done $0x0  }
0xa0: {  	[sflag:s7] =	ssyncadd.s32 s5;
	_ =	sdelay $0x1  }
0xa1: {  	s23 =	simm.s32 $0x1B8B  }
0xa2: {  	_ =	swait.ge [sflag:s23], $0x1  }
0xa3: {  	[sflag:s23] =	ssyncset.done $0x0  }
0xa4: {  	[sflag:s23] =	ssyncadd.s32 $0xFFFFFFFF  }
0xa5: {  	s5 =	sld [smem:$0x0]  }
0xa6: {  	s6 =	sand.u32 $0xFFFFFFFE, s1  }
0xa7: {  	p0 =	sne.s32 s1, s6  }
0xa8: {  	s6 =	sshll.u32 @p0 s6, $0xE  }
0xa9: {  	s6 =	sadd.s32 @p0 $0x11B8D, s6;
	s7 =	sshll.u32 @p0 s5, $0x11  }
0xaa: {  	s6 =	sor.u32 @p0 s7, s6  }
0xab: {  	[sflag:s6] =	ssyncadd.remote.s32 @p0 $0x1;
	_ =	sdelay $0x1  }
0xac: {  	s6 =	simm.s32 @p0 $0x1B8D  }
0xad: {  	_ =	swait.eq @p0 [sflag:s6], $0x1  }
0xae: {  	[sflag:s6] =	ssyncadd.s32 @p0 $0xFFFFFFFF  }
0xaf: {  	s7 =	sshll.u32 @!p0 s1, $0xE  }
0xb0: {  	s7 =	sor.u32 @!p0 $0x4000, s7;
	s6 =	simm.s32 @!p0 $0x1B8D  }
0xb1: {  	s5 =	sshll.u32 @!p0 s5, $0x11;
	s7 =	sadd.s32 @!p0 $0x11B8D, s7;
	_ =	swait.eq @!p0 [sflag:s6], $0x1  }
0xb2: {  	s5 =	sor.u32 @!p0 s5, s7;
	[sflag:s6] =	ssyncadd.s32 @!p0 $0xFFFFFFFF  }
0xb3: {  	s25 =	simm.s32 $0x1B8E;
	s24 =	sld [smem:$0x3FFE];
	[sflag:s5] =	ssyncadd.remote.s32 @!p0 $0x1  }
0xb4: {  	s26 =	simm.s32 $execute0_lowered;
	[smem:$0x3FD2] =	sst s25  }
0xb5: {  	s6 =	sshll.u32 s26, $0x1;
	_ =	strace $0x80000049;
	[dreg:$0x1] =	wrdreg $0xFFFFFFFF  }
0xb6: {  	s28 =	simm.s32 $_size_execute0_lowered;
	s4 =	sadd.s32 s4, s6;
	[dreg:$0x0] =	wrdreg $0x0  }
0xb7: {  	s6 =	sshll.u32 s28, $0x1;
	[dreg:$0x2] =	wrdreg s4  }
0xb8: {  	[dreg:$0x3] =	wrdreg s6  }
0xb9: {  	[dreg:$0x4] =	wrdreg $0xC0  }
0xba: {  	_ =	task [dreg:s22], $0x5FFFF  }
0xbb: {  	[dreg:$0x1] =	wrdreg $0xFFFFFFFF  }
0xbc: {  	[dreg:$0x0] =	wrdreg $0x60  }
0xbd: {  	[dreg:$0x2] =	wrdreg s24  }
0xbe: {  	[dreg:$0x3] =	wrdreg s18  }
0xbf: {  	[dreg:$0x4] =	wrdreg $0x48000  }
0xc0: {  	[dreg:$0x5] =	wrdreg $0x9  }
0xc1: {  	_ =	task.clear_ibuf [dreg:s22], $0x6FFFF;
	_ =	strace $0x90000049  }
0xc2: {  	s29 =	simm.s32 $0x9;
	_ =	strace $0x8000004B  }
0xc3: {  	_ =	swait.ge [sflag:s29], $0x1  }
0xc4: {  	[sflag:s29] =	ssyncadd.s32 $0xFFFFFFFF  }
0xc5: {  	_ =	strace $0x9000004B  }
0xc6: {  	_ =	sfence  }
0xc7: {  	s30 =	sld [smem:$0x0];
	_ =	sdelay $0x2  }
0xc8: {  	s31 =	sshll.u32 s1, $0xD;
	s1 =	sshrl.u32 s1, $0x2  }
0xc9: {  	s4 =	sand.u32 $0x4000, s31;
	s1 =	sadd.s32 s1, s30  }
0xca: {  	s0 =	sor.u32 s4, s0;
	s1 =	sshll.u32 s1, $0x11  }
0xcb: {  	s0 =	sor.u32 s1, s0  }
0xcc: {  	s0 =	sadd.s32 $0x8F2B, s0  }
0xcd: {  	[sflag:s0] =	ssyncadd.remote.s32 $0x1  }
0xce: {  	_ =	sfence.sel $0xFFFF  }
0xcf: {  	[dreg:$0x0] =	wrdreg $0xFFFFFFFF;
	(pc) =	sbr.abs _section_cstart, $3  }
0xd0: {  	[dreg:$0x1] =	wrdreg $0xFFFFFFFF  }
0xd1: {  	_ =	task.clear_ibuf [dreg:s22], $0x2FFFF;
	_ =	strace $0x9FFFFFFF  }
0xd2: {  	(tm) =	ssettm $0x7FFFFFFF  }
0xd3: {  	_ =	shalt  }
tec
execute0_lowered:
.L_overlay_start_1:
0x0: {  	(tag) =	ssettag $0x1  }
0x1: {  	s0 =	rddreg [dreg:$0x0]  }
0x2: {  	s2 =	rddreg [dreg:$0x1]  }
0x3: {  	s1 =	rddreg [dreg:$0x2];
	s3 =	simm.s32 $0x0  }
0x4: {  	s4 =	srdreg.scid;
	s11 =	stileid.u32;
	s13 =	simm.s32 $0x5  }
0x5: {  	s14 =	simm.s32 $0x400;
	s15 =	simm.s32 $0x40;
	s26 =	simm.s32 $0x80  }
0x6: {  	s16 =	simm.s32 $0x800;
	s17 =	simm.s32 $0x2800;
	s28 =	simm.s32 $0x580  }
0x7: {  	s29 =	simm.s32 $0x280;
	s5 =	sand.u32 $0x1, s4;
	s4 =	smul.u32 $0x120, s11  }
0x8: {  	s30 =	simm.s32 $0x600;
	s31 =	simm.s32 $0x300;
	s8 =	smul.u32 $0x13C00, s11  }
0x9: {  	[smem:$0x7FF] =	sst s3;
	s6 =	sshll.u32 s11, $0x5;
	s20 =	smul.u32 $0x4F000, s11  }
0xa: {  	s12 =	sadd.s32 $0x5C000, s0;
	s22 =	sshll.u32 s11, $0x6;
	p0 =	seq.s32 s5, $0x0  }
0xb: {  	s6 =	sor.u32 $0x1200, s6;
	s7 =	smul.u32 $0x13C000, s5;
	_ =	strace $0x8000004A  }
0xc: {  	s5 =	ssub.s32 $0x2, s5;
	[dreg:$0x5] =	wrdreg s12;
	s11 =	sor.u32 $0x1C05, s22  }
0xd: {  	[dreg:$0x4] =	wrdreg s26;
	s22 =	simm.s32 $0x180;
	s26 =	simm.s32 $0x4  }
0xe: {  	s6 =	smov.u32 @p0 s4;
	s4 =	sadd.s32 $0xC1800, s0;
	s19 =	sshrl.u32 s5, $0x1  }
0xf: {  	s21 =	sshrl.u32 s20, $0x2;
	s20 =	simm.s32 $0x2;
	s9 =	sshll.u32 s6, $0x4  }
0x10: {  	s18 =	sadd.s32 s8, s7;
	s5 =	ssub.s32 s5, s19;
	s7 =	sadd.s32 s21, s1  }
0x11: {  	s19 =	simm.s32 $0x100;
	s21 =	simm.s32 $0x480;
	s8 =	simm.s32 $0x780  }
0x12: {  	s10 =	sadd.s32 s9, s0;
	s6 =	sshrl.u32 s18, $0x3;
	s23 =	smax.u32 s5, $0x1  }
0x13: {  	s25 =	sadd.s32 s9, s2;
	s7 =	sshrl.u32 s7, $0x3;
	s18 =	simm.s32 $0x1  }
0x14: {  	s2 =	simm.s32 $0x380;
	s5 =	simm.s32 $0x700;
	[dreg:$0x8] =	wrdreg s23  }
0x15: {  	s9 =	simm.s32 $0x0;
	s0 =	sadd.s32 s6, s0;
	[dreg:$0xa] =	wrdreg s25  }
0x16: {  	s6 =	simm.s32 $0x24;
	s24 =	sadd.s32 $0xAD800, s10;
	[dreg:$0xb] =	wrdreg s7  }
0x17: {  	s23 =	simm.s32 $0x3;
	s6 =	simm.s32 @!p0 $0x4;
	[dreg:$0x9] =	wrdreg s24  }
0x18: {  	s25 =	simm.s32 $0x200;
	s0 =	sadd.s32 $0xE9000, s0;
	[dreg:$0x6] =	wrdreg s6  }
0x19: {  	s24 =	simm.s32 $0x500;
	[dreg:$0x7] =	wrdreg s0;
	s0 =	simm.s32 $0x680  }
.LBB2_1:
0x1a: {  	s6 =	rddreg [dreg:$0x5]  }
0x1b: {  	[spmem:s7], [sflag:s11] =	dma.local [hbm:s6], $0x2780  }
0x1c: {  	_ =	swait.ge [sflag:s13], $0x2780  }
0x1d: {  	[sflag:s13] =	ssyncset.done $0x0  }
0x1e: {  	[sflag:s13] =	ssyncadd.s32 $0xFFFFD880  }
0x1f: {  	[bflag:$0x0] =	sbarrier.arrive $0xFFFF  }
0x20: {  	s12 =	smov.u32 s11;
	s11 =	rddreg [dreg:$0xa]  }
0x21: {  	[tilespmem:s3], [sflag:$0x5] =	stream.linear.gather [hbm4b:s11+s3], $0x400, $0x38;
	[tilespmem:$0x18400] =	vst v63  }
0x22: {  	_ =	swait.ge [sflag:s13], $0x400  }
0x23: {  	[sflag:s13] =	ssyncset.done $0x0  }
0x24: {  	s10 =	rddreg [dreg:$0x9];
	[sflag:s13] =	ssyncadd.s32 $0xFFFFFC00  }
0x25: {  	[tilespmem:s14], [sflag:$0x5] =	stream.linear.gather [hbm4b:s10+s3], $0x400, $0x38;
	[tilespmem:$0x18400] =	vst v63  }
0x26: {  	_ =	swait.ge [sflag:s13], $0x400  }
0x27: {  	[sflag:s13] =	ssyncset.done $0x0  }
0x28: {  	[sflag:s13] =	ssyncadd.s32 $0xFFFFFC00  }
0x29: {  	[tilespmem:s16], [sflag:$0x1] =	stream.indirect.gather [hbm4b:s4+s15], $0x80, s3, s15, $0xb8;
	[tilespmem:$0x18400] =	vst v63  }
0x2a: {  	s6 =	rddreg [dreg:$0x4]  }
0x2b: {  	[tilespmem:s17], [sflag:$0x2] =	stream.indirect.gather [hbm4b:s4+s15], $0x80, s6, s15, $0xb8;
	[tilespmem:$0x18400] =	vst v63  }
0x2c: {  	_ =	swait.ge [sflag:s18], $0x2000  }
0x2d: {  	[sflag:s18] =	ssyncset.done $0x0  }
0x2e: {  	[sflag:s18] =	ssyncadd.s32 $0xFFFFE000  }
0x2f: {  	[spmem:s1] =	stream.indirect.scatter.add.f32 [tilespmem:s16], [sflag:$0x3], $0x80, s14, s15, $0xb8;
	[tilespmem:$0x18400] =	vst v63  }
0x30: {  	_ = 	snop  }
0x31: {  	[tilespmem:s16], [sflag:$0x1] =	stream.indirect.gather [hbm4b:s4+s15], $0x80, s19, s15, $0xb8;
	[tilespmem:$0x18400] =	vst v63  }
0x32: {  	_ =	swait.ge [sflag:s20], $0x2000  }
0x33: {  	[sflag:s20] =	ssyncset.done $0x0  }
0x34: {  	[sflag:s20] =	ssyncadd.s32 $0xFFFFE000  }
0x35: {  	[spmem:s1] =	stream.indirect.scatter.add.f32 [tilespmem:s17], [sflag:$0x4], $0x80, s21, s15, $0xb8;
	[tilespmem:$0x18400] =	vst v63  }
0x36: {  	_ = 	snop  }
0x37: {  	[tilespmem:s17], [sflag:$0x2] =	stream.indirect.gather [hbm4b:s4+s15], $0x80, s22, s15, $0xb8;
	[tilespmem:$0x18400] =	vst v63  }
0x38: {  	_ =	swait.ge [sflag:s23], $0x2000  }
0x39: {  	[sflag:s23] =	ssyncset.done $0x0  }
0x3a: {  	[sflag:s23] =	ssyncadd.s32 $0xFFFFE000  }
0x3b: {  	_ =	swait.ge [sflag:s18], $0x2000  }
0x3c: {  	[sflag:s18] =	ssyncset.done $0x0  }
0x3d: {  	[sflag:s18] =	ssyncadd.s32 $0xFFFFE000  }
0x3e: {  	[spmem:s1] =	stream.indirect.scatter.add.f32 [tilespmem:s16], [sflag:$0x3], $0x80, s24, s15, $0xb8;
	[tilespmem:$0x18400] =	vst v63  }
0x3f: {  	_ = 	snop  }
0x40: {  	[tilespmem:s16], [sflag:$0x1] =	stream.indirect.gather [hbm4b:s4+s15], $0x80, s25, s15, $0xb8;
	[tilespmem:$0x18400] =	vst v63  }
0x41: {  	_ =	swait.ge [sflag:s26], $0x2000  }
0x42: {  	[sflag:s26] =	ssyncset.done $0x0  }
0x43: {  	[sflag:s26] =	ssyncadd.s32 $0xFFFFE000  }
0x44: {  	_ =	swait.ge [sflag:s20], $0x2000  }
0x45: {  	[sflag:s20] =	ssyncset.done $0x0  }
0x46: {  	[sflag:s20] =	ssyncadd.s32 $0xFFFFE000  }
0x47: {  	[spmem:s1] =	stream.indirect.scatter.add.f32 [tilespmem:s17], [sflag:$0x4], $0x80, s28, s15, $0xb8;
	[tilespmem:$0x18400] =	vst v63  }
0x48: {  	_ = 	snop  }
0x49: {  	[tilespmem:s17], [sflag:$0x2] =	stream.indirect.gather [hbm4b:s4+s15], $0x80, s29, s15, $0xb8;
	[tilespmem:$0x18400] =	vst v63  }
0x4a: {  	_ =	swait.ge [sflag:s23], $0x2000  }
0x4b: {  	[sflag:s23] =	ssyncset.done $0x0  }
0x4c: {  	[sflag:s23] =	ssyncadd.s32 $0xFFFFE000  }
0x4d: {  	_ =	swait.ge [sflag:s18], $0x2000  }
0x4e: {  	[sflag:s18] =	ssyncset.done $0x0  }
0x4f: {  	[sflag:s18] =	ssyncadd.s32 $0xFFFFE000  }
0x50: {  	[spmem:s1] =	stream.indirect.scatter.add.f32 [tilespmem:s16], [sflag:$0x3], $0x80, s30, s15, $0xb8;
	[tilespmem:$0x18400] =	vst v63  }
0x51: {  	_ = 	snop  }
0x52: {  	[tilespmem:s16], [sflag:$0x1] =	stream.indirect.gather [hbm4b:s4+s15], $0x80, s31, s15, $0xb8;
	[tilespmem:$0x18400] =	vst v63  }
0x53: {  	_ =	swait.ge [sflag:s26], $0x2000  }
0x54: {  	[sflag:s26] =	ssyncset.done $0x0  }
0x55: {  	[sflag:s26] =	ssyncadd.s32 $0xFFFFE000  }
0x56: {  	_ =	swait.ge [sflag:s20], $0x2000  }
0x57: {  	[sflag:s20] =	ssyncset.done $0x0  }
0x58: {  	[sflag:s20] =	ssyncadd.s32 $0xFFFFE000  }
0x59: {  	[spmem:s1] =	stream.indirect.scatter.add.f32 [tilespmem:s17], [sflag:$0x4], $0x80, s0, s15, $0xb8;
	[tilespmem:$0x18400] =	vst v63  }
0x5a: {  	_ = 	snop  }
0x5b: {  	[tilespmem:s17], [sflag:$0x2] =	stream.indirect.gather [hbm4b:s4+s15], $0x80, s2, s15, $0xb8;
	[tilespmem:$0x18400] =	vst v63  }
0x5c: {  	_ =	swait.ge [sflag:s23], $0x2000  }
0x5d: {  	[sflag:s23] =	ssyncset.done $0x0  }
0x5e: {  	[sflag:s23] =	ssyncadd.s32 $0xFFFFE000  }
0x5f: {  	_ =	swait.ge [sflag:s18], $0x2000  }
0x60: {  	[sflag:s18] =	ssyncset.done $0x0  }
0x61: {  	[sflag:s18] =	ssyncadd.s32 $0xFFFFE000  }
0x62: {  	[spmem:s1] =	stream.indirect.scatter.add.f32 [tilespmem:s16], [sflag:$0x3], $0x80, s5, s15, $0xb8;
	[tilespmem:$0x18400] =	vst v63  }
0x63: {  	_ =	swait.ge [sflag:s26], $0x2000  }
0x64: {  	[sflag:s26] =	ssyncset.done $0x0  }
0x65: {  	[sflag:s26] =	ssyncadd.s32 $0xFFFFE000  }
0x66: {  	_ =	swait.ge [sflag:s20], $0x2000  }
0x67: {  	[sflag:s20] =	ssyncset.done $0x0  }
0x68: {  	[sflag:s20] =	ssyncadd.s32 $0xFFFFE000  }
0x69: {  	[spmem:s1] =	stream.indirect.scatter.add.f32 [tilespmem:s17], [sflag:$0x4], $0x80, s8, s15, $0xb8;
	[tilespmem:$0x18400] =	vst v63  }
0x6a: {  	_ =	swait.ge [sflag:s23], $0x2000  }
0x6b: {  	s7 =	rddreg [dreg:$0x6]  }
0x6c: {  	p0 =	sne.s32 s7, $0x1  }
.Ltmp0:
0x6d: {  	_ = 	snop;
	(pc) =	sbr.rel @!p0 .LBB2_3-.Ltmp0, $4  }
0x6e: {  	[sflag:s23] =	ssyncset.done $0x0  }
0x6f: {  	[sflag:s23] =	ssyncadd.s32 $0xFFFFE000  }
0x70: {  	_ =	swait.ge [sflag:s26], $0x2000  }
0x71: {  	s7 =	sadd.s32 $0xFFFFFFFF, s7;
	[sflag:s26] =	ssyncset.done $0x0  }
.LBB2_2:
0x72: {  	[sflag:s26] =	ssyncadd.s32 $0xFFFFE000;
	s11 =	sadd.s32 $0x80, s11  }
0x73: {  	[tilespmem:s3], [sflag:$0x5] =	stream.linear.gather [hbm4b:s11+s3], $0x400, $0x38;
	[tilespmem:$0x18400] =	vst v63  }
0x74: {  	_ =	swait.ge [sflag:s13], $0x400  }
0x75: {  	[sflag:s13] =	ssyncset.done $0x0  }
0x76: {  	s10 =	sadd.s32 $0x80, s10;
	[sflag:s13] =	ssyncadd.s32 $0xFFFFFC00  }
0x77: {  	[tilespmem:s14], [sflag:$0x5] =	stream.linear.gather [hbm4b:s10+s3], $0x400, $0x38;
	[tilespmem:$0x18400] =	vst v63  }
0x78: {  	_ =	swait.ge [sflag:s13], $0x400  }
0x79: {  	[sflag:s13] =	ssyncset.done $0x0  }
0x7a: {  	[sflag:s13] =	ssyncadd.s32 $0xFFFFFC00  }
0x7b: {  	[tilespmem:s16], [sflag:$0x1] =	stream.indirect.gather [hbm4b:s4+s15], $0x80, s3, s15, $0xb8;
	[tilespmem:$0x18400] =	vst v63  }
0x7c: {  	s6 =	rddreg [dreg:$0x4]  }
0x7d: {  	[tilespmem:s17], [sflag:$0x2] =	stream.indirect.gather [hbm4b:s4+s15], $0x80, s6, s15, $0xb8;
	[tilespmem:$0x18400] =	vst v63  }
0x7e: {  	_ =	swait.ge [sflag:s18], $0x2000  }
0x7f: {  	[sflag:s18] =	ssyncset.done $0x0  }
0x80: {  	[sflag:s18] =	ssyncadd.s32 $0xFFFFE000  }
0x81: {  	[spmem:s1] =	stream.indirect.scatter.add.f32 [tilespmem:s16], [sflag:$0x3], $0x80, s14, s15, $0xb8;
	[tilespmem:$0x18400] =	vst v63  }
0x82: {  	_ = 	snop  }
0x83: {  	[tilespmem:s16], [sflag:$0x1] =	stream.indirect.gather [hbm4b:s4+s15], $0x80, s19, s15, $0xb8;
	[tilespmem:$0x18400] =	vst v63  }
0x84: {  	_ =	swait.ge [sflag:s20], $0x2000  }
0x85: {  	[sflag:s20] =	ssyncset.done $0x0  }
0x86: {  	[sflag:s20] =	ssyncadd.s32 $0xFFFFE000  }
0x87: {  	[spmem:s1] =	stream.indirect.scatter.add.f32 [tilespmem:s17], [sflag:$0x4], $0x80, s21, s15, $0xb8;
	[tilespmem:$0x18400] =	vst v63  }
0x88: {  	_ = 	snop  }
0x89: {  	[tilespmem:s17], [sflag:$0x2] =	stream.indirect.gather [hbm4b:s4+s15], $0x80, s22, s15, $0xb8;
	[tilespmem:$0x18400] =	vst v63  }
0x8a: {  	_ =	swait.ge [sflag:s23], $0x2000  }
0x8b: {  	[sflag:s23] =	ssyncset.done $0x0  }
0x8c: {  	[sflag:s23] =	ssyncadd.s32 $0xFFFFE000  }
0x8d: {  	_ =	swait.ge [sflag:s18], $0x2000  }
0x8e: {  	[sflag:s18] =	ssyncset.done $0x0  }
0x8f: {  	[sflag:s18] =	ssyncadd.s32 $0xFFFFE000  }
0x90: {  	[spmem:s1] =	stream.indirect.scatter.add.f32 [tilespmem:s16], [sflag:$0x3], $0x80, s24, s15, $0xb8;
	[tilespmem:$0x18400] =	vst v63  }
0x91: {  	_ = 	snop  }
0x92: {  	[tilespmem:s16], [sflag:$0x1] =	stream.indirect.gather [hbm4b:s4+s15], $0x80, s25, s15, $0xb8;
	[tilespmem:$0x18400] =	vst v63  }
0x93: {  	_ =	swait.ge [sflag:s26], $0x2000  }
0x94: {  	[sflag:s26] =	ssyncset.done $0x0  }
0x95: {  	[sflag:s26] =	ssyncadd.s32 $0xFFFFE000  }
0x96: {  	_ =	swait.ge [sflag:s20], $0x2000  }
0x97: {  	[sflag:s20] =	ssyncset.done $0x0  }
0x98: {  	[sflag:s20] =	ssyncadd.s32 $0xFFFFE000  }
0x99: {  	[spmem:s1] =	stream.indirect.scatter.add.f32 [tilespmem:s17], [sflag:$0x4], $0x80, s28, s15, $0xb8;
	[tilespmem:$0x18400] =	vst v63  }
0x9a: {  	_ = 	snop  }
0x9b: {  	[tilespmem:s17], [sflag:$0x2] =	stream.indirect.gather [hbm4b:s4+s15], $0x80, s29, s15, $0xb8;
	[tilespmem:$0x18400] =	vst v63  }
0x9c: {  	_ =	swait.ge [sflag:s23], $0x2000  }
0x9d: {  	[sflag:s23] =	ssyncset.done $0x0  }
0x9e: {  	[sflag:s23] =	ssyncadd.s32 $0xFFFFE000  }
0x9f: {  	_ =	swait.ge [sflag:s18], $0x2000  }
0xa0: {  	[sflag:s18] =	ssyncset.done $0x0  }
0xa1: {  	[sflag:s18] =	ssyncadd.s32 $0xFFFFE000  }
0xa2: {  	[spmem:s1] =	stream.indirect.scatter.add.f32 [tilespmem:s16], [sflag:$0x3], $0x80, s30, s15, $0xb8;
	[tilespmem:$0x18400] =	vst v63  }
0xa3: {  	_ = 	snop  }
0xa4: {  	[tilespmem:s16], [sflag:$0x1] =	stream.indirect.gather [hbm4b:s4+s15], $0x80, s31, s15, $0xb8;
	[tilespmem:$0x18400] =	vst v63  }
0xa5: {  	_ =	swait.ge [sflag:s26], $0x2000  }
0xa6: {  	[sflag:s26] =	ssyncset.done $0x0  }
0xa7: {  	[sflag:s26] =	ssyncadd.s32 $0xFFFFE000  }
0xa8: {  	_ =	swait.ge [sflag:s20], $0x2000  }
0xa9: {  	[sflag:s20] =	ssyncset.done $0x0  }
0xaa: {  	[sflag:s20] =	ssyncadd.s32 $0xFFFFE000  }
0xab: {  	[spmem:s1] =	stream.indirect.scatter.add.f32 [tilespmem:s17], [sflag:$0x4], $0x80, s0, s15, $0xb8;
	[tilespmem:$0x18400] =	vst v63  }
0xac: {  	_ = 	snop  }
0xad: {  	[tilespmem:s17], [sflag:$0x2] =	stream.indirect.gather [hbm4b:s4+s15], $0x80, s2, s15, $0xb8;
	[tilespmem:$0x18400] =	vst v63  }
0xae: {  	_ =	swait.ge [sflag:s23], $0x2000  }
0xaf: {  	[sflag:s23] =	ssyncset.done $0x0  }
0xb0: {  	[sflag:s23] =	ssyncadd.s32 $0xFFFFE000  }
0xb1: {  	_ =	swait.ge [sflag:s18], $0x2000  }
0xb2: {  	[sflag:s18] =	ssyncset.done $0x0  }
0xb3: {  	[sflag:s18] =	ssyncadd.s32 $0xFFFFE000  }
0xb4: {  	[spmem:s1] =	stream.indirect.scatter.add.f32 [tilespmem:s16], [sflag:$0x3], $0x80, s5, s15, $0xb8;
	[tilespmem:$0x18400] =	vst v63  }
0xb5: {  	_ =	swait.ge [sflag:s26], $0x2000  }
0xb6: {  	[sflag:s26] =	ssyncset.done $0x0  }
0xb7: {  	[sflag:s26] =	ssyncadd.s32 $0xFFFFE000  }
0xb8: {  	_ =	swait.ge [sflag:s20], $0x2000  }
0xb9: {  	[sflag:s20] =	ssyncset.done $0x0  }
0xba: {  	p0 =	sne.s32 s7, $0x1;
	[sflag:s20] =	ssyncadd.s32 $0xFFFFE000  }
0xbb: {  	[spmem:s1] =	stream.indirect.scatter.add.f32 [tilespmem:s17], [sflag:$0x4], $0x80, s8, s15, $0xb8;
	[tilespmem:$0x18400] =	vst v63  }
.Ltmp1:
0xbc: {  	_ =	swait.ge [sflag:s23], $0x2000;
	(pc) =	sbr.rel @p0 .LBB2_2-.Ltmp1, $4  }
0xbd: {  	[sflag:s23] =	ssyncset.done $0x0  }
0xbe: {  	[sflag:s23] =	ssyncadd.s32 $0xFFFFE000  }
0xbf: {  	_ =	swait.ge [sflag:s26], $0x2000  }
0xc0: {  	s7 =	sadd.s32 $0xFFFFFFFF, s7;
	[sflag:s26] =	ssyncset.done $0x0  }
.LBB2_3:
0xc1: {  	[sflag:s26] =	ssyncadd.s32 $0xFFFFE000  }
0xc2: {  	[bflag:$0x0] =	sbarrier.arrive $0xFFFF  }
0xc3: {  	s6 =	rddreg [dreg:$0x7]  }
0xc4: {  	s7 =	rddreg [dreg:$0xb]  }
0xc5: {  	[hbm:s6], [sflag:s12] =	dma.local [spmem:s7], $0x2780  }
0xc6: {  	_ =	swait.ge [sflag:s13], $0x2780  }
0xc7: {  	s11 =	smov.u32 s12;
	s9 =	sadd.s32 $0x1, s9;
	s12 =	rddreg [dreg:$0x8]  }
0xc8: {  	p0 =	sne.s32 s9, s12  }
.Ltmp2:
0xc9: {  	_ = 	snop;
	(pc) =	sbr.rel @p0 .LBB2_1-.Ltmp2, $3  }
0xca: {  	_ =	sdelay $0x1  }
0xcb: {  	[sflag:s13] =	ssyncset.done $0x0  }
0xcc: {  	[sflag:s13] =	ssyncadd.s32 $0xFFFFD880  }
0xcd: {  	_ =	sfence.sel $0x180000  }
0xce: {  	[bflag:$0x0] =	sbarrier.arrive $0xFFFF  }
0xcf: {  	_ =	strace $0x9000004A  }
0xd0: {  	s0 =	stileid.u32;
	[bflag:$0x2] =	sbarrier.arrive $0xFFFF  }
0xd1: {  	p0 =	sne.s32 s0, $0x0;
	s0 =	rddreg [dreg:$0x3]  }
0xd2: {  	s0 =	sadd.s32 @!p0 $0x100000, s0  }
0xd3: {  	[sflag:s0] =	ssyncadd.tile.s32 @!p0 $0x1;
	_ =	shalt  }
.Lfunc_end2:
_tile_overlayer_lowered:
.L_overlay_start_2:
0xd4: {  	(tag) =	ssettag $0x2  }
0xd5: {  	s0 =	rddreg [dreg:$0x0];
	s2 =	stileid.u32  }
0xd6: {  	s1 =	rddreg [dreg:$0x1];
	p0 =	sne.s32 s2, $0x0  }
0xd7: {  	s3 =	rddreg [dreg:$0x2];
	[bflag:$0x3] =	sbarrier.arrive $0xFFFF;
	s2 =	simm.s32 @!p0 $0x1C05  }
0xd8: {  	[timem:s3], [sflag:s2] =	dma.local @!p0 [hbm:s0], s1  }
0xd9: {  	s0 =	simm.s32 @!p0 $0x5  }
0xda: {  	_ =	swait.ge @!p0 [sflag:s0], s1  }
0xdb: {  	s1 =	ssub.s32 @!p0 $0x0, s1;
	[sflag:s0] =	ssyncset.done @!p0 $0x0  }
0xdc: {  	[sflag:s0] =	ssyncadd.s32 @!p0 s1  }
0xdd: {  	[bflag:$0x3] =	sbarrier.arrive $0xFFFF  }
0xde: {  	_ =	shalt  }

// kernel: kernel.8.cloned.1.call-start
scs
__scs_entry_jumppad:
0x0: {  	(pc) =	sbr.rel $0x88, $3  }
0x1: {  	(tag) =	ssettag $0x0;
	lr =	simm.s32 $0x1  }
0x2: {  	[smem:$0x3F99] =	sst lr;
	_ =	strace $0xD0000000  }
0x3: {  	_ = 	snop  }
0x4: {  	_ = 	snop  }
0x5: {  	_ = 	snop  }
0x6: {  	_ = 	snop  }
0x7: {  	_ = 	snop  }
__scs_overlays_trampoline_lowered:
0x8: {  	[smem:$0x3FA8] =	sst s0  }
0x9: {  	[smem:$0x3FA9] =	sst s1  }
0xa: {  	[smem:$0x3FAA] =	sst s2  }
0xb: {  	[smem:$0x3FAB] =	sst s3  }
0xc: {  	[smem:$0x3FAC] =	sst s4  }
0xd: {  	[smem:$0x3FAD] =	sst s5  }
0xe: {  	[smem:$0x3FAE] =	sst s6  }
0xf: {  	[smem:$0x3FAF] =	sst s7  }
0x10: {  	[smem:$0x3FB0] =	sst s8  }
0x11: {  	[smem:$0x3FB1] =	sst s9;
	s0 =	simm.s32 @!p0 $0x0  }
0x12: {  	s1 =	sld [smem:$0x3F97];
	s0 =	simm.s32 @p0 $0x1  }
0x13: {  	[smem:$0x3FB2] =	sst s0;
	s0 =	simm.s32 @!p1 $0x0  }
0x14: {  	s2 =	sld [smem:$0x3F96];
	s0 =	simm.s32 @p1 $0x1  }
0x15: {  	[smem:$0x3FB3] =	sst s0;
	s0 =	simm.s32 @!p2 $0x0  }
0x16: {  	s3 =	sld [smem:$0x3FDB];
	s0 =	simm.s32 @p2 $0x1  }
0x17: {  	s4 =	simm.s32 $0x1BF5;
	[smem:$0x3FB5] =	sst s0  }
0x18: {  	s0 =	sld [smem:$0x3F98];
	_ =	swait.ge [sflag:s4], $0x0  }
0x19: {  	s7 =	sld [smem:$0x3F99]  }
0x1a: {  	s8 =	sadd.s32 $0xFFFFE003, lr  }
0x1b: {  	s9 =	sadd.s32 $0xFFFFFEF7, lr;
	s5 =	simm.s32 $0xFFFFFFFF;
	p2 =	slt.u32 s8, $0xFFFFF086  }
0x1c: {  	p1 =	slt.u32 s9, $0xF7A;
	s5 =	simm.s32 @!p2 $0x0  }
0x1d: {  	s5 =	simm.s32 @p1 $0x1;
	p0 =	seq.s32 s7, s2  }
0x1e: {  	s7 =	smul.u32 @!p0 $0xF7A, s2;
	p2 =	seq.s32 @!p0 s5, $0x0  }
0x1f: {  	s9 =	smul.u32 $0xF7A, s1;
	s8 =	simm.s32 @!p0 $0x1BF5;
	p2 =	por !p2, p0  }
0x20: {  	[sflag:s8] =	ssyncset.s32 @!p0 $0xFFFFF086;
	s6 =	sadd.s32 @!p0 s3, s7;
	s7 =	simm.s32 @!p0 $0x108  }
0x21: {  	s3 =	sadd.s32 s3, s9;
	s6 =	sadd.s32 @!p0 $0x88, s6;
	s7 =	simm.s32 @p2 $0x1082  }
0x22: {  	[simem:s7], [sflag:s8] =	dma.local @!p0 [hbm:s6], $0xF7A  }
0x23: {  	s9 =	sor.u32 $0xD0000000, s2;
	s6 =	simm.s32 $0x108;
	_ =	swait.ge @!p0 [sflag:s8], $0x0  }
0x24: {  	s3 =	sadd.s32 $0x88, s3;
	s6 =	simm.s32 @!p1 $0x1082;
	[sflag:s4] =	ssyncset.s32 $0xFFFFF086  }
0x25: {  	[simem:s6], [sflag:s4] =	dma.local [hbm:s3], $0xF7A  }
0x26: {  	[smem:$0x3F99] =	sst s1;
	(tag) =	ssettag s2;
	_ =	strace s9  }
0x27: {  	s1 =	sld [smem:$0x3FA9]  }
0x28: {  	s2 =	sld [smem:$0x3FAA]  }
0x29: {  	s4 =	sld [smem:$0x3FAC]  }
0x2a: {  	p0 =	seq.s32 s5, $0x0;
	s5 =	sld [smem:$0x3FAD]  }
0x2b: {  	s6 =	sld [smem:$0x3FAE]  }
0x2c: {  	s7 =	sld [smem:$0x3FAF]  }
0x2d: {  	s3 =	simm.s32 $0x108;
	s8 =	sld [smem:$0x3FB0]  }
0x2e: {  	s3 =	simm.s32 @!p0 $0x1082;
	s9 =	sld [smem:$0x3FB1]  }
0x2f: {  	lr =	sadd.s32 s0, s3;
	s0 =	sld [smem:$0x3FA8]  }
0x30: {  	s3 =	sld [smem:$0x3FAB]  }
0x31: {  	[smem:$0x3FB4] =	sst s10  }
0x32: {  	s10 =	sld [smem:$0x3FB2];
	_ =	sdelay $0x3  }
0x33: {  	p0 =	seq.s32 s10, $0x1;
	s10 =	sld [smem:$0x3FB4];
	_ =	sdelay $0x3  }
0x34: {  	[smem:$0x3FB4] =	sst s10  }
0x35: {  	s10 =	sld [smem:$0x3FB3];
	_ =	sdelay $0x3  }
0x36: {  	p1 =	seq.s32 s10, $0x1;
	s10 =	sld [smem:$0x3FB4];
	_ =	sdelay $0x3  }
0x37: {  	[smem:$0x3FB4] =	sst s10  }
0x38: {  	s10 =	sld [smem:$0x3FB5]  }
0x39: {  	_ = 	snop;
	(pc) =	sbr.ind lr, $3  }
0x3a: {  	_ = 	snop  }
0x3b: {  	_ = 	snop  }
0x3c: {  	p2 =	seq.s32 s10, $0x1;
	s10 =	sld [smem:$0x3FB4]  }
0x3d: {  	_ =	shalt  }
0x3e: {  	_ =	shalt  }
0x3f: {  	_ =	shalt  }
0x40: {  	_ =	shalt  }
0x41: {  	_ =	shalt  }
0x42: {  	_ =	shalt  }
0x43: {  	_ =	shalt  }
0x44: {  	_ =	shalt  }
0x45: {  	_ =	shalt  }
0x46: {  	_ =	shalt  }
0x47: {  	_ =	shalt  }
0x48: {  	_ =	shalt  }
0x49: {  	_ =	shalt  }
0x4a: {  	_ =	shalt  }
0x4b: {  	_ =	shalt  }
0x4c: {  	_ =	shalt  }
0x4d: {  	_ =	shalt  }
0x4e: {  	_ =	shalt  }
0x4f: {  	_ =	shalt  }
0x50: {  	_ =	shalt  }
0x51: {  	_ =	shalt  }
0x52: {  	_ =	shalt  }
0x53: {  	_ =	shalt  }
0x54: {  	_ =	shalt  }
0x55: {  	_ =	shalt  }
0x56: {  	_ =	shalt  }
0x57: {  	_ =	shalt  }
0x58: {  	_ =	shalt  }
0x59: {  	_ =	shalt  }
0x5a: {  	_ =	shalt  }
0x5b: {  	_ =	shalt  }
0x5c: {  	_ =	shalt  }
0x5d: {  	_ =	shalt  }
0x5e: {  	_ =	shalt  }
0x5f: {  	_ =	shalt  }
0x60: {  	_ =	shalt  }
0x61: {  	_ =	shalt  }
0x62: {  	_ =	shalt  }
0x63: {  	_ =	shalt  }
0x64: {  	_ =	shalt  }
0x65: {  	_ =	shalt  }
0x66: {  	_ =	shalt  }
0x67: {  	_ =	shalt  }
0x68: {  	_ =	shalt  }
0x69: {  	_ =	shalt  }
0x6a: {  	_ =	shalt  }
0x6b: {  	_ =	shalt  }
0x6c: {  	_ =	shalt  }
0x6d: {  	_ =	shalt  }
0x6e: {  	_ =	shalt  }
0x6f: {  	_ =	shalt  }
0x70: {  	_ =	shalt  }
0x71: {  	_ =	shalt  }
0x72: {  	_ =	shalt  }
0x73: {  	_ =	shalt  }
0x74: {  	_ =	shalt  }
0x75: {  	_ =	shalt  }
0x76: {  	_ =	shalt  }
0x77: {  	_ =	shalt  }
0x78: {  	_ =	shalt  }
0x79: {  	_ =	shalt  }
0x7a: {  	_ =	shalt  }
0x7b: {  	_ =	shalt  }
0x7c: {  	_ =	shalt  }
0x7d: {  	_ =	shalt  }
0x7e: {  	_ =	shalt  }
0x7f: {  	_ =	shalt  }
0x80: {  	_ =	shalt  }
0x81: {  	_ =	shalt  }
0x82: {  	_ =	shalt  }
0x83: {  	_ =	shalt  }
0x84: {  	_ =	shalt  }
0x85: {  	_ =	shalt  }
0x86: {  	_ =	shalt  }
0x87: {  	_ =	shalt  }
.Lfunc_end0:
.L_simem_size_0:
called_computation.1_lowered:
.L_overlay_start_0:
0x88: {  	s2 =	sld [smem:$0x3FD9]  }
0x89: {  	s3 =	sld [smem:$0x3FFE];
	_ =	sdelay $0x1  }
0x8a: {  	s1 =	srdreg.scid  }
0x8b: {  	s0 =	sand.u32 $0x1, s1  }
0x8c: {  	s16 =	sshll.u32 s0, $0xA;
	s2 =	sadd.s32 s3, s2  }
0x8d: {  	s2 =	sadd.s32 s2, s16  }
0x8e: {  	[smem:$0x3FC0] =	sst s2  }
0x8f: {  	_ = 	snop  }
0x90: {  	(tm) =	ssettm $0x1  }
0x91: {  	s17 =	sld [smem:$0x3FFB];
	_ =	sdelay $0x3  }
0x92: {  	_ =	strace s17  }
0x93: {  	s2 =	sld [smem:$0x3FFC];
	_ =	sdelay $0x3  }
0x94: {  	_ =	strace s2  }
0x95: {  	s2 =	sld [smem:$0x3FFD];
	_ =	sdelay $0x3  }
0x96: {  	_ =	strace s2  }
0x97: {  	_ =	strace $0x8FFFFFFF  }
0x98: {  	s18 =	sld [smem:$0x3FDB];
	_ =	sdelay $0x1  }
0x99: {  	s19 =	simm.s32 $_scs_section_size  }
0x9a: {  	s4 =	simm.s32 $_size__tile_overlayer_lowered;
	s5 =	simm.s32 $_tile_overlayer_lowered  }
0x9b: {  	s22 =	simm.s32 $0x1BFF;
	s21 =	sshll.u32 s5, $0x1;
	s2 =	sadd.s32 s19, s18  }
0x9c: {  	s6 =	simm.s32 $0x0;
	s20 =	sshll.u32 s4, $0x1;
	s4 =	sadd.s32 s21, s2  }
0x9d: {  	[timem:s6], [sflag:s22] =	dma.local [hbm:s4], s20  }
0x9e: {  	_ =	swait.ge [sflag:s22], s20  }
0x9f: {  	s3 =	ssub.s32 $0x0, s20;
	[sflag:s22] =	ssyncset.done $0x0  }
0xa0: {  	[sflag:s22] =	ssyncadd.s32 s3;
	_ =	sdelay $0x1  }
0xa1: {  	s23 =	simm.s32 $0x1B8B  }
0xa2: {  	_ =	swait.ge [sflag:s23], $0x1  }
0xa3: {  	[sflag:s23] =	ssyncset.done $0x0  }
0xa4: {  	s25 =	simm.s32 $0x1B8E;
	s24 =	sld [smem:$0x3FFE];
	[sflag:s23] =	ssyncadd.s32 $0xFFFFFFFF  }
0xa5: {  	s26 =	simm.s32 $execute0_lowered;
	[smem:$0x3FD2] =	sst s25  }
0xa6: {  	s4 =	sshll.u32 s26, $0x1;
	_ =	strace $0x80000046;
	[dreg:$0x1] =	wrdreg $0xFFFFFFFF  }
0xa7: {  	s28 =	simm.s32 $_size_execute0_lowered;
	s2 =	sadd.s32 s2, s4;
	[dreg:$0x0] =	wrdreg $0x0  }
0xa8: {  	s4 =	sshll.u32 s28, $0x1;
	[dreg:$0x2] =	wrdreg s2  }
0xa9: {  	[dreg:$0x3] =	wrdreg s4  }
0xaa: {  	[dreg:$0x4] =	wrdreg $0xC0  }
0xab: {  	_ =	task [dreg:s6], $0x5FFFF  }
0xac: {  	[dreg:$0x1] =	wrdreg $0xFFFFFFFF  }
0xad: {  	[dreg:$0x0] =	wrdreg $0x60  }
0xae: {  	[dreg:$0x2] =	wrdreg s24  }
0xaf: {  	[dreg:$0x3] =	wrdreg $0x60000  }
0xb0: {  	[dreg:$0x4] =	wrdreg $0xA  }
0xb1: {  	_ =	task.clear_ibuf [dreg:s6], $0x5FFFF;
	_ =	strace $0x90000046  }
0xb2: {  	s29 =	simm.s32 $0xA;
	_ =	strace $0x80000048  }
0xb3: {  	_ =	swait.ge [sflag:s29], $0x1  }
0xb4: {  	[sflag:s29] =	ssyncadd.s32 $0xFFFFFFFF  }
0xb5: {  	_ =	strace $0x90000048  }
0xb6: {  	_ =	sfence  }
0xb7: {  	s30 =	sld [smem:$0x0];
	_ =	sdelay $0x2  }
0xb8: {  	s31 =	sshll.u32 s1, $0xD;
	s1 =	sshrl.u32 s1, $0x2  }
0xb9: {  	s3 =	sand.u32 $0x4000, s31;
	s1 =	sadd.s32 s1, s30  }
0xba: {  	s0 =	sor.u32 s3, s0;
	s1 =	sshll.u32 s1, $0x11  }
0xbb: {  	s0 =	sor.u32 s1, s0  }
0xbc: {  	s0 =	sadd.s32 $0x8F2B, s0  }
0xbd: {  	[sflag:s0] =	ssyncadd.remote.s32 $0x1  }
0xbe: {  	_ =	sfence.sel $0xFFFF  }
0xbf: {  	[dreg:$0x0] =	wrdreg $0xFFFFFFFF;
	(pc) =	sbr.abs _section_cstart, $3  }
0xc0: {  	[dreg:$0x1] =	wrdreg $0xFFFFFFFF  }
0xc1: {  	_ =	task.clear_ibuf [dreg:s6], $0x2FFFF;
	_ =	strace $0x9FFFFFFF  }
0xc2: {  	(tm) =	ssettm $0x7FFFFFFF  }
0xc3: {  	_ =	shalt  }
tec
execute0_lowered:
.L_overlay_start_1:
0x0: {  	(tag) =	ssettag $0x1  }
0x1: {  	s5 =	rddreg [dreg:$0x0]  }
0x2: {  	s1 =	srdreg.scid;
	s2 =	rddreg [dreg:$0x1]  }
0x3: {  	s3 =	simm.s32 $0x0;
	s7 =	sand.u32 $0x1, s1;
	s1 =	rddreg [dreg:$0x2]  }
0x4: {  	s30 =	simm.s32 $0x880;
	[smem:$0x7FF] =	sst s3  }
0x5: {  	s31 =	simm.s32 $0x80;
	_ =	strace $0x80000047;
	[dreg:$0x4] =	wrdreg s30  }
0x6: {  	s12 =	simm.s32 $0x100;
	[dreg:$0x5] =	wrdreg s31  }
0x7: {  	s0 =	stileid.u32;
	s14 =	simm.s32 $0x980;
	[dreg:$0x7] =	wrdreg s12  }
0x8: {  	s15 =	simm.s32 $0x180;
	s16 =	simm.s32 $0xA00;
	[dreg:$0x8] =	wrdreg s14  }
0x9: {  	s18 =	simm.s32 $0x200;
	s19 =	simm.s32 $0xA80;
	[dreg:$0x9] =	wrdreg s15  }
0xa: {  	s21 =	simm.s32 $0xB00;
	s4 =	smul.u32 $0x2800, s0;
	[dreg:$0xa] =	wrdreg s16  }
0xb: {  	s22 =	simm.s32 $0x300;
	s6 =	smul.u32 $0x50000, s0;
	[dreg:$0xb] =	wrdreg s18  }
0xc: {  	s24 =	simm.s32 $0xB80;
	s10 =	smul.u32 $0x13C00, s0;
	[dreg:$0xc] =	wrdreg s19  }
0xd: {  	s25 =	simm.s32 $0x380;
	s11 =	smul.u32 $0x4F000, s0;
	[dreg:$0xe] =	wrdreg s21  }
0xe: {  	s28 =	simm.s32 $0xC00;
	s8 =	smul.u32 $0x28000, s7;
	[dreg:$0xf] =	wrdreg s22  }
0xf: {  	s20 =	sshll.u32 s0, $0x6;
	s9 =	smul.u32 $0x13C000, s7;
	[dreg:$0x10] =	wrdreg s24  }
0x10: {  	s12 =	simm.s32 $0x280;
	s23 =	smul.u32 $0x1400, s7;
	[dreg:$0x11] =	wrdreg s25  }
0x11: {  	[dreg:$0x12] =	wrdreg s28;
	s30 =	simm.s32 $0xC80;
	s31 =	simm.s32 $0x480  }
0x12: {  	s14 =	simm.s32 $0x500;
	s15 =	simm.s32 $0xD80;
	[dreg:$0xd] =	wrdreg s12  }
0x13: {  	s16 =	simm.s32 $0x580;
	s18 =	simm.s32 $0x600;
	[dreg:$0x14] =	wrdreg s30  }
0x14: {  	s19 =	simm.s32 $0xE80;
	s21 =	simm.s32 $0xF00;
	[dreg:$0x15] =	wrdreg s31  }
0x15: {  	s22 =	simm.s32 $0x700;
	s24 =	simm.s32 $0x780;
	[dreg:$0x17] =	wrdreg s14  }
0x16: {  	s6 =	sadd.s32 s6, s5;
	s29 =	sadd.s32 s4, s5;
	[dreg:$0x18] =	wrdreg s15  }
0x17: {  	s4 =	sadd.s32 $0x5C000, s5;
	s17 =	sshrl.u32 s11, $0x2;
	[dreg:$0x19] =	wrdreg s16  }
0x18: {  	s12 =	simm.s32 $0x800;
	s14 =	simm.s32 $0x2000;
	[dreg:$0x1b] =	wrdreg s18  }
0x19: {  	s15 =	simm.s32 $0x1;
	s16 =	simm.s32 $0x20;
	[dreg:$0x1c] =	wrdreg s19  }
0x1a: {  	s18 =	simm.s32 $0x5000;
	s19 =	simm.s32 $0x2;
	[dreg:$0x1e] =	wrdreg s21  }
0x1b: {  	s21 =	simm.s32 $0x5;
	[dreg:$0x1f] =	wrdreg s22;
	s22 =	simm.s32 $0x3  }
0x1c: {  	[smem:$0x7FD] =	sst s24;
	s24 =	simm.s32 $0x0;
	s6 =	sadd.s32 s8, s6  }
0x1d: {  	s9 =	sadd.s32 s10, s9;
	s10 =	ssub.s32 $0x2, s7;
	s11 =	sadd.s32 s17, s2  }
0x1e: {  	s26 =	sadd.s32 s23, s29;
	s29 =	simm.s32 $0x400;
	s17 =	simm.s32 $0xE00  }
0x1f: {  	s23 =	simm.s32 $0xF80;
	s6 =	sadd.s32 $0x53E000, s6;
	[dreg:$0x13] =	wrdreg s29  }
0x20: {  	s9 =	sshrl.u32 s9, $0x3;
	s13 =	sshrl.u32 s10, $0x1;
	[dreg:$0x1a] =	wrdreg s17  }
0x21: {  	s8 =	sadd.s32 $0x2000, s26;
	s17 =	simm.s32 $0x3000;
	[smem:$0x7FC] =	sst s23  }
0x22: {  	s23 =	simm.s32 $0x4;
	[dreg:$0x3] =	wrdreg s6;
	s9 =	sadd.s32 s9, s5  }
0x23: {  	s6 =	simm.s32 $0x900;
	s10 =	ssub.s32 s10, s13;
	s5 =	sor.u32 $0x1C06, s20  }
0x24: {  	s13 =	simm.s32 $0xD00;
	s20 =	simm.s32 $0x680;
	[dreg:$0x6] =	wrdreg s6  }
0x25: {  	s6 =	sadd.s32 $0x5E800, s9;
	s7 =	smax.u32 s10, $0x1;
	s9 =	sadd.s32 $0x34000, s26  }
0x26: {  	v0 =	vimm.f32 $0.0e+00;
	vm0 =	vcmask $0x300;
	vm1 =	vcmask $0x704;
	s10 =	sshrl.u32 s11, $0x3;
	s11 =	simm.s32 $0x6;
	[dreg:$0x16] =	wrdreg s13  }
0x27: {  	v1 =	vsel vm0, $0x3F800000, v0;
	v2 =	vsel vm1, $0x3F800000, v0;
	s13 =	simm.s32 $0x1000;
	[dreg:$0x1d] =	wrdreg s20;
	s20 =	simm.s32 $0x4000  }
.LBB2_1:
0x28: {  	[spmem:s10], [sflag:s5] =	dma.local [hbm:s4], $0x2780  }
0x29: {  	_ =	swait.ge [sflag:s11], $0x2780  }
0x2a: {  	[sflag:s11] =	ssyncset.done $0x0  }
0x2b: {  	s25 =	simm.s32 $0x0;
	s26 =	simm.s32 $0x200;
	[sflag:s11] =	ssyncadd.s32 $0xFFFFD880  }
.LBB2_2:
0x2c: {  	p0 =	sne.s32 s26, $0x3E00;
	[tilespmem:s25+$0x5010] =	vst v2  }
0x2d: {  	[tilespmem:s25+$0x3000] =	vst v0  }
0x2e: {  	[tilespmem:s25+$0x4000] =	vst v0  }
0x2f: {  	[tilespmem:s25+$0x5000] =	vst v0  }
0x30: {  	[tilespmem:s25+$0x3020] =	vst v0  }
0x31: {  	[tilespmem:s25+$0x4020] =	vst v0  }
0x32: {  	[tilespmem:s25+$0x5020] =	vst v0  }
0x33: {  	[tilespmem:s25+$0x3030] =	vst v0  }
0x34: {  	[tilespmem:s25+$0x4030] =	vst v0  }
0x35: {  	[tilespmem:s25+$0x5030] =	vst v0  }
0x36: {  	[tilespmem:s25+$0x3040] =	vst v0  }
0x37: {  	[tilespmem:s25+$0x4040] =	vst v0  }
0x38: {  	[tilespmem:s25+$0x5040] =	vst v0  }
0x39: {  	[tilespmem:s25+$0x3050] =	vst v0  }
0x3a: {  	[tilespmem:s25+$0x4050] =	vst v0  }
0x3b: {  	[tilespmem:s25+$0x5050] =	vst v0  }
0x3c: {  	[tilespmem:s25+$0x3060] =	vst v0  }
0x3d: {  	[tilespmem:s25+$0x4060] =	vst v0  }
0x3e: {  	[tilespmem:s25+$0x5060] =	vst v0  }
.Ltmp0:
0x3f: {  	[tilespmem:s25+$0x3070] =	vst v0;
	(pc) =	sbr.rel @p0 .LBB2_2-.Ltmp0, $4  }
0x40: {  	[tilespmem:s25+$0x4070] =	vst v0  }
0x41: {  	[tilespmem:s25+$0x5070] =	vst v0  }
0x42: {  	[tilespmem:s25+$0x3010] =	vst v1  }
0x43: {  	[tilespmem:s25+$0x4010] =	vst v1;
	s25 =	sshra.s32 s26, $0x2;
	s26 =	sadd.s32 $0x200, s26  }
0x44: {  	[tilespmem:s25+$0x5010] =	vst v2  }
0x45: {  	[tilespmem:s25+$0x3000] =	vst v0  }
0x46: {  	[tilespmem:s25+$0x4000] =	vst v0  }
0x47: {  	[tilespmem:s25+$0x5000] =	vst v0  }
0x48: {  	[tilespmem:s25+$0x3020] =	vst v0  }
0x49: {  	[tilespmem:s25+$0x4020] =	vst v0  }
0x4a: {  	[tilespmem:s25+$0x5020] =	vst v0  }
0x4b: {  	[tilespmem:s25+$0x3030] =	vst v0  }
0x4c: {  	[tilespmem:s25+$0x4030] =	vst v0  }
0x4d: {  	[tilespmem:s25+$0x5030] =	vst v0  }
0x4e: {  	[tilespmem:s25+$0x3040] =	vst v0  }
0x4f: {  	[tilespmem:s25+$0x4040] =	vst v0  }
0x50: {  	[tilespmem:s25+$0x5040] =	vst v0  }
0x51: {  	[tilespmem:s25+$0x3050] =	vst v0  }
0x52: {  	[tilespmem:s25+$0x4050] =	vst v0  }
0x53: {  	[tilespmem:s25+$0x5050] =	vst v0  }
0x54: {  	[tilespmem:s25+$0x3060] =	vst v0  }
0x55: {  	[tilespmem:s25+$0x4060] =	vst v0  }
0x56: {  	[tilespmem:s25+$0x5060] =	vst v0  }
0x57: {  	[tilespmem:s25+$0x3070] =	vst v0  }
0x58: {  	[tilespmem:s25+$0x4070] =	vst v0  }
0x59: {  	[tilespmem:s25+$0x5070] =	vst v0  }
0x5a: {  	[tilespmem:s25+$0x3010] =	vst v1  }
0x5b: {  	[tilespmem:s25+$0x4010] =	vst v1;
	s25 =	simm.s32 $0x0  }
0x5c: {  	s26 =	smov.u32 s9;
	s28 =	smov.u32 s8;
	[bflag:$0x0] =	sbarrier.arrive $0xFFFF  }
.LBB2_4:
0x5d: {  	[tilespmem:s3], [sflag:$0x6] =	stream.linear.gather [hbm4b:s28+s3], $0x800, $0x38;
	[tilespmem:$0x19C00] =	vst v63  }
0x5e: {  	_ =	swait.ge [sflag:s11], $0x800  }
0x5f: {  	[sflag:s11] =	ssyncset.done $0x0  }
0x60: {  	[sflag:s11] =	ssyncadd.s32 $0xFFFFF800  }
0x61: {  	[tilespmem:s12], [sflag:$0x6] =	stream.linear.gather [hbm4b:s26+s3], $0x800, $0x38;
	[tilespmem:$0x19C00] =	vst v63  }
0x62: {  	_ =	swait.ge [sflag:s11], $0x800  }
0x63: {  	s29 =	rddreg [dreg:$0x3];
	[sflag:s11] =	ssyncset.done $0x0  }
0x64: {  	[sflag:s11] =	ssyncadd.s32 $0xFFFFF800;
	s29 =	sadd.s32 s25, s29  }
0x65: {  	[tilespmem:s13], [sflag:$0x1] =	stream.linear.gather [hbm4b:s29+s3], $0x1000, $0x38;
	[tilespmem:$0x19C00] =	vst v63  }
0x66: {  	s30 =	sadd.s32 $0x200, s29  }
0x67: {  	[tilespmem:s14], [sflag:$0x2] =	stream.linear.gather [hbm4b:s30+s3], $0x1000, $0x38;
	[tilespmem:$0x19C00] =	vst v63  }
0x68: {  	_ =	swait.ge [sflag:s15], $0x1000  }
0x69: {  	[sflag:s15] =	ssyncset.done $0x0  }
0x6a: {  	[sflag:s15] =	ssyncadd.s32 $0xFFFFF000  }
0x6b: {  	v3 =	vld [tilespmem:$0x1000]  }
0x6c: {  	v4 =	vld [tilespmem:$0x1080]  }
0x6d: {  	v5 =	vld [tilespmem:$0x1100]  }
0x6e: {  	v6 =	vld [tilespmem:$0x1180]  }
0x6f: {  	v7 =	vld [tilespmem:$0x1200]  }
0x70: {  	v55 =	vld [tilespmem:$0x1300];
	[tilespmem:$0x3000] =	vst v3  }
0x71: {  	v3 =	vld [tilespmem:$0x1280];
	[tilespmem:$0x3080] =	vst v4  }
0x72: {  	v56 =	vld [tilespmem:$0x1380];
	[tilespmem:$0x3100] =	vst v5  }
0x73: {  	v57 =	vld [tilespmem:$0x1400];
	[tilespmem:$0x3180] =	vst v6  }
0x74: {  	v58 =	vld [tilespmem:$0x1480];
	[tilespmem:$0x3200] =	vst v7  }
0x75: {  	v59 =	vld [tilespmem:$0x1580];
	[tilespmem:$0x3300] =	vst v55  }
0x76: {  	[tilespmem:$0x3280] =	vst v3;
	v3 =	vld [tilespmem:$0x1500]  }
0x77: {  	v60 =	vld [tilespmem:$0x1600];
	[tilespmem:$0x3380] =	vst v56  }
0x78: {  	v61 =	vld [tilespmem:$0x1680];
	[tilespmem:$0x3400] =	vst v57  }
0x79: {  	v62 =	vld [tilespmem:$0x1700];
	[tilespmem:$0x3480] =	vst v58  }
0x7a: {  	v63 =	vld [tilespmem:$0x1800];
	[tilespmem:$0x3580] =	vst v59  }
0x7b: {  	[tilespmem:$0x3500] =	vst v3;
	v3 =	vld [tilespmem:$0x1780]  }
0x7c: {  	v9 =	vld [tilespmem:$0x1880];
	[tilespmem:$0x3600] =	vst v60  }
0x7d: {  	v10 =	vld [tilespmem:$0x1900];
	[tilespmem:$0x3680] =	vst v61  }
0x7e: {  	v11 =	vld [tilespmem:$0x1980];
	[tilespmem:$0x3700] =	vst v62  }
0x7f: {  	v12 =	vld [tilespmem:$0x1A80];
	[tilespmem:$0x3800] =	vst v63  }
0x80: {  	[tilespmem:$0x3780] =	vst v3;
	v3 =	vld [tilespmem:$0x1A00]  }
0x81: {  	v13 =	vld [tilespmem:$0x1B00];
	[tilespmem:$0x3880] =	vst v9  }
0x82: {  	v14 =	vld [tilespmem:$0x1B80];
	[tilespmem:$0x3900] =	vst v10  }
0x83: {  	v15 =	vld [tilespmem:$0x1C00];
	[tilespmem:$0x3980] =	vst v11  }
0x84: {  	v16 =	vld [tilespmem:$0x1D00];
	[tilespmem:$0x3A80] =	vst v12  }
0x85: {  	[tilespmem:$0x3A00] =	vst v3;
	v3 =	vld [tilespmem:$0x1C80]  }
0x86: {  	v17 =	vld [tilespmem:$0x1D80];
	[tilespmem:$0x3B00] =	vst v13  }
0x87: {  	v18 =	vld [tilespmem:$0x1E00];
	[tilespmem:$0x3B80] =	vst v14  }
0x88: {  	v19 =	vld [tilespmem:$0x1E80];
	[tilespmem:$0x3C00] =	vst v15  }
0x89: {  	v20 =	vld [tilespmem:$0x1F80];
	[tilespmem:$0x3D00] =	vst v16  }
0x8a: {  	[tilespmem:$0x3C80] =	vst v3;
	v3 =	vld [tilespmem:$0x1F00]  }
0x8b: {  	[tilespmem:$0x3D80] =	vst v17  }
0x8c: {  	[tilespmem:$0x3E00] =	vst v18  }
0x8d: {  	[tilespmem:$0x3E80] =	vst v19  }
0x8e: {  	[tilespmem:$0x3F80] =	vst v20  }
0x8f: {  	[tilespmem:$0x3F00] =	vst v3  }
0x90: {  	[spmem:s2] =	stream.indirect.scatter.add.f32 [tilespmem:s17], [sflag:$0x3], $0x80, s12, s16, $0xb8;
	[tilespmem:$0x19C00] =	vst v63  }
0x91: {  	_ = 	snop  }
0x92: {  	[spmem:s2] =	stream.indirect.scatter.add.f32 [tilespmem:s18], [sflag:$0x5], $0x80, s3, s16, $0xb8;
	[tilespmem:$0x19C00] =	vst v63  }
0x93: {  	s31 =	sadd.s32 $0x400, s29  }
0x94: {  	[tilespmem:s13], [sflag:$0x1] =	stream.linear.gather [hbm4b:s31+s3], $0x1000, $0x38;
	[tilespmem:$0x19C00] =	vst v63  }
0x95: {  	_ =	swait.ge [sflag:s19], $0x1000  }
0x96: {  	[sflag:s19] =	ssyncset.done $0x0  }
0x97: {  	[sflag:s19] =	ssyncadd.s32 $0xFFFFF000  }
0x98: {  	v3 =	vld [tilespmem:$0x2000]  }
0x99: {  	v21 =	vld [tilespmem:$0x2080]  }
0x9a: {  	v22 =	vld [tilespmem:$0x2100]  }
0x9b: {  	v23 =	vld [tilespmem:$0x2180]  }
0x9c: {  	v24 =	vld [tilespmem:$0x2200]  }
0x9d: {  	v25 =	vld [tilespmem:$0x2300];
	[tilespmem:$0x4000] =	vst v3  }
0x9e: {  	v3 =	vld [tilespmem:$0x2280];
	[tilespmem:$0x4080] =	vst v21  }
0x9f: {  	v26 =	vld [tilespmem:$0x2380];
	[tilespmem:$0x4100] =	vst v22  }
0xa0: {  	v27 =	vld [tilespmem:$0x2400];
	[tilespmem:$0x4180] =	vst v23  }
0xa1: {  	v28 =	vld [tilespmem:$0x2480];
	[tilespmem:$0x4200] =	vst v24  }
0xa2: {  	v29 =	vld [tilespmem:$0x2580];
	[tilespmem:$0x4300] =	vst v25  }
0xa3: {  	[tilespmem:$0x4280] =	vst v3;
	v3 =	vld [tilespmem:$0x2500]  }
0xa4: {  	v30 =	vld [tilespmem:$0x2600];
	[tilespmem:$0x4380] =	vst v26  }
0xa5: {  	v31 =	vld [tilespmem:$0x2680];
	[tilespmem:$0x4400] =	vst v27  }
0xa6: {  	v32 =	vld [tilespmem:$0x2700];
	[tilespmem:$0x4480] =	vst v28  }
0xa7: {  	v33 =	vld [tilespmem:$0x2800];
	[tilespmem:$0x4580] =	vst v29  }
0xa8: {  	[tilespmem:$0x4500] =	vst v3;
	v3 =	vld [tilespmem:$0x2780]  }
0xa9: {  	v34 =	vld [tilespmem:$0x2880];
	[tilespmem:$0x4600] =	vst v30  }
0xaa: {  	v35 =	vld [tilespmem:$0x2900];
	[tilespmem:$0x4680] =	vst v31  }
0xab: {  	v36 =	vld [tilespmem:$0x2980];
	[tilespmem:$0x4700] =	vst v32  }
0xac: {  	v37 =	vld [tilespmem:$0x2A80];
	[tilespmem:$0x4800] =	vst v33  }
0xad: {  	[tilespmem:$0x4780] =	vst v3;
	v3 =	vld [tilespmem:$0x2A00]  }
0xae: {  	v38 =	vld [tilespmem:$0x2B00];
	[tilespmem:$0x4880] =	vst v34  }
0xaf: {  	v39 =	vld [tilespmem:$0x2B80];
	[tilespmem:$0x4900] =	vst v35  }
0xb0: {  	v40 =	vld [tilespmem:$0x2C00];
	[tilespmem:$0x4980] =	vst v36  }
0xb1: {  	v41 =	vld [tilespmem:$0x2D00];
	[tilespmem:$0x4A80] =	vst v37  }
0xb2: {  	[tilespmem:$0x4A00] =	vst v3;
	v3 =	vld [tilespmem:$0x2C80]  }
0xb3: {  	v42 =	vld [tilespmem:$0x2D80];
	[tilespmem:$0x4B00] =	vst v38  }
0xb4: {  	v43 =	vld [tilespmem:$0x2E00];
	[tilespmem:$0x4B80] =	vst v39  }
0xb5: {  	v44 =	vld [tilespmem:$0x2E80];
	[tilespmem:$0x4C00] =	vst v40  }
0xb6: {  	v45 =	vld [tilespmem:$0x2F80];
	[tilespmem:$0x4D00] =	vst v41  }
0xb7: {  	[tilespmem:$0x4C80] =	vst v3;
	v3 =	vld [tilespmem:$0x2F00]  }
0xb8: {  	[tilespmem:$0x4D80] =	vst v42  }
0xb9: {  	[tilespmem:$0x4E00] =	vst v43  }
0xba: {  	[tilespmem:$0x4E80] =	vst v44  }
0xbb: {  	[tilespmem:$0x4F80] =	vst v45  }
0xbc: {  	s30 =	rddreg [dreg:$0x4];
	[tilespmem:$0x4F00] =	vst v3  }
0xbd: {  	[spmem:s2] =	stream.indirect.scatter.add.f32 [tilespmem:s20], [sflag:$0x4], $0x80, s30, s16, $0xb8;
	[tilespmem:$0x19C00] =	vst v63  }
0xbe: {  	s31 =	rddreg [dreg:$0x5]  }
0xbf: {  	[spmem:s2] =	stream.indirect.scatter.add.f32 [tilespmem:s18], [sflag:$0x5], $0x80, s31, s16, $0xb8;
	[tilespmem:$0x19C00] =	vst v63  }
0xc0: {  	_ =	swait.ge [sflag:s21], $0x1000  }
0xc1: {  	[sflag:s21] =	ssyncset.done $0x0  }
0xc2: {  	s31 =	sadd.s32 $0x600, s29;
	[sflag:s21] =	ssyncadd.s32 $0xFFFFF000  }
0xc3: {  	[tilespmem:s14], [sflag:$0x2] =	stream.linear.gather [hbm4b:s31+s3], $0x1000, $0x38;
	[tilespmem:$0x19C00] =	vst v63  }
0xc4: {  	_ =	swait.ge [sflag:s22], $0x1000  }
0xc5: {  	[sflag:s22] =	ssyncset.done $0x0  }
0xc6: {  	[sflag:s22] =	ssyncadd.s32 $0xFFFFF000  }
0xc7: {  	_ =	swait.ge [sflag:s15], $0x1000  }
0xc8: {  	[sflag:s15] =	ssyncset.done $0x0  }
0xc9: {  	[sflag:s15] =	ssyncadd.s32 $0xFFFFF000  }
0xca: {  	v3 =	vld [tilespmem:$0x1000]  }
0xcb: {  	v46 =	vld [tilespmem:$0x1080]  }
0xcc: {  	v47 =	vld [tilespmem:$0x1100]  }
0xcd: {  	v48 =	vld [tilespmem:$0x1180]  }
0xce: {  	v49 =	vld [tilespmem:$0x1200]  }
0xcf: {  	v50 =	vld [tilespmem:$0x1300];
	[tilespmem:$0x3000] =	vst v3  }
0xd0: {  	v51 =	vld [tilespmem:$0x1380];
	[tilespmem:$0x3080] =	vst v46  }
0xd1: {  	v52 =	vld [tilespmem:$0x1400];
	[tilespmem:$0x3100] =	vst v47  }
0xd2: {  	v53 =	vld [tilespmem:$0x1480];
	[tilespmem:$0x3180] =	vst v48  }
0xd3: {  	v3 =	vld [tilespmem:$0x1280];
	[tilespmem:$0x3200] =	vst v49  }
0xd4: {  	v54 =	vld [tilespmem:$0x1580];
	[tilespmem:$0x3300] =	vst v50  }
0xd5: {  	v55 =	vld [tilespmem:$0x1600];
	[tilespmem:$0x3380] =	vst v51  }
0xd6: {  	v56 =	vld [tilespmem:$0x1680];
	[tilespmem:$0x3400] =	vst v52  }
0xd7: {  	v57 =	vld [tilespmem:$0x1700];
	[tilespmem:$0x3480] =	vst v53  }
0xd8: {  	[tilespmem:$0x3280] =	vst v3;
	v3 =	vld [tilespmem:$0x1500]  }
0xd9: {  	v58 =	vld [tilespmem:$0x1800];
	[tilespmem:$0x3580] =	vst v54  }
0xda: {  	v59 =	vld [tilespmem:$0x1880];
	[tilespmem:$0x3600] =	vst v55  }
0xdb: {  	v60 =	vld [tilespmem:$0x1900];
	[tilespmem:$0x3680] =	vst v56  }
0xdc: {  	v61 =	vld [tilespmem:$0x1980];
	[tilespmem:$0x3700] =	vst v57  }
0xdd: {  	[tilespmem:$0x3500] =	vst v3;
	v3 =	vld [tilespmem:$0x1780]  }
0xde: {  	v62 =	vld [tilespmem:$0x1A80];
	[tilespmem:$0x3800] =	vst v58  }
0xdf: {  	v63 =	vld [tilespmem:$0x1B00];
	[tilespmem:$0x3880] =	vst v59  }
0xe0: {  	v9 =	vld [tilespmem:$0x1B80];
	[tilespmem:$0x3900] =	vst v60  }
0xe1: {  	v10 =	vld [tilespmem:$0x1C00];
	[tilespmem:$0x3980] =	vst v61  }
0xe2: {  	[tilespmem:$0x3780] =	vst v3;
	v3 =	vld [tilespmem:$0x1A00]  }
0xe3: {  	[tilespmem:$0x3A80] =	vst v62  }
0xe4: {  	[tilespmem:$0x3B00] =	vst v63  }
0xe5: {  	[tilespmem:$0x3B80] =	vst v9  }
0xe6: {  	[tilespmem:$0x3C00] =	vst v10  }
0xe7: {  	[tilespmem:$0x3A00] =	vst v3  }
0xe8: {  	v3 =	vld [tilespmem:$0x1C80]  }
0xe9: {  	v11 =	vld [tilespmem:$0x1D00]  }
0xea: {  	v12 =	vld [tilespmem:$0x1D80]  }
0xeb: {  	v13 =	vld [tilespmem:$0x1E00]  }
0xec: {  	v14 =	vld [tilespmem:$0x1E80]  }
0xed: {  	v15 =	vld [tilespmem:$0x1F80];
	[tilespmem:$0x3C80] =	vst v3  }
0xee: {  	v3 =	vld [tilespmem:$0x1F00];
	[tilespmem:$0x3D00] =	vst v11  }
0xef: {  	[tilespmem:$0x3D80] =	vst v12  }
0xf0: {  	[tilespmem:$0x3E00] =	vst v13  }
0xf1: {  	[tilespmem:$0x3E80] =	vst v14  }
0xf2: {  	[tilespmem:$0x3F80] =	vst v15  }
0xf3: {  	s30 =	rddreg [dreg:$0x6];
	[tilespmem:$0x3F00] =	vst v3  }
0xf4: {  	[spmem:s2] =	stream.indirect.scatter.add.f32 [tilespmem:s17], [sflag:$0x3], $0x80, s30, s16, $0xb8;
	[tilespmem:$0x19C00] =	vst v63  }
0xf5: {  	s31 =	rddreg [dreg:$0x7]  }
0xf6: {  	[spmem:s2] =	stream.indirect.scatter.add.f32 [tilespmem:s18], [sflag:$0x5], $0x80, s31, s16, $0xb8;
	[tilespmem:$0x19C00] =	vst v63  }
0xf7: {  	_ =	swait.ge [sflag:s21], $0x1000  }
0xf8: {  	[sflag:s21] =	ssyncset.done $0x0  }
0xf9: {  	s31 =	sadd.s32 $0x800, s29;
	[sflag:s21] =	ssyncadd.s32 $0xFFFFF000  }
0xfa: {  	[tilespmem:s13], [sflag:$0x1] =	stream.linear.gather [hbm4b:s31+s3], $0x1000, $0x38;
	[tilespmem:$0x19C00] =	vst v63  }
0xfb: {  	_ =	swait.ge [sflag:s23], $0x1000  }
0xfc: {  	[sflag:s23] =	ssyncset.done $0x0  }
0xfd: {  	[sflag:s23] =	ssyncadd.s32 $0xFFFFF000  }
0xfe: {  	_ =	swait.ge [sflag:s19], $0x1000  }
0xff: {  	[sflag:s19] =	ssyncset.done $0x0  }
0x100: {  	[sflag:s19] =	ssyncadd.s32 $0xFFFFF000  }
0x101: {  	v3 =	vld [tilespmem:$0x2000]  }
0x102: {  	v16 =	vld [tilespmem:$0x2080]  }
0x103: {  	v17 =	vld [tilespmem:$0x2100]  }
0x104: {  	v18 =	vld [tilespmem:$0x2180]  }
0x105: {  	v19 =	vld [tilespmem:$0x2200]  }
0x106: {  	v20 =	vld [tilespmem:$0x2300];
	[tilespmem:$0x4000] =	vst v3  }
0x107: {  	v3 =	vld [tilespmem:$0x2280];
	[tilespmem:$0x4080] =	vst v16  }
0x108: {  	v21 =	vld [tilespmem:$0x2380];
	[tilespmem:$0x4100] =	vst v17  }
0x109: {  	v22 =	vld [tilespmem:$0x2400];
	[tilespmem:$0x4180] =	vst v18  }
0x10a: {  	v23 =	vld [tilespmem:$0x2480];
	[tilespmem:$0x4200] =	vst v19  }
0x10b: {  	v24 =	vld [tilespmem:$0x2580];
	[tilespmem:$0x4300] =	vst v20  }
0x10c: {  	[tilespmem:$0x4280] =	vst v3;
	v3 =	vld [tilespmem:$0x2500]  }
0x10d: {  	v25 =	vld [tilespmem:$0x2600];
	[tilespmem:$0x4380] =	vst v21  }
0x10e: {  	v26 =	vld [tilespmem:$0x2680];
	[tilespmem:$0x4400] =	vst v22  }
0x10f: {  	v27 =	vld [tilespmem:$0x2700];
	[tilespmem:$0x4480] =	vst v23  }
0x110: {  	v28 =	vld [tilespmem:$0x2800];
	[tilespmem:$0x4580] =	vst v24  }
0x111: {  	[tilespmem:$0x4500] =	vst v3;
	v3 =	vld [tilespmem:$0x2780]  }
0x112: {  	v29 =	vld [tilespmem:$0x2880];
	[tilespmem:$0x4600] =	vst v25  }
0x113: {  	v30 =	vld [tilespmem:$0x2900];
	[tilespmem:$0x4680] =	vst v26  }
0x114: {  	v31 =	vld [tilespmem:$0x2980];
	[tilespmem:$0x4700] =	vst v27  }
0x115: {  	v32 =	vld [tilespmem:$0x2A80];
	[tilespmem:$0x4800] =	vst v28  }
0x116: {  	[tilespmem:$0x4780] =	vst v3;
	v3 =	vld [tilespmem:$0x2A00]  }
0x117: {  	v33 =	vld [tilespmem:$0x2B00];
	[tilespmem:$0x4880] =	vst v29  }
0x118: {  	v34 =	vld [tilespmem:$0x2B80];
	[tilespmem:$0x4900] =	vst v30  }
0x119: {  	v35 =	vld [tilespmem:$0x2C00];
	[tilespmem:$0x4980] =	vst v31  }
0x11a: {  	v36 =	vld [tilespmem:$0x2D00];
	[tilespmem:$0x4A80] =	vst v32  }
0x11b: {  	[tilespmem:$0x4A00] =	vst v3;
	v3 =	vld [tilespmem:$0x2C80]  }
0x11c: {  	v37 =	vld [tilespmem:$0x2D80];
	[tilespmem:$0x4B00] =	vst v33  }
0x11d: {  	v38 =	vld [tilespmem:$0x2E00];
	[tilespmem:$0x4B80] =	vst v34  }
0x11e: {  	v39 =	vld [tilespmem:$0x2E80];
	[tilespmem:$0x4C00] =	vst v35  }
0x11f: {  	v40 =	vld [tilespmem:$0x2F80];
	[tilespmem:$0x4D00] =	vst v36  }
0x120: {  	[tilespmem:$0x4C80] =	vst v3;
	v3 =	vld [tilespmem:$0x2F00]  }
0x121: {  	[tilespmem:$0x4D80] =	vst v37  }
0x122: {  	[tilespmem:$0x4E00] =	vst v38  }
0x123: {  	[tilespmem:$0x4E80] =	vst v39  }
0x124: {  	[tilespmem:$0x4F80] =	vst v40  }
0x125: {  	s30 =	rddreg [dreg:$0x8];
	[tilespmem:$0x4F00] =	vst v3  }
0x126: {  	[spmem:s2] =	stream.indirect.scatter.add.f32 [tilespmem:s20], [sflag:$0x4], $0x80, s30, s16, $0xb8;
	[tilespmem:$0x19C00] =	vst v63  }
0x127: {  	s31 =	rddreg [dreg:$0x9]  }
0x128: {  	[spmem:s2] =	stream.indirect.scatter.add.f32 [tilespmem:s18], [sflag:$0x5], $0x80, s31, s16, $0xb8;
	[tilespmem:$0x19C00] =	vst v63  }
0x129: {  	_ =	swait.ge [sflag:s21], $0x1000  }
0x12a: {  	[sflag:s21] =	ssyncset.done $0x0  }
0x12b: {  	s31 =	sadd.s32 $0xA00, s29;
	[sflag:s21] =	ssyncadd.s32 $0xFFFFF000  }
0x12c: {  	[tilespmem:s14], [sflag:$0x2] =	stream.linear.gather [hbm4b:s31+s3], $0x1000, $0x38;
	[tilespmem:$0x19C00] =	vst v63  }
0x12d: {  	_ =	swait.ge [sflag:s22], $0x1000  }
0x12e: {  	[sflag:s22] =	ssyncset.done $0x0  }
0x12f: {  	[sflag:s22] =	ssyncadd.s32 $0xFFFFF000  }
0x130: {  	_ =	swait.ge [sflag:s15], $0x1000  }
0x131: {  	[sflag:s15] =	ssyncset.done $0x0  }
0x132: {  	[sflag:s15] =	ssyncadd.s32 $0xFFFFF000  }
0x133: {  	v3 =	vld [tilespmem:$0x1000]  }
0x134: {  	v41 =	vld [tilespmem:$0x1080]  }
0x135: {  	v42 =	vld [tilespmem:$0x1100]  }
0x136: {  	v43 =	vld [tilespmem:$0x1180]  }
0x137: {  	v44 =	vld [tilespmem:$0x1200]  }
0x138: {  	v45 =	vld [tilespmem:$0x1300];
	[tilespmem:$0x3000] =	vst v3  }
0x139: {  	v3 =	vld [tilespmem:$0x1280];
	[tilespmem:$0x3080] =	vst v41  }
0x13a: {  	v46 =	vld [tilespmem:$0x1380];
	[tilespmem:$0x3100] =	vst v42  }
0x13b: {  	v47 =	vld [tilespmem:$0x1400];
	[tilespmem:$0x3180] =	vst v43  }
0x13c: {  	v48 =	vld [tilespmem:$0x1480];
	[tilespmem:$0x3200] =	vst v44  }
0x13d: {  	v49 =	vld [tilespmem:$0x1580];
	[tilespmem:$0x3300] =	vst v45  }
0x13e: {  	[tilespmem:$0x3280] =	vst v3;
	v3 =	vld [tilespmem:$0x1500]  }
0x13f: {  	v50 =	vld [tilespmem:$0x1600];
	[tilespmem:$0x3380] =	vst v46  }
0x140: {  	v51 =	vld [tilespmem:$0x1680];
	[tilespmem:$0x3400] =	vst v47  }
0x141: {  	v52 =	vld [tilespmem:$0x1700];
	[tilespmem:$0x3480] =	vst v48  }
0x142: {  	v53 =	vld [tilespmem:$0x1800];
	[tilespmem:$0x3580] =	vst v49  }
0x143: {  	[tilespmem:$0x3500] =	vst v3;
	v3 =	vld [tilespmem:$0x1780]  }
0x144: {  	v54 =	vld [tilespmem:$0x1880];
	[tilespmem:$0x3600] =	vst v50  }
0x145: {  	v55 =	vld [tilespmem:$0x1900];
	[tilespmem:$0x3680] =	vst v51  }
0x146: {  	v56 =	vld [tilespmem:$0x1980];
	[tilespmem:$0x3700] =	vst v52  }
0x147: {  	v57 =	vld [tilespmem:$0x1A80];
	[tilespmem:$0x3800] =	vst v53  }
0x148: {  	[tilespmem:$0x3780] =	vst v3;
	v3 =	vld [tilespmem:$0x1A00]  }
0x149: {  	v58 =	vld [tilespmem:$0x1B00];
	[tilespmem:$0x3880] =	vst v54  }
0x14a: {  	v59 =	vld [tilespmem:$0x1B80];
	[tilespmem:$0x3900] =	vst v55  }
0x14b: {  	v60 =	vld [tilespmem:$0x1C00];
	[tilespmem:$0x3980] =	vst v56  }
0x14c: {  	v61 =	vld [tilespmem:$0x1D00];
	[tilespmem:$0x3A80] =	vst v57  }
0x14d: {  	[tilespmem:$0x3A00] =	vst v3;
	v3 =	vld [tilespmem:$0x1C80]  }
0x14e: {  	v62 =	vld [tilespmem:$0x1D80];
	[tilespmem:$0x3B00] =	vst v58  }
0x14f: {  	v63 =	vld [tilespmem:$0x1E00];
	[tilespmem:$0x3B80] =	vst v59  }
0x150: {  	v9 =	vld [tilespmem:$0x1E80];
	[tilespmem:$0x3C00] =	vst v60  }
0x151: {  	v10 =	vld [tilespmem:$0x1F80];
	[tilespmem:$0x3D00] =	vst v61  }
0x152: {  	[tilespmem:$0x3C80] =	vst v3;
	v3 =	vld [tilespmem:$0x1F00]  }
0x153: {  	[tilespmem:$0x3D80] =	vst v62  }
0x154: {  	[tilespmem:$0x3E00] =	vst v63  }
0x155: {  	[tilespmem:$0x3E80] =	vst v9  }
0x156: {  	[tilespmem:$0x3F80] =	vst v10  }
0x157: {  	s30 =	rddreg [dreg:$0xa];
	[tilespmem:$0x3F00] =	vst v3  }
0x158: {  	[spmem:s2] =	stream.indirect.scatter.add.f32 [tilespmem:s17], [sflag:$0x3], $0x80, s30, s16, $0xb8;
	[tilespmem:$0x19C00] =	vst v63  }
0x159: {  	s31 =	rddreg [dreg:$0xb]  }
0x15a: {  	[spmem:s2] =	stream.indirect.scatter.add.f32 [tilespmem:s18], [sflag:$0x5], $0x80, s31, s16, $0xb8;
	[tilespmem:$0x19C00] =	vst v63  }
0x15b: {  	_ =	swait.ge [sflag:s21], $0x1000  }
0x15c: {  	[sflag:s21] =	ssyncset.done $0x0  }
0x15d: {  	s31 =	sadd.s32 $0xC00, s29;
	[sflag:s21] =	ssyncadd.s32 $0xFFFFF000  }
0x15e: {  	[tilespmem:s13], [sflag:$0x1] =	stream.linear.gather [hbm4b:s31+s3], $0x1000, $0x38;
	[tilespmem:$0x19C00] =	vst v63  }
0x15f: {  	_ =	swait.ge [sflag:s23], $0x1000  }
0x160: {  	[sflag:s23] =	ssyncset.done $0x0  }
0x161: {  	[sflag:s23] =	ssyncadd.s32 $0xFFFFF000  }
0x162: {  	_ =	swait.ge [sflag:s19], $0x1000  }
0x163: {  	[sflag:s19] =	ssyncset.done $0x0  }
0x164: {  	[sflag:s19] =	ssyncadd.s32 $0xFFFFF000  }
0x165: {  	v3 =	vld [tilespmem:$0x2000]  }
0x166: {  	v11 =	vld [tilespmem:$0x2080]  }
0x167: {  	v12 =	vld [tilespmem:$0x2100]  }
0x168: {  	v13 =	vld [tilespmem:$0x2180]  }
0x169: {  	v14 =	vld [tilespmem:$0x2200]  }
0x16a: {  	v15 =	vld [tilespmem:$0x2300];
	[tilespmem:$0x4000] =	vst v3  }
0x16b: {  	v3 =	vld [tilespmem:$0x2280];
	[tilespmem:$0x4080] =	vst v11  }
0x16c: {  	v16 =	vld [tilespmem:$0x2380];
	[tilespmem:$0x4100] =	vst v12  }
0x16d: {  	v17 =	vld [tilespmem:$0x2400];
	[tilespmem:$0x4180] =	vst v13  }
0x16e: {  	v18 =	vld [tilespmem:$0x2480];
	[tilespmem:$0x4200] =	vst v14  }
0x16f: {  	v19 =	vld [tilespmem:$0x2580];
	[tilespmem:$0x4300] =	vst v15  }
0x170: {  	[tilespmem:$0x4280] =	vst v3;
	v3 =	vld [tilespmem:$0x2500]  }
0x171: {  	v20 =	vld [tilespmem:$0x2600];
	[tilespmem:$0x4380] =	vst v16  }
0x172: {  	v21 =	vld [tilespmem:$0x2680];
	[tilespmem:$0x4400] =	vst v17  }
0x173: {  	v22 =	vld [tilespmem:$0x2700];
	[tilespmem:$0x4480] =	vst v18  }
0x174: {  	v23 =	vld [tilespmem:$0x2800];
	[tilespmem:$0x4580] =	vst v19  }
0x175: {  	[tilespmem:$0x4500] =	vst v3;
	v3 =	vld [tilespmem:$0x2780]  }
0x176: {  	v24 =	vld [tilespmem:$0x2880];
	[tilespmem:$0x4600] =	vst v20  }
0x177: {  	v25 =	vld [tilespmem:$0x2900];
	[tilespmem:$0x4680] =	vst v21  }
0x178: {  	v26 =	vld [tilespmem:$0x2980];
	[tilespmem:$0x4700] =	vst v22  }
0x179: {  	v27 =	vld [tilespmem:$0x2A80];
	[tilespmem:$0x4800] =	vst v23  }
0x17a: {  	[tilespmem:$0x4780] =	vst v3;
	v3 =	vld [tilespmem:$0x2A00]  }
0x17b: {  	v28 =	vld [tilespmem:$0x2B00];
	[tilespmem:$0x4880] =	vst v24  }
0x17c: {  	v29 =	vld [tilespmem:$0x2B80];
	[tilespmem:$0x4900] =	vst v25  }
0x17d: {  	v30 =	vld [tilespmem:$0x2C00];
	[tilespmem:$0x4980] =	vst v26  }
0x17e: {  	v31 =	vld [tilespmem:$0x2D00];
	[tilespmem:$0x4A80] =	vst v27  }
0x17f: {  	[tilespmem:$0x4A00] =	vst v3;
	v3 =	vld [tilespmem:$0x2C80]  }
0x180: {  	v32 =	vld [tilespmem:$0x2D80];
	[tilespmem:$0x4B00] =	vst v28  }
0x181: {  	v33 =	vld [tilespmem:$0x2E00];
	[tilespmem:$0x4B80] =	vst v29  }
0x182: {  	v34 =	vld [tilespmem:$0x2E80];
	[tilespmem:$0x4C00] =	vst v30  }
0x183: {  	v35 =	vld [tilespmem:$0x2F80];
	[tilespmem:$0x4D00] =	vst v31  }
0x184: {  	[tilespmem:$0x4C80] =	vst v3;
	v3 =	vld [tilespmem:$0x2F00]  }
0x185: {  	[tilespmem:$0x4D80] =	vst v32  }
0x186: {  	[tilespmem:$0x4E00] =	vst v33  }
0x187: {  	[tilespmem:$0x4E80] =	vst v34  }
0x188: {  	[tilespmem:$0x4F80] =	vst v35  }
0x189: {  	s30 =	rddreg [dreg:$0xc];
	[tilespmem:$0x4F00] =	vst v3  }
0x18a: {  	[spmem:s2] =	stream.indirect.scatter.add.f32 [tilespmem:s20], [sflag:$0x4], $0x80, s30, s16, $0xb8;
	[tilespmem:$0x19C00] =	vst v63  }
0x18b: {  	s31 =	rddreg [dreg:$0xd]  }
0x18c: {  	[spmem:s2] =	stream.indirect.scatter.add.f32 [tilespmem:s18], [sflag:$0x5], $0x80, s31, s16, $0xb8;
	[tilespmem:$0x19C00] =	vst v63  }
0x18d: {  	_ =	swait.ge [sflag:s21], $0x1000  }
0x18e: {  	[sflag:s21] =	ssyncset.done $0x0  }
0x18f: {  	s31 =	sadd.s32 $0xE00, s29;
	[sflag:s21] =	ssyncadd.s32 $0xFFFFF000  }
0x190: {  	[tilespmem:s14], [sflag:$0x2] =	stream.linear.gather [hbm4b:s31+s3], $0x1000, $0x38;
	[tilespmem:$0x19C00] =	vst v63  }
0x191: {  	_ =	swait.ge [sflag:s22], $0x1000  }
0x192: {  	[sflag:s22] =	ssyncset.done $0x0  }
0x193: {  	[sflag:s22] =	ssyncadd.s32 $0xFFFFF000  }
0x194: {  	_ =	swait.ge [sflag:s15], $0x1000  }
0x195: {  	[sflag:s15] =	ssyncset.done $0x0  }
0x196: {  	[sflag:s15] =	ssyncadd.s32 $0xFFFFF000  }
0x197: {  	v3 =	vld [tilespmem:$0x1000]  }
0x198: {  	v36 =	vld [tilespmem:$0x1080]  }
0x199: {  	v37 =	vld [tilespmem:$0x1100]  }
0x19a: {  	v38 =	vld [tilespmem:$0x1180]  }
0x19b: {  	v39 =	vld [tilespmem:$0x1200]  }
0x19c: {  	v40 =	vld [tilespmem:$0x1300];
	[tilespmem:$0x3000] =	vst v3  }
0x19d: {  	v3 =	vld [tilespmem:$0x1280];
	[tilespmem:$0x3080] =	vst v36  }
0x19e: {  	v41 =	vld [tilespmem:$0x1380];
	[tilespmem:$0x3100] =	vst v37  }
0x19f: {  	v42 =	vld [tilespmem:$0x1400];
	[tilespmem:$0x3180] =	vst v38  }
0x1a0: {  	v43 =	vld [tilespmem:$0x1480];
	[tilespmem:$0x3200] =	vst v39  }
0x1a1: {  	v44 =	vld [tilespmem:$0x1580];
	[tilespmem:$0x3300] =	vst v40  }
0x1a2: {  	[tilespmem:$0x3280] =	vst v3;
	v3 =	vld [tilespmem:$0x1500]  }
0x1a3: {  	v45 =	vld [tilespmem:$0x1600];
	[tilespmem:$0x3380] =	vst v41  }
0x1a4: {  	v46 =	vld [tilespmem:$0x1680];
	[tilespmem:$0x3400] =	vst v42  }
0x1a5: {  	v47 =	vld [tilespmem:$0x1700];
	[tilespmem:$0x3480] =	vst v43  }
0x1a6: {  	v48 =	vld [tilespmem:$0x1800];
	[tilespmem:$0x3580] =	vst v44  }
0x1a7: {  	[tilespmem:$0x3500] =	vst v3;
	v3 =	vld [tilespmem:$0x1780]  }
0x1a8: {  	v49 =	vld [tilespmem:$0x1880];
	[tilespmem:$0x3600] =	vst v45  }
0x1a9: {  	v50 =	vld [tilespmem:$0x1900];
	[tilespmem:$0x3680] =	vst v46  }
0x1aa: {  	v51 =	vld [tilespmem:$0x1980];
	[tilespmem:$0x3700] =	vst v47  }
0x1ab: {  	v52 =	vld [tilespmem:$0x1A80];
	[tilespmem:$0x3800] =	vst v48  }
0x1ac: {  	[tilespmem:$0x3780] =	vst v3;
	v3 =	vld [tilespmem:$0x1A00]  }
0x1ad: {  	v53 =	vld [tilespmem:$0x1B00];
	[tilespmem:$0x3880] =	vst v49  }
0x1ae: {  	v54 =	vld [tilespmem:$0x1B80];
	[tilespmem:$0x3900] =	vst v50  }
0x1af: {  	v55 =	vld [tilespmem:$0x1C00];
	[tilespmem:$0x3980] =	vst v51  }
0x1b0: {  	v56 =	vld [tilespmem:$0x1D00];
	[tilespmem:$0x3A80] =	vst v52  }
0x1b1: {  	[tilespmem:$0x3A00] =	vst v3;
	v3 =	vld [tilespmem:$0x1C80]  }
0x1b2: {  	v57 =	vld [tilespmem:$0x1D80];
	[tilespmem:$0x3B00] =	vst v53  }
0x1b3: {  	v58 =	vld [tilespmem:$0x1E00];
	[tilespmem:$0x3B80] =	vst v54  }
0x1b4: {  	v59 =	vld [tilespmem:$0x1E80];
	[tilespmem:$0x3C00] =	vst v55  }
0x1b5: {  	v60 =	vld [tilespmem:$0x1F80];
	[tilespmem:$0x3D00] =	vst v56  }
0x1b6: {  	[tilespmem:$0x3C80] =	vst v3;
	v3 =	vld [tilespmem:$0x1F00]  }
0x1b7: {  	[tilespmem:$0x3D80] =	vst v57  }
0x1b8: {  	[tilespmem:$0x3E00] =	vst v58  }
0x1b9: {  	[tilespmem:$0x3E80] =	vst v59  }
0x1ba: {  	[tilespmem:$0x3F80] =	vst v60  }
0x1bb: {  	s30 =	rddreg [dreg:$0xe];
	[tilespmem:$0x3F00] =	vst v3  }
0x1bc: {  	[spmem:s2] =	stream.indirect.scatter.add.f32 [tilespmem:s17], [sflag:$0x3], $0x80, s30, s16, $0xb8;
	[tilespmem:$0x19C00] =	vst v63  }
0x1bd: {  	s31 =	rddreg [dreg:$0xf]  }
0x1be: {  	[spmem:s2] =	stream.indirect.scatter.add.f32 [tilespmem:s18], [sflag:$0x5], $0x80, s31, s16, $0xb8;
	[tilespmem:$0x19C00] =	vst v63  }
0x1bf: {  	_ =	swait.ge [sflag:s21], $0x1000  }
0x1c0: {  	[sflag:s21] =	ssyncset.done $0x0  }
0x1c1: {  	s31 =	sadd.s32 $0x1000, s29;
	[sflag:s21] =	ssyncadd.s32 $0xFFFFF000  }
0x1c2: {  	[tilespmem:s13], [sflag:$0x1] =	stream.linear.gather [hbm4b:s31+s3], $0x1000, $0x38;
	[tilespmem:$0x19C00] =	vst v63  }
0x1c3: {  	_ =	swait.ge [sflag:s23], $0x1000  }
0x1c4: {  	[sflag:s23] =	ssyncset.done $0x0  }
0x1c5: {  	[sflag:s23] =	ssyncadd.s32 $0xFFFFF000  }
0x1c6: {  	_ =	swait.ge [sflag:s19], $0x1000  }
0x1c7: {  	[sflag:s19] =	ssyncset.done $0x0  }
0x1c8: {  	[sflag:s19] =	ssyncadd.s32 $0xFFFFF000  }
0x1c9: {  	v3 =	vld [tilespmem:$0x2000]  }
0x1ca: {  	v61 =	vld [tilespmem:$0x2080]  }
0x1cb: {  	v62 =	vld [tilespmem:$0x2100]  }
0x1cc: {  	v63 =	vld [tilespmem:$0x2180]  }
0x1cd: {  	v9 =	vld [tilespmem:$0x2200]  }
0x1ce: {  	v10 =	vld [tilespmem:$0x2300];
	[tilespmem:$0x4000] =	vst v3  }
0x1cf: {  	v3 =	vld [tilespmem:$0x2280];
	[tilespmem:$0x4080] =	vst v61  }
0x1d0: {  	v11 =	vld [tilespmem:$0x2380];
	[tilespmem:$0x4100] =	vst v62  }
0x1d1: {  	v12 =	vld [tilespmem:$0x2400];
	[tilespmem:$0x4180] =	vst v63  }
0x1d2: {  	v13 =	vld [tilespmem:$0x2480];
	[tilespmem:$0x4200] =	vst v9  }
0x1d3: {  	v14 =	vld [tilespmem:$0x2580];
	[tilespmem:$0x4300] =	vst v10  }
0x1d4: {  	[tilespmem:$0x4280] =	vst v3;
	v3 =	vld [tilespmem:$0x2500]  }
0x1d5: {  	v15 =	vld [tilespmem:$0x2600];
	[tilespmem:$0x4380] =	vst v11  }
0x1d6: {  	v16 =	vld [tilespmem:$0x2680];
	[tilespmem:$0x4400] =	vst v12  }
0x1d7: {  	v17 =	vld [tilespmem:$0x2700];
	[tilespmem:$0x4480] =	vst v13  }
0x1d8: {  	v18 =	vld [tilespmem:$0x2800];
	[tilespmem:$0x4580] =	vst v14  }
0x1d9: {  	[tilespmem:$0x4500] =	vst v3;
	v3 =	vld [tilespmem:$0x2780]  }
0x1da: {  	v19 =	vld [tilespmem:$0x2880];
	[tilespmem:$0x4600] =	vst v15  }
0x1db: {  	v20 =	vld [tilespmem:$0x2900];
	[tilespmem:$0x4680] =	vst v16  }
0x1dc: {  	v21 =	vld [tilespmem:$0x2980];
	[tilespmem:$0x4700] =	vst v17  }
0x1dd: {  	v22 =	vld [tilespmem:$0x2A80];
	[tilespmem:$0x4800] =	vst v18  }
0x1de: {  	[tilespmem:$0x4780] =	vst v3;
	v3 =	vld [tilespmem:$0x2A00]  }
0x1df: {  	v23 =	vld [tilespmem:$0x2B00];
	[tilespmem:$0x4880] =	vst v19  }
0x1e0: {  	v24 =	vld [tilespmem:$0x2B80];
	[tilespmem:$0x4900] =	vst v20  }
0x1e1: {  	v25 =	vld [tilespmem:$0x2C00];
	[tilespmem:$0x4980] =	vst v21  }
0x1e2: {  	v26 =	vld [tilespmem:$0x2D00];
	[tilespmem:$0x4A80] =	vst v22  }
0x1e3: {  	[tilespmem:$0x4A00] =	vst v3;
	v3 =	vld [tilespmem:$0x2C80]  }
0x1e4: {  	v27 =	vld [tilespmem:$0x2D80];
	[tilespmem:$0x4B00] =	vst v23  }
0x1e5: {  	v28 =	vld [tilespmem:$0x2E00];
	[tilespmem:$0x4B80] =	vst v24  }
0x1e6: {  	v29 =	vld [tilespmem:$0x2E80];
	[tilespmem:$0x4C00] =	vst v25  }
0x1e7: {  	v30 =	vld [tilespmem:$0x2F80];
	[tilespmem:$0x4D00] =	vst v26  }
0x1e8: {  	[tilespmem:$0x4C80] =	vst v3;
	v3 =	vld [tilespmem:$0x2F00]  }
0x1e9: {  	[tilespmem:$0x4D80] =	vst v27  }
0x1ea: {  	[tilespmem:$0x4E00] =	vst v28  }
0x1eb: {  	[tilespmem:$0x4E80] =	vst v29  }
0x1ec: {  	[tilespmem:$0x4F80] =	vst v30  }
0x1ed: {  	s30 =	rddreg [dreg:$0x10];
	[tilespmem:$0x4F00] =	vst v3  }
0x1ee: {  	[spmem:s2] =	stream.indirect.scatter.add.f32 [tilespmem:s20], [sflag:$0x4], $0x80, s30, s16, $0xb8;
	[tilespmem:$0x19C00] =	vst v63  }
0x1ef: {  	s31 =	rddreg [dreg:$0x11]  }
0x1f0: {  	[spmem:s2] =	stream.indirect.scatter.add.f32 [tilespmem:s18], [sflag:$0x5], $0x80, s31, s16, $0xb8;
	[tilespmem:$0x19C00] =	vst v63  }
0x1f1: {  	_ =	swait.ge [sflag:s21], $0x1000  }
0x1f2: {  	[sflag:s21] =	ssyncset.done $0x0  }
0x1f3: {  	s31 =	sadd.s32 $0x1200, s29;
	[sflag:s21] =	ssyncadd.s32 $0xFFFFF000  }
0x1f4: {  	[tilespmem:s14], [sflag:$0x2] =	stream.linear.gather [hbm4b:s31+s3], $0x1000, $0x38;
	[tilespmem:$0x19C00] =	vst v63  }
0x1f5: {  	_ =	swait.ge [sflag:s22], $0x1000  }
0x1f6: {  	[sflag:s22] =	ssyncset.done $0x0  }
0x1f7: {  	[sflag:s22] =	ssyncadd.s32 $0xFFFFF000  }
0x1f8: {  	_ =	swait.ge [sflag:s15], $0x1000  }
0x1f9: {  	[sflag:s15] =	ssyncset.done $0x0  }
0x1fa: {  	[sflag:s15] =	ssyncadd.s32 $0xFFFFF000  }
0x1fb: {  	v3 =	vld [tilespmem:$0x1000]  }
0x1fc: {  	v31 =	vld [tilespmem:$0x1080]  }
0x1fd: {  	v32 =	vld [tilespmem:$0x1100]  }
0x1fe: {  	v33 =	vld [tilespmem:$0x1180]  }
0x1ff: {  	v34 =	vld [tilespmem:$0x1200]  }
0x200: {  	v35 =	vld [tilespmem:$0x1300];
	[tilespmem:$0x3000] =	vst v3  }
0x201: {  	v3 =	vld [tilespmem:$0x1280];
	[tilespmem:$0x3080] =	vst v31  }
0x202: {  	v36 =	vld [tilespmem:$0x1380];
	[tilespmem:$0x3100] =	vst v32  }
0x203: {  	v37 =	vld [tilespmem:$0x1400];
	[tilespmem:$0x3180] =	vst v33  }
0x204: {  	v38 =	vld [tilespmem:$0x1480];
	[tilespmem:$0x3200] =	vst v34  }
0x205: {  	v39 =	vld [tilespmem:$0x1580];
	[tilespmem:$0x3300] =	vst v35  }
0x206: {  	[tilespmem:$0x3280] =	vst v3;
	v3 =	vld [tilespmem:$0x1500]  }
0x207: {  	v40 =	vld [tilespmem:$0x1600];
	[tilespmem:$0x3380] =	vst v36  }
0x208: {  	v41 =	vld [tilespmem:$0x1680];
	[tilespmem:$0x3400] =	vst v37  }
0x209: {  	v42 =	vld [tilespmem:$0x1700];
	[tilespmem:$0x3480] =	vst v38  }
0x20a: {  	v43 =	vld [tilespmem:$0x1800];
	[tilespmem:$0x3580] =	vst v39  }
0x20b: {  	[tilespmem:$0x3500] =	vst v3;
	v3 =	vld [tilespmem:$0x1780]  }
0x20c: {  	v44 =	vld [tilespmem:$0x1880];
	[tilespmem:$0x3600] =	vst v40  }
0x20d: {  	v45 =	vld [tilespmem:$0x1900];
	[tilespmem:$0x3680] =	vst v41  }
0x20e: {  	v46 =	vld [tilespmem:$0x1980];
	[tilespmem:$0x3700] =	vst v42  }
0x20f: {  	v47 =	vld [tilespmem:$0x1A80];
	[tilespmem:$0x3800] =	vst v43  }
0x210: {  	[tilespmem:$0x3780] =	vst v3;
	v3 =	vld [tilespmem:$0x1A00]  }
0x211: {  	v48 =	vld [tilespmem:$0x1B00];
	[tilespmem:$0x3880] =	vst v44  }
0x212: {  	v49 =	vld [tilespmem:$0x1B80];
	[tilespmem:$0x3900] =	vst v45  }
0x213: {  	v50 =	vld [tilespmem:$0x1C00];
	[tilespmem:$0x3980] =	vst v46  }
0x214: {  	v51 =	vld [tilespmem:$0x1D00];
	[tilespmem:$0x3A80] =	vst v47  }
0x215: {  	[tilespmem:$0x3A00] =	vst v3;
	v3 =	vld [tilespmem:$0x1C80]  }
0x216: {  	v52 =	vld [tilespmem:$0x1D80];
	[tilespmem:$0x3B00] =	vst v48  }
0x217: {  	v53 =	vld [tilespmem:$0x1E00];
	[tilespmem:$0x3B80] =	vst v49  }
0x218: {  	v54 =	vld [tilespmem:$0x1E80];
	[tilespmem:$0x3C00] =	vst v50  }
0x219: {  	v55 =	vld [tilespmem:$0x1F80];
	[tilespmem:$0x3D00] =	vst v51  }
0x21a: {  	[tilespmem:$0x3C80] =	vst v3;
	v3 =	vld [tilespmem:$0x1F00]  }
0x21b: {  	[tilespmem:$0x3D80] =	vst v52  }
0x21c: {  	[tilespmem:$0x3E00] =	vst v53  }
0x21d: {  	[tilespmem:$0x3E80] =	vst v54  }
0x21e: {  	[tilespmem:$0x3F80] =	vst v55  }
0x21f: {  	s30 =	rddreg [dreg:$0x12];
	[tilespmem:$0x3F00] =	vst v3  }
0x220: {  	[spmem:s2] =	stream.indirect.scatter.add.f32 [tilespmem:s17], [sflag:$0x3], $0x80, s30, s16, $0xb8;
	[tilespmem:$0x19C00] =	vst v63  }
0x221: {  	s31 =	rddreg [dreg:$0x13]  }
0x222: {  	[spmem:s2] =	stream.indirect.scatter.add.f32 [tilespmem:s18], [sflag:$0x5], $0x80, s31, s16, $0xb8;
	[tilespmem:$0x19C00] =	vst v63  }
0x223: {  	_ =	swait.ge [sflag:s21], $0x1000  }
0x224: {  	[sflag:s21] =	ssyncset.done $0x0  }
0x225: {  	s31 =	sadd.s32 $0x1400, s29;
	[sflag:s21] =	ssyncadd.s32 $0xFFFFF000  }
0x226: {  	[tilespmem:s13], [sflag:$0x1] =	stream.linear.gather [hbm4b:s31+s3], $0x1000, $0x38;
	[tilespmem:$0x19C00] =	vst v63  }
0x227: {  	_ =	swait.ge [sflag:s23], $0x1000  }
0x228: {  	[sflag:s23] =	ssyncset.done $0x0  }
0x229: {  	[sflag:s23] =	ssyncadd.s32 $0xFFFFF000  }
0x22a: {  	_ =	swait.ge [sflag:s19], $0x1000  }
0x22b: {  	[sflag:s19] =	ssyncset.done $0x0  }
0x22c: {  	[sflag:s19] =	ssyncadd.s32 $0xFFFFF000  }
0x22d: {  	v3 =	vld [tilespmem:$0x2000]  }
0x22e: {  	v56 =	vld [tilespmem:$0x2080]  }
0x22f: {  	v57 =	vld [tilespmem:$0x2100]  }
0x230: {  	v58 =	vld [tilespmem:$0x2180]  }
0x231: {  	v59 =	vld [tilespmem:$0x2200]  }
0x232: {  	v60 =	vld [tilespmem:$0x2300];
	[tilespmem:$0x4000] =	vst v3  }
0x233: {  	v3 =	vld [tilespmem:$0x2280];
	[tilespmem:$0x4080] =	vst v56  }
0x234: {  	v61 =	vld [tilespmem:$0x2380];
	[tilespmem:$0x4100] =	vst v57  }
0x235: {  	v62 =	vld [tilespmem:$0x2400];
	[tilespmem:$0x4180] =	vst v58  }
0x236: {  	v63 =	vld [tilespmem:$0x2480];
	[tilespmem:$0x4200] =	vst v59  }
0x237: {  	v8 =	vld [tilespmem:$0x2580];
	[tilespmem:$0x4300] =	vst v60  }
0x238: {  	[tilespmem:$0x4280] =	vst v3;
	v3 =	vld [tilespmem:$0x2500]  }
0x239: {  	v9 =	vld [tilespmem:$0x2600];
	[tilespmem:$0x4380] =	vst v61  }
0x23a: {  	[tilespmem:$0x4400] =	vst v62  }
0x23b: {  	[tilespmem:$0x4480] =	vst v63  }
0x23c: {  	[tilespmem:$0x4580] =	vst v8  }
0x23d: {  	[tilespmem:$0x4500] =	vst v3  }
0x23e: {  	[tilespmem:$0x4600] =	vst v9  }
0x23f: {  	v3 =	vld [tilespmem:$0x2680]  }
0x240: {  	v10 =	vld [tilespmem:$0x2700]  }
0x241: {  	v5 =	vld [tilespmem:$0x2780]  }
0x242: {  	v11 =	vld [tilespmem:$0x2800]  }
0x243: {  	v12 =	vld [tilespmem:$0x2880]  }
0x244: {  	v13 =	vld [tilespmem:$0x2980];
	[tilespmem:$0x4680] =	vst v3  }
0x245: {  	v14 =	vld [tilespmem:$0x2A00];
	[tilespmem:$0x4700] =	vst v10  }
0x246: {  	v15 =	vld [tilespmem:$0x2A80];
	[tilespmem:$0x4780] =	vst v5  }
0x247: {  	v3 =	vld [tilespmem:$0x2900];
	[tilespmem:$0x4800] =	vst v11  }
0x248: {  	v16 =	vld [tilespmem:$0x2B00];
	[tilespmem:$0x4880] =	vst v12  }
0x249: {  	v17 =	vld [tilespmem:$0x2C00];
	[tilespmem:$0x4980] =	vst v13  }
0x24a: {  	v18 =	vld [tilespmem:$0x2C80];
	[tilespmem:$0x4A00] =	vst v14  }
0x24b: {  	v19 =	vld [tilespmem:$0x2D00];
	[tilespmem:$0x4A80] =	vst v15  }
0x24c: {  	[tilespmem:$0x4900] =	vst v3;
	v3 =	vld [tilespmem:$0x2B80]  }
0x24d: {  	v20 =	vld [tilespmem:$0x2D80];
	[tilespmem:$0x4B00] =	vst v16  }
0x24e: {  	v21 =	vld [tilespmem:$0x2E80];
	[tilespmem:$0x4C00] =	vst v17  }
0x24f: {  	v22 =	vld [tilespmem:$0x2F00];
	[tilespmem:$0x4C80] =	vst v18  }
0x250: {  	v23 =	vld [tilespmem:$0x2F80];
	[tilespmem:$0x4D00] =	vst v19  }
0x251: {  	[tilespmem:$0x4B80] =	vst v3;
	v3 =	vld [tilespmem:$0x2E00]  }
0x252: {  	[tilespmem:$0x4D80] =	vst v20  }
0x253: {  	[tilespmem:$0x4E80] =	vst v21  }
0x254: {  	[tilespmem:$0x4F00] =	vst v22  }
0x255: {  	[tilespmem:$0x4F80] =	vst v23  }
0x256: {  	s30 =	rddreg [dreg:$0x14];
	[tilespmem:$0x4E00] =	vst v3  }
0x257: {  	[spmem:s2] =	stream.indirect.scatter.add.f32 [tilespmem:s20], [sflag:$0x4], $0x80, s30, s16, $0xb8;
	[tilespmem:$0x19C00] =	vst v63  }
0x258: {  	s31 =	rddreg [dreg:$0x15]  }
0x259: {  	[spmem:s2] =	stream.indirect.scatter.add.f32 [tilespmem:s18], [sflag:$0x5], $0x80, s31, s16, $0xb8;
	[tilespmem:$0x19C00] =	vst v63  }
0x25a: {  	_ =	swait.ge [sflag:s21], $0x1000  }
0x25b: {  	[sflag:s21] =	ssyncset.done $0x0  }
0x25c: {  	s31 =	sadd.s32 $0x1600, s29;
	[sflag:s21] =	ssyncadd.s32 $0xFFFFF000  }
0x25d: {  	[tilespmem:s14], [sflag:$0x2] =	stream.linear.gather [hbm4b:s31+s3], $0x1000, $0x38;
	[tilespmem:$0x19C00] =	vst v63  }
0x25e: {  	_ =	swait.ge [sflag:s22], $0x1000  }
0x25f: {  	[sflag:s22] =	ssyncset.done $0x0  }
0x260: {  	[sflag:s22] =	ssyncadd.s32 $0xFFFFF000  }
0x261: {  	_ =	swait.ge [sflag:s15], $0x1000  }
0x262: {  	[sflag:s15] =	ssyncset.done $0x0  }
0x263: {  	[sflag:s15] =	ssyncadd.s32 $0xFFFFF000  }
0x264: {  	v3 =	vld [tilespmem:$0x1000]  }
0x265: {  	v24 =	vld [tilespmem:$0x1080]  }
0x266: {  	v25 =	vld [tilespmem:$0x1100]  }
0x267: {  	v26 =	vld [tilespmem:$0x1180]  }
0x268: {  	v27 =	vld [tilespmem:$0x1200]  }
0x269: {  	v28 =	vld [tilespmem:$0x1300];
	[tilespmem:$0x3000] =	vst v3  }
0x26a: {  	v3 =	vld [tilespmem:$0x1280];
	[tilespmem:$0x3080] =	vst v24  }
0x26b: {  	v29 =	vld [tilespmem:$0x1380];
	[tilespmem:$0x3100] =	vst v25  }
0x26c: {  	v30 =	vld [tilespmem:$0x1400];
	[tilespmem:$0x3180] =	vst v26  }
0x26d: {  	v31 =	vld [tilespmem:$0x1480];
	[tilespmem:$0x3200] =	vst v27  }
0x26e: {  	v32 =	vld [tilespmem:$0x1580];
	[tilespmem:$0x3300] =	vst v28  }
0x26f: {  	[tilespmem:$0x3280] =	vst v3;
	v3 =	vld [tilespmem:$0x1500]  }
0x270: {  	v33 =	vld [tilespmem:$0x1600];
	[tilespmem:$0x3380] =	vst v29  }
0x271: {  	v34 =	vld [tilespmem:$0x1680];
	[tilespmem:$0x3400] =	vst v30  }
0x272: {  	v35 =	vld [tilespmem:$0x1700];
	[tilespmem:$0x3480] =	vst v31  }
0x273: {  	v36 =	vld [tilespmem:$0x1800];
	[tilespmem:$0x3580] =	vst v32  }
0x274: {  	[tilespmem:$0x3500] =	vst v3;
	v3 =	vld [tilespmem:$0x1780]  }
0x275: {  	v37 =	vld [tilespmem:$0x1880];
	[tilespmem:$0x3600] =	vst v33  }
0x276: {  	v38 =	vld [tilespmem:$0x1900];
	[tilespmem:$0x3680] =	vst v34  }
0x277: {  	v39 =	vld [tilespmem:$0x1980];
	[tilespmem:$0x3700] =	vst v35  }
0x278: {  	v40 =	vld [tilespmem:$0x1A80];
	[tilespmem:$0x3800] =	vst v36  }
0x279: {  	[tilespmem:$0x3780] =	vst v3;
	v3 =	vld [tilespmem:$0x1A00]  }
0x27a: {  	v41 =	vld [tilespmem:$0x1B00];
	[tilespmem:$0x3880] =	vst v37  }
0x27b: {  	v42 =	vld [tilespmem:$0x1B80];
	[tilespmem:$0x3900] =	vst v38  }
0x27c: {  	v43 =	vld [tilespmem:$0x1C00];
	[tilespmem:$0x3980] =	vst v39  }
0x27d: {  	v44 =	vld [tilespmem:$0x1D00];
	[tilespmem:$0x3A80] =	vst v40  }
0x27e: {  	[tilespmem:$0x3A00] =	vst v3;
	v3 =	vld [tilespmem:$0x1C80]  }
0x27f: {  	v45 =	vld [tilespmem:$0x1D80];
	[tilespmem:$0x3B00] =	vst v41  }
0x280: {  	v46 =	vld [tilespmem:$0x1E00];
	[tilespmem:$0x3B80] =	vst v42  }
0x281: {  	v47 =	vld [tilespmem:$0x1E80];
	[tilespmem:$0x3C00] =	vst v43  }
0x282: {  	v48 =	vld [tilespmem:$0x1F80];
	[tilespmem:$0x3D00] =	vst v44  }
0x283: {  	[tilespmem:$0x3C80] =	vst v3;
	v3 =	vld [tilespmem:$0x1F00]  }
0x284: {  	[tilespmem:$0x3D80] =	vst v45  }
0x285: {  	[tilespmem:$0x3E00] =	vst v46  }
0x286: {  	[tilespmem:$0x3E80] =	vst v47  }
0x287: {  	[tilespmem:$0x3F80] =	vst v48  }
0x288: {  	s30 =	rddreg [dreg:$0x16];
	[tilespmem:$0x3F00] =	vst v3  }
0x289: {  	[spmem:s2] =	stream.indirect.scatter.add.f32 [tilespmem:s17], [sflag:$0x3], $0x80, s30, s16, $0xb8;
	[tilespmem:$0x19C00] =	vst v63  }
0x28a: {  	s31 =	rddreg [dreg:$0x17]  }
0x28b: {  	[spmem:s2] =	stream.indirect.scatter.add.f32 [tilespmem:s18], [sflag:$0x5], $0x80, s31, s16, $0xb8;
	[tilespmem:$0x19C00] =	vst v63  }
0x28c: {  	_ =	swait.ge [sflag:s21], $0x1000  }
0x28d: {  	[sflag:s21] =	ssyncset.done $0x0  }
0x28e: {  	s31 =	sadd.s32 $0x1800, s29;
	[sflag:s21] =	ssyncadd.s32 $0xFFFFF000  }
0x28f: {  	[tilespmem:s13], [sflag:$0x1] =	stream.linear.gather [hbm4b:s31+s3], $0x1000, $0x38;
	[tilespmem:$0x19C00] =	vst v63  }
0x290: {  	_ =	swait.ge [sflag:s23], $0x1000  }
0x291: {  	[sflag:s23] =	ssyncset.done $0x0  }
0x292: {  	[sflag:s23] =	ssyncadd.s32 $0xFFFFF000  }
0x293: {  	_ =	swait.ge [sflag:s19], $0x1000  }
0x294: {  	[sflag:s19] =	ssyncset.done $0x0  }
0x295: {  	[sflag:s19] =	ssyncadd.s32 $0xFFFFF000  }
0x296: {  	v3 =	vld [tilespmem:$0x2000]  }
0x297: {  	v49 =	vld [tilespmem:$0x2080]  }
0x298: {  	v50 =	vld [tilespmem:$0x2100]  }
0x299: {  	v51 =	vld [tilespmem:$0x2180]  }
0x29a: {  	v52 =	vld [tilespmem:$0x2200]  }
0x29b: {  	v53 =	vld [tilespmem:$0x2300];
	[tilespmem:$0x4000] =	vst v3  }
0x29c: {  	v3 =	vld [tilespmem:$0x2280];
	[tilespmem:$0x4080] =	vst v49  }
0x29d: {  	v54 =	vld [tilespmem:$0x2380];
	[tilespmem:$0x4100] =	vst v50  }
0x29e: {  	v55 =	vld [tilespmem:$0x2400];
	[tilespmem:$0x4180] =	vst v51  }
0x29f: {  	v56 =	vld [tilespmem:$0x2480];
	[tilespmem:$0x4200] =	vst v52  }
0x2a0: {  	v57 =	vld [tilespmem:$0x2580];
	[tilespmem:$0x4300] =	vst v53  }
0x2a1: {  	[tilespmem:$0x4280] =	vst v3;
	v3 =	vld [tilespmem:$0x2500]  }
0x2a2: {  	v58 =	vld [tilespmem:$0x2600];
	[tilespmem:$0x4380] =	vst v54  }
0x2a3: {  	v59 =	vld [tilespmem:$0x2680];
	[tilespmem:$0x4400] =	vst v55  }
0x2a4: {  	v60 =	vld [tilespmem:$0x2700];
	[tilespmem:$0x4480] =	vst v56  }
0x2a5: {  	v61 =	vld [tilespmem:$0x2800];
	[tilespmem:$0x4580] =	vst v57  }
0x2a6: {  	[tilespmem:$0x4500] =	vst v3;
	v3 =	vld [tilespmem:$0x2780]  }
0x2a7: {  	v62 =	vld [tilespmem:$0x2880];
	[tilespmem:$0x4600] =	vst v58  }
0x2a8: {  	v63 =	vld [tilespmem:$0x2900];
	[tilespmem:$0x4680] =	vst v59  }
0x2a9: {  	v9 =	vld [tilespmem:$0x2980];
	[tilespmem:$0x4700] =	vst v60  }
0x2aa: {  	v10 =	vld [tilespmem:$0x2A80];
	[tilespmem:$0x4800] =	vst v61  }
0x2ab: {  	[tilespmem:$0x4780] =	vst v3;
	v3 =	vld [tilespmem:$0x2A00]  }
0x2ac: {  	v11 =	vld [tilespmem:$0x2B00];
	[tilespmem:$0x4880] =	vst v62  }
0x2ad: {  	v12 =	vld [tilespmem:$0x2B80];
	[tilespmem:$0x4900] =	vst v63  }
0x2ae: {  	v13 =	vld [tilespmem:$0x2C00];
	[tilespmem:$0x4980] =	vst v9  }
0x2af: {  	v14 =	vld [tilespmem:$0x2D00];
	[tilespmem:$0x4A80] =	vst v10  }
0x2b0: {  	[tilespmem:$0x4A00] =	vst v3;
	v3 =	vld [tilespmem:$0x2C80]  }
0x2b1: {  	v15 =	vld [tilespmem:$0x2D80];
	[tilespmem:$0x4B00] =	vst v11  }
0x2b2: {  	v16 =	vld [tilespmem:$0x2E00];
	[tilespmem:$0x4B80] =	vst v12  }
0x2b3: {  	v17 =	vld [tilespmem:$0x2E80];
	[tilespmem:$0x4C00] =	vst v13  }
0x2b4: {  	v18 =	vld [tilespmem:$0x2F80];
	[tilespmem:$0x4D00] =	vst v14  }
0x2b5: {  	[tilespmem:$0x4C80] =	vst v3;
	v3 =	vld [tilespmem:$0x2F00]  }
0x2b6: {  	[tilespmem:$0x4D80] =	vst v15  }
0x2b7: {  	[tilespmem:$0x4E00] =	vst v16  }
0x2b8: {  	[tilespmem:$0x4E80] =	vst v17  }
0x2b9: {  	[tilespmem:$0x4F80] =	vst v18  }
0x2ba: {  	s30 =	rddreg [dreg:$0x18];
	[tilespmem:$0x4F00] =	vst v3  }
0x2bb: {  	[spmem:s2] =	stream.indirect.scatter.add.f32 [tilespmem:s20], [sflag:$0x4], $0x80, s30, s16, $0xb8;
	[tilespmem:$0x19C00] =	vst v63  }
0x2bc: {  	s31 =	rddreg [dreg:$0x19]  }
0x2bd: {  	[spmem:s2] =	stream.indirect.scatter.add.f32 [tilespmem:s18], [sflag:$0x5], $0x80, s31, s16, $0xb8;
	[tilespmem:$0x19C00] =	vst v63  }
0x2be: {  	_ =	swait.ge [sflag:s21], $0x1000  }
0x2bf: {  	[sflag:s21] =	ssyncset.done $0x0  }
0x2c0: {  	s31 =	sadd.s32 $0x1A00, s29;
	[sflag:s21] =	ssyncadd.s32 $0xFFFFF000  }
0x2c1: {  	[tilespmem:s14], [sflag:$0x2] =	stream.linear.gather [hbm4b:s31+s3], $0x1000, $0x38;
	[tilespmem:$0x19C00] =	vst v63  }
0x2c2: {  	_ =	swait.ge [sflag:s22], $0x1000  }
0x2c3: {  	[sflag:s22] =	ssyncset.done $0x0  }
0x2c4: {  	[sflag:s22] =	ssyncadd.s32 $0xFFFFF000  }
0x2c5: {  	_ =	swait.ge [sflag:s15], $0x1000  }
0x2c6: {  	[sflag:s15] =	ssyncset.done $0x0  }
0x2c7: {  	[sflag:s15] =	ssyncadd.s32 $0xFFFFF000  }
0x2c8: {  	v3 =	vld [tilespmem:$0x1000]  }
0x2c9: {  	v19 =	vld [tilespmem:$0x1080]  }
0x2ca: {  	v20 =	vld [tilespmem:$0x1100]  }
0x2cb: {  	v21 =	vld [tilespmem:$0x1180]  }
0x2cc: {  	v22 =	vld [tilespmem:$0x1200]  }
0x2cd: {  	v23 =	vld [tilespmem:$0x1300];
	[tilespmem:$0x3000] =	vst v3  }
0x2ce: {  	v3 =	vld [tilespmem:$0x1280];
	[tilespmem:$0x3080] =	vst v19  }
0x2cf: {  	v24 =	vld [tilespmem:$0x1380];
	[tilespmem:$0x3100] =	vst v20  }
0x2d0: {  	v25 =	vld [tilespmem:$0x1400];
	[tilespmem:$0x3180] =	vst v21  }
0x2d1: {  	v26 =	vld [tilespmem:$0x1480];
	[tilespmem:$0x3200] =	vst v22  }
0x2d2: {  	v27 =	vld [tilespmem:$0x1580];
	[tilespmem:$0x3300] =	vst v23  }
0x2d3: {  	[tilespmem:$0x3280] =	vst v3;
	v3 =	vld [tilespmem:$0x1500]  }
0x2d4: {  	v28 =	vld [tilespmem:$0x1600];
	[tilespmem:$0x3380] =	vst v24  }
0x2d5: {  	v29 =	vld [tilespmem:$0x1680];
	[tilespmem:$0x3400] =	vst v25  }
0x2d6: {  	v30 =	vld [tilespmem:$0x1700];
	[tilespmem:$0x3480] =	vst v26  }
0x2d7: {  	v31 =	vld [tilespmem:$0x1800];
	[tilespmem:$0x3580] =	vst v27  }
0x2d8: {  	[tilespmem:$0x3500] =	vst v3;
	v3 =	vld [tilespmem:$0x1780]  }
0x2d9: {  	v32 =	vld [tilespmem:$0x1880];
	[tilespmem:$0x3600] =	vst v28  }
0x2da: {  	v33 =	vld [tilespmem:$0x1900];
	[tilespmem:$0x3680] =	vst v29  }
0x2db: {  	v34 =	vld [tilespmem:$0x1980];
	[tilespmem:$0x3700] =	vst v30  }
0x2dc: {  	v35 =	vld [tilespmem:$0x1A80];
	[tilespmem:$0x3800] =	vst v31  }
0x2dd: {  	[tilespmem:$0x3780] =	vst v3;
	v3 =	vld [tilespmem:$0x1A00]  }
0x2de: {  	v36 =	vld [tilespmem:$0x1B00];
	[tilespmem:$0x3880] =	vst v32  }
0x2df: {  	v37 =	vld [tilespmem:$0x1B80];
	[tilespmem:$0x3900] =	vst v33  }
0x2e0: {  	v38 =	vld [tilespmem:$0x1C00];
	[tilespmem:$0x3980] =	vst v34  }
0x2e1: {  	v39 =	vld [tilespmem:$0x1D00];
	[tilespmem:$0x3A80] =	vst v35  }
0x2e2: {  	[tilespmem:$0x3A00] =	vst v3;
	v3 =	vld [tilespmem:$0x1C80]  }
0x2e3: {  	v40 =	vld [tilespmem:$0x1D80];
	[tilespmem:$0x3B00] =	vst v36  }
0x2e4: {  	v41 =	vld [tilespmem:$0x1E00];
	[tilespmem:$0x3B80] =	vst v37  }
0x2e5: {  	v42 =	vld [tilespmem:$0x1E80];
	[tilespmem:$0x3C00] =	vst v38  }
0x2e6: {  	v43 =	vld [tilespmem:$0x1F80];
	[tilespmem:$0x3D00] =	vst v39  }
0x2e7: {  	[tilespmem:$0x3C80] =	vst v3;
	v3 =	vld [tilespmem:$0x1F00]  }
0x2e8: {  	[tilespmem:$0x3D80] =	vst v40  }
0x2e9: {  	[tilespmem:$0x3E00] =	vst v41  }
0x2ea: {  	[tilespmem:$0x3E80] =	vst v42  }
0x2eb: {  	[tilespmem:$0x3F80] =	vst v43  }
0x2ec: {  	s30 =	rddreg [dreg:$0x1a];
	[tilespmem:$0x3F00] =	vst v3  }
0x2ed: {  	[spmem:s2] =	stream.indirect.scatter.add.f32 [tilespmem:s17], [sflag:$0x3], $0x80, s30, s16, $0xb8;
	[tilespmem:$0x19C00] =	vst v63  }
0x2ee: {  	s31 =	rddreg [dreg:$0x1b]  }
0x2ef: {  	[spmem:s2] =	stream.indirect.scatter.add.f32 [tilespmem:s18], [sflag:$0x5], $0x80, s31, s16, $0xb8;
	[tilespmem:$0x19C00] =	vst v63  }
0x2f0: {  	_ =	swait.ge [sflag:s21], $0x1000  }
0x2f1: {  	[sflag:s21] =	ssyncset.done $0x0  }
0x2f2: {  	s31 =	sadd.s32 $0x1C00, s29;
	[sflag:s21] =	ssyncadd.s32 $0xFFFFF000  }
0x2f3: {  	[tilespmem:s13], [sflag:$0x1] =	stream.linear.gather [hbm4b:s31+s3], $0x1000, $0x38;
	[tilespmem:$0x19C00] =	vst v63  }
0x2f4: {  	_ =	swait.ge [sflag:s23], $0x1000  }
0x2f5: {  	[sflag:s23] =	ssyncset.done $0x0  }
0x2f6: {  	[sflag:s23] =	ssyncadd.s32 $0xFFFFF000  }
0x2f7: {  	_ =	swait.ge [sflag:s19], $0x1000  }
0x2f8: {  	[sflag:s19] =	ssyncset.done $0x0  }
0x2f9: {  	[sflag:s19] =	ssyncadd.s32 $0xFFFFF000  }
0x2fa: {  	v3 =	vld [tilespmem:$0x2000]  }
0x2fb: {  	v44 =	vld [tilespmem:$0x2080]  }
0x2fc: {  	v45 =	vld [tilespmem:$0x2100]  }
0x2fd: {  	v46 =	vld [tilespmem:$0x2180]  }
0x2fe: {  	v47 =	vld [tilespmem:$0x2200]  }
0x2ff: {  	v48 =	vld [tilespmem:$0x2300];
	[tilespmem:$0x4000] =	vst v3  }
0x300: {  	v3 =	vld [tilespmem:$0x2280];
	[tilespmem:$0x4080] =	vst v44  }
0x301: {  	v49 =	vld [tilespmem:$0x2380];
	[tilespmem:$0x4100] =	vst v45  }
0x302: {  	v50 =	vld [tilespmem:$0x2400];
	[tilespmem:$0x4180] =	vst v46  }
0x303: {  	v51 =	vld [tilespmem:$0x2480];
	[tilespmem:$0x4200] =	vst v47  }
0x304: {  	v52 =	vld [tilespmem:$0x2580];
	[tilespmem:$0x4300] =	vst v48  }
0x305: {  	[tilespmem:$0x4280] =	vst v3;
	v3 =	vld [tilespmem:$0x2500]  }
0x306: {  	v53 =	vld [tilespmem:$0x2600];
	[tilespmem:$0x4380] =	vst v49  }
0x307: {  	v54 =	vld [tilespmem:$0x2680];
	[tilespmem:$0x4400] =	vst v50  }
0x308: {  	v55 =	vld [tilespmem:$0x2700];
	[tilespmem:$0x4480] =	vst v51  }
0x309: {  	v56 =	vld [tilespmem:$0x2800];
	[tilespmem:$0x4580] =	vst v52  }
0x30a: {  	[tilespmem:$0x4500] =	vst v3;
	v3 =	vld [tilespmem:$0x2780]  }
0x30b: {  	v57 =	vld [tilespmem:$0x2880];
	[tilespmem:$0x4600] =	vst v53  }
0x30c: {  	v58 =	vld [tilespmem:$0x2900];
	[tilespmem:$0x4680] =	vst v54  }
0x30d: {  	v59 =	vld [tilespmem:$0x2980];
	[tilespmem:$0x4700] =	vst v55  }
0x30e: {  	v60 =	vld [tilespmem:$0x2A80];
	[tilespmem:$0x4800] =	vst v56  }
0x30f: {  	[tilespmem:$0x4780] =	vst v3;
	v3 =	vld [tilespmem:$0x2A00]  }
0x310: {  	v61 =	vld [tilespmem:$0x2B00];
	[tilespmem:$0x4880] =	vst v57  }
0x311: {  	v62 =	vld [tilespmem:$0x2B80];
	[tilespmem:$0x4900] =	vst v58  }
0x312: {  	v63 =	vld [tilespmem:$0x2C00];
	[tilespmem:$0x4980] =	vst v59  }
0x313: {  	v9 =	vld [tilespmem:$0x2D00];
	[tilespmem:$0x4A80] =	vst v60  }
0x314: {  	[tilespmem:$0x4A00] =	vst v3;
	v3 =	vld [tilespmem:$0x2C80]  }
0x315: {  	v10 =	vld [tilespmem:$0x2D80];
	[tilespmem:$0x4B00] =	vst v61  }
0x316: {  	v11 =	vld [tilespmem:$0x2E00];
	[tilespmem:$0x4B80] =	vst v62  }
0x317: {  	v12 =	vld [tilespmem:$0x2E80];
	[tilespmem:$0x4C00] =	vst v63  }
0x318: {  	v13 =	vld [tilespmem:$0x2F80];
	[tilespmem:$0x4D00] =	vst v9  }
0x319: {  	[tilespmem:$0x4C80] =	vst v3;
	v3 =	vld [tilespmem:$0x2F00]  }
0x31a: {  	[tilespmem:$0x4D80] =	vst v10  }
0x31b: {  	[tilespmem:$0x4E00] =	vst v11  }
0x31c: {  	[tilespmem:$0x4E80] =	vst v12  }
0x31d: {  	[tilespmem:$0x4F80] =	vst v13  }
0x31e: {  	s30 =	rddreg [dreg:$0x1c];
	[tilespmem:$0x4F00] =	vst v3  }
0x31f: {  	[spmem:s2] =	stream.indirect.scatter.add.f32 [tilespmem:s20], [sflag:$0x4], $0x80, s30, s16, $0xb8;
	[tilespmem:$0x19C00] =	vst v63  }
0x320: {  	s31 =	rddreg [dreg:$0x1d]  }
0x321: {  	[spmem:s2] =	stream.indirect.scatter.add.f32 [tilespmem:s18], [sflag:$0x5], $0x80, s31, s16, $0xb8;
	[tilespmem:$0x19C00] =	vst v63  }
0x322: {  	_ =	swait.ge [sflag:s21], $0x1000  }
0x323: {  	[sflag:s21] =	ssyncset.done $0x0  }
0x324: {  	s29 =	sadd.s32 $0x1E00, s29;
	[sflag:s21] =	ssyncadd.s32 $0xFFFFF000  }
0x325: {  	[tilespmem:s14], [sflag:$0x2] =	stream.linear.gather [hbm4b:s29+s3], $0x1000, $0x38;
	[tilespmem:$0x19C00] =	vst v63  }
0x326: {  	_ =	swait.ge [sflag:s22], $0x1000  }
0x327: {  	[sflag:s22] =	ssyncset.done $0x0  }
0x328: {  	[sflag:s22] =	ssyncadd.s32 $0xFFFFF000  }
0x329: {  	_ =	swait.ge [sflag:s15], $0x1000  }
0x32a: {  	[sflag:s15] =	ssyncset.done $0x0  }
0x32b: {  	[sflag:s15] =	ssyncadd.s32 $0xFFFFF000  }
0x32c: {  	v3 =	vld [tilespmem:$0x1000]  }
0x32d: {  	v14 =	vld [tilespmem:$0x1080]  }
0x32e: {  	v15 =	vld [tilespmem:$0x1100]  }
0x32f: {  	v16 =	vld [tilespmem:$0x1180]  }
0x330: {  	v17 =	vld [tilespmem:$0x1200]  }
0x331: {  	v18 =	vld [tilespmem:$0x1300];
	[tilespmem:$0x3000] =	vst v3  }
0x332: {  	v3 =	vld [tilespmem:$0x1280];
	[tilespmem:$0x3080] =	vst v14  }
0x333: {  	v19 =	vld [tilespmem:$0x1380];
	[tilespmem:$0x3100] =	vst v15  }
0x334: {  	v20 =	vld [tilespmem:$0x1400];
	[tilespmem:$0x3180] =	vst v16  }
0x335: {  	v21 =	vld [tilespmem:$0x1480];
	[tilespmem:$0x3200] =	vst v17  }
0x336: {  	v22 =	vld [tilespmem:$0x1580];
	[tilespmem:$0x3300] =	vst v18  }
0x337: {  	[tilespmem:$0x3280] =	vst v3;
	v3 =	vld [tilespmem:$0x1500]  }
0x338: {  	v23 =	vld [tilespmem:$0x1600];
	[tilespmem:$0x3380] =	vst v19  }
0x339: {  	v24 =	vld [tilespmem:$0x1680];
	[tilespmem:$0x3400] =	vst v20  }
0x33a: {  	v25 =	vld [tilespmem:$0x1700];
	[tilespmem:$0x3480] =	vst v21  }
0x33b: {  	v26 =	vld [tilespmem:$0x1800];
	[tilespmem:$0x3580] =	vst v22  }
0x33c: {  	[tilespmem:$0x3500] =	vst v3;
	v3 =	vld [tilespmem:$0x1780]  }
0x33d: {  	v27 =	vld [tilespmem:$0x1880];
	[tilespmem:$0x3600] =	vst v23  }
0x33e: {  	v28 =	vld [tilespmem:$0x1900];
	[tilespmem:$0x3680] =	vst v24  }
0x33f: {  	v29 =	vld [tilespmem:$0x1980];
	[tilespmem:$0x3700] =	vst v25  }
0x340: {  	v30 =	vld [tilespmem:$0x1A80];
	[tilespmem:$0x3800] =	vst v26  }
0x341: {  	[tilespmem:$0x3780] =	vst v3;
	v3 =	vld [tilespmem:$0x1A00]  }
0x342: {  	v31 =	vld [tilespmem:$0x1B00];
	[tilespmem:$0x3880] =	vst v27  }
0x343: {  	v32 =	vld [tilespmem:$0x1B80];
	[tilespmem:$0x3900] =	vst v28  }
0x344: {  	v33 =	vld [tilespmem:$0x1C00];
	[tilespmem:$0x3980] =	vst v29  }
0x345: {  	v34 =	vld [tilespmem:$0x1D00];
	[tilespmem:$0x3A80] =	vst v30  }
0x346: {  	[tilespmem:$0x3A00] =	vst v3;
	v3 =	vld [tilespmem:$0x1C80]  }
0x347: {  	v35 =	vld [tilespmem:$0x1D80];
	[tilespmem:$0x3B00] =	vst v31  }
0x348: {  	v36 =	vld [tilespmem:$0x1E00];
	[tilespmem:$0x3B80] =	vst v32  }
0x349: {  	v37 =	vld [tilespmem:$0x1E80];
	[tilespmem:$0x3C00] =	vst v33  }
0x34a: {  	v38 =	vld [tilespmem:$0x1F80];
	[tilespmem:$0x3D00] =	vst v34  }
0x34b: {  	[tilespmem:$0x3C80] =	vst v3;
	v3 =	vld [tilespmem:$0x1F00]  }
0x34c: {  	[tilespmem:$0x3D80] =	vst v35  }
0x34d: {  	[tilespmem:$0x3E00] =	vst v36  }
0x34e: {  	[tilespmem:$0x3E80] =	vst v37  }
0x34f: {  	[tilespmem:$0x3F80] =	vst v38  }
0x350: {  	s29 =	rddreg [dreg:$0x1e];
	[tilespmem:$0x3F00] =	vst v3  }
0x351: {  	[spmem:s2] =	stream.indirect.scatter.add.f32 [tilespmem:s17], [sflag:$0x3], $0x80, s29, s16, $0xb8;
	[tilespmem:$0x19C00] =	vst v63  }
0x352: {  	s31 =	rddreg [dreg:$0x1f]  }
0x353: {  	[spmem:s2] =	stream.indirect.scatter.add.f32 [tilespmem:s18], [sflag:$0x5], $0x80, s31, s16, $0xb8;
	[tilespmem:$0x19C00] =	vst v63  }
0x354: {  	_ =	swait.ge [sflag:s21], $0x1000  }
0x355: {  	[sflag:s21] =	ssyncset.done $0x0  }
0x356: {  	[sflag:s21] =	ssyncadd.s32 $0xFFFFF000  }
0x357: {  	_ =	swait.ge [sflag:s23], $0x1000  }
0x358: {  	[sflag:s23] =	ssyncset.done $0x0  }
0x359: {  	[sflag:s23] =	ssyncadd.s32 $0xFFFFF000  }
0x35a: {  	_ =	swait.ge [sflag:s19], $0x1000  }
0x35b: {  	[sflag:s19] =	ssyncset.done $0x0  }
0x35c: {  	[sflag:s19] =	ssyncadd.s32 $0xFFFFF000  }
0x35d: {  	v3 =	vld [tilespmem:$0x2000]  }
0x35e: {  	v39 =	vld [tilespmem:$0x2080]  }
0x35f: {  	v40 =	vld [tilespmem:$0x2100]  }
0x360: {  	v41 =	vld [tilespmem:$0x2180]  }
0x361: {  	v42 =	vld [tilespmem:$0x2200]  }
0x362: {  	v43 =	vld [tilespmem:$0x2300];
	[tilespmem:$0x4000] =	vst v3  }
0x363: {  	v3 =	vld [tilespmem:$0x2280];
	[tilespmem:$0x4080] =	vst v39  }
0x364: {  	v44 =	vld [tilespmem:$0x2380];
	[tilespmem:$0x4100] =	vst v40  }
0x365: {  	v45 =	vld [tilespmem:$0x2400];
	[tilespmem:$0x4180] =	vst v41  }
0x366: {  	v46 =	vld [tilespmem:$0x2480];
	[tilespmem:$0x4200] =	vst v42  }
0x367: {  	v47 =	vld [tilespmem:$0x2580];
	[tilespmem:$0x4300] =	vst v43  }
0x368: {  	[tilespmem:$0x4280] =	vst v3;
	v3 =	vld [tilespmem:$0x2500]  }
0x369: {  	v48 =	vld [tilespmem:$0x2600];
	[tilespmem:$0x4380] =	vst v44  }
0x36a: {  	v49 =	vld [tilespmem:$0x2680];
	[tilespmem:$0x4400] =	vst v45  }
0x36b: {  	v50 =	vld [tilespmem:$0x2700];
	[tilespmem:$0x4480] =	vst v46  }
0x36c: {  	v51 =	vld [tilespmem:$0x2800];
	[tilespmem:$0x4580] =	vst v47  }
0x36d: {  	[tilespmem:$0x4500] =	vst v3;
	v3 =	vld [tilespmem:$0x2780]  }
0x36e: {  	v52 =	vld [tilespmem:$0x2880];
	[tilespmem:$0x4600] =	vst v48  }
0x36f: {  	v53 =	vld [tilespmem:$0x2900];
	[tilespmem:$0x4680] =	vst v49  }
0x370: {  	v54 =	vld [tilespmem:$0x2980];
	[tilespmem:$0x4700] =	vst v50  }
0x371: {  	v55 =	vld [tilespmem:$0x2A80];
	[tilespmem:$0x4800] =	vst v51  }
0x372: {  	[tilespmem:$0x4780] =	vst v3;
	v3 =	vld [tilespmem:$0x2A00]  }
0x373: {  	v56 =	vld [tilespmem:$0x2B00];
	[tilespmem:$0x4880] =	vst v52  }
0x374: {  	v57 =	vld [tilespmem:$0x2B80];
	[tilespmem:$0x4900] =	vst v53  }
0x375: {  	v58 =	vld [tilespmem:$0x2C00];
	[tilespmem:$0x4980] =	vst v54  }
0x376: {  	v59 =	vld [tilespmem:$0x2D00];
	[tilespmem:$0x4A80] =	vst v55  }
0x377: {  	[tilespmem:$0x4A00] =	vst v3;
	v3 =	vld [tilespmem:$0x2C80]  }
0x378: {  	v60 =	vld [tilespmem:$0x2D80];
	[tilespmem:$0x4B00] =	vst v56  }
0x379: {  	v61 =	vld [tilespmem:$0x2E00];
	[tilespmem:$0x4B80] =	vst v57  }
0x37a: {  	v62 =	vld [tilespmem:$0x2E80];
	[tilespmem:$0x4C00] =	vst v58  }
0x37b: {  	v63 =	vld [tilespmem:$0x2F80];
	[tilespmem:$0x4D00] =	vst v59  }
0x37c: {  	[tilespmem:$0x4C80] =	vst v3;
	v3 =	vld [tilespmem:$0x2F00]  }
0x37d: {  	[tilespmem:$0x4D80] =	vst v60  }
0x37e: {  	[tilespmem:$0x4E00] =	vst v61  }
0x37f: {  	s29 =	sld [smem:$0x7FC];
	[tilespmem:$0x4E80] =	vst v62  }
0x380: {  	[tilespmem:$0x4F80] =	vst v63  }
0x381: {  	s31 =	sld [smem:$0x7FD];
	[tilespmem:$0x4F00] =	vst v3  }
0x382: {  	[spmem:s2] =	stream.indirect.scatter.add.f32 [tilespmem:s20], [sflag:$0x4], $0x80, s29, s16, $0xb8;
	[tilespmem:$0x19C00] =	vst v63  }
0x383: {  	_ = 	snop  }
0x384: {  	[spmem:s2] =	stream.indirect.scatter.add.f32 [tilespmem:s18], [sflag:$0x5], $0x80, s31, s16, $0xb8;
	[tilespmem:$0x19C00] =	vst v63  }
0x385: {  	_ =	swait.ge [sflag:s21], $0x1000  }
0x386: {  	[sflag:s21] =	ssyncset.done $0x0  }
0x387: {  	[sflag:s21] =	ssyncadd.s32 $0xFFFFF000  }
0x388: {  	_ =	swait.ge [sflag:s22], $0x1000  }
0x389: {  	[sflag:s22] =	ssyncset.done $0x0  }
0x38a: {  	[sflag:s22] =	ssyncadd.s32 $0xFFFFF000  }
0x38b: {  	p0 =	sne.s32 s25, $0x26000;
	_ =	swait.ge [sflag:s23], $0x1000  }
.Ltmp1:
0x38c: {  	[sflag:s23] =	ssyncset.done $0x0;
	(pc) =	sbr.rel @p0 .LBB2_4-.Ltmp1, $4  }
0x38d: {  	[sflag:s23] =	ssyncadd.s32 $0xFFFFF000  }
0x38e: {  	_ =	swait.ge [sflag:s21], $0x1000  }
0x38f: {  	s28 =	sadd.s32 $0x100, s28;
	[sflag:s21] =	ssyncset.done $0x0  }
0x390: {  	s26 =	sadd.s32 $0x100, s26;
	s25 =	sadd.s32 $0x2000, s25;
	[sflag:s21] =	ssyncadd.s32 $0xFFFFF000  }
0x391: {  	s24 =	sadd.s32 $0x1, s24  }
0x392: {  	p0 =	sne.s32 s24, s7  }
.Ltmp2:
0x393: {  	[bflag:$0x0] =	sbarrier.arrive $0xFFFF;
	(pc) =	sbr.rel @p0 .LBB2_1-.Ltmp2, $4  }
0x394: {  	[hbm:s6], [sflag:s5] =	dma.local [spmem:s10], $0x2780  }
0x395: {  	_ =	swait.ge [sflag:s11], $0x2780  }
0x396: {  	[sflag:s11] =	ssyncset.done $0x0  }
0x397: {  	[sflag:s11] =	ssyncadd.s32 $0xFFFFD880  }
0x398: {  	_ =	sfence.sel $0x180000  }
0x399: {  	[bflag:$0x0] =	sbarrier.arrive $0xFFFF  }
0x39a: {  	p0 =	sne.s32 s0, $0x0;
	_ =	strace $0x90000047  }
0x39b: {  	s0 =	sadd.s32 @!p0 $0x100000, s1;
	[bflag:$0x2] =	sbarrier.arrive $0xFFFF  }
0x39c: {  	[sflag:s0] =	ssyncadd.tile.s32 @!p0 $0x1;
	_ =	shalt  }
.Lfunc_end2:
_tile_overlayer_lowered:
.L_overlay_start_2:
0x39d: {  	(tag) =	ssettag $0x2  }
0x39e: {  	s0 =	rddreg [dreg:$0x0];
	s2 =	stileid.u32  }
0x39f: {  	s1 =	rddreg [dreg:$0x1];
	p0 =	sne.s32 s2, $0x0  }
0x3a0: {  	s3 =	rddreg [dreg:$0x2];
	[bflag:$0x3] =	sbarrier.arrive $0xFFFF;
	s2 =	simm.s32 @!p0 $0x1C06  }
0x3a1: {  	[timem:s3], [sflag:s2] =	dma.local @!p0 [hbm:s0], s1  }
0x3a2: {  	s0 =	simm.s32 @!p0 $0x6  }
0x3a3: {  	_ =	swait.ge @!p0 [sflag:s0], s1  }
0x3a4: {  	s1 =	ssub.s32 @!p0 $0x0, s1;
	[sflag:s0] =	ssyncset.done @!p0 $0x0  }
0x3a5: {  	[sflag:s0] =	ssyncadd.s32 @!p0 s1  }
0x3a6: {  	[bflag:$0x3] =	sbarrier.arrive $0xFFFF  }
0x3a7: {  	_ =	shalt  }

</sc_bundles>
